<compile_context>
chip_gen: v7x
topology: tpu7x:2x2x1
jax: 0.10.2.dev20260603
libtpu: 0.0.44.dev20260713+nightly
codegen_flags: <defaults>
</compile_context>

<pallas_src>
import functools

import jax
import jax.numpy as jnp
from jax import lax
from jax.experimental import pallas as pl
from jax.experimental.pallas import tpu as pltpu
from jax.experimental.pallas import tpu_sc as plsc

_B, _N, _D = 64, 576, 768
_TT = _B * _N
_NC, _NS = 2, 16
_DH = _D // _NC
_DHP = _DH // 2
_TPW = _TT // _NS
_CH = 24
_NCHUNK = _TPW // _CH
_NBUF = 6
_PDIST = 4
_LANES = 16
_GPT = _DH // 32
_IDXG = 384
_MAGIC = 8388608.0


def _rne(v):
    return (v + _MAGIC) - _MAGIC


def _pack_table(tab):
    tb = tab.astype(jnp.bfloat16).reshape(128, _D // 32, 2, 16)
    lo = tb[:, :, 0, :]
    hi = tb[:, :, 1, :]
    pairs = jnp.stack([lo, hi], axis=-1)
    packed = jax.lax.bitcast_convert_type(pairs, jnp.int32)
    packed = packed.reshape(128, _D // 2)
    return jnp.stack([packed[:, :_DHP], packed[:, _DHP:]])


def _sc_body(x_hbm, rpf_hbm, rpt_hbm, cpf_hbm, cpt_hbm, rtp_hbm, ctp_hbm,
             out_hbm,
             rtab_v, ctab_v, pf_v, pt_v, qf_v, qt_v, pidx_v,
             buf, in_sem, out_sem):
    c = lax.axis_index("c")
    s = lax.axis_index("s")
    colbase = c * _DH
    tokbase = s * _TPW

    pltpu.sync_copy(rtp_hbm.at[c], rtab_v)
    pltpu.sync_copy(ctp_hbm.at[c], ctab_v)

    def idx_stage(st, carry):
        t0 = tokbase + st * _IDXG
        pltpu.sync_copy(rpf_hbm.at[pl.ds(t0, _IDXG)], pf_v)
        pltpu.sync_copy(rpt_hbm.at[pl.ds(t0, _IDXG)], pt_v)
        pltpu.sync_copy(cpf_hbm.at[pl.ds(t0, _IDXG)], qf_v)
        pltpu.sync_copy(cpt_hbm.at[pl.ds(t0, _IDXG)], qt_v)

        @plsc.parallel_loop(0, _IDXG // _LANES, 1)
        def idx_body(g):
            sl = pl.ds(g * _LANES, _LANES)
            rf = _rne(pf_v[sl] * 128.0)
            rt = _rne(pt_v[sl] * 128.0)
            cf = _rne(qf_v[sl] * 128.0)
            ct = _rne(qt_v[sl] * 128.0)
            ridx = _rne((rf + rt) * 0.5).astype(jnp.int32)
            cidx = _rne((cf + ct) * 0.5).astype(jnp.int32)
            pidx_v[pl.ds(st * _IDXG + g * _LANES, _LANES)] = (
                (ridx << 8) | cidx)

        return carry

    lax.fori_loop(0, _TPW // _IDXG, idx_stage, 0)

    def in_slice(ch):
        tok0 = tokbase + ch * _CH
        return x_hbm.at[pl.ds(tok0, _CH), pl.ds(colbase, _DH)]

    def out_slice(ch):
        tok0 = tokbase + ch * _CH
        return out_hbm.at[pl.ds(tok0, _CH), pl.ds(colbase, _DH)]

    for p in range(_PDIST):
        pltpu.async_copy(in_slice(p), buf[p], in_sem[p])

    iota16 = lax.iota(jnp.int32, 16)

    def chunk_body(k_i, carry):
        for bb in range(_NBUF):
            ch = k_i * _NBUF + bb
            b = buf[bb]
            pltpu.make_async_copy(in_slice(ch), b, in_sem[bb]).wait()

            bp = (bb + _PDIST) % _NBUF

            @pl.when(ch + _PDIST < _NCHUNK)
            def _prefetch():
                @pl.when(ch >= _NBUF - _PDIST)
                def _wait_out():
                    pltpu.make_async_copy(buf[bp], out_slice(ch), out_sem[bp]
                                          ).wait()

                pltpu.async_copy(in_slice(ch + _PDIST), buf[bp],
                                 in_sem[bp])

            @plsc.parallel_loop(0, _CH, 1)
            def _tok(t):
                tvec = jnp.full((_LANES,), ch * _CH + t, jnp.int32)
                packed = plsc.load_gather(pidx_v, [tvec])
                ridx = packed >> 8
                cidx = packed & 255
                kvec = iota16
                sums = []
                for j in range(_GPT):
                    gr = plsc.load_gather(rtab_v, [ridx, kvec])
                    gc = plsc.load_gather(ctab_v, [cidx, kvec])
                    rbf = plsc.bitcast(gr, jnp.bfloat16)
                    cbf = plsc.bitcast(gc, jnp.bfloat16)
                    sums.append(rbf + cbf)
                    if j + 1 < _GPT:
                        kvec = kvec + _LANES
                for j in range(_GPT):
                    lo, hi = plsc.unpack(sums[j],
                                         format=plsc.PackFormat.INTERLEAVED)
                    plsc.addupdate(b.at[t, pl.ds(32 * j, _LANES)], lo)
                    plsc.addupdate(b.at[t, pl.ds(32 * j + 16, _LANES)], hi)

            pltpu.async_copy(b, out_slice(ch), out_sem[bb])
        return carry

    lax.fori_loop(0, _NCHUNK // _NBUF, chunk_body, 0)

    for bb in range(_NBUF):
        pltpu.make_async_copy(buf[bb], out_slice(bb), out_sem[bb]).wait()


_sc_call = functools.partial(
    pl.kernel,
    out_type=jax.ShapeDtypeStruct((_TT, _D), jnp.float32),
    mesh=plsc.VectorSubcoreMesh(
        core_axis_name="c", subcore_axis_name="s",
        num_cores=_NC, num_subcores=_NS),
    compiler_params=pltpu.CompilerParams(needs_layout_passes=False),
    scratch_types=[
        pltpu.VMEM((128, _DHP), jnp.int32),
        pltpu.VMEM((128, _DHP), jnp.int32),
        pltpu.VMEM((_IDXG,), jnp.float32),
        pltpu.VMEM((_IDXG,), jnp.float32),
        pltpu.VMEM((_IDXG,), jnp.float32),
        pltpu.VMEM((_IDXG,), jnp.float32),
        pltpu.VMEM((_TPW,), jnp.int32),
        [pltpu.VMEM((_CH, _DH), jnp.float32)] * _NBUF,
        [pltpu.SemaphoreType.DMA] * _NBUF,
        [pltpu.SemaphoreType.DMA] * _NBUF,
    ],
)(_sc_body)


def kernel(input_ids, row_pos_from, row_pos_to, col_pos_from, col_pos_to,
           row_table, col_table):
    out = _sc_call(
        input_ids.reshape(_TT, _D),
        row_pos_from.reshape(_TT),
        row_pos_to.reshape(_TT),
        col_pos_from.reshape(_TT),
        col_pos_to.reshape(_TT),
        _pack_table(row_table),
        _pack_table(col_table),
    )
    return out.reshape(_B, _N, _D)

# --- scband reference (transcript-rebuilt; emitter-appended) ---
"""Pipeline reference for scband-patch-position-encoding-1279900254667 (READ-ONLY COPY).

The authoritative reference and input builder live on the scoring server;
editing this copy changes nothing except your own understanding.
"""

import jax, jax.numpy as jnp
import numpy as np

DISCRETIZE_DEPTH = 128
LAYER_WIDTH = 768
B, N, D = 64, 576, 768


def _discretize(pos):
    return jnp.round(pos * DISCRETIZE_DEPTH)


def setup_inputs(seed: int = 0) -> dict:
    key = jax.random.key(seed)
    ks = jax.random.split(key, 7)
    # pos values kept strictly below ~0.996 so round(pos*128) <= 127 stays in-range
    inp = {
        "input_ids": jax.random.normal(ks[0], (B, N, D), dtype=jnp.float32),
        "row_pos_from": jax.random.uniform(ks[1], (B, N), dtype=jnp.float32, minval=0.0, maxval=0.995),
        "row_pos_to": jax.random.uniform(ks[2], (B, N), dtype=jnp.float32, minval=0.0, maxval=0.995),
        "col_pos_from": jax.random.uniform(ks[3], (B, N), dtype=jnp.float32, minval=0.0, maxval=0.995),
        "col_pos_to": jax.random.uniform(ks[4], (B, N), dtype=jnp.float32, minval=0.0, maxval=0.995),
        "row_table": jax.random.normal(ks[5], (DISCRETIZE_DEPTH, LAYER_WIDTH), dtype=jnp.float32) * 0.02,
        "col_table": jax.random.normal(ks[6], (DISCRETIZE_DEPTH, LAYER_WIDTH), dtype=jnp.float32) * 0.02,
    }
    return inp


def reference(input_ids, row_pos_from, row_pos_to, col_pos_from, col_pos_to, row_table, col_table):
    # eval-mode branch (deterministic): rounded mean of the discretized interval
    rf = _discretize(row_pos_from)
    rt = _discretize(row_pos_to)
    cf = _discretize(col_pos_from)
    ct = _discretize(col_pos_to)
    row_pos = jnp.round((rf + rt).astype(jnp.float32) / 2.0).astype(jnp.int32)
    col_pos = jnp.round((cf + ct).astype(jnp.float32) / 2.0).astype(jnp.int32)
    row_emb = jnp.take(row_table, row_pos, axis=0)
    col_emb = jnp.take(col_table, col_pos, axis=0)
    return input_ids + row_emb + col_emb

if __name__ == "__main__":
    import jax
    _d = setup_inputs()
    print(jax.jit(kernel)(*tuple(_d.values())))

</pallas_src>

<mosaic_0001>
#map = affine_map<(d0, d1) -> (0, 0)>
#map1 = affine_map<(d0, d1) -> (0)>
#map2 = affine_map<(d0, d1) -> (0, 0, 0)>
module attributes {stable_mosaic.version = 14 : i64} {
  func.func @_sc_body(%arg0: i32, %arg1: i32, %arg2: memref<36864x768xf32, #tpu.memory_space<hbm>>, %arg3: memref<36864xf32, #tpu.memory_space<hbm>>, %arg4: memref<36864xf32, #tpu.memory_space<hbm>>, %arg5: memref<36864xf32, #tpu.memory_space<hbm>>, %arg6: memref<36864xf32, #tpu.memory_space<hbm>>, %arg7: memref<2x128x192xi32, #tpu.memory_space<hbm>>, %arg8: memref<2x128x192xi32, #tpu.memory_space<hbm>>, %arg9: memref<36864x768xf32, #tpu.memory_space<hbm>>, %arg10: memref<128x192xi32, #tpu.memory_space<vmem>>, %arg11: memref<128x192xi32, #tpu.memory_space<vmem>>, %arg12: memref<384xf32, #tpu.memory_space<vmem>>, %arg13: memref<384xf32, #tpu.memory_space<vmem>>, %arg14: memref<384xf32, #tpu.memory_space<vmem>>, %arg15: memref<384xf32, #tpu.memory_space<vmem>>, %arg16: memref<2304xi32, #tpu.memory_space<vmem>>, %arg17: memref<24x384xf32, #tpu.memory_space<vmem>>, %arg18: memref<24x384xf32, #tpu.memory_space<vmem>>, %arg19: memref<24x384xf32, #tpu.memory_space<vmem>>, %arg20: memref<24x384xf32, #tpu.memory_space<vmem>>, %arg21: memref<24x384xf32, #tpu.memory_space<vmem>>, %arg22: memref<24x384xf32, #tpu.memory_space<vmem>>, %arg23: memref<!tpu.dma_semaphore, #tpu.memory_space<semaphore_mem>>, %arg24: memref<!tpu.dma_semaphore, #tpu.memory_space<semaphore_mem>>, %arg25: memref<!tpu.dma_semaphore, #tpu.memory_space<semaphore_mem>>, %arg26: memref<!tpu.dma_semaphore, #tpu.memory_space<semaphore_mem>>, %arg27: memref<!tpu.dma_semaphore, #tpu.memory_space<semaphore_mem>>, %arg28: memref<!tpu.dma_semaphore, #tpu.memory_space<semaphore_mem>>, %arg29: memref<!tpu.dma_semaphore, #tpu.memory_space<semaphore_mem>>, %arg30: memref<!tpu.dma_semaphore, #tpu.memory_space<semaphore_mem>>, %arg31: memref<!tpu.dma_semaphore, #tpu.memory_space<semaphore_mem>>, %arg32: memref<!tpu.dma_semaphore, #tpu.memory_space<semaphore_mem>>, %arg33: memref<!tpu.dma_semaphore, #tpu.memory_space<semaphore_mem>>, %arg34: memref<!tpu.dma_semaphore, #tpu.memory_space<semaphore_mem>>) attributes {dimension_semantics = [#tpu.dimension_semantics<core_parallel>, #tpu.dimension_semantics<subcore_parallel>], iteration_bounds = array<i64: 2, 16>, scalar_prefetch = 0 : i64, scratch_operands = 25 : i64, tpu.core_type = #tpu.core_type<sc_vector_subcore>, window_params = [{transform_indices = #map}, {transform_indices = #map1}, {transform_indices = #map1}, {transform_indices = #map1}, {transform_indices = #map1}, {transform_indices = #map2}, {transform_indices = #map2}, {transform_indices = #map}]} {
    %mul3A = arith.constant 384 : i32
    %mul3A_0 = arith.muli %arg0, %mul3A : i32
    %mul3A_1 = arith.constant 2304 : i32
    %mul3A_2 = arith.muli %arg1, %mul3A_1 : i32
    "tpu.region"() ({
      %run_scoped3A = tpu.sem_alloc : memref<!tpu.dma_semaphore, #tpu.memory_space<semaphore_mem>>
      %dma_start3A_51 = arith.constant 0 : i32
      %dma_start3A_52 = arith.constant 0 : i32
      %dma_start3A_53 = tpu.memref_slice %arg7[%arg0, %dma_start3A_51, %dma_start3A_52] : memref<2x128x192xi32, #tpu.memory_space<hbm>> -> memref<1x128x192xi32, #tpu.memory_space<hbm>>
      %dma_start3A_54 = tpu.memref_squeeze %dma_start3A_53 : memref<1x128x192xi32, #tpu.memory_space<hbm>> -> memref<128x192xi32, #tpu.memory_space<hbm>>
      %dma_start3A_55 = arith.constant 0 : i32
      %dma_start3A_56 = arith.constant 0 : i32
      %dma_start3A_57 = tpu.memref_slice %arg7[%arg0, %dma_start3A_55, %dma_start3A_56] : memref<2x128x192xi32, #tpu.memory_space<hbm>> -> memref<1x128x192xi32, #tpu.memory_space<hbm>>
      %dma_start3A_58 = tpu.memref_squeeze %dma_start3A_57 : memref<1x128x192xi32, #tpu.memory_space<hbm>> -> memref<128x192xi32, #tpu.memory_space<hbm>>
      tpu.enqueue_dma source(%dma_start3A_58 : memref<128x192xi32, #tpu.memory_space<hbm>>) target(%arg10 : memref<128x192xi32, #tpu.memory_space<vmem>>) target_semaphore(%run_scoped3A : memref<!tpu.dma_semaphore, #tpu.memory_space<semaphore_mem>>)
      %dma_wait3A_59 = arith.constant 0 : i32
      %dma_wait3A_60 = arith.constant 0 : i32
      %dma_wait3A_61 = tpu.memref_slice %arg7[%arg0, %dma_wait3A_59, %dma_wait3A_60] : memref<2x128x192xi32, #tpu.memory_space<hbm>> -> memref<1x128x192xi32, #tpu.memory_space<hbm>>
      %dma_wait3A_62 = tpu.memref_squeeze %dma_wait3A_61 : memref<1x128x192xi32, #tpu.memory_space<hbm>> -> memref<128x192xi32, #tpu.memory_space<hbm>>
      %dma_wait3A_63 = arith.constant 0 : i32
      %dma_wait3A_64 = arith.constant 0 : i32
      %dma_wait3A_65 = tpu.memref_slice %arg7[%arg0, %dma_wait3A_63, %dma_wait3A_64] : memref<2x128x192xi32, #tpu.memory_space<hbm>> -> memref<1x128x192xi32, #tpu.memory_space<hbm>>
      %dma_wait3A_66 = tpu.memref_squeeze %dma_wait3A_65 : memref<1x128x192xi32, #tpu.memory_space<hbm>> -> memref<128x192xi32, #tpu.memory_space<hbm>>
      tpu.wait_dma2 semaphore(%run_scoped3A : memref<!tpu.dma_semaphore, #tpu.memory_space<semaphore_mem>>) src(%dma_wait3A_66 : memref<128x192xi32, #tpu.memory_space<hbm>>) dst(%arg10 : memref<128x192xi32, #tpu.memory_space<vmem>>)
      tpu.yield
    }) : () -> ()
    "tpu.region"() ({
      %run_scoped3A = tpu.sem_alloc : memref<!tpu.dma_semaphore, #tpu.memory_space<semaphore_mem>>
      %dma_start3A_51 = arith.constant 0 : i32
      %dma_start3A_52 = arith.constant 0 : i32
      %dma_start3A_53 = tpu.memref_slice %arg8[%arg0, %dma_start3A_51, %dma_start3A_52] : memref<2x128x192xi32, #tpu.memory_space<hbm>> -> memref<1x128x192xi32, #tpu.memory_space<hbm>>
      %dma_start3A_54 = tpu.memref_squeeze %dma_start3A_53 : memref<1x128x192xi32, #tpu.memory_space<hbm>> -> memref<128x192xi32, #tpu.memory_space<hbm>>
      %dma_start3A_55 = arith.constant 0 : i32
      %dma_start3A_56 = arith.constant 0 : i32
      %dma_start3A_57 = tpu.memref_slice %arg8[%arg0, %dma_start3A_55, %dma_start3A_56] : memref<2x128x192xi32, #tpu.memory_space<hbm>> -> memref<1x128x192xi32, #tpu.memory_space<hbm>>
      %dma_start3A_58 = tpu.memref_squeeze %dma_start3A_57 : memref<1x128x192xi32, #tpu.memory_space<hbm>> -> memref<128x192xi32, #tpu.memory_space<hbm>>
      tpu.enqueue_dma source(%dma_start3A_58 : memref<128x192xi32, #tpu.memory_space<hbm>>) target(%arg11 : memref<128x192xi32, #tpu.memory_space<vmem>>) target_semaphore(%run_scoped3A : memref<!tpu.dma_semaphore, #tpu.memory_space<semaphore_mem>>)
      %dma_wait3A_59 = arith.constant 0 : i32
      %dma_wait3A_60 = arith.constant 0 : i32
      %dma_wait3A_61 = tpu.memref_slice %arg8[%arg0, %dma_wait3A_59, %dma_wait3A_60] : memref<2x128x192xi32, #tpu.memory_space<hbm>> -> memref<1x128x192xi32, #tpu.memory_space<hbm>>
      %dma_wait3A_62 = tpu.memref_squeeze %dma_wait3A_61 : memref<1x128x192xi32, #tpu.memory_space<hbm>> -> memref<128x192xi32, #tpu.memory_space<hbm>>
      %dma_wait3A_63 = arith.constant 0 : i32
      %dma_wait3A_64 = arith.constant 0 : i32
      %dma_wait3A_65 = tpu.memref_slice %arg8[%arg0, %dma_wait3A_63, %dma_wait3A_64] : memref<2x128x192xi32, #tpu.memory_space<hbm>> -> memref<1x128x192xi32, #tpu.memory_space<hbm>>
      %dma_wait3A_66 = tpu.memref_squeeze %dma_wait3A_65 : memref<1x128x192xi32, #tpu.memory_space<hbm>> -> memref<128x192xi32, #tpu.memory_space<hbm>>
      tpu.wait_dma2 semaphore(%run_scoped3A : memref<!tpu.dma_semaphore, #tpu.memory_space<semaphore_mem>>) src(%dma_wait3A_66 : memref<128x192xi32, #tpu.memory_space<hbm>>) dst(%arg11 : memref<128x192xi32, #tpu.memory_space<vmem>>)
      tpu.yield
    }) : () -> ()
    %scan3A = arith.constant 0 : i32
    %scan3A_3 = arith.constant 0 : i32
    %scan3A_4 = arith.constant 6 : i32
    %scan3A_5 = arith.addi %scan3A_3, %scan3A_4 : i32
    %scan3A_6 = arith.constant 1 : i32
    scf.for %scan3A_51 = %scan3A_3 to %scan3A_5 step %scan3A_6  : i32 {
      %mul3A_52 = arith.constant 384 : i32
      %mul3A_53 = arith.muli %scan3A_51, %mul3A_52 : i32
      %add3A_54 = arith.addi %mul3A_2, %mul3A_53 : i32
      "tpu.region"() ({
        %run_scoped3A = tpu.sem_alloc : memref<!tpu.dma_semaphore, #tpu.memory_space<semaphore_mem>>
        %dma_start3A_57 = tpu.memref_slice %arg3[%add3A_54] : memref<36864xf32, #tpu.memory_space<hbm>> -> memref<384xf32, #tpu.memory_space<hbm>>
        %dma_start3A_58 = tpu.memref_slice %arg3[%add3A_54] : memref<36864xf32, #tpu.memory_space<hbm>> -> memref<384xf32, #tpu.memory_space<hbm>>
        tpu.enqueue_dma source(%dma_start3A_58 : memref<384xf32, #tpu.memory_space<hbm>>) target(%arg12 : memref<384xf32, #tpu.memory_space<vmem>>) target_semaphore(%run_scoped3A : memref<!tpu.dma_semaphore, #tpu.memory_space<semaphore_mem>>)
        %dma_wait3A_59 = tpu.memref_slice %arg3[%add3A_54] : memref<36864xf32, #tpu.memory_space<hbm>> -> memref<384xf32, #tpu.memory_space<hbm>>
        %dma_wait3A_60 = tpu.memref_slice %arg3[%add3A_54] : memref<36864xf32, #tpu.memory_space<hbm>> -> memref<384xf32, #tpu.memory_space<hbm>>
        tpu.wait_dma2 semaphore(%run_scoped3A : memref<!tpu.dma_semaphore, #tpu.memory_space<semaphore_mem>>) src(%dma_wait3A_60 : memref<384xf32, #tpu.memory_space<hbm>>) dst(%arg12 : memref<384xf32, #tpu.memory_space<vmem>>)
        tpu.yield
      }) : () -> ()
      "tpu.region"() ({
        %run_scoped3A = tpu.sem_alloc : memref<!tpu.dma_semaphore, #tpu.memory_space<semaphore_mem>>
        %dma_start3A_57 = tpu.memref_slice %arg4[%add3A_54] : memref<36864xf32, #tpu.memory_space<hbm>> -> memref<384xf32, #tpu.memory_space<hbm>>
        %dma_start3A_58 = tpu.memref_slice %arg4[%add3A_54] : memref<36864xf32, #tpu.memory_space<hbm>> -> memref<384xf32, #tpu.memory_space<hbm>>
        tpu.enqueue_dma source(%dma_start3A_58 : memref<384xf32, #tpu.memory_space<hbm>>) target(%arg13 : memref<384xf32, #tpu.memory_space<vmem>>) target_semaphore(%run_scoped3A : memref<!tpu.dma_semaphore, #tpu.memory_space<semaphore_mem>>)
        %dma_wait3A_59 = tpu.memref_slice %arg4[%add3A_54] : memref<36864xf32, #tpu.memory_space<hbm>> -> memref<384xf32, #tpu.memory_space<hbm>>
        %dma_wait3A_60 = tpu.memref_slice %arg4[%add3A_54] : memref<36864xf32, #tpu.memory_space<hbm>> -> memref<384xf32, #tpu.memory_space<hbm>>
        tpu.wait_dma2 semaphore(%run_scoped3A : memref<!tpu.dma_semaphore, #tpu.memory_space<semaphore_mem>>) src(%dma_wait3A_60 : memref<384xf32, #tpu.memory_space<hbm>>) dst(%arg13 : memref<384xf32, #tpu.memory_space<vmem>>)
        tpu.yield
      }) : () -> ()
      "tpu.region"() ({
        %run_scoped3A = tpu.sem_alloc : memref<!tpu.dma_semaphore, #tpu.memory_space<semaphore_mem>>
        %dma_start3A_57 = tpu.memref_slice %arg5[%add3A_54] : memref<36864xf32, #tpu.memory_space<hbm>> -> memref<384xf32, #tpu.memory_space<hbm>>
        %dma_start3A_58 = tpu.memref_slice %arg5[%add3A_54] : memref<36864xf32, #tpu.memory_space<hbm>> -> memref<384xf32, #tpu.memory_space<hbm>>
        tpu.enqueue_dma source(%dma_start3A_58 : memref<384xf32, #tpu.memory_space<hbm>>) target(%arg14 : memref<384xf32, #tpu.memory_space<vmem>>) target_semaphore(%run_scoped3A : memref<!tpu.dma_semaphore, #tpu.memory_space<semaphore_mem>>)
        %dma_wait3A_59 = tpu.memref_slice %arg5[%add3A_54] : memref<36864xf32, #tpu.memory_space<hbm>> -> memref<384xf32, #tpu.memory_space<hbm>>
        %dma_wait3A_60 = tpu.memref_slice %arg5[%add3A_54] : memref<36864xf32, #tpu.memory_space<hbm>> -> memref<384xf32, #tpu.memory_space<hbm>>
        tpu.wait_dma2 semaphore(%run_scoped3A : memref<!tpu.dma_semaphore, #tpu.memory_space<semaphore_mem>>) src(%dma_wait3A_60 : memref<384xf32, #tpu.memory_space<hbm>>) dst(%arg14 : memref<384xf32, #tpu.memory_space<vmem>>)
        tpu.yield
      }) : () -> ()
      "tpu.region"() ({
        %run_scoped3A = tpu.sem_alloc : memref<!tpu.dma_semaphore, #tpu.memory_space<semaphore_mem>>
        %dma_start3A_57 = tpu.memref_slice %arg6[%add3A_54] : memref<36864xf32, #tpu.memory_space<hbm>> -> memref<384xf32, #tpu.memory_space<hbm>>
        %dma_start3A_58 = tpu.memref_slice %arg6[%add3A_54] : memref<36864xf32, #tpu.memory_space<hbm>> -> memref<384xf32, #tpu.memory_space<hbm>>
        tpu.enqueue_dma source(%dma_start3A_58 : memref<384xf32, #tpu.memory_space<hbm>>) target(%arg15 : memref<384xf32, #tpu.memory_space<vmem>>) target_semaphore(%run_scoped3A : memref<!tpu.dma_semaphore, #tpu.memory_space<semaphore_mem>>)
        %dma_wait3A_59 = tpu.memref_slice %arg6[%add3A_54] : memref<36864xf32, #tpu.memory_space<hbm>> -> memref<384xf32, #tpu.memory_space<hbm>>
        %dma_wait3A_60 = tpu.memref_slice %arg6[%add3A_54] : memref<36864xf32, #tpu.memory_space<hbm>> -> memref<384xf32, #tpu.memory_space<hbm>>
        tpu.wait_dma2 semaphore(%run_scoped3A : memref<!tpu.dma_semaphore, #tpu.memory_space<semaphore_mem>>) src(%dma_wait3A_60 : memref<384xf32, #tpu.memory_space<hbm>>) dst(%arg15 : memref<384xf32, #tpu.memory_space<vmem>>)
        tpu.yield
      }) : () -> ()
      %parallel_loop3A = arith.constant 0 : i32
      %parallel_loop3A_55 = arith.constant 24 : i32
      %parallel_loop3A_56 = arith.constant 1 : i32
      scf.for %parallel_loop3A_57 = %parallel_loop3A to %parallel_loop3A_55 step %parallel_loop3A_56  : i32 {
        %parallel_loop3A_58 = arith.constant 16 : i32
        %parallel_loop3A_59 = arith.muli %parallel_loop3A_57, %parallel_loop3A_58 : i32
        %parallel_loop3A_60 = arith.index_cast %parallel_loop3A_59 : i32 to index
        %parallel_loop3A_61 = tpu.vector_load %arg12[%parallel_loop3A_60] {strides = array<i32>} : memref<384xf32, #tpu.memory_space<vmem>>, vector<16xf32>,
        %parallel_loop3A_62 = arith.constant 1.280000e+02 : f32
        %parallel_loop3A_63 = vector.broadcast %parallel_loop3A_62 : f32 to vector<16xf32>
        %parallel_loop3A_64 = arith.mulf %parallel_loop3A_61, %parallel_loop3A_63 : vector<16xf32>
        %parallel_loop3A_65 = arith.constant 0x4B000000 : f32
        %parallel_loop3A_66 = vector.broadcast %parallel_loop3A_65 : f32 to vector<16xf32>
        %parallel_loop3A_67 = arith.addf %parallel_loop3A_64, %parallel_loop3A_66 : vector<16xf32>
        %parallel_loop3A_68 = arith.constant 0x4B000000 : f32
        %parallel_loop3A_69 = vector.broadcast %parallel_loop3A_68 : f32 to vector<16xf32>
        %parallel_loop3A_70 = arith.subf %parallel_loop3A_67, %parallel_loop3A_69 : vector<16xf32>
        %parallel_loop3A_71 = arith.index_cast %parallel_loop3A_59 : i32 to index
        %parallel_loop3A_72 = tpu.vector_load %arg13[%parallel_loop3A_71] {strides = array<i32>} : memref<384xf32, #tpu.memory_space<vmem>>, vector<16xf32>,
        %parallel_loop3A_73 = arith.constant 1.280000e+02 : f32
        %parallel_loop3A_74 = vector.broadcast %parallel_loop3A_73 : f32 to vector<16xf32>
        %parallel_loop3A_75 = arith.mulf %parallel_loop3A_72, %parallel_loop3A_74 : vector<16xf32>
        %parallel_loop3A_76 = arith.constant 0x4B000000 : f32
        %parallel_loop3A_77 = vector.broadcast %parallel_loop3A_76 : f32 to vector<16xf32>
        %parallel_loop3A_78 = arith.addf %parallel_loop3A_75, %parallel_loop3A_77 : vector<16xf32>
        %parallel_loop3A_79 = arith.constant 0x4B000000 : f32
        %parallel_loop3A_80 = vector.broadcast %parallel_loop3A_79 : f32 to vector<16xf32>
        %parallel_loop3A_81 = arith.subf %parallel_loop3A_78, %parallel_loop3A_80 : vector<16xf32>
        %parallel_loop3A_82 = arith.index_cast %parallel_loop3A_59 : i32 to index
        %parallel_loop3A_83 = tpu.vector_load %arg14[%parallel_loop3A_82] {strides = array<i32>} : memref<384xf32, #tpu.memory_space<vmem>>, vector<16xf32>,
        %parallel_loop3A_84 = arith.constant 1.280000e+02 : f32
        %parallel_loop3A_85 = vector.broadcast %parallel_loop3A_84 : f32 to vector<16xf32>
        %parallel_loop3A_86 = arith.mulf %parallel_loop3A_83, %parallel_loop3A_85 : vector<16xf32>
        %parallel_loop3A_87 = arith.constant 0x4B000000 : f32
        %parallel_loop3A_88 = vector.broadcast %parallel_loop3A_87 : f32 to vector<16xf32>
        %parallel_loop3A_89 = arith.addf %parallel_loop3A_86, %parallel_loop3A_88 : vector<16xf32>
        %parallel_loop3A_90 = arith.constant 0x4B000000 : f32
        %parallel_loop3A_91 = vector.broadcast %parallel_loop3A_90 : f32 to vector<16xf32>
        %parallel_loop3A_92 = arith.subf %parallel_loop3A_89, %parallel_loop3A_91 : vector<16xf32>
        %parallel_loop3A_93 = arith.index_cast %parallel_loop3A_59 : i32 to index
        %parallel_loop3A_94 = tpu.vector_load %arg15[%parallel_loop3A_93] {strides = array<i32>} : memref<384xf32, #tpu.memory_space<vmem>>, vector<16xf32>,
        %parallel_loop3A_95 = arith.constant 1.280000e+02 : f32
        %parallel_loop3A_96 = vector.broadcast %parallel_loop3A_95 : f32 to vector<16xf32>
        %parallel_loop3A_97 = arith.mulf %parallel_loop3A_94, %parallel_loop3A_96 : vector<16xf32>
        %parallel_loop3A_98 = arith.constant 0x4B000000 : f32
        %parallel_loop3A_99 = vector.broadcast %parallel_loop3A_98 : f32 to vector<16xf32>
        %parallel_loop3A_100 = arith.addf %parallel_loop3A_97, %parallel_loop3A_99 : vector<16xf32>
        %parallel_loop3A_101 = arith.constant 0x4B000000 : f32
        %parallel_loop3A_102 = vector.broadcast %parallel_loop3A_101 : f32 to vector<16xf32>
        %parallel_loop3A_103 = arith.subf %parallel_loop3A_100, %parallel_loop3A_102 : vector<16xf32>
        %parallel_loop3A_104 = arith.addf %parallel_loop3A_70, %parallel_loop3A_81 : vector<16xf32>
        %parallel_loop3A_105 = arith.constant 5.000000e-01 : f32
        %parallel_loop3A_106 = vector.broadcast %parallel_loop3A_105 : f32 to vector<16xf32>
        %parallel_loop3A_107 = arith.mulf %parallel_loop3A_104, %parallel_loop3A_106 : vector<16xf32>
        %parallel_loop3A_108 = arith.constant 0x4B000000 : f32
        %parallel_loop3A_109 = vector.broadcast %parallel_loop3A_108 : f32 to vector<16xf32>
        %parallel_loop3A_110 = arith.addf %parallel_loop3A_107, %parallel_loop3A_109 : vector<16xf32>
        %parallel_loop3A_111 = arith.constant 0x4B000000 : f32
        %parallel_loop3A_112 = vector.broadcast %parallel_loop3A_111 : f32 to vector<16xf32>
        %parallel_loop3A_113 = arith.subf %parallel_loop3A_110, %parallel_loop3A_112 : vector<16xf32>
        %parallel_loop3A_114 = arith.fptosi %parallel_loop3A_113 : vector<16xf32> to vector<16xi32>
        %parallel_loop3A_115 = arith.addf %parallel_loop3A_92, %parallel_loop3A_103 : vector<16xf32>
        %parallel_loop3A_116 = arith.constant 5.000000e-01 : f32
        %parallel_loop3A_117 = vector.broadcast %parallel_loop3A_116 : f32 to vector<16xf32>
        %parallel_loop3A_118 = arith.mulf %parallel_loop3A_115, %parallel_loop3A_117 : vector<16xf32>
        %parallel_loop3A_119 = arith.constant 0x4B000000 : f32
        %parallel_loop3A_120 = vector.broadcast %parallel_loop3A_119 : f32 to vector<16xf32>
        %parallel_loop3A_121 = arith.addf %parallel_loop3A_118, %parallel_loop3A_120 : vector<16xf32>
        %parallel_loop3A_122 = arith.constant 0x4B000000 : f32
        %parallel_loop3A_123 = vector.broadcast %parallel_loop3A_122 : f32 to vector<16xf32>
        %parallel_loop3A_124 = arith.subf %parallel_loop3A_121, %parallel_loop3A_123 : vector<16xf32>
        %parallel_loop3A_125 = arith.fptosi %parallel_loop3A_124 : vector<16xf32> to vector<16xi32>
        %parallel_loop3A_126 = arith.constant 8 : i32
        %parallel_loop3A_127 = vector.broadcast %parallel_loop3A_126 : i32 to vector<16xi32>
        %parallel_loop3A_128 = arith.shli %parallel_loop3A_114, %parallel_loop3A_127 : vector<16xi32>
        %parallel_loop3A_129 = arith.ori %parallel_loop3A_128, %parallel_loop3A_125 : vector<16xi32>
        %parallel_loop3A_130 = arith.constant 384 : i32
        %parallel_loop3A_131 = arith.muli %scan3A_51, %parallel_loop3A_130 : i32
        %parallel_loop3A_132 = arith.constant 16 : i32
        %parallel_loop3A_133 = arith.muli %parallel_loop3A_57, %parallel_loop3A_132 : i32
        %parallel_loop3A_134 = arith.addi %parallel_loop3A_131, %parallel_loop3A_133 : i32
        %parallel_loop3A_135 = arith.index_cast %parallel_loop3A_134 : i32 to index
        %parallel_loop3A_136 = tpu.vector_load %arg16[%parallel_loop3A_135] {strides = array<i32>} : memref<2304xi32, #tpu.memory_space<vmem>>, vector<16xi32>,
        tpu.vector_store %arg16[%parallel_loop3A_135], %parallel_loop3A_129 {strides = array<i32>} : memref<2304xi32, #tpu.memory_space<vmem>>, vector<16xi32>,
      } {sc.loop_unroll_factor = 1 : i64, sc.parallel_access}
    }
    %scan3A_7 = arith.constant 6 : i32
    %add3A = arith.constant 0 : i32
    %add3A_8 = arith.addi %mul3A_2, %add3A : i32
    %dma_start3A = tpu.memref_slice %arg2[%add3A_8, %mul3A_0] : memref<36864x768xf32, #tpu.memory_space<hbm>> -> memref<24x384xf32, #tpu.memory_space<hbm>>
    %dma_start3A_9 = tpu.memref_slice %arg2[%add3A_8, %mul3A_0] : memref<36864x768xf32, #tpu.memory_space<hbm>> -> memref<24x384xf32, #tpu.memory_space<hbm>>
    tpu.enqueue_dma source(%dma_start3A_9 : memref<24x384xf32, #tpu.memory_space<hbm>>) target(%arg17 : memref<24x384xf32, #tpu.memory_space<vmem>>) target_semaphore(%arg23 : memref<!tpu.dma_semaphore, #tpu.memory_space<semaphore_mem>>)
    %add3A_10 = arith.constant 24 : i32
    %add3A_11 = arith.addi %mul3A_2, %add3A_10 : i32
    %dma_start3A_12 = tpu.memref_slice %arg2[%add3A_11, %mul3A_0] : memref<36864x768xf32, #tpu.memory_space<hbm>> -> memref<24x384xf32, #tpu.memory_space<hbm>>
    %dma_start3A_13 = tpu.memref_slice %arg2[%add3A_11, %mul3A_0] : memref<36864x768xf32, #tpu.memory_space<hbm>> -> memref<24x384xf32, #tpu.memory_space<hbm>>
    tpu.enqueue_dma source(%dma_start3A_13 : memref<24x384xf32, #tpu.memory_space<hbm>>) target(%arg18 : memref<24x384xf32, #tpu.memory_space<vmem>>) target_semaphore(%arg24 : memref<!tpu.dma_semaphore, #tpu.memory_space<semaphore_mem>>)
    %add3A_14 = arith.constant 48 : i32
    %add3A_15 = arith.addi %mul3A_2, %add3A_14 : i32
    %dma_start3A_16 = tpu.memref_slice %arg2[%add3A_15, %mul3A_0] : memref<36864x768xf32, #tpu.memory_space<hbm>> -> memref<24x384xf32, #tpu.memory_space<hbm>>
    %dma_start3A_17 = tpu.memref_slice %arg2[%add3A_15, %mul3A_0] : memref<36864x768xf32, #tpu.memory_space<hbm>> -> memref<24x384xf32, #tpu.memory_space<hbm>>
    tpu.enqueue_dma source(%dma_start3A_17 : memref<24x384xf32, #tpu.memory_space<hbm>>) target(%arg19 : memref<24x384xf32, #tpu.memory_space<vmem>>) target_semaphore(%arg25 : memref<!tpu.dma_semaphore, #tpu.memory_space<semaphore_mem>>)
    %add3A_18 = arith.constant 72 : i32
    %add3A_19 = arith.addi %mul3A_2, %add3A_18 : i32
    %dma_start3A_20 = tpu.memref_slice %arg2[%add3A_19, %mul3A_0] : memref<36864x768xf32, #tpu.memory_space<hbm>> -> memref<24x384xf32, #tpu.memory_space<hbm>>
    %dma_start3A_21 = tpu.memref_slice %arg2[%add3A_19, %mul3A_0] : memref<36864x768xf32, #tpu.memory_space<hbm>> -> memref<24x384xf32, #tpu.memory_space<hbm>>
    tpu.enqueue_dma source(%dma_start3A_21 : memref<24x384xf32, #tpu.memory_space<hbm>>) target(%arg20 : memref<24x384xf32, #tpu.memory_space<vmem>>) target_semaphore(%arg26 : memref<!tpu.dma_semaphore, #tpu.memory_space<semaphore_mem>>)
    %iota3A = tpu.iota {dimensions = array<i32: 0>} : vector<16xi32>
    %scan3A_22 = arith.constant 0 : i32
    %scan3A_23 = arith.constant 0 : i32
    %scan3A_24 = arith.constant 16 : i32
    %scan3A_25 = arith.addi %scan3A_23, %scan3A_24 : i32
    %scan3A_26 = arith.constant 1 : i32
    scf.for %scan3A_51 = %scan3A_23 to %scan3A_25 step %scan3A_26  : i32 {
      %mul3A_52 = arith.constant 6 : i32
      %mul3A_53 = arith.muli %scan3A_51, %mul3A_52 : i32
      %add3A_54 = arith.constant 0 : i32
      %add3A_55 = arith.addi %mul3A_53, %add3A_54 : i32
      %mul3A_56 = arith.constant 24 : i32
      %mul3A_57 = arith.muli %add3A_55, %mul3A_56 : i32
      %add3A_58 = arith.addi %mul3A_2, %mul3A_57 : i32
      %dma_wait3A_59 = tpu.memref_slice %arg2[%add3A_58, %mul3A_0] : memref<36864x768xf32, #tpu.memory_space<hbm>> -> memref<24x384xf32, #tpu.memory_space<hbm>>
      %dma_wait3A_60 = tpu.memref_slice %arg2[%add3A_58, %mul3A_0] : memref<36864x768xf32, #tpu.memory_space<hbm>> -> memref<24x384xf32, #tpu.memory_space<hbm>>
      tpu.wait_dma2 semaphore(%arg23 : memref<!tpu.dma_semaphore, #tpu.memory_space<semaphore_mem>>) src(%dma_wait3A_60 : memref<24x384xf32, #tpu.memory_space<hbm>>) dst(%arg17 : memref<24x384xf32, #tpu.memory_space<vmem>>)
      %add3A_61 = arith.constant 4 : i32
      %add3A_62 = arith.addi %add3A_55, %add3A_61 : i32
      %lt3A = arith.constant 96 : i32
      %lt3A_63 = arith.cmpi slt, %add3A_62, %lt3A : i32
      %convert_element_type3A = arith.extui %lt3A_63 : i1 to i32
      %cond3A = arith.constant 0 : i32
      %cond3A_64 = arith.cmpi ne, %convert_element_type3A, %cond3A : i32
      scf.if %cond3A_64 {
        %ge3A = arith.constant 2 : i32
        %ge3A_192 = arith.cmpi sge, %add3A_55, %ge3A : i32
        %convert_element_type3A_193 = arith.extui %ge3A_192 : i1 to i32
        %cond3A_194 = arith.constant 0 : i32
        %cond3A_195 = arith.cmpi ne, %convert_element_type3A_193, %cond3A_194 : i32
        scf.if %cond3A_195 {
          %mul3A_203 = arith.constant 24 : i32
          %mul3A_204 = arith.muli %add3A_55, %mul3A_203 : i32
          %add3A_205 = arith.addi %mul3A_2, %mul3A_204 : i32
          %dma_wait3A_206 = tpu.memref_slice %arg9[%add3A_205, %mul3A_0] : memref<36864x768xf32, #tpu.memory_space<hbm>> -> memref<24x384xf32, #tpu.memory_space<hbm>>
          %dma_wait3A_207 = tpu.memref_slice %arg9[%add3A_205, %mul3A_0] : memref<36864x768xf32, #tpu.memory_space<hbm>> -> memref<24x384xf32, #tpu.memory_space<hbm>>
          tpu.wait_dma2 semaphore(%arg33 : memref<!tpu.dma_semaphore, #tpu.memory_space<semaphore_mem>>) src(%arg21 : memref<24x384xf32, #tpu.memory_space<vmem>>) dst(%dma_wait3A_207 : memref<24x384xf32, #tpu.memory_space<hbm>>)
        } else {
        }
        %add3A_196 = arith.constant 4 : i32
        %add3A_197 = arith.addi %add3A_55, %add3A_196 : i32
        %mul3A_198 = arith.constant 24 : i32
        %mul3A_199 = arith.muli %add3A_197, %mul3A_198 : i32
        %add3A_200 = arith.addi %mul3A_2, %mul3A_199 : i32
        %dma_start3A_201 = tpu.memref_slice %arg2[%add3A_200, %mul3A_0] : memref<36864x768xf32, #tpu.memory_space<hbm>> -> memref<24x384xf32, #tpu.memory_space<hbm>>
        %dma_start3A_202 = tpu.memref_slice %arg2[%add3A_200, %mul3A_0] : memref<36864x768xf32, #tpu.memory_space<hbm>> -> memref<24x384xf32, #tpu.memory_space<hbm>>
        tpu.enqueue_dma source(%dma_start3A_202 : memref<24x384xf32, #tpu.memory_space<hbm>>) target(%arg21 : memref<24x384xf32, #tpu.memory_space<vmem>>) target_semaphore(%arg27 : memref<!tpu.dma_semaphore, #tpu.memory_space<semaphore_mem>>)
      } else {
      }
      %parallel_loop3A = arith.constant 0 : i32
      %parallel_loop3A_65 = arith.constant 24 : i32
      %parallel_loop3A_66 = arith.constant 1 : i32
      scf.for %parallel_loop3A_192 = %parallel_loop3A to %parallel_loop3A_65 step %parallel_loop3A_66  : i32 {
        %parallel_loop3A_193 = arith.constant 24 : i32
        %parallel_loop3A_194 = arith.muli %add3A_55, %parallel_loop3A_193 : i32
        %parallel_loop3A_195 = arith.addi %parallel_loop3A_194, %parallel_loop3A_192 : i32
        %parallel_loop3A_196 = vector.broadcast %parallel_loop3A_195 : i32 to vector<16xi32>
        %parallel_loop3A_197 = tpu.vector_load_idx %arg16[%parallel_loop3A_196] : memref<2304xi32, #tpu.memory_space<vmem>>[vector<16xi32>], vector<16xi32>,
        %parallel_loop3A_198 = arith.constant 8 : i32
        %parallel_loop3A_199 = vector.broadcast %parallel_loop3A_198 : i32 to vector<16xi32>
        %parallel_loop3A_200 = arith.shrsi %parallel_loop3A_197, %parallel_loop3A_199 : vector<16xi32>
        %parallel_loop3A_201 = arith.constant 255 : i32
        %parallel_loop3A_202 = vector.broadcast %parallel_loop3A_201 : i32 to vector<16xi32>
        %parallel_loop3A_203 = arith.andi %parallel_loop3A_197, %parallel_loop3A_202 : vector<16xi32>
        %parallel_loop3A_204 = tpu.vector_load_idx %arg10[%parallel_loop3A_200, %iota3A] : memref<128x192xi32, #tpu.memory_space<vmem>>[vector<16xi32>, vector<16xi32>], vector<16xi32>,
        %parallel_loop3A_205 = tpu.vector_load_idx %arg11[%parallel_loop3A_203, %iota3A] : memref<128x192xi32, #tpu.memory_space<vmem>>[vector<16xi32>, vector<16xi32>], vector<16xi32>,
        %parallel_loop3A_206 = vector.bitcast %parallel_loop3A_204 : vector<16xi32> to vector<32xbf16>
        %parallel_loop3A_207 = vector.bitcast %parallel_loop3A_205 : vector<16xi32> to vector<32xbf16>
        %parallel_loop3A_208 = arith.addf %parallel_loop3A_206, %parallel_loop3A_207 : vector<32xbf16>
        %parallel_loop3A_209 = arith.constant 16 : i32
        %parallel_loop3A_210 = vector.broadcast %parallel_loop3A_209 : i32 to vector<16xi32>
        %parallel_loop3A_211 = arith.addi %iota3A, %parallel_loop3A_210 : vector<16xi32>
        %parallel_loop3A_212 = tpu.vector_load_idx %arg10[%parallel_loop3A_200, %parallel_loop3A_211] : memref<128x192xi32, #tpu.memory_space<vmem>>[vector<16xi32>, vector<16xi32>], vector<16xi32>,
        %parallel_loop3A_213 = tpu.vector_load_idx %arg11[%parallel_loop3A_203, %parallel_loop3A_211] : memref<128x192xi32, #tpu.memory_space<vmem>>[vector<16xi32>, vector<16xi32>], vector<16xi32>,
        %parallel_loop3A_214 = vector.bitcast %parallel_loop3A_212 : vector<16xi32> to vector<32xbf16>
        %parallel_loop3A_215 = vector.bitcast %parallel_loop3A_213 : vector<16xi32> to vector<32xbf16>
        %parallel_loop3A_216 = arith.addf %parallel_loop3A_214, %parallel_loop3A_215 : vector<32xbf16>
        %parallel_loop3A_217 = arith.constant 16 : i32
        %parallel_loop3A_218 = vector.broadcast %parallel_loop3A_217 : i32 to vector<16xi32>
        %parallel_loop3A_219 = arith.addi %parallel_loop3A_211, %parallel_loop3A_218 : vector<16xi32>
        %parallel_loop3A_220 = tpu.vector_load_idx %arg10[%parallel_loop3A_200, %parallel_loop3A_219] : memref<128x192xi32, #tpu.memory_space<vmem>>[vector<16xi32>, vector<16xi32>], vector<16xi32>,
        %parallel_loop3A_221 = tpu.vector_load_idx %arg11[%parallel_loop3A_203, %parallel_loop3A_219] : memref<128x192xi32, #tpu.memory_space<vmem>>[vector<16xi32>, vector<16xi32>], vector<16xi32>,
        %parallel_loop3A_222 = vector.bitcast %parallel_loop3A_220 : vector<16xi32> to vector<32xbf16>
        %parallel_loop3A_223 = vector.bitcast %parallel_loop3A_221 : vector<16xi32> to vector<32xbf16>
        %parallel_loop3A_224 = arith.addf %parallel_loop3A_222, %parallel_loop3A_223 : vector<32xbf16>
        %parallel_loop3A_225 = arith.constant 16 : i32
        %parallel_loop3A_226 = vector.broadcast %parallel_loop3A_225 : i32 to vector<16xi32>
        %parallel_loop3A_227 = arith.addi %parallel_loop3A_219, %parallel_loop3A_226 : vector<16xi32>
        %parallel_loop3A_228 = tpu.vector_load_idx %arg10[%parallel_loop3A_200, %parallel_loop3A_227] : memref<128x192xi32, #tpu.memory_space<vmem>>[vector<16xi32>, vector<16xi32>], vector<16xi32>,
        %parallel_loop3A_229 = tpu.vector_load_idx %arg11[%parallel_loop3A_203, %parallel_loop3A_227] : memref<128x192xi32, #tpu.memory_space<vmem>>[vector<16xi32>, vector<16xi32>], vector<16xi32>,
        %parallel_loop3A_230 = vector.bitcast %parallel_loop3A_228 : vector<16xi32> to vector<32xbf16>
        %parallel_loop3A_231 = vector.bitcast %parallel_loop3A_229 : vector<16xi32> to vector<32xbf16>
        %parallel_loop3A_232 = arith.addf %parallel_loop3A_230, %parallel_loop3A_231 : vector<32xbf16>
        %parallel_loop3A_233 = arith.constant 16 : i32
        %parallel_loop3A_234 = vector.broadcast %parallel_loop3A_233 : i32 to vector<16xi32>
        %parallel_loop3A_235 = arith.addi %parallel_loop3A_227, %parallel_loop3A_234 : vector<16xi32>
        %parallel_loop3A_236 = tpu.vector_load_idx %arg10[%parallel_loop3A_200, %parallel_loop3A_235] : memref<128x192xi32, #tpu.memory_space<vmem>>[vector<16xi32>, vector<16xi32>], vector<16xi32>,
        %parallel_loop3A_237 = tpu.vector_load_idx %arg11[%parallel_loop3A_203, %parallel_loop3A_235] : memref<128x192xi32, #tpu.memory_space<vmem>>[vector<16xi32>, vector<16xi32>], vector<16xi32>,
        %parallel_loop3A_238 = vector.bitcast %parallel_loop3A_236 : vector<16xi32> to vector<32xbf16>
        %parallel_loop3A_239 = vector.bitcast %parallel_loop3A_237 : vector<16xi32> to vector<32xbf16>
        %parallel_loop3A_240 = arith.addf %parallel_loop3A_238, %parallel_loop3A_239 : vector<32xbf16>
        %parallel_loop3A_241 = arith.constant 16 : i32
        %parallel_loop3A_242 = vector.broadcast %parallel_loop3A_241 : i32 to vector<16xi32>
        %parallel_loop3A_243 = arith.addi %parallel_loop3A_235, %parallel_loop3A_242 : vector<16xi32>
        %parallel_loop3A_244 = tpu.vector_load_idx %arg10[%parallel_loop3A_200, %parallel_loop3A_243] : memref<128x192xi32, #tpu.memory_space<vmem>>[vector<16xi32>, vector<16xi32>], vector<16xi32>,
        %parallel_loop3A_245 = tpu.vector_load_idx %arg11[%parallel_loop3A_203, %parallel_loop3A_243] : memref<128x192xi32, #tpu.memory_space<vmem>>[vector<16xi32>, vector<16xi32>], vector<16xi32>,
        %parallel_loop3A_246 = vector.bitcast %parallel_loop3A_244 : vector<16xi32> to vector<32xbf16>
        %parallel_loop3A_247 = vector.bitcast %parallel_loop3A_245 : vector<16xi32> to vector<32xbf16>
        %parallel_loop3A_248 = arith.addf %parallel_loop3A_246, %parallel_loop3A_247 : vector<32xbf16>
        %parallel_loop3A_249 = arith.constant 16 : i32
        %parallel_loop3A_250 = vector.broadcast %parallel_loop3A_249 : i32 to vector<16xi32>
        %parallel_loop3A_251 = arith.addi %parallel_loop3A_243, %parallel_loop3A_250 : vector<16xi32>
        %parallel_loop3A_252 = tpu.vector_load_idx %arg10[%parallel_loop3A_200, %parallel_loop3A_251] : memref<128x192xi32, #tpu.memory_space<vmem>>[vector<16xi32>, vector<16xi32>], vector<16xi32>,
        %parallel_loop3A_253 = tpu.vector_load_idx %arg11[%parallel_loop3A_203, %parallel_loop3A_251] : memref<128x192xi32, #tpu.memory_space<vmem>>[vector<16xi32>, vector<16xi32>], vector<16xi32>,
        %parallel_loop3A_254 = vector.bitcast %parallel_loop3A_252 : vector<16xi32> to vector<32xbf16>
        %parallel_loop3A_255 = vector.bitcast %parallel_loop3A_253 : vector<16xi32> to vector<32xbf16>
        %parallel_loop3A_256 = arith.addf %parallel_loop3A_254, %parallel_loop3A_255 : vector<32xbf16>
        %parallel_loop3A_257 = arith.constant 16 : i32
        %parallel_loop3A_258 = vector.broadcast %parallel_loop3A_257 : i32 to vector<16xi32>
        %parallel_loop3A_259 = arith.addi %parallel_loop3A_251, %parallel_loop3A_258 : vector<16xi32>
        %parallel_loop3A_260 = tpu.vector_load_idx %arg10[%parallel_loop3A_200, %parallel_loop3A_259] : memref<128x192xi32, #tpu.memory_space<vmem>>[vector<16xi32>, vector<16xi32>], vector<16xi32>,
        %parallel_loop3A_261 = tpu.vector_load_idx %arg11[%parallel_loop3A_203, %parallel_loop3A_259] : memref<128x192xi32, #tpu.memory_space<vmem>>[vector<16xi32>, vector<16xi32>], vector<16xi32>,
        %parallel_loop3A_262 = vector.bitcast %parallel_loop3A_260 : vector<16xi32> to vector<32xbf16>
        %parallel_loop3A_263 = vector.bitcast %parallel_loop3A_261 : vector<16xi32> to vector<32xbf16>
        %parallel_loop3A_264 = arith.addf %parallel_loop3A_262, %parallel_loop3A_263 : vector<32xbf16>
        %parallel_loop3A_265 = arith.constant 16 : i32
        %parallel_loop3A_266 = vector.broadcast %parallel_loop3A_265 : i32 to vector<16xi32>
        %parallel_loop3A_267 = arith.addi %parallel_loop3A_259, %parallel_loop3A_266 : vector<16xi32>
        %parallel_loop3A_268 = tpu.vector_load_idx %arg10[%parallel_loop3A_200, %parallel_loop3A_267] : memref<128x192xi32, #tpu.memory_space<vmem>>[vector<16xi32>, vector<16xi32>], vector<16xi32>,
        %parallel_loop3A_269 = tpu.vector_load_idx %arg11[%parallel_loop3A_203, %parallel_loop3A_267] : memref<128x192xi32, #tpu.memory_space<vmem>>[vector<16xi32>, vector<16xi32>], vector<16xi32>,
        %parallel_loop3A_270 = vector.bitcast %parallel_loop3A_268 : vector<16xi32> to vector<32xbf16>
        %parallel_loop3A_271 = vector.bitcast %parallel_loop3A_269 : vector<16xi32> to vector<32xbf16>
        %parallel_loop3A_272 = arith.addf %parallel_loop3A_270, %parallel_loop3A_271 : vector<32xbf16>
        %parallel_loop3A_273 = arith.constant 16 : i32
        %parallel_loop3A_274 = vector.broadcast %parallel_loop3A_273 : i32 to vector<16xi32>
        %parallel_loop3A_275 = arith.addi %parallel_loop3A_267, %parallel_loop3A_274 : vector<16xi32>
        %parallel_loop3A_276 = tpu.vector_load_idx %arg10[%parallel_loop3A_200, %parallel_loop3A_275] : memref<128x192xi32, #tpu.memory_space<vmem>>[vector<16xi32>, vector<16xi32>], vector<16xi32>,
        %parallel_loop3A_277 = tpu.vector_load_idx %arg11[%parallel_loop3A_203, %parallel_loop3A_275] : memref<128x192xi32, #tpu.memory_space<vmem>>[vector<16xi32>, vector<16xi32>], vector<16xi32>,
        %parallel_loop3A_278 = vector.bitcast %parallel_loop3A_276 : vector<16xi32> to vector<32xbf16>
        %parallel_loop3A_279 = vector.bitcast %parallel_loop3A_277 : vector<16xi32> to vector<32xbf16>
        %parallel_loop3A_280 = arith.addf %parallel_loop3A_278, %parallel_loop3A_279 : vector<32xbf16>
        %parallel_loop3A_281 = arith.constant 16 : i32
        %parallel_loop3A_282 = vector.broadcast %parallel_loop3A_281 : i32 to vector<16xi32>
        %parallel_loop3A_283 = arith.addi %parallel_loop3A_275, %parallel_loop3A_282 : vector<16xi32>
        %parallel_loop3A_284 = tpu.vector_load_idx %arg10[%parallel_loop3A_200, %parallel_loop3A_283] : memref<128x192xi32, #tpu.memory_space<vmem>>[vector<16xi32>, vector<16xi32>], vector<16xi32>,
        %parallel_loop3A_285 = tpu.vector_load_idx %arg11[%parallel_loop3A_203, %parallel_loop3A_283] : memref<128x192xi32, #tpu.memory_space<vmem>>[vector<16xi32>, vector<16xi32>], vector<16xi32>,
        %parallel_loop3A_286 = vector.bitcast %parallel_loop3A_284 : vector<16xi32> to vector<32xbf16>
        %parallel_loop3A_287 = vector.bitcast %parallel_loop3A_285 : vector<16xi32> to vector<32xbf16>
        %parallel_loop3A_288 = arith.addf %parallel_loop3A_286, %parallel_loop3A_287 : vector<32xbf16>
        %parallel_loop3A_289 = arith.constant 16 : i32
        %parallel_loop3A_290 = vector.broadcast %parallel_loop3A_289 : i32 to vector<16xi32>
        %parallel_loop3A_291 = arith.addi %parallel_loop3A_283, %parallel_loop3A_290 : vector<16xi32>
        %parallel_loop3A_292 = tpu.vector_load_idx %arg10[%parallel_loop3A_200, %parallel_loop3A_291] : memref<128x192xi32, #tpu.memory_space<vmem>>[vector<16xi32>, vector<16xi32>], vector<16xi32>,
        %parallel_loop3A_293 = tpu.vector_load_idx %arg11[%parallel_loop3A_203, %parallel_loop3A_291] : memref<128x192xi32, #tpu.memory_space<vmem>>[vector<16xi32>, vector<16xi32>], vector<16xi32>,
        %parallel_loop3A_294 = vector.bitcast %parallel_loop3A_292 : vector<16xi32> to vector<32xbf16>
        %parallel_loop3A_295 = vector.bitcast %parallel_loop3A_293 : vector<16xi32> to vector<32xbf16>
        %parallel_loop3A_296 = arith.addf %parallel_loop3A_294, %parallel_loop3A_295 : vector<32xbf16>
        %parallel_loop3A_297 = tpu.unpack_subelements %parallel_loop3A_208, 0 {pack_format = #tpu.pack_format<interleaved>} : vector<32xbf16> -> vector<16xf32>
        %parallel_loop3A_298 = tpu.unpack_subelements %parallel_loop3A_208, 1 {pack_format = #tpu.pack_format<interleaved>} : vector<32xbf16> -> vector<16xf32>
        %parallel_loop3A_299 = arith.index_cast %parallel_loop3A_192 : i32 to index
        %parallel_loop3A_300 = arith.constant 0 : index
        %parallel_loop3A_301 = tpu.vector_load %arg17[%parallel_loop3A_299, %parallel_loop3A_300] {strides = array<i32>} : memref<24x384xf32, #tpu.memory_space<vmem>>, vector<16xf32>,
        tpu.vector_store %arg17[%parallel_loop3A_299, %parallel_loop3A_300], %parallel_loop3A_297 {add = true, strides = array<i32>} : memref<24x384xf32, #tpu.memory_space<vmem>>, vector<16xf32>,
        %parallel_loop3A_302 = arith.index_cast %parallel_loop3A_192 : i32 to index
        %parallel_loop3A_303 = arith.constant 16 : index
        %parallel_loop3A_304 = tpu.vector_load %arg17[%parallel_loop3A_302, %parallel_loop3A_303] {strides = array<i32>} : memref<24x384xf32, #tpu.memory_space<vmem>>, vector<16xf32>,
        tpu.vector_store %arg17[%parallel_loop3A_302, %parallel_loop3A_303], %parallel_loop3A_298 {add = true, strides = array<i32>} : memref<24x384xf32, #tpu.memory_space<vmem>>, vector<16xf32>,
        %parallel_loop3A_305 = tpu.unpack_subelements %parallel_loop3A_216, 0 {pack_format = #tpu.pack_format<interleaved>} : vector<32xbf16> -> vector<16xf32>
        %parallel_loop3A_306 = tpu.unpack_subelements %parallel_loop3A_216, 1 {pack_format = #tpu.pack_format<interleaved>} : vector<32xbf16> -> vector<16xf32>
        %parallel_loop3A_307 = arith.index_cast %parallel_loop3A_192 : i32 to index
        %parallel_loop3A_308 = arith.constant 32 : index
        %parallel_loop3A_309 = tpu.vector_load %arg17[%parallel_loop3A_307, %parallel_loop3A_308] {strides = array<i32>} : memref<24x384xf32, #tpu.memory_space<vmem>>, vector<16xf32>,
        tpu.vector_store %arg17[%parallel_loop3A_307, %parallel_loop3A_308], %parallel_loop3A_305 {add = true, strides = array<i32>} : memref<24x384xf32, #tpu.memory_space<vmem>>, vector<16xf32>,
        %parallel_loop3A_310 = arith.index_cast %parallel_loop3A_192 : i32 to index
        %parallel_loop3A_311 = arith.constant 48 : index
        %parallel_loop3A_312 = tpu.vector_load %arg17[%parallel_loop3A_310, %parallel_loop3A_311] {strides = array<i32>} : memref<24x384xf32, #tpu.memory_space<vmem>>, vector<16xf32>,
        tpu.vector_store %arg17[%parallel_loop3A_310, %parallel_loop3A_311], %parallel_loop3A_306 {add = true, strides = array<i32>} : memref<24x384xf32, #tpu.memory_space<vmem>>, vector<16xf32>,
        %parallel_loop3A_313 = tpu.unpack_subelements %parallel_loop3A_224, 0 {pack_format = #tpu.pack_format<interleaved>} : vector<32xbf16> -> vector<16xf32>
        %parallel_loop3A_314 = tpu.unpack_subelements %parallel_loop3A_224, 1 {pack_format = #tpu.pack_format<interleaved>} : vector<32xbf16> -> vector<16xf32>
        %parallel_loop3A_315 = arith.index_cast %parallel_loop3A_192 : i32 to index
        %parallel_loop3A_316 = arith.constant 64 : index
        %parallel_loop3A_317 = tpu.vector_load %arg17[%parallel_loop3A_315, %parallel_loop3A_316] {strides = array<i32>} : memref<24x384xf32, #tpu.memory_space<vmem>>, vector<16xf32>,
        tpu.vector_store %arg17[%parallel_loop3A_315, %parallel_loop3A_316], %parallel_loop3A_313 {add = true, strides = array<i32>} : memref<24x384xf32, #tpu.memory_space<vmem>>, vector<16xf32>,
        %parallel_loop3A_318 = arith.index_cast %parallel_loop3A_192 : i32 to index
        %parallel_loop3A_319 = arith.constant 80 : index
        %parallel_loop3A_320 = tpu.vector_load %arg17[%parallel_loop3A_318, %parallel_loop3A_319] {strides = array<i32>} : memref<24x384xf32, #tpu.memory_space<vmem>>, vector<16xf32>,
        tpu.vector_store %arg17[%parallel_loop3A_318, %parallel_loop3A_319], %parallel_loop3A_314 {add = true, strides = array<i32>} : memref<24x384xf32, #tpu.memory_space<vmem>>, vector<16xf32>,
        %parallel_loop3A_321 = tpu.unpack_subelements %parallel_loop3A_232, 0 {pack_format = #tpu.pack_format<interleaved>} : vector<32xbf16> -> vector<16xf32>
        %parallel_loop3A_322 = tpu.unpack_subelements %parallel_loop3A_232, 1 {pack_format = #tpu.pack_format<interleaved>} : vector<32xbf16> -> vector<16xf32>
        %parallel_loop3A_323 = arith.index_cast %parallel_loop3A_192 : i32 to index
        %parallel_loop3A_324 = arith.constant 96 : index
        %parallel_loop3A_325 = tpu.vector_load %arg17[%parallel_loop3A_323, %parallel_loop3A_324] {strides = array<i32>} : memref<24x384xf32, #tpu.memory_space<vmem>>, vector<16xf32>,
        tpu.vector_store %arg17[%parallel_loop3A_323, %parallel_loop3A_324], %parallel_loop3A_321 {add = true, strides = array<i32>} : memref<24x384xf32, #tpu.memory_space<vmem>>, vector<16xf32>,
        %parallel_loop3A_326 = arith.index_cast %parallel_loop3A_192 : i32 to index
        %parallel_loop3A_327 = arith.constant 112 : index
        %parallel_loop3A_328 = tpu.vector_load %arg17[%parallel_loop3A_326, %parallel_loop3A_327] {strides = array<i32>} : memref<24x384xf32, #tpu.memory_space<vmem>>, vector<16xf32>,
        tpu.vector_store %arg17[%parallel_loop3A_326, %parallel_loop3A_327], %parallel_loop3A_322 {add = true, strides = array<i32>} : memref<24x384xf32, #tpu.memory_space<vmem>>, vector<16xf32>,
        %parallel_loop3A_329 = tpu.unpack_subelements %parallel_loop3A_240, 0 {pack_format = #tpu.pack_format<interleaved>} : vector<32xbf16> -> vector<16xf32>
        %parallel_loop3A_330 = tpu.unpack_subelements %parallel_loop3A_240, 1 {pack_format = #tpu.pack_format<interleaved>} : vector<32xbf16> -> vector<16xf32>
        %parallel_loop3A_331 = arith.index_cast %parallel_loop3A_192 : i32 to index
        %parallel_loop3A_332 = arith.constant 128 : index
        %parallel_loop3A_333 = tpu.vector_load %arg17[%parallel_loop3A_331, %parallel_loop3A_332] {strides = array<i32>} : memref<24x384xf32, #tpu.memory_space<vmem>>, vector<16xf32>,
        tpu.vector_store %arg17[%parallel_loop3A_331, %parallel_loop3A_332], %parallel_loop3A_329 {add = true, strides = array<i32>} : memref<24x384xf32, #tpu.memory_space<vmem>>, vector<16xf32>,
        %parallel_loop3A_334 = arith.index_cast %parallel_loop3A_192 : i32 to index
        %parallel_loop3A_335 = arith.constant 144 : index
        %parallel_loop3A_336 = tpu.vector_load %arg17[%parallel_loop3A_334, %parallel_loop3A_335] {strides = array<i32>} : memref<24x384xf32, #tpu.memory_space<vmem>>, vector<16xf32>,
        tpu.vector_store %arg17[%parallel_loop3A_334, %parallel_loop3A_335], %parallel_loop3A_330 {add = true, strides = array<i32>} : memref<24x384xf32, #tpu.memory_space<vmem>>, vector<16xf32>,
        %parallel_loop3A_337 = tpu.unpack_subelements %parallel_loop3A_248, 0 {pack_format = #tpu.pack_format<interleaved>} : vector<32xbf16> -> vector<16xf32>
        %parallel_loop3A_338 = tpu.unpack_subelements %parallel_loop3A_248, 1 {pack_format = #tpu.pack_format<interleaved>} : vector<32xbf16> -> vector<16xf32>
        %parallel_loop3A_339 = arith.index_cast %parallel_loop3A_192 : i32 to index
        %parallel_loop3A_340 = arith.constant 160 : index
        %parallel_loop3A_341 = tpu.vector_load %arg17[%parallel_loop3A_339, %parallel_loop3A_340] {strides = array<i32>} : memref<24x384xf32, #tpu.memory_space<vmem>>, vector<16xf32>,
        tpu.vector_store %arg17[%parallel_loop3A_339, %parallel_loop3A_340], %parallel_loop3A_337 {add = true, strides = array<i32>} : memref<24x384xf32, #tpu.memory_space<vmem>>, vector<16xf32>,
        %parallel_loop3A_342 = arith.index_cast %parallel_loop3A_192 : i32 to index
        %parallel_loop3A_343 = arith.constant 176 : index
        %parallel_loop3A_344 = tpu.vector_load %arg17[%parallel_loop3A_342, %parallel_loop3A_343] {strides = array<i32>} : memref<24x384xf32, #tpu.memory_space<vmem>>, vector<16xf32>,
        tpu.vector_store %arg17[%parallel_loop3A_342, %parallel_loop3A_343], %parallel_loop3A_338 {add = true, strides = array<i32>} : memref<24x384xf32, #tpu.memory_space<vmem>>, vector<16xf32>,
        %parallel_loop3A_345 = tpu.unpack_subelements %parallel_loop3A_256, 0 {pack_format = #tpu.pack_format<interleaved>} : vector<32xbf16> -> vector<16xf32>
        %parallel_loop3A_346 = tpu.unpack_subelements %parallel_loop3A_256, 1 {pack_format = #tpu.pack_format<interleaved>} : vector<32xbf16> -> vector<16xf32>
        %parallel_loop3A_347 = arith.index_cast %parallel_loop3A_192 : i32 to index
        %parallel_loop3A_348 = arith.constant 192 : index
        %parallel_loop3A_349 = tpu.vector_load %arg17[%parallel_loop3A_347, %parallel_loop3A_348] {strides = array<i32>} : memref<24x384xf32, #tpu.memory_space<vmem>>, vector<16xf32>,
        tpu.vector_store %arg17[%parallel_loop3A_347, %parallel_loop3A_348], %parallel_loop3A_345 {add = true, strides = array<i32>} : memref<24x384xf32, #tpu.memory_space<vmem>>, vector<16xf32>,
        %parallel_loop3A_350 = arith.index_cast %parallel_loop3A_192 : i32 to index
        %parallel_loop3A_351 = arith.constant 208 : index
        %parallel_loop3A_352 = tpu.vector_load %arg17[%parallel_loop3A_350, %parallel_loop3A_351] {strides = array<i32>} : memref<24x384xf32, #tpu.memory_space<vmem>>, vector<16xf32>,
        tpu.vector_store %arg17[%parallel_loop3A_350, %parallel_loop3A_351], %parallel_loop3A_346 {add = true, strides = array<i32>} : memref<24x384xf32, #tpu.memory_space<vmem>>, vector<16xf32>,
        %parallel_loop3A_353 = tpu.unpack_subelements %parallel_loop3A_264, 0 {pack_format = #tpu.pack_format<interleaved>} : vector<32xbf16> -> vector<16xf32>
        %parallel_loop3A_354 = tpu.unpack_subelements %parallel_loop3A_264, 1 {pack_format = #tpu.pack_format<interleaved>} : vector<32xbf16> -> vector<16xf32>
        %parallel_loop3A_355 = arith.index_cast %parallel_loop3A_192 : i32 to index
        %parallel_loop3A_356 = arith.constant 224 : index
        %parallel_loop3A_357 = tpu.vector_load %arg17[%parallel_loop3A_355, %parallel_loop3A_356] {strides = array<i32>} : memref<24x384xf32, #tpu.memory_space<vmem>>, vector<16xf32>,
        tpu.vector_store %arg17[%parallel_loop3A_355, %parallel_loop3A_356], %parallel_loop3A_353 {add = true, strides = array<i32>} : memref<24x384xf32, #tpu.memory_space<vmem>>, vector<16xf32>,
        %parallel_loop3A_358 = arith.index_cast %parallel_loop3A_192 : i32 to index
        %parallel_loop3A_359 = arith.constant 240 : index
        %parallel_loop3A_360 = tpu.vector_load %arg17[%parallel_loop3A_358, %parallel_loop3A_359] {strides = array<i32>} : memref<24x384xf32, #tpu.memory_space<vmem>>, vector<16xf32>,
        tpu.vector_store %arg17[%parallel_loop3A_358, %parallel_loop3A_359], %parallel_loop3A_354 {add = true, strides = array<i32>} : memref<24x384xf32, #tpu.memory_space<vmem>>, vector<16xf32>,
        %parallel_loop3A_361 = tpu.unpack_subelements %parallel_loop3A_272, 0 {pack_format = #tpu.pack_format<interleaved>} : vector<32xbf16> -> vector<16xf32>
        %parallel_loop3A_362 = tpu.unpack_subelements %parallel_loop3A_272, 1 {pack_format = #tpu.pack_format<interleaved>} : vector<32xbf16> -> vector<16xf32>
        %parallel_loop3A_363 = arith.index_cast %parallel_loop3A_192 : i32 to index
        %parallel_loop3A_364 = arith.constant 256 : index
        %parallel_loop3A_365 = tpu.vector_load %arg17[%parallel_loop3A_363, %parallel_loop3A_364] {strides = array<i32>} : memref<24x384xf32, #tpu.memory_space<vmem>>, vector<16xf32>,
        tpu.vector_store %arg17[%parallel_loop3A_363, %parallel_loop3A_364], %parallel_loop3A_361 {add = true, strides = array<i32>} : memref<24x384xf32, #tpu.memory_space<vmem>>, vector<16xf32>,
        %parallel_loop3A_366 = arith.index_cast %parallel_loop3A_192 : i32 to index
        %parallel_loop3A_367 = arith.constant 272 : index
        %parallel_loop3A_368 = tpu.vector_load %arg17[%parallel_loop3A_366, %parallel_loop3A_367] {strides = array<i32>} : memref<24x384xf32, #tpu.memory_space<vmem>>, vector<16xf32>,
        tpu.vector_store %arg17[%parallel_loop3A_366, %parallel_loop3A_367], %parallel_loop3A_362 {add = true, strides = array<i32>} : memref<24x384xf32, #tpu.memory_space<vmem>>, vector<16xf32>,
        %parallel_loop3A_369 = tpu.unpack_subelements %parallel_loop3A_280, 0 {pack_format = #tpu.pack_format<interleaved>} : vector<32xbf16> -> vector<16xf32>
        %parallel_loop3A_370 = tpu.unpack_subelements %parallel_loop3A_280, 1 {pack_format = #tpu.pack_format<interleaved>} : vector<32xbf16> -> vector<16xf32>
        %parallel_loop3A_371 = arith.index_cast %parallel_loop3A_192 : i32 to index
        %parallel_loop3A_372 = arith.constant 288 : index
        %parallel_loop3A_373 = tpu.vector_load %arg17[%parallel_loop3A_371, %parallel_loop3A_372] {strides = array<i32>} : memref<24x384xf32, #tpu.memory_space<vmem>>, vector<16xf32>,
        tpu.vector_store %arg17[%parallel_loop3A_371, %parallel_loop3A_372], %parallel_loop3A_369 {add = true, strides = array<i32>} : memref<24x384xf32, #tpu.memory_space<vmem>>, vector<16xf32>,
        %parallel_loop3A_374 = arith.index_cast %parallel_loop3A_192 : i32 to index
        %parallel_loop3A_375 = arith.constant 304 : index
        %parallel_loop3A_376 = tpu.vector_load %arg17[%parallel_loop3A_374, %parallel_loop3A_375] {strides = array<i32>} : memref<24x384xf32, #tpu.memory_space<vmem>>, vector<16xf32>,
        tpu.vector_store %arg17[%parallel_loop3A_374, %parallel_loop3A_375], %parallel_loop3A_370 {add = true, strides = array<i32>} : memref<24x384xf32, #tpu.memory_space<vmem>>, vector<16xf32>,
        %parallel_loop3A_377 = tpu.unpack_subelements %parallel_loop3A_288, 0 {pack_format = #tpu.pack_format<interleaved>} : vector<32xbf16> -> vector<16xf32>
        %parallel_loop3A_378 = tpu.unpack_subelements %parallel_loop3A_288, 1 {pack_format = #tpu.pack_format<interleaved>} : vector<32xbf16> -> vector<16xf32>
        %parallel_loop3A_379 = arith.index_cast %parallel_loop3A_192 : i32 to index
        %parallel_loop3A_380 = arith.constant 320 : index
        %parallel_loop3A_381 = tpu.vector_load %arg17[%parallel_loop3A_379, %parallel_loop3A_380] {strides = array<i32>} : memref<24x384xf32, #tpu.memory_space<vmem>>, vector<16xf32>,
        tpu.vector_store %arg17[%parallel_loop3A_379, %parallel_loop3A_380], %parallel_loop3A_377 {add = true, strides = array<i32>} : memref<24x384xf32, #tpu.memory_space<vmem>>, vector<16xf32>,
        %parallel_loop3A_382 = arith.index_cast %parallel_loop3A_192 : i32 to index
        %parallel_loop3A_383 = arith.constant 336 : index
        %parallel_loop3A_384 = tpu.vector_load %arg17[%parallel_loop3A_382, %parallel_loop3A_383] {strides = array<i32>} : memref<24x384xf32, #tpu.memory_space<vmem>>, vector<16xf32>,
        tpu.vector_store %arg17[%parallel_loop3A_382, %parallel_loop3A_383], %parallel_loop3A_378 {add = true, strides = array<i32>} : memref<24x384xf32, #tpu.memory_space<vmem>>, vector<16xf32>,
        %parallel_loop3A_385 = tpu.unpack_subelements %parallel_loop3A_296, 0 {pack_format = #tpu.pack_format<interleaved>} : vector<32xbf16> -> vector<16xf32>
        %parallel_loop3A_386 = tpu.unpack_subelements %parallel_loop3A_296, 1 {pack_format = #tpu.pack_format<interleaved>} : vector<32xbf16> -> vector<16xf32>
        %parallel_loop3A_387 = arith.index_cast %parallel_loop3A_192 : i32 to index
        %parallel_loop3A_388 = arith.constant 352 : index
        %parallel_loop3A_389 = tpu.vector_load %arg17[%parallel_loop3A_387, %parallel_loop3A_388] {strides = array<i32>} : memref<24x384xf32, #tpu.memory_space<vmem>>, vector<16xf32>,
        tpu.vector_store %arg17[%parallel_loop3A_387, %parallel_loop3A_388], %parallel_loop3A_385 {add = true, strides = array<i32>} : memref<24x384xf32, #tpu.memory_space<vmem>>, vector<16xf32>,
        %parallel_loop3A_390 = arith.index_cast %parallel_loop3A_192 : i32 to index
        %parallel_loop3A_391 = arith.constant 368 : index
        %parallel_loop3A_392 = tpu.vector_load %arg17[%parallel_loop3A_390, %parallel_loop3A_391] {strides = array<i32>} : memref<24x384xf32, #tpu.memory_space<vmem>>, vector<16xf32>,
        tpu.vector_store %arg17[%parallel_loop3A_390, %parallel_loop3A_391], %parallel_loop3A_386 {add = true, strides = array<i32>} : memref<24x384xf32, #tpu.memory_space<vmem>>, vector<16xf32>,
      } {sc.loop_unroll_factor = 1 : i64, sc.parallel_access}
      %mul3A_67 = arith.constant 24 : i32
      %mul3A_68 = arith.muli %add3A_55, %mul3A_67 : i32
      %add3A_69 = arith.addi %mul3A_2, %mul3A_68 : i32
      %dma_start3A_70 = tpu.memref_slice %arg9[%add3A_69, %mul3A_0] : memref<36864x768xf32, #tpu.memory_space<hbm>> -> memref<24x384xf32, #tpu.memory_space<hbm>>
      %dma_start3A_71 = tpu.memref_slice %arg9[%add3A_69, %mul3A_0] : memref<36864x768xf32, #tpu.memory_space<hbm>> -> memref<24x384xf32, #tpu.memory_space<hbm>>
      tpu.enqueue_dma source(%arg17 : memref<24x384xf32, #tpu.memory_space<vmem>>) target(%dma_start3A_71 : memref<24x384xf32, #tpu.memory_space<hbm>>) target_semaphore(%arg29 : memref<!tpu.dma_semaphore, #tpu.memory_space<semaphore_mem>>)
      %mul3A_72 = arith.constant 6 : i32
      %mul3A_73 = arith.muli %scan3A_51, %mul3A_72 : i32
      %add3A_74 = arith.constant 1 : i32
      %add3A_75 = arith.addi %mul3A_73, %add3A_74 : i32
      %mul3A_76 = arith.constant 24 : i32
      %mul3A_77 = arith.muli %add3A_75, %mul3A_76 : i32
      %add3A_78 = arith.addi %mul3A_2, %mul3A_77 : i32
      %dma_wait3A_79 = tpu.memref_slice %arg2[%add3A_78, %mul3A_0] : memref<36864x768xf32, #tpu.memory_space<hbm>> -> memref<24x384xf32, #tpu.memory_space<hbm>>
      %dma_wait3A_80 = tpu.memref_slice %arg2[%add3A_78, %mul3A_0] : memref<36864x768xf32, #tpu.memory_space<hbm>> -> memref<24x384xf32, #tpu.memory_space<hbm>>
      tpu.wait_dma2 semaphore(%arg24 : memref<!tpu.dma_semaphore, #tpu.memory_space<semaphore_mem>>) src(%dma_wait3A_80 : memref<24x384xf32, #tpu.memory_space<hbm>>) dst(%arg18 : memref<24x384xf32, #tpu.memory_space<vmem>>)
      %add3A_81 = arith.constant 4 : i32
      %add3A_82 = arith.addi %add3A_75, %add3A_81 : i32
      %lt3A_83 = arith.constant 96 : i32
      %lt3A_84 = arith.cmpi slt, %add3A_82, %lt3A_83 : i32
      %convert_element_type3A_85 = arith.extui %lt3A_84 : i1 to i32
      %cond3A_86 = arith.constant 0 : i32
      %cond3A_87 = arith.cmpi ne, %convert_element_type3A_85, %cond3A_86 : i32
      scf.if %cond3A_87 {
        %ge3A = arith.constant 2 : i32
        %ge3A_192 = arith.cmpi sge, %add3A_75, %ge3A : i32
        %convert_element_type3A_193 = arith.extui %ge3A_192 : i1 to i32
        %cond3A_194 = arith.constant 0 : i32
        %cond3A_195 = arith.cmpi ne, %convert_element_type3A_193, %cond3A_194 : i32
        scf.if %cond3A_195 {
          %mul3A_203 = arith.constant 24 : i32
          %mul3A_204 = arith.muli %add3A_75, %mul3A_203 : i32
          %add3A_205 = arith.addi %mul3A_2, %mul3A_204 : i32
          %dma_wait3A_206 = tpu.memref_slice %arg9[%add3A_205, %mul3A_0] : memref<36864x768xf32, #tpu.memory_space<hbm>> -> memref<24x384xf32, #tpu.memory_space<hbm>>
          %dma_wait3A_207 = tpu.memref_slice %arg9[%add3A_205, %mul3A_0] : memref<36864x768xf32, #tpu.memory_space<hbm>> -> memref<24x384xf32, #tpu.memory_space<hbm>>
          tpu.wait_dma2 semaphore(%arg34 : memref<!tpu.dma_semaphore, #tpu.memory_space<semaphore_mem>>) src(%arg22 : memref<24x384xf32, #tpu.memory_space<vmem>>) dst(%dma_wait3A_207 : memref<24x384xf32, #tpu.memory_space<hbm>>)
        } else {
        }
        %add3A_196 = arith.constant 4 : i32
        %add3A_197 = arith.addi %add3A_75, %add3A_196 : i32
        %mul3A_198 = arith.constant 24 : i32
        %mul3A_199 = arith.muli %add3A_197, %mul3A_198 : i32
        %add3A_200 = arith.addi %mul3A_2, %mul3A_199 : i32
        %dma_start3A_201 = tpu.memref_slice %arg2[%add3A_200, %mul3A_0] : memref<36864x768xf32, #tpu.memory_space<hbm>> -> memref<24x384xf32, #tpu.memory_space<hbm>>
        %dma_start3A_202 = tpu.memref_slice %arg2[%add3A_200, %mul3A_0] : memref<36864x768xf32, #tpu.memory_space<hbm>> -> memref<24x384xf32, #tpu.memory_space<hbm>>
        tpu.enqueue_dma source(%dma_start3A_202 : memref<24x384xf32, #tpu.memory_space<hbm>>) target(%arg22 : memref<24x384xf32, #tpu.memory_space<vmem>>) target_semaphore(%arg28 : memref<!tpu.dma_semaphore, #tpu.memory_space<semaphore_mem>>)
      } else {
      }
      %parallel_loop3A_88 = arith.constant 0 : i32
      %parallel_loop3A_89 = arith.constant 24 : i32
      %parallel_loop3A_90 = arith.constant 1 : i32
      scf.for %parallel_loop3A_192 = %parallel_loop3A_88 to %parallel_loop3A_89 step %parallel_loop3A_90  : i32 {
        %parallel_loop3A_193 = arith.constant 24 : i32
        %parallel_loop3A_194 = arith.muli %add3A_75, %parallel_loop3A_193 : i32
        %parallel_loop3A_195 = arith.addi %parallel_loop3A_194, %parallel_loop3A_192 : i32
        %parallel_loop3A_196 = vector.broadcast %parallel_loop3A_195 : i32 to vector<16xi32>
        %parallel_loop3A_197 = tpu.vector_load_idx %arg16[%parallel_loop3A_196] : memref<2304xi32, #tpu.memory_space<vmem>>[vector<16xi32>], vector<16xi32>,
        %parallel_loop3A_198 = arith.constant 8 : i32
        %parallel_loop3A_199 = vector.broadcast %parallel_loop3A_198 : i32 to vector<16xi32>
        %parallel_loop3A_200 = arith.shrsi %parallel_loop3A_197, %parallel_loop3A_199 : vector<16xi32>
        %parallel_loop3A_201 = arith.constant 255 : i32
        %parallel_loop3A_202 = vector.broadcast %parallel_loop3A_201 : i32 to vector<16xi32>
        %parallel_loop3A_203 = arith.andi %parallel_loop3A_197, %parallel_loop3A_202 : vector<16xi32>
        %parallel_loop3A_204 = tpu.vector_load_idx %arg10[%parallel_loop3A_200, %iota3A] : memref<128x192xi32, #tpu.memory_space<vmem>>[vector<16xi32>, vector<16xi32>], vector<16xi32>,
        %parallel_loop3A_205 = tpu.vector_load_idx %arg11[%parallel_loop3A_203, %iota3A] : memref<128x192xi32, #tpu.memory_space<vmem>>[vector<16xi32>, vector<16xi32>], vector<16xi32>,
        %parallel_loop3A_206 = vector.bitcast %parallel_loop3A_204 : vector<16xi32> to vector<32xbf16>
        %parallel_loop3A_207 = vector.bitcast %parallel_loop3A_205 : vector<16xi32> to vector<32xbf16>
        %parallel_loop3A_208 = arith.addf %parallel_loop3A_206, %parallel_loop3A_207 : vector<32xbf16>
        %parallel_loop3A_209 = arith.constant 16 : i32
        %parallel_loop3A_210 = vector.broadcast %parallel_loop3A_209 : i32 to vector<16xi32>
        %parallel_loop3A_211 = arith.addi %iota3A, %parallel_loop3A_210 : vector<16xi32>
        %parallel_loop3A_212 = tpu.vector_load_idx %arg10[%parallel_loop3A_200, %parallel_loop3A_211] : memref<128x192xi32, #tpu.memory_space<vmem>>[vector<16xi32>, vector<16xi32>], vector<16xi32>,
        %parallel_loop3A_213 = tpu.vector_load_idx %arg11[%parallel_loop3A_203, %parallel_loop3A_211] : memref<128x192xi32, #tpu.memory_space<vmem>>[vector<16xi32>, vector<16xi32>], vector<16xi32>,
        %parallel_loop3A_214 = vector.bitcast %parallel_loop3A_212 : vector<16xi32> to vector<32xbf16>
        %parallel_loop3A_215 = vector.bitcast %parallel_loop3A_213 : vector<16xi32> to vector<32xbf16>
        %parallel_loop3A_216 = arith.addf %parallel_loop3A_214, %parallel_loop3A_215 : vector<32xbf16>
        %parallel_loop3A_217 = arith.constant 16 : i32
        %parallel_loop3A_218 = vector.broadcast %parallel_loop3A_217 : i32 to vector<16xi32>
        %parallel_loop3A_219 = arith.addi %parallel_loop3A_211, %parallel_loop3A_218 : vector<16xi32>
        %parallel_loop3A_220 = tpu.vector_load_idx %arg10[%parallel_loop3A_200, %parallel_loop3A_219] : memref<128x192xi32, #tpu.memory_space<vmem>>[vector<16xi32>, vector<16xi32>], vector<16xi32>,
        %parallel_loop3A_221 = tpu.vector_load_idx %arg11[%parallel_loop3A_203, %parallel_loop3A_219] : memref<128x192xi32, #tpu.memory_space<vmem>>[vector<16xi32>, vector<16xi32>], vector<16xi32>,
        %parallel_loop3A_222 = vector.bitcast %parallel_loop3A_220 : vector<16xi32> to vector<32xbf16>
        %parallel_loop3A_223 = vector.bitcast %parallel_loop3A_221 : vector<16xi32> to vector<32xbf16>
        %parallel_loop3A_224 = arith.addf %parallel_loop3A_222, %parallel_loop3A_223 : vector<32xbf16>
        %parallel_loop3A_225 = arith.constant 16 : i32
        %parallel_loop3A_226 = vector.broadcast %parallel_loop3A_225 : i32 to vector<16xi32>
        %parallel_loop3A_227 = arith.addi %parallel_loop3A_219, %parallel_loop3A_226 : vector<16xi32>
        %parallel_loop3A_228 = tpu.vector_load_idx %arg10[%parallel_loop3A_200, %parallel_loop3A_227] : memref<128x192xi32, #tpu.memory_space<vmem>>[vector<16xi32>, vector<16xi32>], vector<16xi32>,
        %parallel_loop3A_229 = tpu.vector_load_idx %arg11[%parallel_loop3A_203, %parallel_loop3A_227] : memref<128x192xi32, #tpu.memory_space<vmem>>[vector<16xi32>, vector<16xi32>], vector<16xi32>,
        %parallel_loop3A_230 = vector.bitcast %parallel_loop3A_228 : vector<16xi32> to vector<32xbf16>
        %parallel_loop3A_231 = vector.bitcast %parallel_loop3A_229 : vector<16xi32> to vector<32xbf16>
        %parallel_loop3A_232 = arith.addf %parallel_loop3A_230, %parallel_loop3A_231 : vector<32xbf16>
        %parallel_loop3A_233 = arith.constant 16 : i32
        %parallel_loop3A_234 = vector.broadcast %parallel_loop3A_233 : i32 to vector<16xi32>
        %parallel_loop3A_235 = arith.addi %parallel_loop3A_227, %parallel_loop3A_234 : vector<16xi32>
        %parallel_loop3A_236 = tpu.vector_load_idx %arg10[%parallel_loop3A_200, %parallel_loop3A_235] : memref<128x192xi32, #tpu.memory_space<vmem>>[vector<16xi32>, vector<16xi32>], vector<16xi32>,
        %parallel_loop3A_237 = tpu.vector_load_idx %arg11[%parallel_loop3A_203, %parallel_loop3A_235] : memref<128x192xi32, #tpu.memory_space<vmem>>[vector<16xi32>, vector<16xi32>], vector<16xi32>,
        %parallel_loop3A_238 = vector.bitcast %parallel_loop3A_236 : vector<16xi32> to vector<32xbf16>
        %parallel_loop3A_239 = vector.bitcast %parallel_loop3A_237 : vector<16xi32> to vector<32xbf16>
        %parallel_loop3A_240 = arith.addf %parallel_loop3A_238, %parallel_loop3A_239 : vector<32xbf16>
        %parallel_loop3A_241 = arith.constant 16 : i32
        %parallel_loop3A_242 = vector.broadcast %parallel_loop3A_241 : i32 to vector<16xi32>
        %parallel_loop3A_243 = arith.addi %parallel_loop3A_235, %parallel_loop3A_242 : vector<16xi32>
        %parallel_loop3A_244 = tpu.vector_load_idx %arg10[%parallel_loop3A_200, %parallel_loop3A_243] : memref<128x192xi32, #tpu.memory_space<vmem>>[vector<16xi32>, vector<16xi32>], vector<16xi32>,
        %parallel_loop3A_245 = tpu.vector_load_idx %arg11[%parallel_loop3A_203, %parallel_loop3A_243] : memref<128x192xi32, #tpu.memory_space<vmem>>[vector<16xi32>, vector<16xi32>], vector<16xi32>,
        %parallel_loop3A_246 = vector.bitcast %parallel_loop3A_244 : vector<16xi32> to vector<32xbf16>
        %parallel_loop3A_247 = vector.bitcast %parallel_loop3A_245 : vector<16xi32> to vector<32xbf16>
        %parallel_loop3A_248 = arith.addf %parallel_loop3A_246, %parallel_loop3A_247 : vector<32xbf16>
        %parallel_loop3A_249 = arith.constant 16 : i32
        %parallel_loop3A_250 = vector.broadcast %parallel_loop3A_249 : i32 to vector<16xi32>
        %parallel_loop3A_251 = arith.addi %parallel_loop3A_243, %parallel_loop3A_250 : vector<16xi32>
        %parallel_loop3A_252 = tpu.vector_load_idx %arg10[%parallel_loop3A_200, %parallel_loop3A_251] : memref<128x192xi32, #tpu.memory_space<vmem>>[vector<16xi32>, vector<16xi32>], vector<16xi32>,
        %parallel_loop3A_253 = tpu.vector_load_idx %arg11[%parallel_loop3A_203, %parallel_loop3A_251] : memref<128x192xi32, #tpu.memory_space<vmem>>[vector<16xi32>, vector<16xi32>], vector<16xi32>,
        %parallel_loop3A_254 = vector.bitcast %parallel_loop3A_252 : vector<16xi32> to vector<32xbf16>
        %parallel_loop3A_255 = vector.bitcast %parallel_loop3A_253 : vector<16xi32> to vector<32xbf16>
        %parallel_loop3A_256 = arith.addf %parallel_loop3A_254, %parallel_loop3A_255 : vector<32xbf16>
        %parallel_loop3A_257 = arith.constant 16 : i32
        %parallel_loop3A_258 = vector.broadcast %parallel_loop3A_257 : i32 to vector<16xi32>
        %parallel_loop3A_259 = arith.addi %parallel_loop3A_251, %parallel_loop3A_258 : vector<16xi32>
        %parallel_loop3A_260 = tpu.vector_load_idx %arg10[%parallel_loop3A_200, %parallel_loop3A_259] : memref<128x192xi32, #tpu.memory_space<vmem>>[vector<16xi32>, vector<16xi32>], vector<16xi32>,
        %parallel_loop3A_261 = tpu.vector_load_idx %arg11[%parallel_loop3A_203, %parallel_loop3A_259] : memref<128x192xi32, #tpu.memory_space<vmem>>[vector<16xi32>, vector<16xi32>], vector<16xi32>,
        %parallel_loop3A_262 = vector.bitcast %parallel_loop3A_260 : vector<16xi32> to vector<32xbf16>
        %parallel_loop3A_263 = vector.bitcast %parallel_loop3A_261 : vector<16xi32> to vector<32xbf16>
        %parallel_loop3A_264 = arith.addf %parallel_loop3A_262, %parallel_loop3A_263 : vector<32xbf16>
        %parallel_loop3A_265 = arith.constant 16 : i32
        %parallel_loop3A_266 = vector.broadcast %parallel_loop3A_265 : i32 to vector<16xi32>
        %parallel_loop3A_267 = arith.addi %parallel_loop3A_259, %parallel_loop3A_266 : vector<16xi32>
        %parallel_loop3A_268 = tpu.vector_load_idx %arg10[%parallel_loop3A_200, %parallel_loop3A_267] : memref<128x192xi32, #tpu.memory_space<vmem>>[vector<16xi32>, vector<16xi32>], vector<16xi32>,
        %parallel_loop3A_269 = tpu.vector_load_idx %arg11[%parallel_loop3A_203, %parallel_loop3A_267] : memref<128x192xi32, #tpu.memory_space<vmem>>[vector<16xi32>, vector<16xi32>], vector<16xi32>,
        %parallel_loop3A_270 = vector.bitcast %parallel_loop3A_268 : vector<16xi32> to vector<32xbf16>
        %parallel_loop3A_271 = vector.bitcast %parallel_loop3A_269 : vector<16xi32> to vector<32xbf16>
        %parallel_loop3A_272 = arith.addf %parallel_loop3A_270, %parallel_loop3A_271 : vector<32xbf16>
        %parallel_loop3A_273 = arith.constant 16 : i32
        %parallel_loop3A_274 = vector.broadcast %parallel_loop3A_273 : i32 to vector<16xi32>
        %parallel_loop3A_275 = arith.addi %parallel_loop3A_267, %parallel_loop3A_274 : vector<16xi32>
        %parallel_loop3A_276 = tpu.vector_load_idx %arg10[%parallel_loop3A_200, %parallel_loop3A_275] : memref<128x192xi32, #tpu.memory_space<vmem>>[vector<16xi32>, vector<16xi32>], vector<16xi32>,
        %parallel_loop3A_277 = tpu.vector_load_idx %arg11[%parallel_loop3A_203, %parallel_loop3A_275] : memref<128x192xi32, #tpu.memory_space<vmem>>[vector<16xi32>, vector<16xi32>], vector<16xi32>,
        %parallel_loop3A_278 = vector.bitcast %parallel_loop3A_276 : vector<16xi32> to vector<32xbf16>
        %parallel_loop3A_279 = vector.bitcast %parallel_loop3A_277 : vector<16xi32> to vector<32xbf16>
        %parallel_loop3A_280 = arith.addf %parallel_loop3A_278, %parallel_loop3A_279 : vector<32xbf16>
        %parallel_loop3A_281 = arith.constant 16 : i32
        %parallel_loop3A_282 = vector.broadcast %parallel_loop3A_281 : i32 to vector<16xi32>
        %parallel_loop3A_283 = arith.addi %parallel_loop3A_275, %parallel_loop3A_282 : vector<16xi32>
        %parallel_loop3A_284 = tpu.vector_load_idx %arg10[%parallel_loop3A_200, %parallel_loop3A_283] : memref<128x192xi32, #tpu.memory_space<vmem>>[vector<16xi32>, vector<16xi32>], vector<16xi32>,
        %parallel_loop3A_285 = tpu.vector_load_idx %arg11[%parallel_loop3A_203, %parallel_loop3A_283] : memref<128x192xi32, #tpu.memory_space<vmem>>[vector<16xi32>, vector<16xi32>], vector<16xi32>,
        %parallel_loop3A_286 = vector.bitcast %parallel_loop3A_284 : vector<16xi32> to vector<32xbf16>
        %parallel_loop3A_287 = vector.bitcast %parallel_loop3A_285 : vector<16xi32> to vector<32xbf16>
        %parallel_loop3A_288 = arith.addf %parallel_loop3A_286, %parallel_loop3A_287 : vector<32xbf16>
        %parallel_loop3A_289 = arith.constant 16 : i32
        %parallel_loop3A_290 = vector.broadcast %parallel_loop3A_289 : i32 to vector<16xi32>
        %parallel_loop3A_291 = arith.addi %parallel_loop3A_283, %parallel_loop3A_290 : vector<16xi32>
        %parallel_loop3A_292 = tpu.vector_load_idx %arg10[%parallel_loop3A_200, %parallel_loop3A_291] : memref<128x192xi32, #tpu.memory_space<vmem>>[vector<16xi32>, vector<16xi32>], vector<16xi32>,
        %parallel_loop3A_293 = tpu.vector_load_idx %arg11[%parallel_loop3A_203, %parallel_loop3A_291] : memref<128x192xi32, #tpu.memory_space<vmem>>[vector<16xi32>, vector<16xi32>], vector<16xi32>,
        %parallel_loop3A_294 = vector.bitcast %parallel_loop3A_292 : vector<16xi32> to vector<32xbf16>
        %parallel_loop3A_295 = vector.bitcast %parallel_loop3A_293 : vector<16xi32> to vector<32xbf16>
        %parallel_loop3A_296 = arith.addf %parallel_loop3A_294, %parallel_loop3A_295 : vector<32xbf16>
        %parallel_loop3A_297 = tpu.unpack_subelements %parallel_loop3A_208, 0 {pack_format = #tpu.pack_format<interleaved>} : vector<32xbf16> -> vector<16xf32>
        %parallel_loop3A_298 = tpu.unpack_subelements %parallel_loop3A_208, 1 {pack_format = #tpu.pack_format<interleaved>} : vector<32xbf16> -> vector<16xf32>
        %parallel_loop3A_299 = arith.index_cast %parallel_loop3A_192 : i32 to index
        %parallel_loop3A_300 = arith.constant 0 : index
        %parallel_loop3A_301 = tpu.vector_load %arg18[%parallel_loop3A_299, %parallel_loop3A_300] {strides = array<i32>} : memref<24x384xf32, #tpu.memory_space<vmem>>, vector<16xf32>,
        tpu.vector_store %arg18[%parallel_loop3A_299, %parallel_loop3A_300], %parallel_loop3A_297 {add = true, strides = array<i32>} : memref<24x384xf32, #tpu.memory_space<vmem>>, vector<16xf32>,
        %parallel_loop3A_302 = arith.index_cast %parallel_loop3A_192 : i32 to index
        %parallel_loop3A_303 = arith.constant 16 : index
        %parallel_loop3A_304 = tpu.vector_load %arg18[%parallel_loop3A_302, %parallel_loop3A_303] {strides = array<i32>} : memref<24x384xf32, #tpu.memory_space<vmem>>, vector<16xf32>,
        tpu.vector_store %arg18[%parallel_loop3A_302, %parallel_loop3A_303], %parallel_loop3A_298 {add = true, strides = array<i32>} : memref<24x384xf32, #tpu.memory_space<vmem>>, vector<16xf32>,
        %parallel_loop3A_305 = tpu.unpack_subelements %parallel_loop3A_216, 0 {pack_format = #tpu.pack_format<interleaved>} : vector<32xbf16> -> vector<16xf32>
        %parallel_loop3A_306 = tpu.unpack_subelements %parallel_loop3A_216, 1 {pack_format = #tpu.pack_format<interleaved>} : vector<32xbf16> -> vector<16xf32>
        %parallel_loop3A_307 = arith.index_cast %parallel_loop3A_192 : i32 to index
        %parallel_loop3A_308 = arith.constant 32 : index
        %parallel_loop3A_309 = tpu.vector_load %arg18[%parallel_loop3A_307, %parallel_loop3A_308] {strides = array<i32>} : memref<24x384xf32, #tpu.memory_space<vmem>>, vector<16xf32>,
        tpu.vector_store %arg18[%parallel_loop3A_307, %parallel_loop3A_308], %parallel_loop3A_305 {add = true, strides = array<i32>} : memref<24x384xf32, #tpu.memory_space<vmem>>, vector<16xf32>,
        %parallel_loop3A_310 = arith.index_cast %parallel_loop3A_192 : i32 to index
        %parallel_loop3A_311 = arith.constant 48 : index
        %parallel_loop3A_312 = tpu.vector_load %arg18[%parallel_loop3A_310, %parallel_loop3A_311] {strides = array<i32>} : memref<24x384xf32, #tpu.memory_space<vmem>>, vector<16xf32>,
        tpu.vector_store %arg18[%parallel_loop3A_310, %parallel_loop3A_311], %parallel_loop3A_306 {add = true, strides = array<i32>} : memref<24x384xf32, #tpu.memory_space<vmem>>, vector<16xf32>,
        %parallel_loop3A_313 = tpu.unpack_subelements %parallel_loop3A_224, 0 {pack_format = #tpu.pack_format<interleaved>} : vector<32xbf16> -> vector<16xf32>
        %parallel_loop3A_314 = tpu.unpack_subelements %parallel_loop3A_224, 1 {pack_format = #tpu.pack_format<interleaved>} : vector<32xbf16> -> vector<16xf32>
        %parallel_loop3A_315 = arith.index_cast %parallel_loop3A_192 : i32 to index
        %parallel_loop3A_316 = arith.constant 64 : index
        %parallel_loop3A_317 = tpu.vector_load %arg18[%parallel_loop3A_315, %parallel_loop3A_316] {strides = array<i32>} : memref<24x384xf32, #tpu.memory_space<vmem>>, vector<16xf32>,
        tpu.vector_store %arg18[%parallel_loop3A_315, %parallel_loop3A_316], %parallel_loop3A_313 {add = true, strides = array<i32>} : memref<24x384xf32, #tpu.memory_space<vmem>>, vector<16xf32>,
        %parallel_loop3A_318 = arith.index_cast %parallel_loop3A_192 : i32 to index
        %parallel_loop3A_319 = arith.constant 80 : index
        %parallel_loop3A_320 = tpu.vector_load %arg18[%parallel_loop3A_318, %parallel_loop3A_319] {strides = array<i32>} : memref<24x384xf32, #tpu.memory_space<vmem>>, vector<16xf32>,
        tpu.vector_store %arg18[%parallel_loop3A_318, %parallel_loop3A_319], %parallel_loop3A_314 {add = true, strides = array<i32>} : memref<24x384xf32, #tpu.memory_space<vmem>>, vector<16xf32>,
        %parallel_loop3A_321 = tpu.unpack_subelements %parallel_loop3A_232, 0 {pack_format = #tpu.pack_format<interleaved>} : vector<32xbf16> -> vector<16xf32>
        %parallel_loop3A_322 = tpu.unpack_subelements %parallel_loop3A_232, 1 {pack_format = #tpu.pack_format<interleaved>} : vector<32xbf16> -> vector<16xf32>
        %parallel_loop3A_323 = arith.index_cast %parallel_loop3A_192 : i32 to index
        %parallel_loop3A_324 = arith.constant 96 : index
        %parallel_loop3A_325 = tpu.vector_load %arg18[%parallel_loop3A_323, %parallel_loop3A_324] {strides = array<i32>} : memref<24x384xf32, #tpu.memory_space<vmem>>, vector<16xf32>,
        tpu.vector_store %arg18[%parallel_loop3A_323, %parallel_loop3A_324], %parallel_loop3A_321 {add = true, strides = array<i32>} : memref<24x384xf32, #tpu.memory_space<vmem>>, vector<16xf32>,
        %parallel_loop3A_326 = arith.index_cast %parallel_loop3A_192 : i32 to index
        %parallel_loop3A_327 = arith.constant 112 : index
        %parallel_loop3A_328 = tpu.vector_load %arg18[%parallel_loop3A_326, %parallel_loop3A_327] {strides = array<i32>} : memref<24x384xf32, #tpu.memory_space<vmem>>, vector<16xf32>,
        tpu.vector_store %arg18[%parallel_loop3A_326, %parallel_loop3A_327], %parallel_loop3A_322 {add = true, strides = array<i32>} : memref<24x384xf32, #tpu.memory_space<vmem>>, vector<16xf32>,
        %parallel_loop3A_329 = tpu.unpack_subelements %parallel_loop3A_240, 0 {pack_format = #tpu.pack_format<interleaved>} : vector<32xbf16> -> vector<16xf32>
        %parallel_loop3A_330 = tpu.unpack_subelements %parallel_loop3A_240, 1 {pack_format = #tpu.pack_format<interleaved>} : vector<32xbf16> -> vector<16xf32>
        %parallel_loop3A_331 = arith.index_cast %parallel_loop3A_192 : i32 to index
        %parallel_loop3A_332 = arith.constant 128 : index
        %parallel_loop3A_333 = tpu.vector_load %arg18[%parallel_loop3A_331, %parallel_loop3A_332] {strides = array<i32>} : memref<24x384xf32, #tpu.memory_space<vmem>>, vector<16xf32>,
        tpu.vector_store %arg18[%parallel_loop3A_331, %parallel_loop3A_332], %parallel_loop3A_329 {add = true, strides = array<i32>} : memref<24x384xf32, #tpu.memory_space<vmem>>, vector<16xf32>,
        %parallel_loop3A_334 = arith.index_cast %parallel_loop3A_192 : i32 to index
        %parallel_loop3A_335 = arith.constant 144 : index
        %parallel_loop3A_336 = tpu.vector_load %arg18[%parallel_loop3A_334, %parallel_loop3A_335] {strides = array<i32>} : memref<24x384xf32, #tpu.memory_space<vmem>>, vector<16xf32>,
        tpu.vector_store %arg18[%parallel_loop3A_334, %parallel_loop3A_335], %parallel_loop3A_330 {add = true, strides = array<i32>} : memref<24x384xf32, #tpu.memory_space<vmem>>, vector<16xf32>,
        %parallel_loop3A_337 = tpu.unpack_subelements %parallel_loop3A_248, 0 {pack_format = #tpu.pack_format<interleaved>} : vector<32xbf16> -> vector<16xf32>
        %parallel_loop3A_338 = tpu.unpack_subelements %parallel_loop3A_248, 1 {pack_format = #tpu.pack_format<interleaved>} : vector<32xbf16> -> vector<16xf32>
        %parallel_loop3A_339 = arith.index_cast %parallel_loop3A_192 : i32 to index
        %parallel_loop3A_340 = arith.constant 160 : index
        %parallel_loop3A_341 = tpu.vector_load %arg18[%parallel_loop3A_339, %parallel_loop3A_340] {strides = array<i32>} : memref<24x384xf32, #tpu.memory_space<vmem>>, vector<16xf32>,
        tpu.vector_store %arg18[%parallel_loop3A_339, %parallel_loop3A_340], %parallel_loop3A_337 {add = true, strides = array<i32>} : memref<24x384xf32, #tpu.memory_space<vmem>>, vector<16xf32>,
        %parallel_loop3A_342 = arith.index_cast %parallel_loop3A_192 : i32 to index
        %parallel_loop3A_343 = arith.constant 176 : index
        %parallel_loop3A_344 = tpu.vector_load %arg18[%parallel_loop3A_342, %parallel_loop3A_343] {strides = array<i32>} : memref<24x384xf32, #tpu.memory_space<vmem>>, vector<16xf32>,
        tpu.vector_store %arg18[%parallel_loop3A_342, %parallel_loop3A_343], %parallel_loop3A_338 {add = true, strides = array<i32>} : memref<24x384xf32, #tpu.memory_space<vmem>>, vector<16xf32>,
        %parallel_loop3A_345 = tpu.unpack_subelements %parallel_loop3A_256, 0 {pack_format = #tpu.pack_format<interleaved>} : vector<32xbf16> -> vector<16xf32>
        %parallel_loop3A_346 = tpu.unpack_subelements %parallel_loop3A_256, 1 {pack_format = #tpu.pack_format<interleaved>} : vector<32xbf16> -> vector<16xf32>
        %parallel_loop3A_347 = arith.index_cast %parallel_loop3A_192 : i32 to index
        %parallel_loop3A_348 = arith.constant 192 : index
        %parallel_loop3A_349 = tpu.vector_load %arg18[%parallel_loop3A_347, %parallel_loop3A_348] {strides = array<i32>} : memref<24x384xf32, #tpu.memory_space<vmem>>, vector<16xf32>,
        tpu.vector_store %arg18[%parallel_loop3A_347, %parallel_loop3A_348], %parallel_loop3A_345 {add = true, strides = array<i32>} : memref<24x384xf32, #tpu.memory_space<vmem>>, vector<16xf32>,
        %parallel_loop3A_350 = arith.index_cast %parallel_loop3A_192 : i32 to index
        %parallel_loop3A_351 = arith.constant 208 : index
        %parallel_loop3A_352 = tpu.vector_load %arg18[%parallel_loop3A_350, %parallel_loop3A_351] {strides = array<i32>} : memref<24x384xf32, #tpu.memory_space<vmem>>, vector<16xf32>,
        tpu.vector_store %arg18[%parallel_loop3A_350, %parallel_loop3A_351], %parallel_loop3A_346 {add = true, strides = array<i32>} : memref<24x384xf32, #tpu.memory_space<vmem>>, vector<16xf32>,
        %parallel_loop3A_353 = tpu.unpack_subelements %parallel_loop3A_264, 0 {pack_format = #tpu.pack_format<interleaved>} : vector<32xbf16> -> vector<16xf32>
        %parallel_loop3A_354 = tpu.unpack_subelements %parallel_loop3A_264, 1 {pack_format = #tpu.pack_format<interleaved>} : vector<32xbf16> -> vector<16xf32>
        %parallel_loop3A_355 = arith.index_cast %parallel_loop3A_192 : i32 to index
        %parallel_loop3A_356 = arith.constant 224 : index
        %parallel_loop3A_357 = tpu.vector_load %arg18[%parallel_loop3A_355, %parallel_loop3A_356] {strides = array<i32>} : memref<24x384xf32, #tpu.memory_space<vmem>>, vector<16xf32>,
        tpu.vector_store %arg18[%parallel_loop3A_355, %parallel_loop3A_356], %parallel_loop3A_353 {add = true, strides = array<i32>} : memref<24x384xf32, #tpu.memory_space<vmem>>, vector<16xf32>,
        %parallel_loop3A_358 = arith.index_cast %parallel_loop3A_192 : i32 to index
        %parallel_loop3A_359 = arith.constant 240 : index
        %parallel_loop3A_360 = tpu.vector_load %arg18[%parallel_loop3A_358, %parallel_loop3A_359] {strides = array<i32>} : memref<24x384xf32, #tpu.memory_space<vmem>>, vector<16xf32>,
        tpu.vector_store %arg18[%parallel_loop3A_358, %parallel_loop3A_359], %parallel_loop3A_354 {add = true, strides = array<i32>} : memref<24x384xf32, #tpu.memory_space<vmem>>, vector<16xf32>,
        %parallel_loop3A_361 = tpu.unpack_subelements %parallel_loop3A_272, 0 {pack_format = #tpu.pack_format<interleaved>} : vector<32xbf16> -> vector<16xf32>
        %parallel_loop3A_362 = tpu.unpack_subelements %parallel_loop3A_272, 1 {pack_format = #tpu.pack_format<interleaved>} : vector<32xbf16> -> vector<16xf32>
        %parallel_loop3A_363 = arith.index_cast %parallel_loop3A_192 : i32 to index
        %parallel_loop3A_364 = arith.constant 256 : index
        %parallel_loop3A_365 = tpu.vector_load %arg18[%parallel_loop3A_363, %parallel_loop3A_364] {strides = array<i32>} : memref<24x384xf32, #tpu.memory_space<vmem>>, vector<16xf32>,
        tpu.vector_store %arg18[%parallel_loop3A_363, %parallel_loop3A_364], %parallel_loop3A_361 {add = true, strides = array<i32>} : memref<24x384xf32, #tpu.memory_space<vmem>>, vector<16xf32>,
        %parallel_loop3A_366 = arith.index_cast %parallel_loop3A_192 : i32 to index
        %parallel_loop3A_367 = arith.constant 272 : index
        %parallel_loop3A_368 = tpu.vector_load %arg18[%parallel_loop3A_366, %parallel_loop3A_367] {strides = array<i32>} : memref<24x384xf32, #tpu.memory_space<vmem>>, vector<16xf32>,
        tpu.vector_store %arg18[%parallel_loop3A_366, %parallel_loop3A_367], %parallel_loop3A_362 {add = true, strides = array<i32>} : memref<24x384xf32, #tpu.memory_space<vmem>>, vector<16xf32>,
        %parallel_loop3A_369 = tpu.unpack_subelements %parallel_loop3A_280, 0 {pack_format = #tpu.pack_format<interleaved>} : vector<32xbf16> -> vector<16xf32>
        %parallel_loop3A_370 = tpu.unpack_subelements %parallel_loop3A_280, 1 {pack_format = #tpu.pack_format<interleaved>} : vector<32xbf16> -> vector<16xf32>
        %parallel_loop3A_371 = arith.index_cast %parallel_loop3A_192 : i32 to index
        %parallel_loop3A_372 = arith.constant 288 : index
        %parallel_loop3A_373 = tpu.vector_load %arg18[%parallel_loop3A_371, %parallel_loop3A_372] {strides = array<i32>} : memref<24x384xf32, #tpu.memory_space<vmem>>, vector<16xf32>,
        tpu.vector_store %arg18[%parallel_loop3A_371, %parallel_loop3A_372], %parallel_loop3A_369 {add = true, strides = array<i32>} : memref<24x384xf32, #tpu.memory_space<vmem>>, vector<16xf32>,
        %parallel_loop3A_374 = arith.index_cast %parallel_loop3A_192 : i32 to index
        %parallel_loop3A_375 = arith.constant 304 : index
        %parallel_loop3A_376 = tpu.vector_load %arg18[%parallel_loop3A_374, %parallel_loop3A_375] {strides = array<i32>} : memref<24x384xf32, #tpu.memory_space<vmem>>, vector<16xf32>,
        tpu.vector_store %arg18[%parallel_loop3A_374, %parallel_loop3A_375], %parallel_loop3A_370 {add = true, strides = array<i32>} : memref<24x384xf32, #tpu.memory_space<vmem>>, vector<16xf32>,
        %parallel_loop3A_377 = tpu.unpack_subelements %parallel_loop3A_288, 0 {pack_format = #tpu.pack_format<interleaved>} : vector<32xbf16> -> vector<16xf32>
        %parallel_loop3A_378 = tpu.unpack_subelements %parallel_loop3A_288, 1 {pack_format = #tpu.pack_format<interleaved>} : vector<32xbf16> -> vector<16xf32>
        %parallel_loop3A_379 = arith.index_cast %parallel_loop3A_192 : i32 to index
        %parallel_loop3A_380 = arith.constant 320 : index
        %parallel_loop3A_381 = tpu.vector_load %arg18[%parallel_loop3A_379, %parallel_loop3A_380] {strides = array<i32>} : memref<24x384xf32, #tpu.memory_space<vmem>>, vector<16xf32>,
        tpu.vector_store %arg18[%parallel_loop3A_379, %parallel_loop3A_380], %parallel_loop3A_377 {add = true, strides = array<i32>} : memref<24x384xf32, #tpu.memory_space<vmem>>, vector<16xf32>,
        %parallel_loop3A_382 = arith.index_cast %parallel_loop3A_192 : i32 to index
        %parallel_loop3A_383 = arith.constant 336 : index
        %parallel_loop3A_384 = tpu.vector_load %arg18[%parallel_loop3A_382, %parallel_loop3A_383] {strides = array<i32>} : memref<24x384xf32, #tpu.memory_space<vmem>>, vector<16xf32>,
        tpu.vector_store %arg18[%parallel_loop3A_382, %parallel_loop3A_383], %parallel_loop3A_378 {add = true, strides = array<i32>} : memref<24x384xf32, #tpu.memory_space<vmem>>, vector<16xf32>,
        %parallel_loop3A_385 = tpu.unpack_subelements %parallel_loop3A_296, 0 {pack_format = #tpu.pack_format<interleaved>} : vector<32xbf16> -> vector<16xf32>
        %parallel_loop3A_386 = tpu.unpack_subelements %parallel_loop3A_296, 1 {pack_format = #tpu.pack_format<interleaved>} : vector<32xbf16> -> vector<16xf32>
        %parallel_loop3A_387 = arith.index_cast %parallel_loop3A_192 : i32 to index
        %parallel_loop3A_388 = arith.constant 352 : index
        %parallel_loop3A_389 = tpu.vector_load %arg18[%parallel_loop3A_387, %parallel_loop3A_388] {strides = array<i32>} : memref<24x384xf32, #tpu.memory_space<vmem>>, vector<16xf32>,
        tpu.vector_store %arg18[%parallel_loop3A_387, %parallel_loop3A_388], %parallel_loop3A_385 {add = true, strides = array<i32>} : memref<24x384xf32, #tpu.memory_space<vmem>>, vector<16xf32>,
        %parallel_loop3A_390 = arith.index_cast %parallel_loop3A_192 : i32 to index
        %parallel_loop3A_391 = arith.constant 368 : index
        %parallel_loop3A_392 = tpu.vector_load %arg18[%parallel_loop3A_390, %parallel_loop3A_391] {strides = array<i32>} : memref<24x384xf32, #tpu.memory_space<vmem>>, vector<16xf32>,
        tpu.vector_store %arg18[%parallel_loop3A_390, %parallel_loop3A_391], %parallel_loop3A_386 {add = true, strides = array<i32>} : memref<24x384xf32, #tpu.memory_space<vmem>>, vector<16xf32>,
      } {sc.loop_unroll_factor = 1 : i64, sc.parallel_access}
      %mul3A_91 = arith.constant 24 : i32
      %mul3A_92 = arith.muli %add3A_75, %mul3A_91 : i32
      %add3A_93 = arith.addi %mul3A_2, %mul3A_92 : i32
      %dma_start3A_94 = tpu.memref_slice %arg9[%add3A_93, %mul3A_0] : memref<36864x768xf32, #tpu.memory_space<hbm>> -> memref<24x384xf32, #tpu.memory_space<hbm>>
      %dma_start3A_95 = tpu.memref_slice %arg9[%add3A_93, %mul3A_0] : memref<36864x768xf32, #tpu.memory_space<hbm>> -> memref<24x384xf32, #tpu.memory_space<hbm>>
      tpu.enqueue_dma source(%arg18 : memref<24x384xf32, #tpu.memory_space<vmem>>) target(%dma_start3A_95 : memref<24x384xf32, #tpu.memory_space<hbm>>) target_semaphore(%arg30 : memref<!tpu.dma_semaphore, #tpu.memory_space<semaphore_mem>>)
      %mul3A_96 = arith.constant 6 : i32
      %mul3A_97 = arith.muli %scan3A_51, %mul3A_96 : i32
      %add3A_98 = arith.constant 2 : i32
      %add3A_99 = arith.addi %mul3A_97, %add3A_98 : i32
      %mul3A_100 = arith.constant 24 : i32
      %mul3A_101 = arith.muli %add3A_99, %mul3A_100 : i32
      %add3A_102 = arith.addi %mul3A_2, %mul3A_101 : i32
      %dma_wait3A_103 = tpu.memref_slice %arg2[%add3A_102, %mul3A_0] : memref<36864x768xf32, #tpu.memory_space<hbm>> -> memref<24x384xf32, #tpu.memory_space<hbm>>
      %dma_wait3A_104 = tpu.memref_slice %arg2[%add3A_102, %mul3A_0] : memref<36864x768xf32, #tpu.memory_space<hbm>> -> memref<24x384xf32, #tpu.memory_space<hbm>>
      tpu.wait_dma2 semaphore(%arg25 : memref<!tpu.dma_semaphore, #tpu.memory_space<semaphore_mem>>) src(%dma_wait3A_104 : memref<24x384xf32, #tpu.memory_space<hbm>>) dst(%arg19 : memref<24x384xf32, #tpu.memory_space<vmem>>)
      %add3A_105 = arith.constant 4 : i32
      %add3A_106 = arith.addi %add3A_99, %add3A_105 : i32
      %lt3A_107 = arith.constant 96 : i32
      %lt3A_108 = arith.cmpi slt, %add3A_106, %lt3A_107 : i32
      %convert_element_type3A_109 = arith.extui %lt3A_108 : i1 to i32
      %cond3A_110 = arith.constant 0 : i32
      %cond3A_111 = arith.cmpi ne, %convert_element_type3A_109, %cond3A_110 : i32
      scf.if %cond3A_111 {
        %ge3A = arith.constant 2 : i32
        %ge3A_192 = arith.cmpi sge, %add3A_99, %ge3A : i32
        %convert_element_type3A_193 = arith.extui %ge3A_192 : i1 to i32
        %cond3A_194 = arith.constant 0 : i32
        %cond3A_195 = arith.cmpi ne, %convert_element_type3A_193, %cond3A_194 : i32
        scf.if %cond3A_195 {
          %mul3A_203 = arith.constant 24 : i32
          %mul3A_204 = arith.muli %add3A_99, %mul3A_203 : i32
          %add3A_205 = arith.addi %mul3A_2, %mul3A_204 : i32
          %dma_wait3A_206 = tpu.memref_slice %arg9[%add3A_205, %mul3A_0] : memref<36864x768xf32, #tpu.memory_space<hbm>> -> memref<24x384xf32, #tpu.memory_space<hbm>>
          %dma_wait3A_207 = tpu.memref_slice %arg9[%add3A_205, %mul3A_0] : memref<36864x768xf32, #tpu.memory_space<hbm>> -> memref<24x384xf32, #tpu.memory_space<hbm>>
          tpu.wait_dma2 semaphore(%arg29 : memref<!tpu.dma_semaphore, #tpu.memory_space<semaphore_mem>>) src(%arg17 : memref<24x384xf32, #tpu.memory_space<vmem>>) dst(%dma_wait3A_207 : memref<24x384xf32, #tpu.memory_space<hbm>>)
        } else {
        }
        %add3A_196 = arith.constant 4 : i32
        %add3A_197 = arith.addi %add3A_99, %add3A_196 : i32
        %mul3A_198 = arith.constant 24 : i32
        %mul3A_199 = arith.muli %add3A_197, %mul3A_198 : i32
        %add3A_200 = arith.addi %mul3A_2, %mul3A_199 : i32
        %dma_start3A_201 = tpu.memref_slice %arg2[%add3A_200, %mul3A_0] : memref<36864x768xf32, #tpu.memory_space<hbm>> -> memref<24x384xf32, #tpu.memory_space<hbm>>
        %dma_start3A_202 = tpu.memref_slice %arg2[%add3A_200, %mul3A_0] : memref<36864x768xf32, #tpu.memory_space<hbm>> -> memref<24x384xf32, #tpu.memory_space<hbm>>
        tpu.enqueue_dma source(%dma_start3A_202 : memref<24x384xf32, #tpu.memory_space<hbm>>) target(%arg17 : memref<24x384xf32, #tpu.memory_space<vmem>>) target_semaphore(%arg23 : memref<!tpu.dma_semaphore, #tpu.memory_space<semaphore_mem>>)
      } else {
      }
      %parallel_loop3A_112 = arith.constant 0 : i32
      %parallel_loop3A_113 = arith.constant 24 : i32
      %parallel_loop3A_114 = arith.constant 1 : i32
      scf.for %parallel_loop3A_192 = %parallel_loop3A_112 to %parallel_loop3A_113 step %parallel_loop3A_114  : i32 {
        %parallel_loop3A_193 = arith.constant 24 : i32
        %parallel_loop3A_194 = arith.muli %add3A_99, %parallel_loop3A_193 : i32
        %parallel_loop3A_195 = arith.addi %parallel_loop3A_194, %parallel_loop3A_192 : i32
        %parallel_loop3A_196 = vector.broadcast %parallel_loop3A_195 : i32 to vector<16xi32>
        %parallel_loop3A_197 = tpu.vector_load_idx %arg16[%parallel_loop3A_196] : memref<2304xi32, #tpu.memory_space<vmem>>[vector<16xi32>], vector<16xi32>,
        %parallel_loop3A_198 = arith.constant 8 : i32
        %parallel_loop3A_199 = vector.broadcast %parallel_loop3A_198 : i32 to vector<16xi32>
        %parallel_loop3A_200 = arith.shrsi %parallel_loop3A_197, %parallel_loop3A_199 : vector<16xi32>
        %parallel_loop3A_201 = arith.constant 255 : i32
        %parallel_loop3A_202 = vector.broadcast %parallel_loop3A_201 : i32 to vector<16xi32>
        %parallel_loop3A_203 = arith.andi %parallel_loop3A_197, %parallel_loop3A_202 : vector<16xi32>
        %parallel_loop3A_204 = tpu.vector_load_idx %arg10[%parallel_loop3A_200, %iota3A] : memref<128x192xi32, #tpu.memory_space<vmem>>[vector<16xi32>, vector<16xi32>], vector<16xi32>,
        %parallel_loop3A_205 = tpu.vector_load_idx %arg11[%parallel_loop3A_203, %iota3A] : memref<128x192xi32, #tpu.memory_space<vmem>>[vector<16xi32>, vector<16xi32>], vector<16xi32>,
        %parallel_loop3A_206 = vector.bitcast %parallel_loop3A_204 : vector<16xi32> to vector<32xbf16>
        %parallel_loop3A_207 = vector.bitcast %parallel_loop3A_205 : vector<16xi32> to vector<32xbf16>
        %parallel_loop3A_208 = arith.addf %parallel_loop3A_206, %parallel_loop3A_207 : vector<32xbf16>
        %parallel_loop3A_209 = arith.constant 16 : i32
        %parallel_loop3A_210 = vector.broadcast %parallel_loop3A_209 : i32 to vector<16xi32>
        %parallel_loop3A_211 = arith.addi %iota3A, %parallel_loop3A_210 : vector<16xi32>
        %parallel_loop3A_212 = tpu.vector_load_idx %arg10[%parallel_loop3A_200, %parallel_loop3A_211] : memref<128x192xi32, #tpu.memory_space<vmem>>[vector<16xi32>, vector<16xi32>], vector<16xi32>,
        %parallel_loop3A_213 = tpu.vector_load_idx %arg11[%parallel_loop3A_203, %parallel_loop3A_211] : memref<128x192xi32, #tpu.memory_space<vmem>>[vector<16xi32>, vector<16xi32>], vector<16xi32>,
        %parallel_loop3A_214 = vector.bitcast %parallel_loop3A_212 : vector<16xi32> to vector<32xbf16>
        %parallel_loop3A_215 = vector.bitcast %parallel_loop3A_213 : vector<16xi32> to vector<32xbf16>
        %parallel_loop3A_216 = arith.addf %parallel_loop3A_214, %parallel_loop3A_215 : vector<32xbf16>
        %parallel_loop3A_217 = arith.constant 16 : i32
        %parallel_loop3A_218 = vector.broadcast %parallel_loop3A_217 : i32 to vector<16xi32>
        %parallel_loop3A_219 = arith.addi %parallel_loop3A_211, %parallel_loop3A_218 : vector<16xi32>
        %parallel_loop3A_220 = tpu.vector_load_idx %arg10[%parallel_loop3A_200, %parallel_loop3A_219] : memref<128x192xi32, #tpu.memory_space<vmem>>[vector<16xi32>, vector<16xi32>], vector<16xi32>,
        %parallel_loop3A_221 = tpu.vector_load_idx %arg11[%parallel_loop3A_203, %parallel_loop3A_219] : memref<128x192xi32, #tpu.memory_space<vmem>>[vector<16xi32>, vector<16xi32>], vector<16xi32>,
        %parallel_loop3A_222 = vector.bitcast %parallel_loop3A_220 : vector<16xi32> to vector<32xbf16>
        %parallel_loop3A_223 = vector.bitcast %parallel_loop3A_221 : vector<16xi32> to vector<32xbf16>
        %parallel_loop3A_224 = arith.addf %parallel_loop3A_222, %parallel_loop3A_223 : vector<32xbf16>
        %parallel_loop3A_225 = arith.constant 16 : i32
        %parallel_loop3A_226 = vector.broadcast %parallel_loop3A_225 : i32 to vector<16xi32>
        %parallel_loop3A_227 = arith.addi %parallel_loop3A_219, %parallel_loop3A_226 : vector<16xi32>
        %parallel_loop3A_228 = tpu.vector_load_idx %arg10[%parallel_loop3A_200, %parallel_loop3A_227] : memref<128x192xi32, #tpu.memory_space<vmem>>[vector<16xi32>, vector<16xi32>], vector<16xi32>,
        %parallel_loop3A_229 = tpu.vector_load_idx %arg11[%parallel_loop3A_203, %parallel_loop3A_227] : memref<128x192xi32, #tpu.memory_space<vmem>>[vector<16xi32>, vector<16xi32>], vector<16xi32>,
        %parallel_loop3A_230 = vector.bitcast %parallel_loop3A_228 : vector<16xi32> to vector<32xbf16>
        %parallel_loop3A_231 = vector.bitcast %parallel_loop3A_229 : vector<16xi32> to vector<32xbf16>
        %parallel_loop3A_232 = arith.addf %parallel_loop3A_230, %parallel_loop3A_231 : vector<32xbf16>
        %parallel_loop3A_233 = arith.constant 16 : i32
        %parallel_loop3A_234 = vector.broadcast %parallel_loop3A_233 : i32 to vector<16xi32>
        %parallel_loop3A_235 = arith.addi %parallel_loop3A_227, %parallel_loop3A_234 : vector<16xi32>
        %parallel_loop3A_236 = tpu.vector_load_idx %arg10[%parallel_loop3A_200, %parallel_loop3A_235] : memref<128x192xi32, #tpu.memory_space<vmem>>[vector<16xi32>, vector<16xi32>], vector<16xi32>,
        %parallel_loop3A_237 = tpu.vector_load_idx %arg11[%parallel_loop3A_203, %parallel_loop3A_235] : memref<128x192xi32, #tpu.memory_space<vmem>>[vector<16xi32>, vector<16xi32>], vector<16xi32>,
        %parallel_loop3A_238 = vector.bitcast %parallel_loop3A_236 : vector<16xi32> to vector<32xbf16>
        %parallel_loop3A_239 = vector.bitcast %parallel_loop3A_237 : vector<16xi32> to vector<32xbf16>
        %parallel_loop3A_240 = arith.addf %parallel_loop3A_238, %parallel_loop3A_239 : vector<32xbf16>
        %parallel_loop3A_241 = arith.constant 16 : i32
        %parallel_loop3A_242 = vector.broadcast %parallel_loop3A_241 : i32 to vector<16xi32>
        %parallel_loop3A_243 = arith.addi %parallel_loop3A_235, %parallel_loop3A_242 : vector<16xi32>
        %parallel_loop3A_244 = tpu.vector_load_idx %arg10[%parallel_loop3A_200, %parallel_loop3A_243] : memref<128x192xi32, #tpu.memory_space<vmem>>[vector<16xi32>, vector<16xi32>], vector<16xi32>,
        %parallel_loop3A_245 = tpu.vector_load_idx %arg11[%parallel_loop3A_203, %parallel_loop3A_243] : memref<128x192xi32, #tpu.memory_space<vmem>>[vector<16xi32>, vector<16xi32>], vector<16xi32>,
        %parallel_loop3A_246 = vector.bitcast %parallel_loop3A_244 : vector<16xi32> to vector<32xbf16>
        %parallel_loop3A_247 = vector.bitcast %parallel_loop3A_245 : vector<16xi32> to vector<32xbf16>
        %parallel_loop3A_248 = arith.addf %parallel_loop3A_246, %parallel_loop3A_247 : vector<32xbf16>
        %parallel_loop3A_249 = arith.constant 16 : i32
        %parallel_loop3A_250 = vector.broadcast %parallel_loop3A_249 : i32 to vector<16xi32>
        %parallel_loop3A_251 = arith.addi %parallel_loop3A_243, %parallel_loop3A_250 : vector<16xi32>
        %parallel_loop3A_252 = tpu.vector_load_idx %arg10[%parallel_loop3A_200, %parallel_loop3A_251] : memref<128x192xi32, #tpu.memory_space<vmem>>[vector<16xi32>, vector<16xi32>], vector<16xi32>,
        %parallel_loop3A_253 = tpu.vector_load_idx %arg11[%parallel_loop3A_203, %parallel_loop3A_251] : memref<128x192xi32, #tpu.memory_space<vmem>>[vector<16xi32>, vector<16xi32>], vector<16xi32>,
        %parallel_loop3A_254 = vector.bitcast %parallel_loop3A_252 : vector<16xi32> to vector<32xbf16>
        %parallel_loop3A_255 = vector.bitcast %parallel_loop3A_253 : vector<16xi32> to vector<32xbf16>
        %parallel_loop3A_256 = arith.addf %parallel_loop3A_254, %parallel_loop3A_255 : vector<32xbf16>
        %parallel_loop3A_257 = arith.constant 16 : i32
        %parallel_loop3A_258 = vector.broadcast %parallel_loop3A_257 : i32 to vector<16xi32>
        %parallel_loop3A_259 = arith.addi %parallel_loop3A_251, %parallel_loop3A_258 : vector<16xi32>
        %parallel_loop3A_260 = tpu.vector_load_idx %arg10[%parallel_loop3A_200, %parallel_loop3A_259] : memref<128x192xi32, #tpu.memory_space<vmem>>[vector<16xi32>, vector<16xi32>], vector<16xi32>,
        %parallel_loop3A_261 = tpu.vector_load_idx %arg11[%parallel_loop3A_203, %parallel_loop3A_259] : memref<128x192xi32, #tpu.memory_space<vmem>>[vector<16xi32>, vector<16xi32>], vector<16xi32>,
        %parallel_loop3A_262 = vector.bitcast %parallel_loop3A_260 : vector<16xi32> to vector<32xbf16>
        %parallel_loop3A_263 = vector.bitcast %parallel_loop3A_261 : vector<16xi32> to vector<32xbf16>
        %parallel_loop3A_264 = arith.addf %parallel_loop3A_262, %parallel_loop3A_263 : vector<32xbf16>
        %parallel_loop3A_265 = arith.constant 16 : i32
        %parallel_loop3A_266 = vector.broadcast %parallel_loop3A_265 : i32 to vector<16xi32>
        %parallel_loop3A_267 = arith.addi %parallel_loop3A_259, %parallel_loop3A_266 : vector<16xi32>
        %parallel_loop3A_268 = tpu.vector_load_idx %arg10[%parallel_loop3A_200, %parallel_loop3A_267] : memref<128x192xi32, #tpu.memory_space<vmem>>[vector<16xi32>, vector<16xi32>], vector<16xi32>,
        %parallel_loop3A_269 = tpu.vector_load_idx %arg11[%parallel_loop3A_203, %parallel_loop3A_267] : memref<128x192xi32, #tpu.memory_space<vmem>>[vector<16xi32>, vector<16xi32>], vector<16xi32>,
        %parallel_loop3A_270 = vector.bitcast %parallel_loop3A_268 : vector<16xi32> to vector<32xbf16>
        %parallel_loop3A_271 = vector.bitcast %parallel_loop3A_269 : vector<16xi32> to vector<32xbf16>
        %parallel_loop3A_272 = arith.addf %parallel_loop3A_270, %parallel_loop3A_271 : vector<32xbf16>
        %parallel_loop3A_273 = arith.constant 16 : i32
        %parallel_loop3A_274 = vector.broadcast %parallel_loop3A_273 : i32 to vector<16xi32>
        %parallel_loop3A_275 = arith.addi %parallel_loop3A_267, %parallel_loop3A_274 : vector<16xi32>
        %parallel_loop3A_276 = tpu.vector_load_idx %arg10[%parallel_loop3A_200, %parallel_loop3A_275] : memref<128x192xi32, #tpu.memory_space<vmem>>[vector<16xi32>, vector<16xi32>], vector<16xi32>,
        %parallel_loop3A_277 = tpu.vector_load_idx %arg11[%parallel_loop3A_203, %parallel_loop3A_275] : memref<128x192xi32, #tpu.memory_space<vmem>>[vector<16xi32>, vector<16xi32>], vector<16xi32>,
        %parallel_loop3A_278 = vector.bitcast %parallel_loop3A_276 : vector<16xi32> to vector<32xbf16>
        %parallel_loop3A_279 = vector.bitcast %parallel_loop3A_277 : vector<16xi32> to vector<32xbf16>
        %parallel_loop3A_280 = arith.addf %parallel_loop3A_278, %parallel_loop3A_279 : vector<32xbf16>
        %parallel_loop3A_281 = arith.constant 16 : i32
        %parallel_loop3A_282 = vector.broadcast %parallel_loop3A_281 : i32 to vector<16xi32>
        %parallel_loop3A_283 = arith.addi %parallel_loop3A_275, %parallel_loop3A_282 : vector<16xi32>
        %parallel_loop3A_284 = tpu.vector_load_idx %arg10[%parallel_loop3A_200, %parallel_loop3A_283] : memref<128x192xi32, #tpu.memory_space<vmem>>[vector<16xi32>, vector<16xi32>], vector<16xi32>,
        %parallel_loop3A_285 = tpu.vector_load_idx %arg11[%parallel_loop3A_203, %parallel_loop3A_283] : memref<128x192xi32, #tpu.memory_space<vmem>>[vector<16xi32>, vector<16xi32>], vector<16xi32>,
        %parallel_loop3A_286 = vector.bitcast %parallel_loop3A_284 : vector<16xi32> to vector<32xbf16>
        %parallel_loop3A_287 = vector.bitcast %parallel_loop3A_285 : vector<16xi32> to vector<32xbf16>
        %parallel_loop3A_288 = arith.addf %parallel_loop3A_286, %parallel_loop3A_287 : vector<32xbf16>
        %parallel_loop3A_289 = arith.constant 16 : i32
        %parallel_loop3A_290 = vector.broadcast %parallel_loop3A_289 : i32 to vector<16xi32>
        %parallel_loop3A_291 = arith.addi %parallel_loop3A_283, %parallel_loop3A_290 : vector<16xi32>
        %parallel_loop3A_292 = tpu.vector_load_idx %arg10[%parallel_loop3A_200, %parallel_loop3A_291] : memref<128x192xi32, #tpu.memory_space<vmem>>[vector<16xi32>, vector<16xi32>], vector<16xi32>,
        %parallel_loop3A_293 = tpu.vector_load_idx %arg11[%parallel_loop3A_203, %parallel_loop3A_291] : memref<128x192xi32, #tpu.memory_space<vmem>>[vector<16xi32>, vector<16xi32>], vector<16xi32>,
        %parallel_loop3A_294 = vector.bitcast %parallel_loop3A_292 : vector<16xi32> to vector<32xbf16>
        %parallel_loop3A_295 = vector.bitcast %parallel_loop3A_293 : vector<16xi32> to vector<32xbf16>
        %parallel_loop3A_296 = arith.addf %parallel_loop3A_294, %parallel_loop3A_295 : vector<32xbf16>
        %parallel_loop3A_297 = tpu.unpack_subelements %parallel_loop3A_208, 0 {pack_format = #tpu.pack_format<interleaved>} : vector<32xbf16> -> vector<16xf32>
        %parallel_loop3A_298 = tpu.unpack_subelements %parallel_loop3A_208, 1 {pack_format = #tpu.pack_format<interleaved>} : vector<32xbf16> -> vector<16xf32>
        %parallel_loop3A_299 = arith.index_cast %parallel_loop3A_192 : i32 to index
        %parallel_loop3A_300 = arith.constant 0 : index
        %parallel_loop3A_301 = tpu.vector_load %arg19[%parallel_loop3A_299, %parallel_loop3A_300] {strides = array<i32>} : memref<24x384xf32, #tpu.memory_space<vmem>>, vector<16xf32>,
        tpu.vector_store %arg19[%parallel_loop3A_299, %parallel_loop3A_300], %parallel_loop3A_297 {add = true, strides = array<i32>} : memref<24x384xf32, #tpu.memory_space<vmem>>, vector<16xf32>,
        %parallel_loop3A_302 = arith.index_cast %parallel_loop3A_192 : i32 to index
        %parallel_loop3A_303 = arith.constant 16 : index
        %parallel_loop3A_304 = tpu.vector_load %arg19[%parallel_loop3A_302, %parallel_loop3A_303] {strides = array<i32>} : memref<24x384xf32, #tpu.memory_space<vmem>>, vector<16xf32>,
        tpu.vector_store %arg19[%parallel_loop3A_302, %parallel_loop3A_303], %parallel_loop3A_298 {add = true, strides = array<i32>} : memref<24x384xf32, #tpu.memory_space<vmem>>, vector<16xf32>,
        %parallel_loop3A_305 = tpu.unpack_subelements %parallel_loop3A_216, 0 {pack_format = #tpu.pack_format<interleaved>} : vector<32xbf16> -> vector<16xf32>
        %parallel_loop3A_306 = tpu.unpack_subelements %parallel_loop3A_216, 1 {pack_format = #tpu.pack_format<interleaved>} : vector<32xbf16> -> vector<16xf32>
        %parallel_loop3A_307 = arith.index_cast %parallel_loop3A_192 : i32 to index
        %parallel_loop3A_308 = arith.constant 32 : index
        %parallel_loop3A_309 = tpu.vector_load %arg19[%parallel_loop3A_307, %parallel_loop3A_308] {strides = array<i32>} : memref<24x384xf32, #tpu.memory_space<vmem>>, vector<16xf32>,
        tpu.vector_store %arg19[%parallel_loop3A_307, %parallel_loop3A_308], %parallel_loop3A_305 {add = true, strides = array<i32>} : memref<24x384xf32, #tpu.memory_space<vmem>>, vector<16xf32>,
        %parallel_loop3A_310 = arith.index_cast %parallel_loop3A_192 : i32 to index
        %parallel_loop3A_311 = arith.constant 48 : index
        %parallel_loop3A_312 = tpu.vector_load %arg19[%parallel_loop3A_310, %parallel_loop3A_311] {strides = array<i32>} : memref<24x384xf32, #tpu.memory_space<vmem>>, vector<16xf32>,
        tpu.vector_store %arg19[%parallel_loop3A_310, %parallel_loop3A_311], %parallel_loop3A_306 {add = true, strides = array<i32>} : memref<24x384xf32, #tpu.memory_space<vmem>>, vector<16xf32>,
        %parallel_loop3A_313 = tpu.unpack_subelements %parallel_loop3A_224, 0 {pack_format = #tpu.pack_format<interleaved>} : vector<32xbf16> -> vector<16xf32>
        %parallel_loop3A_314 = tpu.unpack_subelements %parallel_loop3A_224, 1 {pack_format = #tpu.pack_format<interleaved>} : vector<32xbf16> -> vector<16xf32>
        %parallel_loop3A_315 = arith.index_cast %parallel_loop3A_192 : i32 to index
        %parallel_loop3A_316 = arith.constant 64 : index
        %parallel_loop3A_317 = tpu.vector_load %arg19[%parallel_loop3A_315, %parallel_loop3A_316] {strides = array<i32>} : memref<24x384xf32, #tpu.memory_space<vmem>>, vector<16xf32>,
        tpu.vector_store %arg19[%parallel_loop3A_315, %parallel_loop3A_316], %parallel_loop3A_313 {add = true, strides = array<i32>} : memref<24x384xf32, #tpu.memory_space<vmem>>, vector<16xf32>,
        %parallel_loop3A_318 = arith.index_cast %parallel_loop3A_192 : i32 to index
        %parallel_loop3A_319 = arith.constant 80 : index
        %parallel_loop3A_320 = tpu.vector_load %arg19[%parallel_loop3A_318, %parallel_loop3A_319] {strides = array<i32>} : memref<24x384xf32, #tpu.memory_space<vmem>>, vector<16xf32>,
        tpu.vector_store %arg19[%parallel_loop3A_318, %parallel_loop3A_319], %parallel_loop3A_314 {add = true, strides = array<i32>} : memref<24x384xf32, #tpu.memory_space<vmem>>, vector<16xf32>,
        %parallel_loop3A_321 = tpu.unpack_subelements %parallel_loop3A_232, 0 {pack_format = #tpu.pack_format<interleaved>} : vector<32xbf16> -> vector<16xf32>
        %parallel_loop3A_322 = tpu.unpack_subelements %parallel_loop3A_232, 1 {pack_format = #tpu.pack_format<interleaved>} : vector<32xbf16> -> vector<16xf32>
        %parallel_loop3A_323 = arith.index_cast %parallel_loop3A_192 : i32 to index
        %parallel_loop3A_324 = arith.constant 96 : index
        %parallel_loop3A_325 = tpu.vector_load %arg19[%parallel_loop3A_323, %parallel_loop3A_324] {strides = array<i32>} : memref<24x384xf32, #tpu.memory_space<vmem>>, vector<16xf32>,
        tpu.vector_store %arg19[%parallel_loop3A_323, %parallel_loop3A_324], %parallel_loop3A_321 {add = true, strides = array<i32>} : memref<24x384xf32, #tpu.memory_space<vmem>>, vector<16xf32>,
        %parallel_loop3A_326 = arith.index_cast %parallel_loop3A_192 : i32 to index
        %parallel_loop3A_327 = arith.constant 112 : index
        %parallel_loop3A_328 = tpu.vector_load %arg19[%parallel_loop3A_326, %parallel_loop3A_327] {strides = array<i32>} : memref<24x384xf32, #tpu.memory_space<vmem>>, vector<16xf32>,
        tpu.vector_store %arg19[%parallel_loop3A_326, %parallel_loop3A_327], %parallel_loop3A_322 {add = true, strides = array<i32>} : memref<24x384xf32, #tpu.memory_space<vmem>>, vector<16xf32>,
        %parallel_loop3A_329 = tpu.unpack_subelements %parallel_loop3A_240, 0 {pack_format = #tpu.pack_format<interleaved>} : vector<32xbf16> -> vector<16xf32>
        %parallel_loop3A_330 = tpu.unpack_subelements %parallel_loop3A_240, 1 {pack_format = #tpu.pack_format<interleaved>} : vector<32xbf16> -> vector<16xf32>
        %parallel_loop3A_331 = arith.index_cast %parallel_loop3A_192 : i32 to index
        %parallel_loop3A_332 = arith.constant 128 : index
        %parallel_loop3A_333 = tpu.vector_load %arg19[%parallel_loop3A_331, %parallel_loop3A_332] {strides = array<i32>} : memref<24x384xf32, #tpu.memory_space<vmem>>, vector<16xf32>,
        tpu.vector_store %arg19[%parallel_loop3A_331, %parallel_loop3A_332], %parallel_loop3A_329 {add = true, strides = array<i32>} : memref<24x384xf32, #tpu.memory_space<vmem>>, vector<16xf32>,
        %parallel_loop3A_334 = arith.index_cast %parallel_loop3A_192 : i32 to index
        %parallel_loop3A_335 = arith.constant 144 : index
        %parallel_loop3A_336 = tpu.vector_load %arg19[%parallel_loop3A_334, %parallel_loop3A_335] {strides = array<i32>} : memref<24x384xf32, #tpu.memory_space<vmem>>, vector<16xf32>,
        tpu.vector_store %arg19[%parallel_loop3A_334, %parallel_loop3A_335], %parallel_loop3A_330 {add = true, strides = array<i32>} : memref<24x384xf32, #tpu.memory_space<vmem>>, vector<16xf32>,
        %parallel_loop3A_337 = tpu.unpack_subelements %parallel_loop3A_248, 0 {pack_format = #tpu.pack_format<interleaved>} : vector<32xbf16> -> vector<16xf32>
        %parallel_loop3A_338 = tpu.unpack_subelements %parallel_loop3A_248, 1 {pack_format = #tpu.pack_format<interleaved>} : vector<32xbf16> -> vector<16xf32>
        %parallel_loop3A_339 = arith.index_cast %parallel_loop3A_192 : i32 to index
        %parallel_loop3A_340 = arith.constant 160 : index
        %parallel_loop3A_341 = tpu.vector_load %arg19[%parallel_loop3A_339, %parallel_loop3A_340] {strides = array<i32>} : memref<24x384xf32, #tpu.memory_space<vmem>>, vector<16xf32>,
        tpu.vector_store %arg19[%parallel_loop3A_339, %parallel_loop3A_340], %parallel_loop3A_337 {add = true, strides = array<i32>} : memref<24x384xf32, #tpu.memory_space<vmem>>, vector<16xf32>,
        %parallel_loop3A_342 = arith.index_cast %parallel_loop3A_192 : i32 to index
        %parallel_loop3A_343 = arith.constant 176 : index
        %parallel_loop3A_344 = tpu.vector_load %arg19[%parallel_loop3A_342, %parallel_loop3A_343] {strides = array<i32>} : memref<24x384xf32, #tpu.memory_space<vmem>>, vector<16xf32>,
        tpu.vector_store %arg19[%parallel_loop3A_342, %parallel_loop3A_343], %parallel_loop3A_338 {add = true, strides = array<i32>} : memref<24x384xf32, #tpu.memory_space<vmem>>, vector<16xf32>,
        %parallel_loop3A_345 = tpu.unpack_subelements %parallel_loop3A_256, 0 {pack_format = #tpu.pack_format<interleaved>} : vector<32xbf16> -> vector<16xf32>
        %parallel_loop3A_346 = tpu.unpack_subelements %parallel_loop3A_256, 1 {pack_format = #tpu.pack_format<interleaved>} : vector<32xbf16> -> vector<16xf32>
        %parallel_loop3A_347 = arith.index_cast %parallel_loop3A_192 : i32 to index
        %parallel_loop3A_348 = arith.constant 192 : index
        %parallel_loop3A_349 = tpu.vector_load %arg19[%parallel_loop3A_347, %parallel_loop3A_348] {strides = array<i32>} : memref<24x384xf32, #tpu.memory_space<vmem>>, vector<16xf32>,
        tpu.vector_store %arg19[%parallel_loop3A_347, %parallel_loop3A_348], %parallel_loop3A_345 {add = true, strides = array<i32>} : memref<24x384xf32, #tpu.memory_space<vmem>>, vector<16xf32>,
        %parallel_loop3A_350 = arith.index_cast %parallel_loop3A_192 : i32 to index
        %parallel_loop3A_351 = arith.constant 208 : index
        %parallel_loop3A_352 = tpu.vector_load %arg19[%parallel_loop3A_350, %parallel_loop3A_351] {strides = array<i32>} : memref<24x384xf32, #tpu.memory_space<vmem>>, vector<16xf32>,
        tpu.vector_store %arg19[%parallel_loop3A_350, %parallel_loop3A_351], %parallel_loop3A_346 {add = true, strides = array<i32>} : memref<24x384xf32, #tpu.memory_space<vmem>>, vector<16xf32>,
        %parallel_loop3A_353 = tpu.unpack_subelements %parallel_loop3A_264, 0 {pack_format = #tpu.pack_format<interleaved>} : vector<32xbf16> -> vector<16xf32>
        %parallel_loop3A_354 = tpu.unpack_subelements %parallel_loop3A_264, 1 {pack_format = #tpu.pack_format<interleaved>} : vector<32xbf16> -> vector<16xf32>
        %parallel_loop3A_355 = arith.index_cast %parallel_loop3A_192 : i32 to index
        %parallel_loop3A_356 = arith.constant 224 : index
        %parallel_loop3A_357 = tpu.vector_load %arg19[%parallel_loop3A_355, %parallel_loop3A_356] {strides = array<i32>} : memref<24x384xf32, #tpu.memory_space<vmem>>, vector<16xf32>,
        tpu.vector_store %arg19[%parallel_loop3A_355, %parallel_loop3A_356], %parallel_loop3A_353 {add = true, strides = array<i32>} : memref<24x384xf32, #tpu.memory_space<vmem>>, vector<16xf32>,
        %parallel_loop3A_358 = arith.index_cast %parallel_loop3A_192 : i32 to index
        %parallel_loop3A_359 = arith.constant 240 : index
        %parallel_loop3A_360 = tpu.vector_load %arg19[%parallel_loop3A_358, %parallel_loop3A_359] {strides = array<i32>} : memref<24x384xf32, #tpu.memory_space<vmem>>, vector<16xf32>,
        tpu.vector_store %arg19[%parallel_loop3A_358, %parallel_loop3A_359], %parallel_loop3A_354 {add = true, strides = array<i32>} : memref<24x384xf32, #tpu.memory_space<vmem>>, vector<16xf32>,
        %parallel_loop3A_361 = tpu.unpack_subelements %parallel_loop3A_272, 0 {pack_format = #tpu.pack_format<interleaved>} : vector<32xbf16> -> vector<16xf32>
        %parallel_loop3A_362 = tpu.unpack_subelements %parallel_loop3A_272, 1 {pack_format = #tpu.pack_format<interleaved>} : vector<32xbf16> -> vector<16xf32>
        %parallel_loop3A_363 = arith.index_cast %parallel_loop3A_192 : i32 to index
        %parallel_loop3A_364 = arith.constant 256 : index
        %parallel_loop3A_365 = tpu.vector_load %arg19[%parallel_loop3A_363, %parallel_loop3A_364] {strides = array<i32>} : memref<24x384xf32, #tpu.memory_space<vmem>>, vector<16xf32>,
        tpu.vector_store %arg19[%parallel_loop3A_363, %parallel_loop3A_364], %parallel_loop3A_361 {add = true, strides = array<i32>} : memref<24x384xf32, #tpu.memory_space<vmem>>, vector<16xf32>,
        %parallel_loop3A_366 = arith.index_cast %parallel_loop3A_192 : i32 to index
        %parallel_loop3A_367 = arith.constant 272 : index
        %parallel_loop3A_368 = tpu.vector_load %arg19[%parallel_loop3A_366, %parallel_loop3A_367] {strides = array<i32>} : memref<24x384xf32, #tpu.memory_space<vmem>>, vector<16xf32>,
        tpu.vector_store %arg19[%parallel_loop3A_366, %parallel_loop3A_367], %parallel_loop3A_362 {add = true, strides = array<i32>} : memref<24x384xf32, #tpu.memory_space<vmem>>, vector<16xf32>,
        %parallel_loop3A_369 = tpu.unpack_subelements %parallel_loop3A_280, 0 {pack_format = #tpu.pack_format<interleaved>} : vector<32xbf16> -> vector<16xf32>
        %parallel_loop3A_370 = tpu.unpack_subelements %parallel_loop3A_280, 1 {pack_format = #tpu.pack_format<interleaved>} : vector<32xbf16> -> vector<16xf32>
        %parallel_loop3A_371 = arith.index_cast %parallel_loop3A_192 : i32 to index
        %parallel_loop3A_372 = arith.constant 288 : index
        %parallel_loop3A_373 = tpu.vector_load %arg19[%parallel_loop3A_371, %parallel_loop3A_372] {strides = array<i32>} : memref<24x384xf32, #tpu.memory_space<vmem>>, vector<16xf32>,
        tpu.vector_store %arg19[%parallel_loop3A_371, %parallel_loop3A_372], %parallel_loop3A_369 {add = true, strides = array<i32>} : memref<24x384xf32, #tpu.memory_space<vmem>>, vector<16xf32>,
        %parallel_loop3A_374 = arith.index_cast %parallel_loop3A_192 : i32 to index
        %parallel_loop3A_375 = arith.constant 304 : index
        %parallel_loop3A_376 = tpu.vector_load %arg19[%parallel_loop3A_374, %parallel_loop3A_375] {strides = array<i32>} : memref<24x384xf32, #tpu.memory_space<vmem>>, vector<16xf32>,
        tpu.vector_store %arg19[%parallel_loop3A_374, %parallel_loop3A_375], %parallel_loop3A_370 {add = true, strides = array<i32>} : memref<24x384xf32, #tpu.memory_space<vmem>>, vector<16xf32>,
        %parallel_loop3A_377 = tpu.unpack_subelements %parallel_loop3A_288, 0 {pack_format = #tpu.pack_format<interleaved>} : vector<32xbf16> -> vector<16xf32>
        %parallel_loop3A_378 = tpu.unpack_subelements %parallel_loop3A_288, 1 {pack_format = #tpu.pack_format<interleaved>} : vector<32xbf16> -> vector<16xf32>
        %parallel_loop3A_379 = arith.index_cast %parallel_loop3A_192 : i32 to index
        %parallel_loop3A_380 = arith.constant 320 : index
        %parallel_loop3A_381 = tpu.vector_load %arg19[%parallel_loop3A_379, %parallel_loop3A_380] {strides = array<i32>} : memref<24x384xf32, #tpu.memory_space<vmem>>, vector<16xf32>,
        tpu.vector_store %arg19[%parallel_loop3A_379, %parallel_loop3A_380], %parallel_loop3A_377 {add = true, strides = array<i32>} : memref<24x384xf32, #tpu.memory_space<vmem>>, vector<16xf32>,
        %parallel_loop3A_382 = arith.index_cast %parallel_loop3A_192 : i32 to index
        %parallel_loop3A_383 = arith.constant 336 : index
        %parallel_loop3A_384 = tpu.vector_load %arg19[%parallel_loop3A_382, %parallel_loop3A_383] {strides = array<i32>} : memref<24x384xf32, #tpu.memory_space<vmem>>, vector<16xf32>,
        tpu.vector_store %arg19[%parallel_loop3A_382, %parallel_loop3A_383], %parallel_loop3A_378 {add = true, strides = array<i32>} : memref<24x384xf32, #tpu.memory_space<vmem>>, vector<16xf32>,
        %parallel_loop3A_385 = tpu.unpack_subelements %parallel_loop3A_296, 0 {pack_format = #tpu.pack_format<interleaved>} : vector<32xbf16> -> vector<16xf32>
        %parallel_loop3A_386 = tpu.unpack_subelements %parallel_loop3A_296, 1 {pack_format = #tpu.pack_format<interleaved>} : vector<32xbf16> -> vector<16xf32>
        %parallel_loop3A_387 = arith.index_cast %parallel_loop3A_192 : i32 to index
        %parallel_loop3A_388 = arith.constant 352 : index
        %parallel_loop3A_389 = tpu.vector_load %arg19[%parallel_loop3A_387, %parallel_loop3A_388] {strides = array<i32>} : memref<24x384xf32, #tpu.memory_space<vmem>>, vector<16xf32>,
        tpu.vector_store %arg19[%parallel_loop3A_387, %parallel_loop3A_388], %parallel_loop3A_385 {add = true, strides = array<i32>} : memref<24x384xf32, #tpu.memory_space<vmem>>, vector<16xf32>,
        %parallel_loop3A_390 = arith.index_cast %parallel_loop3A_192 : i32 to index
        %parallel_loop3A_391 = arith.constant 368 : index
        %parallel_loop3A_392 = tpu.vector_load %arg19[%parallel_loop3A_390, %parallel_loop3A_391] {strides = array<i32>} : memref<24x384xf32, #tpu.memory_space<vmem>>, vector<16xf32>,
        tpu.vector_store %arg19[%parallel_loop3A_390, %parallel_loop3A_391], %parallel_loop3A_386 {add = true, strides = array<i32>} : memref<24x384xf32, #tpu.memory_space<vmem>>, vector<16xf32>,
      } {sc.loop_unroll_factor = 1 : i64, sc.parallel_access}
      %mul3A_115 = arith.constant 24 : i32
      %mul3A_116 = arith.muli %add3A_99, %mul3A_115 : i32
      %add3A_117 = arith.addi %mul3A_2, %mul3A_116 : i32
      %dma_start3A_118 = tpu.memref_slice %arg9[%add3A_117, %mul3A_0] : memref<36864x768xf32, #tpu.memory_space<hbm>> -> memref<24x384xf32, #tpu.memory_space<hbm>>
      %dma_start3A_119 = tpu.memref_slice %arg9[%add3A_117, %mul3A_0] : memref<36864x768xf32, #tpu.memory_space<hbm>> -> memref<24x384xf32, #tpu.memory_space<hbm>>
      tpu.enqueue_dma source(%arg19 : memref<24x384xf32, #tpu.memory_space<vmem>>) target(%dma_start3A_119 : memref<24x384xf32, #tpu.memory_space<hbm>>) target_semaphore(%arg31 : memref<!tpu.dma_semaphore, #tpu.memory_space<semaphore_mem>>)
      %mul3A_120 = arith.constant 6 : i32
      %mul3A_121 = arith.muli %scan3A_51, %mul3A_120 : i32
      %add3A_122 = arith.constant 3 : i32
      %add3A_123 = arith.addi %mul3A_121, %add3A_122 : i32
      %mul3A_124 = arith.constant 24 : i32
      %mul3A_125 = arith.muli %add3A_123, %mul3A_124 : i32
      %add3A_126 = arith.addi %mul3A_2, %mul3A_125 : i32
      %dma_wait3A_127 = tpu.memref_slice %arg2[%add3A_126, %mul3A_0] : memref<36864x768xf32, #tpu.memory_space<hbm>> -> memref<24x384xf32, #tpu.memory_space<hbm>>
      %dma_wait3A_128 = tpu.memref_slice %arg2[%add3A_126, %mul3A_0] : memref<36864x768xf32, #tpu.memory_space<hbm>> -> memref<24x384xf32, #tpu.memory_space<hbm>>
      tpu.wait_dma2 semaphore(%arg26 : memref<!tpu.dma_semaphore, #tpu.memory_space<semaphore_mem>>) src(%dma_wait3A_128 : memref<24x384xf32, #tpu.memory_space<hbm>>) dst(%arg20 : memref<24x384xf32, #tpu.memory_space<vmem>>)
      %add3A_129 = arith.constant 4 : i32
      %add3A_130 = arith.addi %add3A_123, %add3A_129 : i32
      %lt3A_131 = arith.constant 96 : i32
      %lt3A_132 = arith.cmpi slt, %add3A_130, %lt3A_131 : i32
      %convert_element_type3A_133 = arith.extui %lt3A_132 : i1 to i32
      %cond3A_134 = arith.constant 0 : i32
      %cond3A_135 = arith.cmpi ne, %convert_element_type3A_133, %cond3A_134 : i32
      scf.if %cond3A_135 {
        %ge3A = arith.constant 2 : i32
        %ge3A_192 = arith.cmpi sge, %add3A_123, %ge3A : i32
        %convert_element_type3A_193 = arith.extui %ge3A_192 : i1 to i32
        %cond3A_194 = arith.constant 0 : i32
        %cond3A_195 = arith.cmpi ne, %convert_element_type3A_193, %cond3A_194 : i32
        scf.if %cond3A_195 {
          %mul3A_203 = arith.constant 24 : i32
          %mul3A_204 = arith.muli %add3A_123, %mul3A_203 : i32
          %add3A_205 = arith.addi %mul3A_2, %mul3A_204 : i32
          %dma_wait3A_206 = tpu.memref_slice %arg9[%add3A_205, %mul3A_0] : memref<36864x768xf32, #tpu.memory_space<hbm>> -> memref<24x384xf32, #tpu.memory_space<hbm>>
          %dma_wait3A_207 = tpu.memref_slice %arg9[%add3A_205, %mul3A_0] : memref<36864x768xf32, #tpu.memory_space<hbm>> -> memref<24x384xf32, #tpu.memory_space<hbm>>
          tpu.wait_dma2 semaphore(%arg30 : memref<!tpu.dma_semaphore, #tpu.memory_space<semaphore_mem>>) src(%arg18 : memref<24x384xf32, #tpu.memory_space<vmem>>) dst(%dma_wait3A_207 : memref<24x384xf32, #tpu.memory_space<hbm>>)
        } else {
        }
        %add3A_196 = arith.constant 4 : i32
        %add3A_197 = arith.addi %add3A_123, %add3A_196 : i32
        %mul3A_198 = arith.constant 24 : i32
        %mul3A_199 = arith.muli %add3A_197, %mul3A_198 : i32
        %add3A_200 = arith.addi %mul3A_2, %mul3A_199 : i32
        %dma_start3A_201 = tpu.memref_slice %arg2[%add3A_200, %mul3A_0] : memref<36864x768xf32, #tpu.memory_space<hbm>> -> memref<24x384xf32, #tpu.memory_space<hbm>>
        %dma_start3A_202 = tpu.memref_slice %arg2[%add3A_200, %mul3A_0] : memref<36864x768xf32, #tpu.memory_space<hbm>> -> memref<24x384xf32, #tpu.memory_space<hbm>>
        tpu.enqueue_dma source(%dma_start3A_202 : memref<24x384xf32, #tpu.memory_space<hbm>>) target(%arg18 : memref<24x384xf32, #tpu.memory_space<vmem>>) target_semaphore(%arg24 : memref<!tpu.dma_semaphore, #tpu.memory_space<semaphore_mem>>)
      } else {
      }
      %parallel_loop3A_136 = arith.constant 0 : i32
      %parallel_loop3A_137 = arith.constant 24 : i32
      %parallel_loop3A_138 = arith.constant 1 : i32
      scf.for %parallel_loop3A_192 = %parallel_loop3A_136 to %parallel_loop3A_137 step %parallel_loop3A_138  : i32 {
        %parallel_loop3A_193 = arith.constant 24 : i32
        %parallel_loop3A_194 = arith.muli %add3A_123, %parallel_loop3A_193 : i32
        %parallel_loop3A_195 = arith.addi %parallel_loop3A_194, %parallel_loop3A_192 : i32
        %parallel_loop3A_196 = vector.broadcast %parallel_loop3A_195 : i32 to vector<16xi32>
        %parallel_loop3A_197 = tpu.vector_load_idx %arg16[%parallel_loop3A_196] : memref<2304xi32, #tpu.memory_space<vmem>>[vector<16xi32>], vector<16xi32>,
        %parallel_loop3A_198 = arith.constant 8 : i32
        %parallel_loop3A_199 = vector.broadcast %parallel_loop3A_198 : i32 to vector<16xi32>
        %parallel_loop3A_200 = arith.shrsi %parallel_loop3A_197, %parallel_loop3A_199 : vector<16xi32>
        %parallel_loop3A_201 = arith.constant 255 : i32
        %parallel_loop3A_202 = vector.broadcast %parallel_loop3A_201 : i32 to vector<16xi32>
        %parallel_loop3A_203 = arith.andi %parallel_loop3A_197, %parallel_loop3A_202 : vector<16xi32>
        %parallel_loop3A_204 = tpu.vector_load_idx %arg10[%parallel_loop3A_200, %iota3A] : memref<128x192xi32, #tpu.memory_space<vmem>>[vector<16xi32>, vector<16xi32>], vector<16xi32>,
        %parallel_loop3A_205 = tpu.vector_load_idx %arg11[%parallel_loop3A_203, %iota3A] : memref<128x192xi32, #tpu.memory_space<vmem>>[vector<16xi32>, vector<16xi32>], vector<16xi32>,
        %parallel_loop3A_206 = vector.bitcast %parallel_loop3A_204 : vector<16xi32> to vector<32xbf16>
        %parallel_loop3A_207 = vector.bitcast %parallel_loop3A_205 : vector<16xi32> to vector<32xbf16>
        %parallel_loop3A_208 = arith.addf %parallel_loop3A_206, %parallel_loop3A_207 : vector<32xbf16>
        %parallel_loop3A_209 = arith.constant 16 : i32
        %parallel_loop3A_210 = vector.broadcast %parallel_loop3A_209 : i32 to vector<16xi32>
        %parallel_loop3A_211 = arith.addi %iota3A, %parallel_loop3A_210 : vector<16xi32>
        %parallel_loop3A_212 = tpu.vector_load_idx %arg10[%parallel_loop3A_200, %parallel_loop3A_211] : memref<128x192xi32, #tpu.memory_space<vmem>>[vector<16xi32>, vector<16xi32>], vector<16xi32>,
        %parallel_loop3A_213 = tpu.vector_load_idx %arg11[%parallel_loop3A_203, %parallel_loop3A_211] : memref<128x192xi32, #tpu.memory_space<vmem>>[vector<16xi32>, vector<16xi32>], vector<16xi32>,
        %parallel_loop3A_214 = vector.bitcast %parallel_loop3A_212 : vector<16xi32> to vector<32xbf16>
        %parallel_loop3A_215 = vector.bitcast %parallel_loop3A_213 : vector<16xi32> to vector<32xbf16>
        %parallel_loop3A_216 = arith.addf %parallel_loop3A_214, %parallel_loop3A_215 : vector<32xbf16>
        %parallel_loop3A_217 = arith.constant 16 : i32
        %parallel_loop3A_218 = vector.broadcast %parallel_loop3A_217 : i32 to vector<16xi32>
        %parallel_loop3A_219 = arith.addi %parallel_loop3A_211, %parallel_loop3A_218 : vector<16xi32>
        %parallel_loop3A_220 = tpu.vector_load_idx %arg10[%parallel_loop3A_200, %parallel_loop3A_219] : memref<128x192xi32, #tpu.memory_space<vmem>>[vector<16xi32>, vector<16xi32>], vector<16xi32>,
        %parallel_loop3A_221 = tpu.vector_load_idx %arg11[%parallel_loop3A_203, %parallel_loop3A_219] : memref<128x192xi32, #tpu.memory_space<vmem>>[vector<16xi32>, vector<16xi32>], vector<16xi32>,
        %parallel_loop3A_222 = vector.bitcast %parallel_loop3A_220 : vector<16xi32> to vector<32xbf16>
        %parallel_loop3A_223 = vector.bitcast %parallel_loop3A_221 : vector<16xi32> to vector<32xbf16>
        %parallel_loop3A_224 = arith.addf %parallel_loop3A_222, %parallel_loop3A_223 : vector<32xbf16>
        %parallel_loop3A_225 = arith.constant 16 : i32
        %parallel_loop3A_226 = vector.broadcast %parallel_loop3A_225 : i32 to vector<16xi32>
        %parallel_loop3A_227 = arith.addi %parallel_loop3A_219, %parallel_loop3A_226 : vector<16xi32>
        %parallel_loop3A_228 = tpu.vector_load_idx %arg10[%parallel_loop3A_200, %parallel_loop3A_227] : memref<128x192xi32, #tpu.memory_space<vmem>>[vector<16xi32>, vector<16xi32>], vector<16xi32>,
        %parallel_loop3A_229 = tpu.vector_load_idx %arg11[%parallel_loop3A_203, %parallel_loop3A_227] : memref<128x192xi32, #tpu.memory_space<vmem>>[vector<16xi32>, vector<16xi32>], vector<16xi32>,
        %parallel_loop3A_230 = vector.bitcast %parallel_loop3A_228 : vector<16xi32> to vector<32xbf16>
        %parallel_loop3A_231 = vector.bitcast %parallel_loop3A_229 : vector<16xi32> to vector<32xbf16>
        %parallel_loop3A_232 = arith.addf %parallel_loop3A_230, %parallel_loop3A_231 : vector<32xbf16>
        %parallel_loop3A_233 = arith.constant 16 : i32
        %parallel_loop3A_234 = vector.broadcast %parallel_loop3A_233 : i32 to vector<16xi32>
        %parallel_loop3A_235 = arith.addi %parallel_loop3A_227, %parallel_loop3A_234 : vector<16xi32>
        %parallel_loop3A_236 = tpu.vector_load_idx %arg10[%parallel_loop3A_200, %parallel_loop3A_235] : memref<128x192xi32, #tpu.memory_space<vmem>>[vector<16xi32>, vector<16xi32>], vector<16xi32>,
        %parallel_loop3A_237 = tpu.vector_load_idx %arg11[%parallel_loop3A_203, %parallel_loop3A_235] : memref<128x192xi32, #tpu.memory_space<vmem>>[vector<16xi32>, vector<16xi32>], vector<16xi32>,
        %parallel_loop3A_238 = vector.bitcast %parallel_loop3A_236 : vector<16xi32> to vector<32xbf16>
        %parallel_loop3A_239 = vector.bitcast %parallel_loop3A_237 : vector<16xi32> to vector<32xbf16>
        %parallel_loop3A_240 = arith.addf %parallel_loop3A_238, %parallel_loop3A_239 : vector<32xbf16>
        %parallel_loop3A_241 = arith.constant 16 : i32
        %parallel_loop3A_242 = vector.broadcast %parallel_loop3A_241 : i32 to vector<16xi32>
        %parallel_loop3A_243 = arith.addi %parallel_loop3A_235, %parallel_loop3A_242 : vector<16xi32>
        %parallel_loop3A_244 = tpu.vector_load_idx %arg10[%parallel_loop3A_200, %parallel_loop3A_243] : memref<128x192xi32, #tpu.memory_space<vmem>>[vector<16xi32>, vector<16xi32>], vector<16xi32>,
        %parallel_loop3A_245 = tpu.vector_load_idx %arg11[%parallel_loop3A_203, %parallel_loop3A_243] : memref<128x192xi32, #tpu.memory_space<vmem>>[vector<16xi32>, vector<16xi32>], vector<16xi32>,
        %parallel_loop3A_246 = vector.bitcast %parallel_loop3A_244 : vector<16xi32> to vector<32xbf16>
        %parallel_loop3A_247 = vector.bitcast %parallel_loop3A_245 : vector<16xi32> to vector<32xbf16>
        %parallel_loop3A_248 = arith.addf %parallel_loop3A_246, %parallel_loop3A_247 : vector<32xbf16>
        %parallel_loop3A_249 = arith.constant 16 : i32
        %parallel_loop3A_250 = vector.broadcast %parallel_loop3A_249 : i32 to vector<16xi32>
        %parallel_loop3A_251 = arith.addi %parallel_loop3A_243, %parallel_loop3A_250 : vector<16xi32>
        %parallel_loop3A_252 = tpu.vector_load_idx %arg10[%parallel_loop3A_200, %parallel_loop3A_251] : memref<128x192xi32, #tpu.memory_space<vmem>>[vector<16xi32>, vector<16xi32>], vector<16xi32>,
        %parallel_loop3A_253 = tpu.vector_load_idx %arg11[%parallel_loop3A_203, %parallel_loop3A_251] : memref<128x192xi32, #tpu.memory_space<vmem>>[vector<16xi32>, vector<16xi32>], vector<16xi32>,
        %parallel_loop3A_254 = vector.bitcast %parallel_loop3A_252 : vector<16xi32> to vector<32xbf16>
        %parallel_loop3A_255 = vector.bitcast %parallel_loop3A_253 : vector<16xi32> to vector<32xbf16>
        %parallel_loop3A_256 = arith.addf %parallel_loop3A_254, %parallel_loop3A_255 : vector<32xbf16>
        %parallel_loop3A_257 = arith.constant 16 : i32
        %parallel_loop3A_258 = vector.broadcast %parallel_loop3A_257 : i32 to vector<16xi32>
        %parallel_loop3A_259 = arith.addi %parallel_loop3A_251, %parallel_loop3A_258 : vector<16xi32>
        %parallel_loop3A_260 = tpu.vector_load_idx %arg10[%parallel_loop3A_200, %parallel_loop3A_259] : memref<128x192xi32, #tpu.memory_space<vmem>>[vector<16xi32>, vector<16xi32>], vector<16xi32>,
        %parallel_loop3A_261 = tpu.vector_load_idx %arg11[%parallel_loop3A_203, %parallel_loop3A_259] : memref<128x192xi32, #tpu.memory_space<vmem>>[vector<16xi32>, vector<16xi32>], vector<16xi32>,
        %parallel_loop3A_262 = vector.bitcast %parallel_loop3A_260 : vector<16xi32> to vector<32xbf16>
        %parallel_loop3A_263 = vector.bitcast %parallel_loop3A_261 : vector<16xi32> to vector<32xbf16>
        %parallel_loop3A_264 = arith.addf %parallel_loop3A_262, %parallel_loop3A_263 : vector<32xbf16>
        %parallel_loop3A_265 = arith.constant 16 : i32
        %parallel_loop3A_266 = vector.broadcast %parallel_loop3A_265 : i32 to vector<16xi32>
        %parallel_loop3A_267 = arith.addi %parallel_loop3A_259, %parallel_loop3A_266 : vector<16xi32>
        %parallel_loop3A_268 = tpu.vector_load_idx %arg10[%parallel_loop3A_200, %parallel_loop3A_267] : memref<128x192xi32, #tpu.memory_space<vmem>>[vector<16xi32>, vector<16xi32>], vector<16xi32>,
        %parallel_loop3A_269 = tpu.vector_load_idx %arg11[%parallel_loop3A_203, %parallel_loop3A_267] : memref<128x192xi32, #tpu.memory_space<vmem>>[vector<16xi32>, vector<16xi32>], vector<16xi32>,
        %parallel_loop3A_270 = vector.bitcast %parallel_loop3A_268 : vector<16xi32> to vector<32xbf16>
        %parallel_loop3A_271 = vector.bitcast %parallel_loop3A_269 : vector<16xi32> to vector<32xbf16>
        %parallel_loop3A_272 = arith.addf %parallel_loop3A_270, %parallel_loop3A_271 : vector<32xbf16>
        %parallel_loop3A_273 = arith.constant 16 : i32
        %parallel_loop3A_274 = vector.broadcast %parallel_loop3A_273 : i32 to vector<16xi32>
        %parallel_loop3A_275 = arith.addi %parallel_loop3A_267, %parallel_loop3A_274 : vector<16xi32>
        %parallel_loop3A_276 = tpu.vector_load_idx %arg10[%parallel_loop3A_200, %parallel_loop3A_275] : memref<128x192xi32, #tpu.memory_space<vmem>>[vector<16xi32>, vector<16xi32>], vector<16xi32>,
        %parallel_loop3A_277 = tpu.vector_load_idx %arg11[%parallel_loop3A_203, %parallel_loop3A_275] : memref<128x192xi32, #tpu.memory_space<vmem>>[vector<16xi32>, vector<16xi32>], vector<16xi32>,
        %parallel_loop3A_278 = vector.bitcast %parallel_loop3A_276 : vector<16xi32> to vector<32xbf16>
        %parallel_loop3A_279 = vector.bitcast %parallel_loop3A_277 : vector<16xi32> to vector<32xbf16>
        %parallel_loop3A_280 = arith.addf %parallel_loop3A_278, %parallel_loop3A_279 : vector<32xbf16>
        %parallel_loop3A_281 = arith.constant 16 : i32
        %parallel_loop3A_282 = vector.broadcast %parallel_loop3A_281 : i32 to vector<16xi32>
        %parallel_loop3A_283 = arith.addi %parallel_loop3A_275, %parallel_loop3A_282 : vector<16xi32>
        %parallel_loop3A_284 = tpu.vector_load_idx %arg10[%parallel_loop3A_200, %parallel_loop3A_283] : memref<128x192xi32, #tpu.memory_space<vmem>>[vector<16xi32>, vector<16xi32>], vector<16xi32>,
        %parallel_loop3A_285 = tpu.vector_load_idx %arg11[%parallel_loop3A_203, %parallel_loop3A_283] : memref<128x192xi32, #tpu.memory_space<vmem>>[vector<16xi32>, vector<16xi32>], vector<16xi32>,
        %parallel_loop3A_286 = vector.bitcast %parallel_loop3A_284 : vector<16xi32> to vector<32xbf16>
        %parallel_loop3A_287 = vector.bitcast %parallel_loop3A_285 : vector<16xi32> to vector<32xbf16>
        %parallel_loop3A_288 = arith.addf %parallel_loop3A_286, %parallel_loop3A_287 : vector<32xbf16>
        %parallel_loop3A_289 = arith.constant 16 : i32
        %parallel_loop3A_290 = vector.broadcast %parallel_loop3A_289 : i32 to vector<16xi32>
        %parallel_loop3A_291 = arith.addi %parallel_loop3A_283, %parallel_loop3A_290 : vector<16xi32>
        %parallel_loop3A_292 = tpu.vector_load_idx %arg10[%parallel_loop3A_200, %parallel_loop3A_291] : memref<128x192xi32, #tpu.memory_space<vmem>>[vector<16xi32>, vector<16xi32>], vector<16xi32>,
        %parallel_loop3A_293 = tpu.vector_load_idx %arg11[%parallel_loop3A_203, %parallel_loop3A_291] : memref<128x192xi32, #tpu.memory_space<vmem>>[vector<16xi32>, vector<16xi32>], vector<16xi32>,
        %parallel_loop3A_294 = vector.bitcast %parallel_loop3A_292 : vector<16xi32> to vector<32xbf16>
        %parallel_loop3A_295 = vector.bitcast %parallel_loop3A_293 : vector<16xi32> to vector<32xbf16>
        %parallel_loop3A_296 = arith.addf %parallel_loop3A_294, %parallel_loop3A_295 : vector<32xbf16>
        %parallel_loop3A_297 = tpu.unpack_subelements %parallel_loop3A_208, 0 {pack_format = #tpu.pack_format<interleaved>} : vector<32xbf16> -> vector<16xf32>
        %parallel_loop3A_298 = tpu.unpack_subelements %parallel_loop3A_208, 1 {pack_format = #tpu.pack_format<interleaved>} : vector<32xbf16> -> vector<16xf32>
        %parallel_loop3A_299 = arith.index_cast %parallel_loop3A_192 : i32 to index
        %parallel_loop3A_300 = arith.constant 0 : index
        %parallel_loop3A_301 = tpu.vector_load %arg20[%parallel_loop3A_299, %parallel_loop3A_300] {strides = array<i32>} : memref<24x384xf32, #tpu.memory_space<vmem>>, vector<16xf32>,
        tpu.vector_store %arg20[%parallel_loop3A_299, %parallel_loop3A_300], %parallel_loop3A_297 {add = true, strides = array<i32>} : memref<24x384xf32, #tpu.memory_space<vmem>>, vector<16xf32>,
        %parallel_loop3A_302 = arith.index_cast %parallel_loop3A_192 : i32 to index
        %parallel_loop3A_303 = arith.constant 16 : index
        %parallel_loop3A_304 = tpu.vector_load %arg20[%parallel_loop3A_302, %parallel_loop3A_303] {strides = array<i32>} : memref<24x384xf32, #tpu.memory_space<vmem>>, vector<16xf32>,
        tpu.vector_store %arg20[%parallel_loop3A_302, %parallel_loop3A_303], %parallel_loop3A_298 {add = true, strides = array<i32>} : memref<24x384xf32, #tpu.memory_space<vmem>>, vector<16xf32>,
        %parallel_loop3A_305 = tpu.unpack_subelements %parallel_loop3A_216, 0 {pack_format = #tpu.pack_format<interleaved>} : vector<32xbf16> -> vector<16xf32>
        %parallel_loop3A_306 = tpu.unpack_subelements %parallel_loop3A_216, 1 {pack_format = #tpu.pack_format<interleaved>} : vector<32xbf16> -> vector<16xf32>
        %parallel_loop3A_307 = arith.index_cast %parallel_loop3A_192 : i32 to index
        %parallel_loop3A_308 = arith.constant 32 : index
        %parallel_loop3A_309 = tpu.vector_load %arg20[%parallel_loop3A_307, %parallel_loop3A_308] {strides = array<i32>} : memref<24x384xf32, #tpu.memory_space<vmem>>, vector<16xf32>,
        tpu.vector_store %arg20[%parallel_loop3A_307, %parallel_loop3A_308], %parallel_loop3A_305 {add = true, strides = array<i32>} : memref<24x384xf32, #tpu.memory_space<vmem>>, vector<16xf32>,
        %parallel_loop3A_310 = arith.index_cast %parallel_loop3A_192 : i32 to index
        %parallel_loop3A_311 = arith.constant 48 : index
        %parallel_loop3A_312 = tpu.vector_load %arg20[%parallel_loop3A_310, %parallel_loop3A_311] {strides = array<i32>} : memref<24x384xf32, #tpu.memory_space<vmem>>, vector<16xf32>,
        tpu.vector_store %arg20[%parallel_loop3A_310, %parallel_loop3A_311], %parallel_loop3A_306 {add = true, strides = array<i32>} : memref<24x384xf32, #tpu.memory_space<vmem>>, vector<16xf32>,
        %parallel_loop3A_313 = tpu.unpack_subelements %parallel_loop3A_224, 0 {pack_format = #tpu.pack_format<interleaved>} : vector<32xbf16> -> vector<16xf32>
        %parallel_loop3A_314 = tpu.unpack_subelements %parallel_loop3A_224, 1 {pack_format = #tpu.pack_format<interleaved>} : vector<32xbf16> -> vector<16xf32>
        %parallel_loop3A_315 = arith.index_cast %parallel_loop3A_192 : i32 to index
        %parallel_loop3A_316 = arith.constant 64 : index
        %parallel_loop3A_317 = tpu.vector_load %arg20[%parallel_loop3A_315, %parallel_loop3A_316] {strides = array<i32>} : memref<24x384xf32, #tpu.memory_space<vmem>>, vector<16xf32>,
        tpu.vector_store %arg20[%parallel_loop3A_315, %parallel_loop3A_316], %parallel_loop3A_313 {add = true, strides = array<i32>} : memref<24x384xf32, #tpu.memory_space<vmem>>, vector<16xf32>,
        %parallel_loop3A_318 = arith.index_cast %parallel_loop3A_192 : i32 to index
        %parallel_loop3A_319 = arith.constant 80 : index
        %parallel_loop3A_320 = tpu.vector_load %arg20[%parallel_loop3A_318, %parallel_loop3A_319] {strides = array<i32>} : memref<24x384xf32, #tpu.memory_space<vmem>>, vector<16xf32>,
        tpu.vector_store %arg20[%parallel_loop3A_318, %parallel_loop3A_319], %parallel_loop3A_314 {add = true, strides = array<i32>} : memref<24x384xf32, #tpu.memory_space<vmem>>, vector<16xf32>,
        %parallel_loop3A_321 = tpu.unpack_subelements %parallel_loop3A_232, 0 {pack_format = #tpu.pack_format<interleaved>} : vector<32xbf16> -> vector<16xf32>
        %parallel_loop3A_322 = tpu.unpack_subelements %parallel_loop3A_232, 1 {pack_format = #tpu.pack_format<interleaved>} : vector<32xbf16> -> vector<16xf32>
        %parallel_loop3A_323 = arith.index_cast %parallel_loop3A_192 : i32 to index
        %parallel_loop3A_324 = arith.constant 96 : index
        %parallel_loop3A_325 = tpu.vector_load %arg20[%parallel_loop3A_323, %parallel_loop3A_324] {strides = array<i32>} : memref<24x384xf32, #tpu.memory_space<vmem>>, vector<16xf32>,
        tpu.vector_store %arg20[%parallel_loop3A_323, %parallel_loop3A_324], %parallel_loop3A_321 {add = true, strides = array<i32>} : memref<24x384xf32, #tpu.memory_space<vmem>>, vector<16xf32>,
        %parallel_loop3A_326 = arith.index_cast %parallel_loop3A_192 : i32 to index
        %parallel_loop3A_327 = arith.constant 112 : index
        %parallel_loop3A_328 = tpu.vector_load %arg20[%parallel_loop3A_326, %parallel_loop3A_327] {strides = array<i32>} : memref<24x384xf32, #tpu.memory_space<vmem>>, vector<16xf32>,
        tpu.vector_store %arg20[%parallel_loop3A_326, %parallel_loop3A_327], %parallel_loop3A_322 {add = true, strides = array<i32>} : memref<24x384xf32, #tpu.memory_space<vmem>>, vector<16xf32>,
        %parallel_loop3A_329 = tpu.unpack_subelements %parallel_loop3A_240, 0 {pack_format = #tpu.pack_format<interleaved>} : vector<32xbf16> -> vector<16xf32>
        %parallel_loop3A_330 = tpu.unpack_subelements %parallel_loop3A_240, 1 {pack_format = #tpu.pack_format<interleaved>} : vector<32xbf16> -> vector<16xf32>
        %parallel_loop3A_331 = arith.index_cast %parallel_loop3A_192 : i32 to index
        %parallel_loop3A_332 = arith.constant 128 : index
        %parallel_loop3A_333 = tpu.vector_load %arg20[%parallel_loop3A_331, %parallel_loop3A_332] {strides = array<i32>} : memref<24x384xf32, #tpu.memory_space<vmem>>, vector<16xf32>,
        tpu.vector_store %arg20[%parallel_loop3A_331, %parallel_loop3A_332], %parallel_loop3A_329 {add = true, strides = array<i32>} : memref<24x384xf32, #tpu.memory_space<vmem>>, vector<16xf32>,
        %parallel_loop3A_334 = arith.index_cast %parallel_loop3A_192 : i32 to index
        %parallel_loop3A_335 = arith.constant 144 : index
        %parallel_loop3A_336 = tpu.vector_load %arg20[%parallel_loop3A_334, %parallel_loop3A_335] {strides = array<i32>} : memref<24x384xf32, #tpu.memory_space<vmem>>, vector<16xf32>,
        tpu.vector_store %arg20[%parallel_loop3A_334, %parallel_loop3A_335], %parallel_loop3A_330 {add = true, strides = array<i32>} : memref<24x384xf32, #tpu.memory_space<vmem>>, vector<16xf32>,
        %parallel_loop3A_337 = tpu.unpack_subelements %parallel_loop3A_248, 0 {pack_format = #tpu.pack_format<interleaved>} : vector<32xbf16> -> vector<16xf32>
        %parallel_loop3A_338 = tpu.unpack_subelements %parallel_loop3A_248, 1 {pack_format = #tpu.pack_format<interleaved>} : vector<32xbf16> -> vector<16xf32>
        %parallel_loop3A_339 = arith.index_cast %parallel_loop3A_192 : i32 to index
        %parallel_loop3A_340 = arith.constant 160 : index
        %parallel_loop3A_341 = tpu.vector_load %arg20[%parallel_loop3A_339, %parallel_loop3A_340] {strides = array<i32>} : memref<24x384xf32, #tpu.memory_space<vmem>>, vector<16xf32>,
        tpu.vector_store %arg20[%parallel_loop3A_339, %parallel_loop3A_340], %parallel_loop3A_337 {add = true, strides = array<i32>} : memref<24x384xf32, #tpu.memory_space<vmem>>, vector<16xf32>,
        %parallel_loop3A_342 = arith.index_cast %parallel_loop3A_192 : i32 to index
        %parallel_loop3A_343 = arith.constant 176 : index
        %parallel_loop3A_344 = tpu.vector_load %arg20[%parallel_loop3A_342, %parallel_loop3A_343] {strides = array<i32>} : memref<24x384xf32, #tpu.memory_space<vmem>>, vector<16xf32>,
        tpu.vector_store %arg20[%parallel_loop3A_342, %parallel_loop3A_343], %parallel_loop3A_338 {add = true, strides = array<i32>} : memref<24x384xf32, #tpu.memory_space<vmem>>, vector<16xf32>,
        %parallel_loop3A_345 = tpu.unpack_subelements %parallel_loop3A_256, 0 {pack_format = #tpu.pack_format<interleaved>} : vector<32xbf16> -> vector<16xf32>
        %parallel_loop3A_346 = tpu.unpack_subelements %parallel_loop3A_256, 1 {pack_format = #tpu.pack_format<interleaved>} : vector<32xbf16> -> vector<16xf32>
        %parallel_loop3A_347 = arith.index_cast %parallel_loop3A_192 : i32 to index
        %parallel_loop3A_348 = arith.constant 192 : index
        %parallel_loop3A_349 = tpu.vector_load %arg20[%parallel_loop3A_347, %parallel_loop3A_348] {strides = array<i32>} : memref<24x384xf32, #tpu.memory_space<vmem>>, vector<16xf32>,
        tpu.vector_store %arg20[%parallel_loop3A_347, %parallel_loop3A_348], %parallel_loop3A_345 {add = true, strides = array<i32>} : memref<24x384xf32, #tpu.memory_space<vmem>>, vector<16xf32>,
        %parallel_loop3A_350 = arith.index_cast %parallel_loop3A_192 : i32 to index
        %parallel_loop3A_351 = arith.constant 208 : index
        %parallel_loop3A_352 = tpu.vector_load %arg20[%parallel_loop3A_350, %parallel_loop3A_351] {strides = array<i32>} : memref<24x384xf32, #tpu.memory_space<vmem>>, vector<16xf32>,
        tpu.vector_store %arg20[%parallel_loop3A_350, %parallel_loop3A_351], %parallel_loop3A_346 {add = true, strides = array<i32>} : memref<24x384xf32, #tpu.memory_space<vmem>>, vector<16xf32>,
        %parallel_loop3A_353 = tpu.unpack_subelements %parallel_loop3A_264, 0 {pack_format = #tpu.pack_format<interleaved>} : vector<32xbf16> -> vector<16xf32>
        %parallel_loop3A_354 = tpu.unpack_subelements %parallel_loop3A_264, 1 {pack_format = #tpu.pack_format<interleaved>} : vector<32xbf16> -> vector<16xf32>
        %parallel_loop3A_355 = arith.index_cast %parallel_loop3A_192 : i32 to index
        %parallel_loop3A_356 = arith.constant 224 : index
        %parallel_loop3A_357 = tpu.vector_load %arg20[%parallel_loop3A_355, %parallel_loop3A_356] {strides = array<i32>} : memref<24x384xf32, #tpu.memory_space<vmem>>, vector<16xf32>,
        tpu.vector_store %arg20[%parallel_loop3A_355, %parallel_loop3A_356], %parallel_loop3A_353 {add = true, strides = array<i32>} : memref<24x384xf32, #tpu.memory_space<vmem>>, vector<16xf32>,
        %parallel_loop3A_358 = arith.index_cast %parallel_loop3A_192 : i32 to index
        %parallel_loop3A_359 = arith.constant 240 : index
        %parallel_loop3A_360 = tpu.vector_load %arg20[%parallel_loop3A_358, %parallel_loop3A_359] {strides = array<i32>} : memref<24x384xf32, #tpu.memory_space<vmem>>, vector<16xf32>,
        tpu.vector_store %arg20[%parallel_loop3A_358, %parallel_loop3A_359], %parallel_loop3A_354 {add = true, strides = array<i32>} : memref<24x384xf32, #tpu.memory_space<vmem>>, vector<16xf32>,
        %parallel_loop3A_361 = tpu.unpack_subelements %parallel_loop3A_272, 0 {pack_format = #tpu.pack_format<interleaved>} : vector<32xbf16> -> vector<16xf32>
        %parallel_loop3A_362 = tpu.unpack_subelements %parallel_loop3A_272, 1 {pack_format = #tpu.pack_format<interleaved>} : vector<32xbf16> -> vector<16xf32>
        %parallel_loop3A_363 = arith.index_cast %parallel_loop3A_192 : i32 to index
        %parallel_loop3A_364 = arith.constant 256 : index
        %parallel_loop3A_365 = tpu.vector_load %arg20[%parallel_loop3A_363, %parallel_loop3A_364] {strides = array<i32>} : memref<24x384xf32, #tpu.memory_space<vmem>>, vector<16xf32>,
        tpu.vector_store %arg20[%parallel_loop3A_363, %parallel_loop3A_364], %parallel_loop3A_361 {add = true, strides = array<i32>} : memref<24x384xf32, #tpu.memory_space<vmem>>, vector<16xf32>,
        %parallel_loop3A_366 = arith.index_cast %parallel_loop3A_192 : i32 to index
        %parallel_loop3A_367 = arith.constant 272 : index
        %parallel_loop3A_368 = tpu.vector_load %arg20[%parallel_loop3A_366, %parallel_loop3A_367] {strides = array<i32>} : memref<24x384xf32, #tpu.memory_space<vmem>>, vector<16xf32>,
        tpu.vector_store %arg20[%parallel_loop3A_366, %parallel_loop3A_367], %parallel_loop3A_362 {add = true, strides = array<i32>} : memref<24x384xf32, #tpu.memory_space<vmem>>, vector<16xf32>,
        %parallel_loop3A_369 = tpu.unpack_subelements %parallel_loop3A_280, 0 {pack_format = #tpu.pack_format<interleaved>} : vector<32xbf16> -> vector<16xf32>
        %parallel_loop3A_370 = tpu.unpack_subelements %parallel_loop3A_280, 1 {pack_format = #tpu.pack_format<interleaved>} : vector<32xbf16> -> vector<16xf32>
        %parallel_loop3A_371 = arith.index_cast %parallel_loop3A_192 : i32 to index
        %parallel_loop3A_372 = arith.constant 288 : index
        %parallel_loop3A_373 = tpu.vector_load %arg20[%parallel_loop3A_371, %parallel_loop3A_372] {strides = array<i32>} : memref<24x384xf32, #tpu.memory_space<vmem>>, vector<16xf32>,
        tpu.vector_store %arg20[%parallel_loop3A_371, %parallel_loop3A_372], %parallel_loop3A_369 {add = true, strides = array<i32>} : memref<24x384xf32, #tpu.memory_space<vmem>>, vector<16xf32>,
        %parallel_loop3A_374 = arith.index_cast %parallel_loop3A_192 : i32 to index
        %parallel_loop3A_375 = arith.constant 304 : index
        %parallel_loop3A_376 = tpu.vector_load %arg20[%parallel_loop3A_374, %parallel_loop3A_375] {strides = array<i32>} : memref<24x384xf32, #tpu.memory_space<vmem>>, vector<16xf32>,
        tpu.vector_store %arg20[%parallel_loop3A_374, %parallel_loop3A_375], %parallel_loop3A_370 {add = true, strides = array<i32>} : memref<24x384xf32, #tpu.memory_space<vmem>>, vector<16xf32>,
        %parallel_loop3A_377 = tpu.unpack_subelements %parallel_loop3A_288, 0 {pack_format = #tpu.pack_format<interleaved>} : vector<32xbf16> -> vector<16xf32>
        %parallel_loop3A_378 = tpu.unpack_subelements %parallel_loop3A_288, 1 {pack_format = #tpu.pack_format<interleaved>} : vector<32xbf16> -> vector<16xf32>
        %parallel_loop3A_379 = arith.index_cast %parallel_loop3A_192 : i32 to index
        %parallel_loop3A_380 = arith.constant 320 : index
        %parallel_loop3A_381 = tpu.vector_load %arg20[%parallel_loop3A_379, %parallel_loop3A_380] {strides = array<i32>} : memref<24x384xf32, #tpu.memory_space<vmem>>, vector<16xf32>,
        tpu.vector_store %arg20[%parallel_loop3A_379, %parallel_loop3A_380], %parallel_loop3A_377 {add = true, strides = array<i32>} : memref<24x384xf32, #tpu.memory_space<vmem>>, vector<16xf32>,
        %parallel_loop3A_382 = arith.index_cast %parallel_loop3A_192 : i32 to index
        %parallel_loop3A_383 = arith.constant 336 : index
        %parallel_loop3A_384 = tpu.vector_load %arg20[%parallel_loop3A_382, %parallel_loop3A_383] {strides = array<i32>} : memref<24x384xf32, #tpu.memory_space<vmem>>, vector<16xf32>,
        tpu.vector_store %arg20[%parallel_loop3A_382, %parallel_loop3A_383], %parallel_loop3A_378 {add = true, strides = array<i32>} : memref<24x384xf32, #tpu.memory_space<vmem>>, vector<16xf32>,
        %parallel_loop3A_385 = tpu.unpack_subelements %parallel_loop3A_296, 0 {pack_format = #tpu.pack_format<interleaved>} : vector<32xbf16> -> vector<16xf32>
        %parallel_loop3A_386 = tpu.unpack_subelements %parallel_loop3A_296, 1 {pack_format = #tpu.pack_format<interleaved>} : vector<32xbf16> -> vector<16xf32>
        %parallel_loop3A_387 = arith.index_cast %parallel_loop3A_192 : i32 to index
        %parallel_loop3A_388 = arith.constant 352 : index
        %parallel_loop3A_389 = tpu.vector_load %arg20[%parallel_loop3A_387, %parallel_loop3A_388] {strides = array<i32>} : memref<24x384xf32, #tpu.memory_space<vmem>>, vector<16xf32>,
        tpu.vector_store %arg20[%parallel_loop3A_387, %parallel_loop3A_388], %parallel_loop3A_385 {add = true, strides = array<i32>} : memref<24x384xf32, #tpu.memory_space<vmem>>, vector<16xf32>,
        %parallel_loop3A_390 = arith.index_cast %parallel_loop3A_192 : i32 to index
        %parallel_loop3A_391 = arith.constant 368 : index
        %parallel_loop3A_392 = tpu.vector_load %arg20[%parallel_loop3A_390, %parallel_loop3A_391] {strides = array<i32>} : memref<24x384xf32, #tpu.memory_space<vmem>>, vector<16xf32>,
        tpu.vector_store %arg20[%parallel_loop3A_390, %parallel_loop3A_391], %parallel_loop3A_386 {add = true, strides = array<i32>} : memref<24x384xf32, #tpu.memory_space<vmem>>, vector<16xf32>,
      } {sc.loop_unroll_factor = 1 : i64, sc.parallel_access}
      %mul3A_139 = arith.constant 24 : i32
      %mul3A_140 = arith.muli %add3A_123, %mul3A_139 : i32
      %add3A_141 = arith.addi %mul3A_2, %mul3A_140 : i32
      %dma_start3A_142 = tpu.memref_slice %arg9[%add3A_141, %mul3A_0] : memref<36864x768xf32, #tpu.memory_space<hbm>> -> memref<24x384xf32, #tpu.memory_space<hbm>>
      %dma_start3A_143 = tpu.memref_slice %arg9[%add3A_141, %mul3A_0] : memref<36864x768xf32, #tpu.memory_space<hbm>> -> memref<24x384xf32, #tpu.memory_space<hbm>>
      tpu.enqueue_dma source(%arg20 : memref<24x384xf32, #tpu.memory_space<vmem>>) target(%dma_start3A_143 : memref<24x384xf32, #tpu.memory_space<hbm>>) target_semaphore(%arg32 : memref<!tpu.dma_semaphore, #tpu.memory_space<semaphore_mem>>)
      %mul3A_144 = arith.constant 6 : i32
      %mul3A_145 = arith.muli %scan3A_51, %mul3A_144 : i32
      %add3A_146 = arith.constant 4 : i32
      %add3A_147 = arith.addi %mul3A_145, %add3A_146 : i32
      %mul3A_148 = arith.constant 24 : i32
      %mul3A_149 = arith.muli %add3A_147, %mul3A_148 : i32
      %add3A_150 = arith.addi %mul3A_2, %mul3A_149 : i32
      %dma_wait3A_151 = tpu.memref_slice %arg2[%add3A_150, %mul3A_0] : memref<36864x768xf32, #tpu.memory_space<hbm>> -> memref<24x384xf32, #tpu.memory_space<hbm>>
      %dma_wait3A_152 = tpu.memref_slice %arg2[%add3A_150, %mul3A_0] : memref<36864x768xf32, #tpu.memory_space<hbm>> -> memref<24x384xf32, #tpu.memory_space<hbm>>
      tpu.wait_dma2 semaphore(%arg27 : memref<!tpu.dma_semaphore, #tpu.memory_space<semaphore_mem>>) src(%dma_wait3A_152 : memref<24x384xf32, #tpu.memory_space<hbm>>) dst(%arg21 : memref<24x384xf32, #tpu.memory_space<vmem>>)
      %add3A_153 = arith.constant 4 : i32
      %add3A_154 = arith.addi %add3A_147, %add3A_153 : i32
      %lt3A_155 = arith.constant 96 : i32
      %lt3A_156 = arith.cmpi slt, %add3A_154, %lt3A_155 : i32
      %convert_element_type3A_157 = arith.extui %lt3A_156 : i1 to i32
      %cond3A_158 = arith.constant 0 : i32
      %cond3A_159 = arith.cmpi ne, %convert_element_type3A_157, %cond3A_158 : i32
      scf.if %cond3A_159 {
        %ge3A = arith.constant 2 : i32
        %ge3A_192 = arith.cmpi sge, %add3A_147, %ge3A : i32
        %convert_element_type3A_193 = arith.extui %ge3A_192 : i1 to i32
        %cond3A_194 = arith.constant 0 : i32
        %cond3A_195 = arith.cmpi ne, %convert_element_type3A_193, %cond3A_194 : i32
        scf.if %cond3A_195 {
          %mul3A_203 = arith.constant 24 : i32
          %mul3A_204 = arith.muli %add3A_147, %mul3A_203 : i32
          %add3A_205 = arith.addi %mul3A_2, %mul3A_204 : i32
          %dma_wait3A_206 = tpu.memref_slice %arg9[%add3A_205, %mul3A_0] : memref<36864x768xf32, #tpu.memory_space<hbm>> -> memref<24x384xf32, #tpu.memory_space<hbm>>
          %dma_wait3A_207 = tpu.memref_slice %arg9[%add3A_205, %mul3A_0] : memref<36864x768xf32, #tpu.memory_space<hbm>> -> memref<24x384xf32, #tpu.memory_space<hbm>>
          tpu.wait_dma2 semaphore(%arg31 : memref<!tpu.dma_semaphore, #tpu.memory_space<semaphore_mem>>) src(%arg19 : memref<24x384xf32, #tpu.memory_space<vmem>>) dst(%dma_wait3A_207 : memref<24x384xf32, #tpu.memory_space<hbm>>)
        } else {
        }
        %add3A_196 = arith.constant 4 : i32
        %add3A_197 = arith.addi %add3A_147, %add3A_196 : i32
        %mul3A_198 = arith.constant 24 : i32
        %mul3A_199 = arith.muli %add3A_197, %mul3A_198 : i32
        %add3A_200 = arith.addi %mul3A_2, %mul3A_199 : i32
        %dma_start3A_201 = tpu.memref_slice %arg2[%add3A_200, %mul3A_0] : memref<36864x768xf32, #tpu.memory_space<hbm>> -> memref<24x384xf32, #tpu.memory_space<hbm>>
        %dma_start3A_202 = tpu.memref_slice %arg2[%add3A_200, %mul3A_0] : memref<36864x768xf32, #tpu.memory_space<hbm>> -> memref<24x384xf32, #tpu.memory_space<hbm>>
        tpu.enqueue_dma source(%dma_start3A_202 : memref<24x384xf32, #tpu.memory_space<hbm>>) target(%arg19 : memref<24x384xf32, #tpu.memory_space<vmem>>) target_semaphore(%arg25 : memref<!tpu.dma_semaphore, #tpu.memory_space<semaphore_mem>>)
      } else {
      }
      %parallel_loop3A_160 = arith.constant 0 : i32
      %parallel_loop3A_161 = arith.constant 24 : i32
      %parallel_loop3A_162 = arith.constant 1 : i32
      scf.for %parallel_loop3A_192 = %parallel_loop3A_160 to %parallel_loop3A_161 step %parallel_loop3A_162  : i32 {
        %parallel_loop3A_193 = arith.constant 24 : i32
        %parallel_loop3A_194 = arith.muli %add3A_147, %parallel_loop3A_193 : i32
        %parallel_loop3A_195 = arith.addi %parallel_loop3A_194, %parallel_loop3A_192 : i32
        %parallel_loop3A_196 = vector.broadcast %parallel_loop3A_195 : i32 to vector<16xi32>
        %parallel_loop3A_197 = tpu.vector_load_idx %arg16[%parallel_loop3A_196] : memref<2304xi32, #tpu.memory_space<vmem>>[vector<16xi32>], vector<16xi32>,
        %parallel_loop3A_198 = arith.constant 8 : i32
        %parallel_loop3A_199 = vector.broadcast %parallel_loop3A_198 : i32 to vector<16xi32>
        %parallel_loop3A_200 = arith.shrsi %parallel_loop3A_197, %parallel_loop3A_199 : vector<16xi32>
        %parallel_loop3A_201 = arith.constant 255 : i32
        %parallel_loop3A_202 = vector.broadcast %parallel_loop3A_201 : i32 to vector<16xi32>
        %parallel_loop3A_203 = arith.andi %parallel_loop3A_197, %parallel_loop3A_202 : vector<16xi32>
        %parallel_loop3A_204 = tpu.vector_load_idx %arg10[%parallel_loop3A_200, %iota3A] : memref<128x192xi32, #tpu.memory_space<vmem>>[vector<16xi32>, vector<16xi32>], vector<16xi32>,
        %parallel_loop3A_205 = tpu.vector_load_idx %arg11[%parallel_loop3A_203, %iota3A] : memref<128x192xi32, #tpu.memory_space<vmem>>[vector<16xi32>, vector<16xi32>], vector<16xi32>,
        %parallel_loop3A_206 = vector.bitcast %parallel_loop3A_204 : vector<16xi32> to vector<32xbf16>
        %parallel_loop3A_207 = vector.bitcast %parallel_loop3A_205 : vector<16xi32> to vector<32xbf16>
        %parallel_loop3A_208 = arith.addf %parallel_loop3A_206, %parallel_loop3A_207 : vector<32xbf16>
        %parallel_loop3A_209 = arith.constant 16 : i32
        %parallel_loop3A_210 = vector.broadcast %parallel_loop3A_209 : i32 to vector<16xi32>
        %parallel_loop3A_211 = arith.addi %iota3A, %parallel_loop3A_210 : vector<16xi32>
        %parallel_loop3A_212 = tpu.vector_load_idx %arg10[%parallel_loop3A_200, %parallel_loop3A_211] : memref<128x192xi32, #tpu.memory_space<vmem>>[vector<16xi32>, vector<16xi32>], vector<16xi32>,
        %parallel_loop3A_213 = tpu.vector_load_idx %arg11[%parallel_loop3A_203, %parallel_loop3A_211] : memref<128x192xi32, #tpu.memory_space<vmem>>[vector<16xi32>, vector<16xi32>], vector<16xi32>,
        %parallel_loop3A_214 = vector.bitcast %parallel_loop3A_212 : vector<16xi32> to vector<32xbf16>
        %parallel_loop3A_215 = vector.bitcast %parallel_loop3A_213 : vector<16xi32> to vector<32xbf16>
        %parallel_loop3A_216 = arith.addf %parallel_loop3A_214, %parallel_loop3A_215 : vector<32xbf16>
        %parallel_loop3A_217 = arith.constant 16 : i32
        %parallel_loop3A_218 = vector.broadcast %parallel_loop3A_217 : i32 to vector<16xi32>
        %parallel_loop3A_219 = arith.addi %parallel_loop3A_211, %parallel_loop3A_218 : vector<16xi32>
        %parallel_loop3A_220 = tpu.vector_load_idx %arg10[%parallel_loop3A_200, %parallel_loop3A_219] : memref<128x192xi32, #tpu.memory_space<vmem>>[vector<16xi32>, vector<16xi32>], vector<16xi32>,
        %parallel_loop3A_221 = tpu.vector_load_idx %arg11[%parallel_loop3A_203, %parallel_loop3A_219] : memref<128x192xi32, #tpu.memory_space<vmem>>[vector<16xi32>, vector<16xi32>], vector<16xi32>,
        %parallel_loop3A_222 = vector.bitcast %parallel_loop3A_220 : vector<16xi32> to vector<32xbf16>
        %parallel_loop3A_223 = vector.bitcast %parallel_loop3A_221 : vector<16xi32> to vector<32xbf16>
        %parallel_loop3A_224 = arith.addf %parallel_loop3A_222, %parallel_loop3A_223 : vector<32xbf16>
        %parallel_loop3A_225 = arith.constant 16 : i32
        %parallel_loop3A_226 = vector.broadcast %parallel_loop3A_225 : i32 to vector<16xi32>
        %parallel_loop3A_227 = arith.addi %parallel_loop3A_219, %parallel_loop3A_226 : vector<16xi32>
        %parallel_loop3A_228 = tpu.vector_load_idx %arg10[%parallel_loop3A_200, %parallel_loop3A_227] : memref<128x192xi32, #tpu.memory_space<vmem>>[vector<16xi32>, vector<16xi32>], vector<16xi32>,
        %parallel_loop3A_229 = tpu.vector_load_idx %arg11[%parallel_loop3A_203, %parallel_loop3A_227] : memref<128x192xi32, #tpu.memory_space<vmem>>[vector<16xi32>, vector<16xi32>], vector<16xi32>,
        %parallel_loop3A_230 = vector.bitcast %parallel_loop3A_228 : vector<16xi32> to vector<32xbf16>
        %parallel_loop3A_231 = vector.bitcast %parallel_loop3A_229 : vector<16xi32> to vector<32xbf16>
        %parallel_loop3A_232 = arith.addf %parallel_loop3A_230, %parallel_loop3A_231 : vector<32xbf16>
        %parallel_loop3A_233 = arith.constant 16 : i32
        %parallel_loop3A_234 = vector.broadcast %parallel_loop3A_233 : i32 to vector<16xi32>
        %parallel_loop3A_235 = arith.addi %parallel_loop3A_227, %parallel_loop3A_234 : vector<16xi32>
        %parallel_loop3A_236 = tpu.vector_load_idx %arg10[%parallel_loop3A_200, %parallel_loop3A_235] : memref<128x192xi32, #tpu.memory_space<vmem>>[vector<16xi32>, vector<16xi32>], vector<16xi32>,
        %parallel_loop3A_237 = tpu.vector_load_idx %arg11[%parallel_loop3A_203, %parallel_loop3A_235] : memref<128x192xi32, #tpu.memory_space<vmem>>[vector<16xi32>, vector<16xi32>], vector<16xi32>,
        %parallel_loop3A_238 = vector.bitcast %parallel_loop3A_236 : vector<16xi32> to vector<32xbf16>
        %parallel_loop3A_239 = vector.bitcast %parallel_loop3A_237 : vector<16xi32> to vector<32xbf16>
        %parallel_loop3A_240 = arith.addf %parallel_loop3A_238, %parallel_loop3A_239 : vector<32xbf16>
        %parallel_loop3A_241 = arith.constant 16 : i32
        %parallel_loop3A_242 = vector.broadcast %parallel_loop3A_241 : i32 to vector<16xi32>
        %parallel_loop3A_243 = arith.addi %parallel_loop3A_235, %parallel_loop3A_242 : vector<16xi32>
        %parallel_loop3A_244 = tpu.vector_load_idx %arg10[%parallel_loop3A_200, %parallel_loop3A_243] : memref<128x192xi32, #tpu.memory_space<vmem>>[vector<16xi32>, vector<16xi32>], vector<16xi32>,
        %parallel_loop3A_245 = tpu.vector_load_idx %arg11[%parallel_loop3A_203, %parallel_loop3A_243] : memref<128x192xi32, #tpu.memory_space<vmem>>[vector<16xi32>, vector<16xi32>], vector<16xi32>,
        %parallel_loop3A_246 = vector.bitcast %parallel_loop3A_244 : vector<16xi32> to vector<32xbf16>
        %parallel_loop3A_247 = vector.bitcast %parallel_loop3A_245 : vector<16xi32> to vector<32xbf16>
        %parallel_loop3A_248 = arith.addf %parallel_loop3A_246, %parallel_loop3A_247 : vector<32xbf16>
        %parallel_loop3A_249 = arith.constant 16 : i32
        %parallel_loop3A_250 = vector.broadcast %parallel_loop3A_249 : i32 to vector<16xi32>
        %parallel_loop3A_251 = arith.addi %parallel_loop3A_243, %parallel_loop3A_250 : vector<16xi32>
        %parallel_loop3A_252 = tpu.vector_load_idx %arg10[%parallel_loop3A_200, %parallel_loop3A_251] : memref<128x192xi32, #tpu.memory_space<vmem>>[vector<16xi32>, vector<16xi32>], vector<16xi32>,
        %parallel_loop3A_253 = tpu.vector_load_idx %arg11[%parallel_loop3A_203, %parallel_loop3A_251] : memref<128x192xi32, #tpu.memory_space<vmem>>[vector<16xi32>, vector<16xi32>], vector<16xi32>,
        %parallel_loop3A_254 = vector.bitcast %parallel_loop3A_252 : vector<16xi32> to vector<32xbf16>
        %parallel_loop3A_255 = vector.bitcast %parallel_loop3A_253 : vector<16xi32> to vector<32xbf16>
        %parallel_loop3A_256 = arith.addf %parallel_loop3A_254, %parallel_loop3A_255 : vector<32xbf16>
        %parallel_loop3A_257 = arith.constant 16 : i32
        %parallel_loop3A_258 = vector.broadcast %parallel_loop3A_257 : i32 to vector<16xi32>
        %parallel_loop3A_259 = arith.addi %parallel_loop3A_251, %parallel_loop3A_258 : vector<16xi32>
        %parallel_loop3A_260 = tpu.vector_load_idx %arg10[%parallel_loop3A_200, %parallel_loop3A_259] : memref<128x192xi32, #tpu.memory_space<vmem>>[vector<16xi32>, vector<16xi32>], vector<16xi32>,
        %parallel_loop3A_261 = tpu.vector_load_idx %arg11[%parallel_loop3A_203, %parallel_loop3A_259] : memref<128x192xi32, #tpu.memory_space<vmem>>[vector<16xi32>, vector<16xi32>], vector<16xi32>,
        %parallel_loop3A_262 = vector.bitcast %parallel_loop3A_260 : vector<16xi32> to vector<32xbf16>
        %parallel_loop3A_263 = vector.bitcast %parallel_loop3A_261 : vector<16xi32> to vector<32xbf16>
        %parallel_loop3A_264 = arith.addf %parallel_loop3A_262, %parallel_loop3A_263 : vector<32xbf16>
        %parallel_loop3A_265 = arith.constant 16 : i32
        %parallel_loop3A_266 = vector.broadcast %parallel_loop3A_265 : i32 to vector<16xi32>
        %parallel_loop3A_267 = arith.addi %parallel_loop3A_259, %parallel_loop3A_266 : vector<16xi32>
        %parallel_loop3A_268 = tpu.vector_load_idx %arg10[%parallel_loop3A_200, %parallel_loop3A_267] : memref<128x192xi32, #tpu.memory_space<vmem>>[vector<16xi32>, vector<16xi32>], vector<16xi32>,
        %parallel_loop3A_269 = tpu.vector_load_idx %arg11[%parallel_loop3A_203, %parallel_loop3A_267] : memref<128x192xi32, #tpu.memory_space<vmem>>[vector<16xi32>, vector<16xi32>], vector<16xi32>,
        %parallel_loop3A_270 = vector.bitcast %parallel_loop3A_268 : vector<16xi32> to vector<32xbf16>
        %parallel_loop3A_271 = vector.bitcast %parallel_loop3A_269 : vector<16xi32> to vector<32xbf16>
        %parallel_loop3A_272 = arith.addf %parallel_loop3A_270, %parallel_loop3A_271 : vector<32xbf16>
        %parallel_loop3A_273 = arith.constant 16 : i32
        %parallel_loop3A_274 = vector.broadcast %parallel_loop3A_273 : i32 to vector<16xi32>
        %parallel_loop3A_275 = arith.addi %parallel_loop3A_267, %parallel_loop3A_274 : vector<16xi32>
        %parallel_loop3A_276 = tpu.vector_load_idx %arg10[%parallel_loop3A_200, %parallel_loop3A_275] : memref<128x192xi32, #tpu.memory_space<vmem>>[vector<16xi32>, vector<16xi32>], vector<16xi32>,
        %parallel_loop3A_277 = tpu.vector_load_idx %arg11[%parallel_loop3A_203, %parallel_loop3A_275] : memref<128x192xi32, #tpu.memory_space<vmem>>[vector<16xi32>, vector<16xi32>], vector<16xi32>,
        %parallel_loop3A_278 = vector.bitcast %parallel_loop3A_276 : vector<16xi32> to vector<32xbf16>
        %parallel_loop3A_279 = vector.bitcast %parallel_loop3A_277 : vector<16xi32> to vector<32xbf16>
        %parallel_loop3A_280 = arith.addf %parallel_loop3A_278, %parallel_loop3A_279 : vector<32xbf16>
        %parallel_loop3A_281 = arith.constant 16 : i32
        %parallel_loop3A_282 = vector.broadcast %parallel_loop3A_281 : i32 to vector<16xi32>
        %parallel_loop3A_283 = arith.addi %parallel_loop3A_275, %parallel_loop3A_282 : vector<16xi32>
        %parallel_loop3A_284 = tpu.vector_load_idx %arg10[%parallel_loop3A_200, %parallel_loop3A_283] : memref<128x192xi32, #tpu.memory_space<vmem>>[vector<16xi32>, vector<16xi32>], vector<16xi32>,
        %parallel_loop3A_285 = tpu.vector_load_idx %arg11[%parallel_loop3A_203, %parallel_loop3A_283] : memref<128x192xi32, #tpu.memory_space<vmem>>[vector<16xi32>, vector<16xi32>], vector<16xi32>,
        %parallel_loop3A_286 = vector.bitcast %parallel_loop3A_284 : vector<16xi32> to vector<32xbf16>
        %parallel_loop3A_287 = vector.bitcast %parallel_loop3A_285 : vector<16xi32> to vector<32xbf16>
        %parallel_loop3A_288 = arith.addf %parallel_loop3A_286, %parallel_loop3A_287 : vector<32xbf16>
        %parallel_loop3A_289 = arith.constant 16 : i32
        %parallel_loop3A_290 = vector.broadcast %parallel_loop3A_289 : i32 to vector<16xi32>
        %parallel_loop3A_291 = arith.addi %parallel_loop3A_283, %parallel_loop3A_290 : vector<16xi32>
        %parallel_loop3A_292 = tpu.vector_load_idx %arg10[%parallel_loop3A_200, %parallel_loop3A_291] : memref<128x192xi32, #tpu.memory_space<vmem>>[vector<16xi32>, vector<16xi32>], vector<16xi32>,
        %parallel_loop3A_293 = tpu.vector_load_idx %arg11[%parallel_loop3A_203, %parallel_loop3A_291] : memref<128x192xi32, #tpu.memory_space<vmem>>[vector<16xi32>, vector<16xi32>], vector<16xi32>,
        %parallel_loop3A_294 = vector.bitcast %parallel_loop3A_292 : vector<16xi32> to vector<32xbf16>
        %parallel_loop3A_295 = vector.bitcast %parallel_loop3A_293 : vector<16xi32> to vector<32xbf16>
        %parallel_loop3A_296 = arith.addf %parallel_loop3A_294, %parallel_loop3A_295 : vector<32xbf16>
        %parallel_loop3A_297 = tpu.unpack_subelements %parallel_loop3A_208, 0 {pack_format = #tpu.pack_format<interleaved>} : vector<32xbf16> -> vector<16xf32>
        %parallel_loop3A_298 = tpu.unpack_subelements %parallel_loop3A_208, 1 {pack_format = #tpu.pack_format<interleaved>} : vector<32xbf16> -> vector<16xf32>
        %parallel_loop3A_299 = arith.index_cast %parallel_loop3A_192 : i32 to index
        %parallel_loop3A_300 = arith.constant 0 : index
        %parallel_loop3A_301 = tpu.vector_load %arg21[%parallel_loop3A_299, %parallel_loop3A_300] {strides = array<i32>} : memref<24x384xf32, #tpu.memory_space<vmem>>, vector<16xf32>,
        tpu.vector_store %arg21[%parallel_loop3A_299, %parallel_loop3A_300], %parallel_loop3A_297 {add = true, strides = array<i32>} : memref<24x384xf32, #tpu.memory_space<vmem>>, vector<16xf32>,
        %parallel_loop3A_302 = arith.index_cast %parallel_loop3A_192 : i32 to index
        %parallel_loop3A_303 = arith.constant 16 : index
        %parallel_loop3A_304 = tpu.vector_load %arg21[%parallel_loop3A_302, %parallel_loop3A_303] {strides = array<i32>} : memref<24x384xf32, #tpu.memory_space<vmem>>, vector<16xf32>,
        tpu.vector_store %arg21[%parallel_loop3A_302, %parallel_loop3A_303], %parallel_loop3A_298 {add = true, strides = array<i32>} : memref<24x384xf32, #tpu.memory_space<vmem>>, vector<16xf32>,
        %parallel_loop3A_305 = tpu.unpack_subelements %parallel_loop3A_216, 0 {pack_format = #tpu.pack_format<interleaved>} : vector<32xbf16> -> vector<16xf32>
        %parallel_loop3A_306 = tpu.unpack_subelements %parallel_loop3A_216, 1 {pack_format = #tpu.pack_format<interleaved>} : vector<32xbf16> -> vector<16xf32>
        %parallel_loop3A_307 = arith.index_cast %parallel_loop3A_192 : i32 to index
        %parallel_loop3A_308 = arith.constant 32 : index
        %parallel_loop3A_309 = tpu.vector_load %arg21[%parallel_loop3A_307, %parallel_loop3A_308] {strides = array<i32>} : memref<24x384xf32, #tpu.memory_space<vmem>>, vector<16xf32>,
        tpu.vector_store %arg21[%parallel_loop3A_307, %parallel_loop3A_308], %parallel_loop3A_305 {add = true, strides = array<i32>} : memref<24x384xf32, #tpu.memory_space<vmem>>, vector<16xf32>,
        %parallel_loop3A_310 = arith.index_cast %parallel_loop3A_192 : i32 to index
        %parallel_loop3A_311 = arith.constant 48 : index
        %parallel_loop3A_312 = tpu.vector_load %arg21[%parallel_loop3A_310, %parallel_loop3A_311] {strides = array<i32>} : memref<24x384xf32, #tpu.memory_space<vmem>>, vector<16xf32>,
        tpu.vector_store %arg21[%parallel_loop3A_310, %parallel_loop3A_311], %parallel_loop3A_306 {add = true, strides = array<i32>} : memref<24x384xf32, #tpu.memory_space<vmem>>, vector<16xf32>,
        %parallel_loop3A_313 = tpu.unpack_subelements %parallel_loop3A_224, 0 {pack_format = #tpu.pack_format<interleaved>} : vector<32xbf16> -> vector<16xf32>
        %parallel_loop3A_314 = tpu.unpack_subelements %parallel_loop3A_224, 1 {pack_format = #tpu.pack_format<interleaved>} : vector<32xbf16> -> vector<16xf32>
        %parallel_loop3A_315 = arith.index_cast %parallel_loop3A_192 : i32 to index
        %parallel_loop3A_316 = arith.constant 64 : index
        %parallel_loop3A_317 = tpu.vector_load %arg21[%parallel_loop3A_315, %parallel_loop3A_316] {strides = array<i32>} : memref<24x384xf32, #tpu.memory_space<vmem>>, vector<16xf32>,
        tpu.vector_store %arg21[%parallel_loop3A_315, %parallel_loop3A_316], %parallel_loop3A_313 {add = true, strides = array<i32>} : memref<24x384xf32, #tpu.memory_space<vmem>>, vector<16xf32>,
        %parallel_loop3A_318 = arith.index_cast %parallel_loop3A_192 : i32 to index
        %parallel_loop3A_319 = arith.constant 80 : index
        %parallel_loop3A_320 = tpu.vector_load %arg21[%parallel_loop3A_318, %parallel_loop3A_319] {strides = array<i32>} : memref<24x384xf32, #tpu.memory_space<vmem>>, vector<16xf32>,
        tpu.vector_store %arg21[%parallel_loop3A_318, %parallel_loop3A_319], %parallel_loop3A_314 {add = true, strides = array<i32>} : memref<24x384xf32, #tpu.memory_space<vmem>>, vector<16xf32>,
        %parallel_loop3A_321 = tpu.unpack_subelements %parallel_loop3A_232, 0 {pack_format = #tpu.pack_format<interleaved>} : vector<32xbf16> -> vector<16xf32>
        %parallel_loop3A_322 = tpu.unpack_subelements %parallel_loop3A_232, 1 {pack_format = #tpu.pack_format<interleaved>} : vector<32xbf16> -> vector<16xf32>
        %parallel_loop3A_323 = arith.index_cast %parallel_loop3A_192 : i32 to index
        %parallel_loop3A_324 = arith.constant 96 : index
        %parallel_loop3A_325 = tpu.vector_load %arg21[%parallel_loop3A_323, %parallel_loop3A_324] {strides = array<i32>} : memref<24x384xf32, #tpu.memory_space<vmem>>, vector<16xf32>,
        tpu.vector_store %arg21[%parallel_loop3A_323, %parallel_loop3A_324], %parallel_loop3A_321 {add = true, strides = array<i32>} : memref<24x384xf32, #tpu.memory_space<vmem>>, vector<16xf32>,
        %parallel_loop3A_326 = arith.index_cast %parallel_loop3A_192 : i32 to index
        %parallel_loop3A_327 = arith.constant 112 : index
        %parallel_loop3A_328 = tpu.vector_load %arg21[%parallel_loop3A_326, %parallel_loop3A_327] {strides = array<i32>} : memref<24x384xf32, #tpu.memory_space<vmem>>, vector<16xf32>,
        tpu.vector_store %arg21[%parallel_loop3A_326, %parallel_loop3A_327], %parallel_loop3A_322 {add = true, strides = array<i32>} : memref<24x384xf32, #tpu.memory_space<vmem>>, vector<16xf32>,
        %parallel_loop3A_329 = tpu.unpack_subelements %parallel_loop3A_240, 0 {pack_format = #tpu.pack_format<interleaved>} : vector<32xbf16> -> vector<16xf32>
        %parallel_loop3A_330 = tpu.unpack_subelements %parallel_loop3A_240, 1 {pack_format = #tpu.pack_format<interleaved>} : vector<32xbf16> -> vector<16xf32>
        %parallel_loop3A_331 = arith.index_cast %parallel_loop3A_192 : i32 to index
        %parallel_loop3A_332 = arith.constant 128 : index
        %parallel_loop3A_333 = tpu.vector_load %arg21[%parallel_loop3A_331, %parallel_loop3A_332] {strides = array<i32>} : memref<24x384xf32, #tpu.memory_space<vmem>>, vector<16xf32>,
        tpu.vector_store %arg21[%parallel_loop3A_331, %parallel_loop3A_332], %parallel_loop3A_329 {add = true, strides = array<i32>} : memref<24x384xf32, #tpu.memory_space<vmem>>, vector<16xf32>,
        %parallel_loop3A_334 = arith.index_cast %parallel_loop3A_192 : i32 to index
        %parallel_loop3A_335 = arith.constant 144 : index
        %parallel_loop3A_336 = tpu.vector_load %arg21[%parallel_loop3A_334, %parallel_loop3A_335] {strides = array<i32>} : memref<24x384xf32, #tpu.memory_space<vmem>>, vector<16xf32>,
        tpu.vector_store %arg21[%parallel_loop3A_334, %parallel_loop3A_335], %parallel_loop3A_330 {add = true, strides = array<i32>} : memref<24x384xf32, #tpu.memory_space<vmem>>, vector<16xf32>,
        %parallel_loop3A_337 = tpu.unpack_subelements %parallel_loop3A_248, 0 {pack_format = #tpu.pack_format<interleaved>} : vector<32xbf16> -> vector<16xf32>
        %parallel_loop3A_338 = tpu.unpack_subelements %parallel_loop3A_248, 1 {pack_format = #tpu.pack_format<interleaved>} : vector<32xbf16> -> vector<16xf32>
        %parallel_loop3A_339 = arith.index_cast %parallel_loop3A_192 : i32 to index
        %parallel_loop3A_340 = arith.constant 160 : index
        %parallel_loop3A_341 = tpu.vector_load %arg21[%parallel_loop3A_339, %parallel_loop3A_340] {strides = array<i32>} : memref<24x384xf32, #tpu.memory_space<vmem>>, vector<16xf32>,
        tpu.vector_store %arg21[%parallel_loop3A_339, %parallel_loop3A_340], %parallel_loop3A_337 {add = true, strides = array<i32>} : memref<24x384xf32, #tpu.memory_space<vmem>>, vector<16xf32>,
        %parallel_loop3A_342 = arith.index_cast %parallel_loop3A_192 : i32 to index
        %parallel_loop3A_343 = arith.constant 176 : index
        %parallel_loop3A_344 = tpu.vector_load %arg21[%parallel_loop3A_342, %parallel_loop3A_343] {strides = array<i32>} : memref<24x384xf32, #tpu.memory_space<vmem>>, vector<16xf32>,
        tpu.vector_store %arg21[%parallel_loop3A_342, %parallel_loop3A_343], %parallel_loop3A_338 {add = true, strides = array<i32>} : memref<24x384xf32, #tpu.memory_space<vmem>>, vector<16xf32>,
        %parallel_loop3A_345 = tpu.unpack_subelements %parallel_loop3A_256, 0 {pack_format = #tpu.pack_format<interleaved>} : vector<32xbf16> -> vector<16xf32>
        %parallel_loop3A_346 = tpu.unpack_subelements %parallel_loop3A_256, 1 {pack_format = #tpu.pack_format<interleaved>} : vector<32xbf16> -> vector<16xf32>
        %parallel_loop3A_347 = arith.index_cast %parallel_loop3A_192 : i32 to index
        %parallel_loop3A_348 = arith.constant 192 : index
        %parallel_loop3A_349 = tpu.vector_load %arg21[%parallel_loop3A_347, %parallel_loop3A_348] {strides = array<i32>} : memref<24x384xf32, #tpu.memory_space<vmem>>, vector<16xf32>,
        tpu.vector_store %arg21[%parallel_loop3A_347, %parallel_loop3A_348], %parallel_loop3A_345 {add = true, strides = array<i32>} : memref<24x384xf32, #tpu.memory_space<vmem>>, vector<16xf32>,
        %parallel_loop3A_350 = arith.index_cast %parallel_loop3A_192 : i32 to index
        %parallel_loop3A_351 = arith.constant 208 : index
        %parallel_loop3A_352 = tpu.vector_load %arg21[%parallel_loop3A_350, %parallel_loop3A_351] {strides = array<i32>} : memref<24x384xf32, #tpu.memory_space<vmem>>, vector<16xf32>,
        tpu.vector_store %arg21[%parallel_loop3A_350, %parallel_loop3A_351], %parallel_loop3A_346 {add = true, strides = array<i32>} : memref<24x384xf32, #tpu.memory_space<vmem>>, vector<16xf32>,
        %parallel_loop3A_353 = tpu.unpack_subelements %parallel_loop3A_264, 0 {pack_format = #tpu.pack_format<interleaved>} : vector<32xbf16> -> vector<16xf32>
        %parallel_loop3A_354 = tpu.unpack_subelements %parallel_loop3A_264, 1 {pack_format = #tpu.pack_format<interleaved>} : vector<32xbf16> -> vector<16xf32>
        %parallel_loop3A_355 = arith.index_cast %parallel_loop3A_192 : i32 to index
        %parallel_loop3A_356 = arith.constant 224 : index
        %parallel_loop3A_357 = tpu.vector_load %arg21[%parallel_loop3A_355, %parallel_loop3A_356] {strides = array<i32>} : memref<24x384xf32, #tpu.memory_space<vmem>>, vector<16xf32>,
        tpu.vector_store %arg21[%parallel_loop3A_355, %parallel_loop3A_356], %parallel_loop3A_353 {add = true, strides = array<i32>} : memref<24x384xf32, #tpu.memory_space<vmem>>, vector<16xf32>,
        %parallel_loop3A_358 = arith.index_cast %parallel_loop3A_192 : i32 to index
        %parallel_loop3A_359 = arith.constant 240 : index
        %parallel_loop3A_360 = tpu.vector_load %arg21[%parallel_loop3A_358, %parallel_loop3A_359] {strides = array<i32>} : memref<24x384xf32, #tpu.memory_space<vmem>>, vector<16xf32>,
        tpu.vector_store %arg21[%parallel_loop3A_358, %parallel_loop3A_359], %parallel_loop3A_354 {add = true, strides = array<i32>} : memref<24x384xf32, #tpu.memory_space<vmem>>, vector<16xf32>,
        %parallel_loop3A_361 = tpu.unpack_subelements %parallel_loop3A_272, 0 {pack_format = #tpu.pack_format<interleaved>} : vector<32xbf16> -> vector<16xf32>
        %parallel_loop3A_362 = tpu.unpack_subelements %parallel_loop3A_272, 1 {pack_format = #tpu.pack_format<interleaved>} : vector<32xbf16> -> vector<16xf32>
        %parallel_loop3A_363 = arith.index_cast %parallel_loop3A_192 : i32 to index
        %parallel_loop3A_364 = arith.constant 256 : index
        %parallel_loop3A_365 = tpu.vector_load %arg21[%parallel_loop3A_363, %parallel_loop3A_364] {strides = array<i32>} : memref<24x384xf32, #tpu.memory_space<vmem>>, vector<16xf32>,
        tpu.vector_store %arg21[%parallel_loop3A_363, %parallel_loop3A_364], %parallel_loop3A_361 {add = true, strides = array<i32>} : memref<24x384xf32, #tpu.memory_space<vmem>>, vector<16xf32>,
        %parallel_loop3A_366 = arith.index_cast %parallel_loop3A_192 : i32 to index
        %parallel_loop3A_367 = arith.constant 272 : index
        %parallel_loop3A_368 = tpu.vector_load %arg21[%parallel_loop3A_366, %parallel_loop3A_367] {strides = array<i32>} : memref<24x384xf32, #tpu.memory_space<vmem>>, vector<16xf32>,
        tpu.vector_store %arg21[%parallel_loop3A_366, %parallel_loop3A_367], %parallel_loop3A_362 {add = true, strides = array<i32>} : memref<24x384xf32, #tpu.memory_space<vmem>>, vector<16xf32>,
        %parallel_loop3A_369 = tpu.unpack_subelements %parallel_loop3A_280, 0 {pack_format = #tpu.pack_format<interleaved>} : vector<32xbf16> -> vector<16xf32>
        %parallel_loop3A_370 = tpu.unpack_subelements %parallel_loop3A_280, 1 {pack_format = #tpu.pack_format<interleaved>} : vector<32xbf16> -> vector<16xf32>
        %parallel_loop3A_371 = arith.index_cast %parallel_loop3A_192 : i32 to index
        %parallel_loop3A_372 = arith.constant 288 : index
        %parallel_loop3A_373 = tpu.vector_load %arg21[%parallel_loop3A_371, %parallel_loop3A_372] {strides = array<i32>} : memref<24x384xf32, #tpu.memory_space<vmem>>, vector<16xf32>,
        tpu.vector_store %arg21[%parallel_loop3A_371, %parallel_loop3A_372], %parallel_loop3A_369 {add = true, strides = array<i32>} : memref<24x384xf32, #tpu.memory_space<vmem>>, vector<16xf32>,
        %parallel_loop3A_374 = arith.index_cast %parallel_loop3A_192 : i32 to index
        %parallel_loop3A_375 = arith.constant 304 : index
        %parallel_loop3A_376 = tpu.vector_load %arg21[%parallel_loop3A_374, %parallel_loop3A_375] {strides = array<i32>} : memref<24x384xf32, #tpu.memory_space<vmem>>, vector<16xf32>,
        tpu.vector_store %arg21[%parallel_loop3A_374, %parallel_loop3A_375], %parallel_loop3A_370 {add = true, strides = array<i32>} : memref<24x384xf32, #tpu.memory_space<vmem>>, vector<16xf32>,
        %parallel_loop3A_377 = tpu.unpack_subelements %parallel_loop3A_288, 0 {pack_format = #tpu.pack_format<interleaved>} : vector<32xbf16> -> vector<16xf32>
        %parallel_loop3A_378 = tpu.unpack_subelements %parallel_loop3A_288, 1 {pack_format = #tpu.pack_format<interleaved>} : vector<32xbf16> -> vector<16xf32>
        %parallel_loop3A_379 = arith.index_cast %parallel_loop3A_192 : i32 to index
        %parallel_loop3A_380 = arith.constant 320 : index
        %parallel_loop3A_381 = tpu.vector_load %arg21[%parallel_loop3A_379, %parallel_loop3A_380] {strides = array<i32>} : memref<24x384xf32, #tpu.memory_space<vmem>>, vector<16xf32>,
        tpu.vector_store %arg21[%parallel_loop3A_379, %parallel_loop3A_380], %parallel_loop3A_377 {add = true, strides = array<i32>} : memref<24x384xf32, #tpu.memory_space<vmem>>, vector<16xf32>,
        %parallel_loop3A_382 = arith.index_cast %parallel_loop3A_192 : i32 to index
        %parallel_loop3A_383 = arith.constant 336 : index
        %parallel_loop3A_384 = tpu.vector_load %arg21[%parallel_loop3A_382, %parallel_loop3A_383] {strides = array<i32>} : memref<24x384xf32, #tpu.memory_space<vmem>>, vector<16xf32>,
        tpu.vector_store %arg21[%parallel_loop3A_382, %parallel_loop3A_383], %parallel_loop3A_378 {add = true, strides = array<i32>} : memref<24x384xf32, #tpu.memory_space<vmem>>, vector<16xf32>,
        %parallel_loop3A_385 = tpu.unpack_subelements %parallel_loop3A_296, 0 {pack_format = #tpu.pack_format<interleaved>} : vector<32xbf16> -> vector<16xf32>
        %parallel_loop3A_386 = tpu.unpack_subelements %parallel_loop3A_296, 1 {pack_format = #tpu.pack_format<interleaved>} : vector<32xbf16> -> vector<16xf32>
        %parallel_loop3A_387 = arith.index_cast %parallel_loop3A_192 : i32 to index
        %parallel_loop3A_388 = arith.constant 352 : index
        %parallel_loop3A_389 = tpu.vector_load %arg21[%parallel_loop3A_387, %parallel_loop3A_388] {strides = array<i32>} : memref<24x384xf32, #tpu.memory_space<vmem>>, vector<16xf32>,
        tpu.vector_store %arg21[%parallel_loop3A_387, %parallel_loop3A_388], %parallel_loop3A_385 {add = true, strides = array<i32>} : memref<24x384xf32, #tpu.memory_space<vmem>>, vector<16xf32>,
        %parallel_loop3A_390 = arith.index_cast %parallel_loop3A_192 : i32 to index
        %parallel_loop3A_391 = arith.constant 368 : index
        %parallel_loop3A_392 = tpu.vector_load %arg21[%parallel_loop3A_390, %parallel_loop3A_391] {strides = array<i32>} : memref<24x384xf32, #tpu.memory_space<vmem>>, vector<16xf32>,
        tpu.vector_store %arg21[%parallel_loop3A_390, %parallel_loop3A_391], %parallel_loop3A_386 {add = true, strides = array<i32>} : memref<24x384xf32, #tpu.memory_space<vmem>>, vector<16xf32>,
      } {sc.loop_unroll_factor = 1 : i64, sc.parallel_access}
      %mul3A_163 = arith.constant 24 : i32
      %mul3A_164 = arith.muli %add3A_147, %mul3A_163 : i32
      %add3A_165 = arith.addi %mul3A_2, %mul3A_164 : i32
      %dma_start3A_166 = tpu.memref_slice %arg9[%add3A_165, %mul3A_0] : memref<36864x768xf32, #tpu.memory_space<hbm>> -> memref<24x384xf32, #tpu.memory_space<hbm>>
      %dma_start3A_167 = tpu.memref_slice %arg9[%add3A_165, %mul3A_0] : memref<36864x768xf32, #tpu.memory_space<hbm>> -> memref<24x384xf32, #tpu.memory_space<hbm>>
      tpu.enqueue_dma source(%arg21 : memref<24x384xf32, #tpu.memory_space<vmem>>) target(%dma_start3A_167 : memref<24x384xf32, #tpu.memory_space<hbm>>) target_semaphore(%arg33 : memref<!tpu.dma_semaphore, #tpu.memory_space<semaphore_mem>>)
      %mul3A_168 = arith.constant 6 : i32
      %mul3A_169 = arith.muli %scan3A_51, %mul3A_168 : i32
      %add3A_170 = arith.constant 5 : i32
      %add3A_171 = arith.addi %mul3A_169, %add3A_170 : i32
      %mul3A_172 = arith.constant 24 : i32
      %mul3A_173 = arith.muli %add3A_171, %mul3A_172 : i32
      %add3A_174 = arith.addi %mul3A_2, %mul3A_173 : i32
      %dma_wait3A_175 = tpu.memref_slice %arg2[%add3A_174, %mul3A_0] : memref<36864x768xf32, #tpu.memory_space<hbm>> -> memref<24x384xf32, #tpu.memory_space<hbm>>
      %dma_wait3A_176 = tpu.memref_slice %arg2[%add3A_174, %mul3A_0] : memref<36864x768xf32, #tpu.memory_space<hbm>> -> memref<24x384xf32, #tpu.memory_space<hbm>>
      tpu.wait_dma2 semaphore(%arg28 : memref<!tpu.dma_semaphore, #tpu.memory_space<semaphore_mem>>) src(%dma_wait3A_176 : memref<24x384xf32, #tpu.memory_space<hbm>>) dst(%arg22 : memref<24x384xf32, #tpu.memory_space<vmem>>)
      %add3A_177 = arith.constant 4 : i32
      %add3A_178 = arith.addi %add3A_171, %add3A_177 : i32
      %lt3A_179 = arith.constant 96 : i32
      %lt3A_180 = arith.cmpi slt, %add3A_178, %lt3A_179 : i32
      %convert_element_type3A_181 = arith.extui %lt3A_180 : i1 to i32
      %cond3A_182 = arith.constant 0 : i32
      %cond3A_183 = arith.cmpi ne, %convert_element_type3A_181, %cond3A_182 : i32
      scf.if %cond3A_183 {
        %ge3A = arith.constant 2 : i32
        %ge3A_192 = arith.cmpi sge, %add3A_171, %ge3A : i32
        %convert_element_type3A_193 = arith.extui %ge3A_192 : i1 to i32
        %cond3A_194 = arith.constant 0 : i32
        %cond3A_195 = arith.cmpi ne, %convert_element_type3A_193, %cond3A_194 : i32
        scf.if %cond3A_195 {
          %mul3A_203 = arith.constant 24 : i32
          %mul3A_204 = arith.muli %add3A_171, %mul3A_203 : i32
          %add3A_205 = arith.addi %mul3A_2, %mul3A_204 : i32
          %dma_wait3A_206 = tpu.memref_slice %arg9[%add3A_205, %mul3A_0] : memref<36864x768xf32, #tpu.memory_space<hbm>> -> memref<24x384xf32, #tpu.memory_space<hbm>>
          %dma_wait3A_207 = tpu.memref_slice %arg9[%add3A_205, %mul3A_0] : memref<36864x768xf32, #tpu.memory_space<hbm>> -> memref<24x384xf32, #tpu.memory_space<hbm>>
          tpu.wait_dma2 semaphore(%arg32 : memref<!tpu.dma_semaphore, #tpu.memory_space<semaphore_mem>>) src(%arg20 : memref<24x384xf32, #tpu.memory_space<vmem>>) dst(%dma_wait3A_207 : memref<24x384xf32, #tpu.memory_space<hbm>>)
        } else {
        }
        %add3A_196 = arith.constant 4 : i32
        %add3A_197 = arith.addi %add3A_171, %add3A_196 : i32
        %mul3A_198 = arith.constant 24 : i32
        %mul3A_199 = arith.muli %add3A_197, %mul3A_198 : i32
        %add3A_200 = arith.addi %mul3A_2, %mul3A_199 : i32
        %dma_start3A_201 = tpu.memref_slice %arg2[%add3A_200, %mul3A_0] : memref<36864x768xf32, #tpu.memory_space<hbm>> -> memref<24x384xf32, #tpu.memory_space<hbm>>
        %dma_start3A_202 = tpu.memref_slice %arg2[%add3A_200, %mul3A_0] : memref<36864x768xf32, #tpu.memory_space<hbm>> -> memref<24x384xf32, #tpu.memory_space<hbm>>
        tpu.enqueue_dma source(%dma_start3A_202 : memref<24x384xf32, #tpu.memory_space<hbm>>) target(%arg20 : memref<24x384xf32, #tpu.memory_space<vmem>>) target_semaphore(%arg26 : memref<!tpu.dma_semaphore, #tpu.memory_space<semaphore_mem>>)
      } else {
      }
      %parallel_loop3A_184 = arith.constant 0 : i32
      %parallel_loop3A_185 = arith.constant 24 : i32
      %parallel_loop3A_186 = arith.constant 1 : i32
      scf.for %parallel_loop3A_192 = %parallel_loop3A_184 to %parallel_loop3A_185 step %parallel_loop3A_186  : i32 {
        %parallel_loop3A_193 = arith.constant 24 : i32
        %parallel_loop3A_194 = arith.muli %add3A_171, %parallel_loop3A_193 : i32
        %parallel_loop3A_195 = arith.addi %parallel_loop3A_194, %parallel_loop3A_192 : i32
        %parallel_loop3A_196 = vector.broadcast %parallel_loop3A_195 : i32 to vector<16xi32>
        %parallel_loop3A_197 = tpu.vector_load_idx %arg16[%parallel_loop3A_196] : memref<2304xi32, #tpu.memory_space<vmem>>[vector<16xi32>], vector<16xi32>,
        %parallel_loop3A_198 = arith.constant 8 : i32
        %parallel_loop3A_199 = vector.broadcast %parallel_loop3A_198 : i32 to vector<16xi32>
        %parallel_loop3A_200 = arith.shrsi %parallel_loop3A_197, %parallel_loop3A_199 : vector<16xi32>
        %parallel_loop3A_201 = arith.constant 255 : i32
        %parallel_loop3A_202 = vector.broadcast %parallel_loop3A_201 : i32 to vector<16xi32>
        %parallel_loop3A_203 = arith.andi %parallel_loop3A_197, %parallel_loop3A_202 : vector<16xi32>
        %parallel_loop3A_204 = tpu.vector_load_idx %arg10[%parallel_loop3A_200, %iota3A] : memref<128x192xi32, #tpu.memory_space<vmem>>[vector<16xi32>, vector<16xi32>], vector<16xi32>,
        %parallel_loop3A_205 = tpu.vector_load_idx %arg11[%parallel_loop3A_203, %iota3A] : memref<128x192xi32, #tpu.memory_space<vmem>>[vector<16xi32>, vector<16xi32>], vector<16xi32>,
        %parallel_loop3A_206 = vector.bitcast %parallel_loop3A_204 : vector<16xi32> to vector<32xbf16>
        %parallel_loop3A_207 = vector.bitcast %parallel_loop3A_205 : vector<16xi32> to vector<32xbf16>
        %parallel_loop3A_208 = arith.addf %parallel_loop3A_206, %parallel_loop3A_207 : vector<32xbf16>
        %parallel_loop3A_209 = arith.constant 16 : i32
        %parallel_loop3A_210 = vector.broadcast %parallel_loop3A_209 : i32 to vector<16xi32>
        %parallel_loop3A_211 = arith.addi %iota3A, %parallel_loop3A_210 : vector<16xi32>
        %parallel_loop3A_212 = tpu.vector_load_idx %arg10[%parallel_loop3A_200, %parallel_loop3A_211] : memref<128x192xi32, #tpu.memory_space<vmem>>[vector<16xi32>, vector<16xi32>], vector<16xi32>,
        %parallel_loop3A_213 = tpu.vector_load_idx %arg11[%parallel_loop3A_203, %parallel_loop3A_211] : memref<128x192xi32, #tpu.memory_space<vmem>>[vector<16xi32>, vector<16xi32>], vector<16xi32>,
        %parallel_loop3A_214 = vector.bitcast %parallel_loop3A_212 : vector<16xi32> to vector<32xbf16>
        %parallel_loop3A_215 = vector.bitcast %parallel_loop3A_213 : vector<16xi32> to vector<32xbf16>
        %parallel_loop3A_216 = arith.addf %parallel_loop3A_214, %parallel_loop3A_215 : vector<32xbf16>
        %parallel_loop3A_217 = arith.constant 16 : i32
        %parallel_loop3A_218 = vector.broadcast %parallel_loop3A_217 : i32 to vector<16xi32>
        %parallel_loop3A_219 = arith.addi %parallel_loop3A_211, %parallel_loop3A_218 : vector<16xi32>
        %parallel_loop3A_220 = tpu.vector_load_idx %arg10[%parallel_loop3A_200, %parallel_loop3A_219] : memref<128x192xi32, #tpu.memory_space<vmem>>[vector<16xi32>, vector<16xi32>], vector<16xi32>,
        %parallel_loop3A_221 = tpu.vector_load_idx %arg11[%parallel_loop3A_203, %parallel_loop3A_219] : memref<128x192xi32, #tpu.memory_space<vmem>>[vector<16xi32>, vector<16xi32>], vector<16xi32>,
        %parallel_loop3A_222 = vector.bitcast %parallel_loop3A_220 : vector<16xi32> to vector<32xbf16>
        %parallel_loop3A_223 = vector.bitcast %parallel_loop3A_221 : vector<16xi32> to vector<32xbf16>
        %parallel_loop3A_224 = arith.addf %parallel_loop3A_222, %parallel_loop3A_223 : vector<32xbf16>
        %parallel_loop3A_225 = arith.constant 16 : i32
        %parallel_loop3A_226 = vector.broadcast %parallel_loop3A_225 : i32 to vector<16xi32>
        %parallel_loop3A_227 = arith.addi %parallel_loop3A_219, %parallel_loop3A_226 : vector<16xi32>
        %parallel_loop3A_228 = tpu.vector_load_idx %arg10[%parallel_loop3A_200, %parallel_loop3A_227] : memref<128x192xi32, #tpu.memory_space<vmem>>[vector<16xi32>, vector<16xi32>], vector<16xi32>,
        %parallel_loop3A_229 = tpu.vector_load_idx %arg11[%parallel_loop3A_203, %parallel_loop3A_227] : memref<128x192xi32, #tpu.memory_space<vmem>>[vector<16xi32>, vector<16xi32>], vector<16xi32>,
        %parallel_loop3A_230 = vector.bitcast %parallel_loop3A_228 : vector<16xi32> to vector<32xbf16>
        %parallel_loop3A_231 = vector.bitcast %parallel_loop3A_229 : vector<16xi32> to vector<32xbf16>
        %parallel_loop3A_232 = arith.addf %parallel_loop3A_230, %parallel_loop3A_231 : vector<32xbf16>
        %parallel_loop3A_233 = arith.constant 16 : i32
        %parallel_loop3A_234 = vector.broadcast %parallel_loop3A_233 : i32 to vector<16xi32>
        %parallel_loop3A_235 = arith.addi %parallel_loop3A_227, %parallel_loop3A_234 : vector<16xi32>
        %parallel_loop3A_236 = tpu.vector_load_idx %arg10[%parallel_loop3A_200, %parallel_loop3A_235] : memref<128x192xi32, #tpu.memory_space<vmem>>[vector<16xi32>, vector<16xi32>], vector<16xi32>,
        %parallel_loop3A_237 = tpu.vector_load_idx %arg11[%parallel_loop3A_203, %parallel_loop3A_235] : memref<128x192xi32, #tpu.memory_space<vmem>>[vector<16xi32>, vector<16xi32>], vector<16xi32>,
        %parallel_loop3A_238 = vector.bitcast %parallel_loop3A_236 : vector<16xi32> to vector<32xbf16>
        %parallel_loop3A_239 = vector.bitcast %parallel_loop3A_237 : vector<16xi32> to vector<32xbf16>
        %parallel_loop3A_240 = arith.addf %parallel_loop3A_238, %parallel_loop3A_239 : vector<32xbf16>
        %parallel_loop3A_241 = arith.constant 16 : i32
        %parallel_loop3A_242 = vector.broadcast %parallel_loop3A_241 : i32 to vector<16xi32>
        %parallel_loop3A_243 = arith.addi %parallel_loop3A_235, %parallel_loop3A_242 : vector<16xi32>
        %parallel_loop3A_244 = tpu.vector_load_idx %arg10[%parallel_loop3A_200, %parallel_loop3A_243] : memref<128x192xi32, #tpu.memory_space<vmem>>[vector<16xi32>, vector<16xi32>], vector<16xi32>,
        %parallel_loop3A_245 = tpu.vector_load_idx %arg11[%parallel_loop3A_203, %parallel_loop3A_243] : memref<128x192xi32, #tpu.memory_space<vmem>>[vector<16xi32>, vector<16xi32>], vector<16xi32>,
        %parallel_loop3A_246 = vector.bitcast %parallel_loop3A_244 : vector<16xi32> to vector<32xbf16>
        %parallel_loop3A_247 = vector.bitcast %parallel_loop3A_245 : vector<16xi32> to vector<32xbf16>
        %parallel_loop3A_248 = arith.addf %parallel_loop3A_246, %parallel_loop3A_247 : vector<32xbf16>
        %parallel_loop3A_249 = arith.constant 16 : i32
        %parallel_loop3A_250 = vector.broadcast %parallel_loop3A_249 : i32 to vector<16xi32>
        %parallel_loop3A_251 = arith.addi %parallel_loop3A_243, %parallel_loop3A_250 : vector<16xi32>
        %parallel_loop3A_252 = tpu.vector_load_idx %arg10[%parallel_loop3A_200, %parallel_loop3A_251] : memref<128x192xi32, #tpu.memory_space<vmem>>[vector<16xi32>, vector<16xi32>], vector<16xi32>,
        %parallel_loop3A_253 = tpu.vector_load_idx %arg11[%parallel_loop3A_203, %parallel_loop3A_251] : memref<128x192xi32, #tpu.memory_space<vmem>>[vector<16xi32>, vector<16xi32>], vector<16xi32>,
        %parallel_loop3A_254 = vector.bitcast %parallel_loop3A_252 : vector<16xi32> to vector<32xbf16>
        %parallel_loop3A_255 = vector.bitcast %parallel_loop3A_253 : vector<16xi32> to vector<32xbf16>
        %parallel_loop3A_256 = arith.addf %parallel_loop3A_254, %parallel_loop3A_255 : vector<32xbf16>
        %parallel_loop3A_257 = arith.constant 16 : i32
        %parallel_loop3A_258 = vector.broadcast %parallel_loop3A_257 : i32 to vector<16xi32>
        %parallel_loop3A_259 = arith.addi %parallel_loop3A_251, %parallel_loop3A_258 : vector<16xi32>
        %parallel_loop3A_260 = tpu.vector_load_idx %arg10[%parallel_loop3A_200, %parallel_loop3A_259] : memref<128x192xi32, #tpu.memory_space<vmem>>[vector<16xi32>, vector<16xi32>], vector<16xi32>,
        %parallel_loop3A_261 = tpu.vector_load_idx %arg11[%parallel_loop3A_203, %parallel_loop3A_259] : memref<128x192xi32, #tpu.memory_space<vmem>>[vector<16xi32>, vector<16xi32>], vector<16xi32>,
        %parallel_loop3A_262 = vector.bitcast %parallel_loop3A_260 : vector<16xi32> to vector<32xbf16>
        %parallel_loop3A_263 = vector.bitcast %parallel_loop3A_261 : vector<16xi32> to vector<32xbf16>
        %parallel_loop3A_264 = arith.addf %parallel_loop3A_262, %parallel_loop3A_263 : vector<32xbf16>
        %parallel_loop3A_265 = arith.constant 16 : i32
        %parallel_loop3A_266 = vector.broadcast %parallel_loop3A_265 : i32 to vector<16xi32>
        %parallel_loop3A_267 = arith.addi %parallel_loop3A_259, %parallel_loop3A_266 : vector<16xi32>
        %parallel_loop3A_268 = tpu.vector_load_idx %arg10[%parallel_loop3A_200, %parallel_loop3A_267] : memref<128x192xi32, #tpu.memory_space<vmem>>[vector<16xi32>, vector<16xi32>], vector<16xi32>,
        %parallel_loop3A_269 = tpu.vector_load_idx %arg11[%parallel_loop3A_203, %parallel_loop3A_267] : memref<128x192xi32, #tpu.memory_space<vmem>>[vector<16xi32>, vector<16xi32>], vector<16xi32>,
        %parallel_loop3A_270 = vector.bitcast %parallel_loop3A_268 : vector<16xi32> to vector<32xbf16>
        %parallel_loop3A_271 = vector.bitcast %parallel_loop3A_269 : vector<16xi32> to vector<32xbf16>
        %parallel_loop3A_272 = arith.addf %parallel_loop3A_270, %parallel_loop3A_271 : vector<32xbf16>
        %parallel_loop3A_273 = arith.constant 16 : i32
        %parallel_loop3A_274 = vector.broadcast %parallel_loop3A_273 : i32 to vector<16xi32>
        %parallel_loop3A_275 = arith.addi %parallel_loop3A_267, %parallel_loop3A_274 : vector<16xi32>
        %parallel_loop3A_276 = tpu.vector_load_idx %arg10[%parallel_loop3A_200, %parallel_loop3A_275] : memref<128x192xi32, #tpu.memory_space<vmem>>[vector<16xi32>, vector<16xi32>], vector<16xi32>,
        %parallel_loop3A_277 = tpu.vector_load_idx %arg11[%parallel_loop3A_203, %parallel_loop3A_275] : memref<128x192xi32, #tpu.memory_space<vmem>>[vector<16xi32>, vector<16xi32>], vector<16xi32>,
        %parallel_loop3A_278 = vector.bitcast %parallel_loop3A_276 : vector<16xi32> to vector<32xbf16>
        %parallel_loop3A_279 = vector.bitcast %parallel_loop3A_277 : vector<16xi32> to vector<32xbf16>
        %parallel_loop3A_280 = arith.addf %parallel_loop3A_278, %parallel_loop3A_279 : vector<32xbf16>
        %parallel_loop3A_281 = arith.constant 16 : i32
        %parallel_loop3A_282 = vector.broadcast %parallel_loop3A_281 : i32 to vector<16xi32>
        %parallel_loop3A_283 = arith.addi %parallel_loop3A_275, %parallel_loop3A_282 : vector<16xi32>
        %parallel_loop3A_284 = tpu.vector_load_idx %arg10[%parallel_loop3A_200, %parallel_loop3A_283] : memref<128x192xi32, #tpu.memory_space<vmem>>[vector<16xi32>, vector<16xi32>], vector<16xi32>,
        %parallel_loop3A_285 = tpu.vector_load_idx %arg11[%parallel_loop3A_203, %parallel_loop3A_283] : memref<128x192xi32, #tpu.memory_space<vmem>>[vector<16xi32>, vector<16xi32>], vector<16xi32>,
        %parallel_loop3A_286 = vector.bitcast %parallel_loop3A_284 : vector<16xi32> to vector<32xbf16>
        %parallel_loop3A_287 = vector.bitcast %parallel_loop3A_285 : vector<16xi32> to vector<32xbf16>
        %parallel_loop3A_288 = arith.addf %parallel_loop3A_286, %parallel_loop3A_287 : vector<32xbf16>
        %parallel_loop3A_289 = arith.constant 16 : i32
        %parallel_loop3A_290 = vector.broadcast %parallel_loop3A_289 : i32 to vector<16xi32>
        %parallel_loop3A_291 = arith.addi %parallel_loop3A_283, %parallel_loop3A_290 : vector<16xi32>
        %parallel_loop3A_292 = tpu.vector_load_idx %arg10[%parallel_loop3A_200, %parallel_loop3A_291] : memref<128x192xi32, #tpu.memory_space<vmem>>[vector<16xi32>, vector<16xi32>], vector<16xi32>,
        %parallel_loop3A_293 = tpu.vector_load_idx %arg11[%parallel_loop3A_203, %parallel_loop3A_291] : memref<128x192xi32, #tpu.memory_space<vmem>>[vector<16xi32>, vector<16xi32>], vector<16xi32>,
        %parallel_loop3A_294 = vector.bitcast %parallel_loop3A_292 : vector<16xi32> to vector<32xbf16>
        %parallel_loop3A_295 = vector.bitcast %parallel_loop3A_293 : vector<16xi32> to vector<32xbf16>
        %parallel_loop3A_296 = arith.addf %parallel_loop3A_294, %parallel_loop3A_295 : vector<32xbf16>
        %parallel_loop3A_297 = tpu.unpack_subelements %parallel_loop3A_208, 0 {pack_format = #tpu.pack_format<interleaved>} : vector<32xbf16> -> vector<16xf32>
        %parallel_loop3A_298 = tpu.unpack_subelements %parallel_loop3A_208, 1 {pack_format = #tpu.pack_format<interleaved>} : vector<32xbf16> -> vector<16xf32>
        %parallel_loop3A_299 = arith.index_cast %parallel_loop3A_192 : i32 to index
        %parallel_loop3A_300 = arith.constant 0 : index
        %parallel_loop3A_301 = tpu.vector_load %arg22[%parallel_loop3A_299, %parallel_loop3A_300] {strides = array<i32>} : memref<24x384xf32, #tpu.memory_space<vmem>>, vector<16xf32>,
        tpu.vector_store %arg22[%parallel_loop3A_299, %parallel_loop3A_300], %parallel_loop3A_297 {add = true, strides = array<i32>} : memref<24x384xf32, #tpu.memory_space<vmem>>, vector<16xf32>,
        %parallel_loop3A_302 = arith.index_cast %parallel_loop3A_192 : i32 to index
        %parallel_loop3A_303 = arith.constant 16 : index
        %parallel_loop3A_304 = tpu.vector_load %arg22[%parallel_loop3A_302, %parallel_loop3A_303] {strides = array<i32>} : memref<24x384xf32, #tpu.memory_space<vmem>>, vector<16xf32>,
        tpu.vector_store %arg22[%parallel_loop3A_302, %parallel_loop3A_303], %parallel_loop3A_298 {add = true, strides = array<i32>} : memref<24x384xf32, #tpu.memory_space<vmem>>, vector<16xf32>,
        %parallel_loop3A_305 = tpu.unpack_subelements %parallel_loop3A_216, 0 {pack_format = #tpu.pack_format<interleaved>} : vector<32xbf16> -> vector<16xf32>
        %parallel_loop3A_306 = tpu.unpack_subelements %parallel_loop3A_216, 1 {pack_format = #tpu.pack_format<interleaved>} : vector<32xbf16> -> vector<16xf32>
        %parallel_loop3A_307 = arith.index_cast %parallel_loop3A_192 : i32 to index
        %parallel_loop3A_308 = arith.constant 32 : index
        %parallel_loop3A_309 = tpu.vector_load %arg22[%parallel_loop3A_307, %parallel_loop3A_308] {strides = array<i32>} : memref<24x384xf32, #tpu.memory_space<vmem>>, vector<16xf32>,
        tpu.vector_store %arg22[%parallel_loop3A_307, %parallel_loop3A_308], %parallel_loop3A_305 {add = true, strides = array<i32>} : memref<24x384xf32, #tpu.memory_space<vmem>>, vector<16xf32>,
        %parallel_loop3A_310 = arith.index_cast %parallel_loop3A_192 : i32 to index
        %parallel_loop3A_311 = arith.constant 48 : index
        %parallel_loop3A_312 = tpu.vector_load %arg22[%parallel_loop3A_310, %parallel_loop3A_311] {strides = array<i32>} : memref<24x384xf32, #tpu.memory_space<vmem>>, vector<16xf32>,
        tpu.vector_store %arg22[%parallel_loop3A_310, %parallel_loop3A_311], %parallel_loop3A_306 {add = true, strides = array<i32>} : memref<24x384xf32, #tpu.memory_space<vmem>>, vector<16xf32>,
        %parallel_loop3A_313 = tpu.unpack_subelements %parallel_loop3A_224, 0 {pack_format = #tpu.pack_format<interleaved>} : vector<32xbf16> -> vector<16xf32>
        %parallel_loop3A_314 = tpu.unpack_subelements %parallel_loop3A_224, 1 {pack_format = #tpu.pack_format<interleaved>} : vector<32xbf16> -> vector<16xf32>
        %parallel_loop3A_315 = arith.index_cast %parallel_loop3A_192 : i32 to index
        %parallel_loop3A_316 = arith.constant 64 : index
        %parallel_loop3A_317 = tpu.vector_load %arg22[%parallel_loop3A_315, %parallel_loop3A_316] {strides = array<i32>} : memref<24x384xf32, #tpu.memory_space<vmem>>, vector<16xf32>,
        tpu.vector_store %arg22[%parallel_loop3A_315, %parallel_loop3A_316], %parallel_loop3A_313 {add = true, strides = array<i32>} : memref<24x384xf32, #tpu.memory_space<vmem>>, vector<16xf32>,
        %parallel_loop3A_318 = arith.index_cast %parallel_loop3A_192 : i32 to index
        %parallel_loop3A_319 = arith.constant 80 : index
        %parallel_loop3A_320 = tpu.vector_load %arg22[%parallel_loop3A_318, %parallel_loop3A_319] {strides = array<i32>} : memref<24x384xf32, #tpu.memory_space<vmem>>, vector<16xf32>,
        tpu.vector_store %arg22[%parallel_loop3A_318, %parallel_loop3A_319], %parallel_loop3A_314 {add = true, strides = array<i32>} : memref<24x384xf32, #tpu.memory_space<vmem>>, vector<16xf32>,
        %parallel_loop3A_321 = tpu.unpack_subelements %parallel_loop3A_232, 0 {pack_format = #tpu.pack_format<interleaved>} : vector<32xbf16> -> vector<16xf32>
        %parallel_loop3A_322 = tpu.unpack_subelements %parallel_loop3A_232, 1 {pack_format = #tpu.pack_format<interleaved>} : vector<32xbf16> -> vector<16xf32>
        %parallel_loop3A_323 = arith.index_cast %parallel_loop3A_192 : i32 to index
        %parallel_loop3A_324 = arith.constant 96 : index
        %parallel_loop3A_325 = tpu.vector_load %arg22[%parallel_loop3A_323, %parallel_loop3A_324] {strides = array<i32>} : memref<24x384xf32, #tpu.memory_space<vmem>>, vector<16xf32>,
        tpu.vector_store %arg22[%parallel_loop3A_323, %parallel_loop3A_324], %parallel_loop3A_321 {add = true, strides = array<i32>} : memref<24x384xf32, #tpu.memory_space<vmem>>, vector<16xf32>,
        %parallel_loop3A_326 = arith.index_cast %parallel_loop3A_192 : i32 to index
        %parallel_loop3A_327 = arith.constant 112 : index
        %parallel_loop3A_328 = tpu.vector_load %arg22[%parallel_loop3A_326, %parallel_loop3A_327] {strides = array<i32>} : memref<24x384xf32, #tpu.memory_space<vmem>>, vector<16xf32>,
        tpu.vector_store %arg22[%parallel_loop3A_326, %parallel_loop3A_327], %parallel_loop3A_322 {add = true, strides = array<i32>} : memref<24x384xf32, #tpu.memory_space<vmem>>, vector<16xf32>,
        %parallel_loop3A_329 = tpu.unpack_subelements %parallel_loop3A_240, 0 {pack_format = #tpu.pack_format<interleaved>} : vector<32xbf16> -> vector<16xf32>
        %parallel_loop3A_330 = tpu.unpack_subelements %parallel_loop3A_240, 1 {pack_format = #tpu.pack_format<interleaved>} : vector<32xbf16> -> vector<16xf32>
        %parallel_loop3A_331 = arith.index_cast %parallel_loop3A_192 : i32 to index
        %parallel_loop3A_332 = arith.constant 128 : index
        %parallel_loop3A_333 = tpu.vector_load %arg22[%parallel_loop3A_331, %parallel_loop3A_332] {strides = array<i32>} : memref<24x384xf32, #tpu.memory_space<vmem>>, vector<16xf32>,
        tpu.vector_store %arg22[%parallel_loop3A_331, %parallel_loop3A_332], %parallel_loop3A_329 {add = true, strides = array<i32>} : memref<24x384xf32, #tpu.memory_space<vmem>>, vector<16xf32>,
        %parallel_loop3A_334 = arith.index_cast %parallel_loop3A_192 : i32 to index
        %parallel_loop3A_335 = arith.constant 144 : index
        %parallel_loop3A_336 = tpu.vector_load %arg22[%parallel_loop3A_334, %parallel_loop3A_335] {strides = array<i32>} : memref<24x384xf32, #tpu.memory_space<vmem>>, vector<16xf32>,
        tpu.vector_store %arg22[%parallel_loop3A_334, %parallel_loop3A_335], %parallel_loop3A_330 {add = true, strides = array<i32>} : memref<24x384xf32, #tpu.memory_space<vmem>>, vector<16xf32>,
        %parallel_loop3A_337 = tpu.unpack_subelements %parallel_loop3A_248, 0 {pack_format = #tpu.pack_format<interleaved>} : vector<32xbf16> -> vector<16xf32>
        %parallel_loop3A_338 = tpu.unpack_subelements %parallel_loop3A_248, 1 {pack_format = #tpu.pack_format<interleaved>} : vector<32xbf16> -> vector<16xf32>
        %parallel_loop3A_339 = arith.index_cast %parallel_loop3A_192 : i32 to index
        %parallel_loop3A_340 = arith.constant 160 : index
        %parallel_loop3A_341 = tpu.vector_load %arg22[%parallel_loop3A_339, %parallel_loop3A_340] {strides = array<i32>} : memref<24x384xf32, #tpu.memory_space<vmem>>, vector<16xf32>,
        tpu.vector_store %arg22[%parallel_loop3A_339, %parallel_loop3A_340], %parallel_loop3A_337 {add = true, strides = array<i32>} : memref<24x384xf32, #tpu.memory_space<vmem>>, vector<16xf32>,
        %parallel_loop3A_342 = arith.index_cast %parallel_loop3A_192 : i32 to index
        %parallel_loop3A_343 = arith.constant 176 : index
        %parallel_loop3A_344 = tpu.vector_load %arg22[%parallel_loop3A_342, %parallel_loop3A_343] {strides = array<i32>} : memref<24x384xf32, #tpu.memory_space<vmem>>, vector<16xf32>,
        tpu.vector_store %arg22[%parallel_loop3A_342, %parallel_loop3A_343], %parallel_loop3A_338 {add = true, strides = array<i32>} : memref<24x384xf32, #tpu.memory_space<vmem>>, vector<16xf32>,
        %parallel_loop3A_345 = tpu.unpack_subelements %parallel_loop3A_256, 0 {pack_format = #tpu.pack_format<interleaved>} : vector<32xbf16> -> vector<16xf32>
        %parallel_loop3A_346 = tpu.unpack_subelements %parallel_loop3A_256, 1 {pack_format = #tpu.pack_format<interleaved>} : vector<32xbf16> -> vector<16xf32>
        %parallel_loop3A_347 = arith.index_cast %parallel_loop3A_192 : i32 to index
        %parallel_loop3A_348 = arith.constant 192 : index
        %parallel_loop3A_349 = tpu.vector_load %arg22[%parallel_loop3A_347, %parallel_loop3A_348] {strides = array<i32>} : memref<24x384xf32, #tpu.memory_space<vmem>>, vector<16xf32>,
        tpu.vector_store %arg22[%parallel_loop3A_347, %parallel_loop3A_348], %parallel_loop3A_345 {add = true, strides = array<i32>} : memref<24x384xf32, #tpu.memory_space<vmem>>, vector<16xf32>,
        %parallel_loop3A_350 = arith.index_cast %parallel_loop3A_192 : i32 to index
        %parallel_loop3A_351 = arith.constant 208 : index
        %parallel_loop3A_352 = tpu.vector_load %arg22[%parallel_loop3A_350, %parallel_loop3A_351] {strides = array<i32>} : memref<24x384xf32, #tpu.memory_space<vmem>>, vector<16xf32>,
        tpu.vector_store %arg22[%parallel_loop3A_350, %parallel_loop3A_351], %parallel_loop3A_346 {add = true, strides = array<i32>} : memref<24x384xf32, #tpu.memory_space<vmem>>, vector<16xf32>,
        %parallel_loop3A_353 = tpu.unpack_subelements %parallel_loop3A_264, 0 {pack_format = #tpu.pack_format<interleaved>} : vector<32xbf16> -> vector<16xf32>
        %parallel_loop3A_354 = tpu.unpack_subelements %parallel_loop3A_264, 1 {pack_format = #tpu.pack_format<interleaved>} : vector<32xbf16> -> vector<16xf32>
        %parallel_loop3A_355 = arith.index_cast %parallel_loop3A_192 : i32 to index
        %parallel_loop3A_356 = arith.constant 224 : index
        %parallel_loop3A_357 = tpu.vector_load %arg22[%parallel_loop3A_355, %parallel_loop3A_356] {strides = array<i32>} : memref<24x384xf32, #tpu.memory_space<vmem>>, vector<16xf32>,
        tpu.vector_store %arg22[%parallel_loop3A_355, %parallel_loop3A_356], %parallel_loop3A_353 {add = true, strides = array<i32>} : memref<24x384xf32, #tpu.memory_space<vmem>>, vector<16xf32>,
        %parallel_loop3A_358 = arith.index_cast %parallel_loop3A_192 : i32 to index
        %parallel_loop3A_359 = arith.constant 240 : index
        %parallel_loop3A_360 = tpu.vector_load %arg22[%parallel_loop3A_358, %parallel_loop3A_359] {strides = array<i32>} : memref<24x384xf32, #tpu.memory_space<vmem>>, vector<16xf32>,
        tpu.vector_store %arg22[%parallel_loop3A_358, %parallel_loop3A_359], %parallel_loop3A_354 {add = true, strides = array<i32>} : memref<24x384xf32, #tpu.memory_space<vmem>>, vector<16xf32>,
        %parallel_loop3A_361 = tpu.unpack_subelements %parallel_loop3A_272, 0 {pack_format = #tpu.pack_format<interleaved>} : vector<32xbf16> -> vector<16xf32>
        %parallel_loop3A_362 = tpu.unpack_subelements %parallel_loop3A_272, 1 {pack_format = #tpu.pack_format<interleaved>} : vector<32xbf16> -> vector<16xf32>
        %parallel_loop3A_363 = arith.index_cast %parallel_loop3A_192 : i32 to index
        %parallel_loop3A_364 = arith.constant 256 : index
        %parallel_loop3A_365 = tpu.vector_load %arg22[%parallel_loop3A_363, %parallel_loop3A_364] {strides = array<i32>} : memref<24x384xf32, #tpu.memory_space<vmem>>, vector<16xf32>,
        tpu.vector_store %arg22[%parallel_loop3A_363, %parallel_loop3A_364], %parallel_loop3A_361 {add = true, strides = array<i32>} : memref<24x384xf32, #tpu.memory_space<vmem>>, vector<16xf32>,
        %parallel_loop3A_366 = arith.index_cast %parallel_loop3A_192 : i32 to index
        %parallel_loop3A_367 = arith.constant 272 : index
        %parallel_loop3A_368 = tpu.vector_load %arg22[%parallel_loop3A_366, %parallel_loop3A_367] {strides = array<i32>} : memref<24x384xf32, #tpu.memory_space<vmem>>, vector<16xf32>,
        tpu.vector_store %arg22[%parallel_loop3A_366, %parallel_loop3A_367], %parallel_loop3A_362 {add = true, strides = array<i32>} : memref<24x384xf32, #tpu.memory_space<vmem>>, vector<16xf32>,
        %parallel_loop3A_369 = tpu.unpack_subelements %parallel_loop3A_280, 0 {pack_format = #tpu.pack_format<interleaved>} : vector<32xbf16> -> vector<16xf32>
        %parallel_loop3A_370 = tpu.unpack_subelements %parallel_loop3A_280, 1 {pack_format = #tpu.pack_format<interleaved>} : vector<32xbf16> -> vector<16xf32>
        %parallel_loop3A_371 = arith.index_cast %parallel_loop3A_192 : i32 to index
        %parallel_loop3A_372 = arith.constant 288 : index
        %parallel_loop3A_373 = tpu.vector_load %arg22[%parallel_loop3A_371, %parallel_loop3A_372] {strides = array<i32>} : memref<24x384xf32, #tpu.memory_space<vmem>>, vector<16xf32>,
        tpu.vector_store %arg22[%parallel_loop3A_371, %parallel_loop3A_372], %parallel_loop3A_369 {add = true, strides = array<i32>} : memref<24x384xf32, #tpu.memory_space<vmem>>, vector<16xf32>,
        %parallel_loop3A_374 = arith.index_cast %parallel_loop3A_192 : i32 to index
        %parallel_loop3A_375 = arith.constant 304 : index
        %parallel_loop3A_376 = tpu.vector_load %arg22[%parallel_loop3A_374, %parallel_loop3A_375] {strides = array<i32>} : memref<24x384xf32, #tpu.memory_space<vmem>>, vector<16xf32>,
        tpu.vector_store %arg22[%parallel_loop3A_374, %parallel_loop3A_375], %parallel_loop3A_370 {add = true, strides = array<i32>} : memref<24x384xf32, #tpu.memory_space<vmem>>, vector<16xf32>,
        %parallel_loop3A_377 = tpu.unpack_subelements %parallel_loop3A_288, 0 {pack_format = #tpu.pack_format<interleaved>} : vector<32xbf16> -> vector<16xf32>
        %parallel_loop3A_378 = tpu.unpack_subelements %parallel_loop3A_288, 1 {pack_format = #tpu.pack_format<interleaved>} : vector<32xbf16> -> vector<16xf32>
        %parallel_loop3A_379 = arith.index_cast %parallel_loop3A_192 : i32 to index
        %parallel_loop3A_380 = arith.constant 320 : index
        %parallel_loop3A_381 = tpu.vector_load %arg22[%parallel_loop3A_379, %parallel_loop3A_380] {strides = array<i32>} : memref<24x384xf32, #tpu.memory_space<vmem>>, vector<16xf32>,
        tpu.vector_store %arg22[%parallel_loop3A_379, %parallel_loop3A_380], %parallel_loop3A_377 {add = true, strides = array<i32>} : memref<24x384xf32, #tpu.memory_space<vmem>>, vector<16xf32>,
        %parallel_loop3A_382 = arith.index_cast %parallel_loop3A_192 : i32 to index
        %parallel_loop3A_383 = arith.constant 336 : index
        %parallel_loop3A_384 = tpu.vector_load %arg22[%parallel_loop3A_382, %parallel_loop3A_383] {strides = array<i32>} : memref<24x384xf32, #tpu.memory_space<vmem>>, vector<16xf32>,
        tpu.vector_store %arg22[%parallel_loop3A_382, %parallel_loop3A_383], %parallel_loop3A_378 {add = true, strides = array<i32>} : memref<24x384xf32, #tpu.memory_space<vmem>>, vector<16xf32>,
        %parallel_loop3A_385 = tpu.unpack_subelements %parallel_loop3A_296, 0 {pack_format = #tpu.pack_format<interleaved>} : vector<32xbf16> -> vector<16xf32>
        %parallel_loop3A_386 = tpu.unpack_subelements %parallel_loop3A_296, 1 {pack_format = #tpu.pack_format<interleaved>} : vector<32xbf16> -> vector<16xf32>
        %parallel_loop3A_387 = arith.index_cast %parallel_loop3A_192 : i32 to index
        %parallel_loop3A_388 = arith.constant 352 : index
        %parallel_loop3A_389 = tpu.vector_load %arg22[%parallel_loop3A_387, %parallel_loop3A_388] {strides = array<i32>} : memref<24x384xf32, #tpu.memory_space<vmem>>, vector<16xf32>,
        tpu.vector_store %arg22[%parallel_loop3A_387, %parallel_loop3A_388], %parallel_loop3A_385 {add = true, strides = array<i32>} : memref<24x384xf32, #tpu.memory_space<vmem>>, vector<16xf32>,
        %parallel_loop3A_390 = arith.index_cast %parallel_loop3A_192 : i32 to index
        %parallel_loop3A_391 = arith.constant 368 : index
        %parallel_loop3A_392 = tpu.vector_load %arg22[%parallel_loop3A_390, %parallel_loop3A_391] {strides = array<i32>} : memref<24x384xf32, #tpu.memory_space<vmem>>, vector<16xf32>,
        tpu.vector_store %arg22[%parallel_loop3A_390, %parallel_loop3A_391], %parallel_loop3A_386 {add = true, strides = array<i32>} : memref<24x384xf32, #tpu.memory_space<vmem>>, vector<16xf32>,
      } {sc.loop_unroll_factor = 1 : i64, sc.parallel_access}
      %mul3A_187 = arith.constant 24 : i32
      %mul3A_188 = arith.muli %add3A_171, %mul3A_187 : i32
      %add3A_189 = arith.addi %mul3A_2, %mul3A_188 : i32
      %dma_start3A_190 = tpu.memref_slice %arg9[%add3A_189, %mul3A_0] : memref<36864x768xf32, #tpu.memory_space<hbm>> -> memref<24x384xf32, #tpu.memory_space<hbm>>
      %dma_start3A_191 = tpu.memref_slice %arg9[%add3A_189, %mul3A_0] : memref<36864x768xf32, #tpu.memory_space<hbm>> -> memref<24x384xf32, #tpu.memory_space<hbm>>
      tpu.enqueue_dma source(%arg22 : memref<24x384xf32, #tpu.memory_space<vmem>>) target(%dma_start3A_191 : memref<24x384xf32, #tpu.memory_space<hbm>>) target_semaphore(%arg34 : memref<!tpu.dma_semaphore, #tpu.memory_space<semaphore_mem>>)
    }
    %scan3A_27 = arith.constant 16 : i32
    %add3A_28 = arith.constant 0 : i32
    %add3A_29 = arith.addi %mul3A_2, %add3A_28 : i32
    %dma_wait3A = tpu.memref_slice %arg9[%add3A_29, %mul3A_0] : memref<36864x768xf32, #tpu.memory_space<hbm>> -> memref<24x384xf32, #tpu.memory_space<hbm>>
    %dma_wait3A_30 = tpu.memref_slice %arg9[%add3A_29, %mul3A_0] : memref<36864x768xf32, #tpu.memory_space<hbm>> -> memref<24x384xf32, #tpu.memory_space<hbm>>
    tpu.wait_dma2 semaphore(%arg29 : memref<!tpu.dma_semaphore, #tpu.memory_space<semaphore_mem>>) src(%arg17 : memref<24x384xf32, #tpu.memory_space<vmem>>) dst(%dma_wait3A_30 : memref<24x384xf32, #tpu.memory_space<hbm>>)
    %add3A_31 = arith.constant 24 : i32
    %add3A_32 = arith.addi %mul3A_2, %add3A_31 : i32
    %dma_wait3A_33 = tpu.memref_slice %arg9[%add3A_32, %mul3A_0] : memref<36864x768xf32, #tpu.memory_space<hbm>> -> memref<24x384xf32, #tpu.memory_space<hbm>>
    %dma_wait3A_34 = tpu.memref_slice %arg9[%add3A_32, %mul3A_0] : memref<36864x768xf32, #tpu.memory_space<hbm>> -> memref<24x384xf32, #tpu.memory_space<hbm>>
    tpu.wait_dma2 semaphore(%arg30 : memref<!tpu.dma_semaphore, #tpu.memory_space<semaphore_mem>>) src(%arg18 : memref<24x384xf32, #tpu.memory_space<vmem>>) dst(%dma_wait3A_34 : memref<24x384xf32, #tpu.memory_space<hbm>>)
    %add3A_35 = arith.constant 48 : i32
    %add3A_36 = arith.addi %mul3A_2, %add3A_35 : i32
    %dma_wait3A_37 = tpu.memref_slice %arg9[%add3A_36, %mul3A_0] : memref<36864x768xf32, #tpu.memory_space<hbm>> -> memref<24x384xf32, #tpu.memory_space<hbm>>
    %dma_wait3A_38 = tpu.memref_slice %arg9[%add3A_36, %mul3A_0] : memref<36864x768xf32, #tpu.memory_space<hbm>> -> memref<24x384xf32, #tpu.memory_space<hbm>>
    tpu.wait_dma2 semaphore(%arg31 : memref<!tpu.dma_semaphore, #tpu.memory_space<semaphore_mem>>) src(%arg19 : memref<24x384xf32, #tpu.memory_space<vmem>>) dst(%dma_wait3A_38 : memref<24x384xf32, #tpu.memory_space<hbm>>)
    %add3A_39 = arith.constant 72 : i32
    %add3A_40 = arith.addi %mul3A_2, %add3A_39 : i32
    %dma_wait3A_41 = tpu.memref_slice %arg9[%add3A_40, %mul3A_0] : memref<36864x768xf32, #tpu.memory_space<hbm>> -> memref<24x384xf32, #tpu.memory_space<hbm>>
    %dma_wait3A_42 = tpu.memref_slice %arg9[%add3A_40, %mul3A_0] : memref<36864x768xf32, #tpu.memory_space<hbm>> -> memref<24x384xf32, #tpu.memory_space<hbm>>
    tpu.wait_dma2 semaphore(%arg32 : memref<!tpu.dma_semaphore, #tpu.memory_space<semaphore_mem>>) src(%arg20 : memref<24x384xf32, #tpu.memory_space<vmem>>) dst(%dma_wait3A_42 : memref<24x384xf32, #tpu.memory_space<hbm>>)
    %add3A_43 = arith.constant 96 : i32
    %add3A_44 = arith.addi %mul3A_2, %add3A_43 : i32
    %dma_wait3A_45 = tpu.memref_slice %arg9[%add3A_44, %mul3A_0] : memref<36864x768xf32, #tpu.memory_space<hbm>> -> memref<24x384xf32, #tpu.memory_space<hbm>>
    %dma_wait3A_46 = tpu.memref_slice %arg9[%add3A_44, %mul3A_0] : memref<36864x768xf32, #tpu.memory_space<hbm>> -> memref<24x384xf32, #tpu.memory_space<hbm>>
    tpu.wait_dma2 semaphore(%arg33 : memref<!tpu.dma_semaphore, #tpu.memory_space<semaphore_mem>>) src(%arg21 : memref<24x384xf32, #tpu.memory_space<vmem>>) dst(%dma_wait3A_46 : memref<24x384xf32, #tpu.memory_space<hbm>>)
    %add3A_47 = arith.constant 120 : i32
    %add3A_48 = arith.addi %mul3A_2, %add3A_47 : i32
    %dma_wait3A_49 = tpu.memref_slice %arg9[%add3A_48, %mul3A_0] : memref<36864x768xf32, #tpu.memory_space<hbm>> -> memref<24x384xf32, #tpu.memory_space<hbm>>
    %dma_wait3A_50 = tpu.memref_slice %arg9[%add3A_48, %mul3A_0] : memref<36864x768xf32, #tpu.memory_space<hbm>> -> memref<24x384xf32, #tpu.memory_space<hbm>>
    tpu.wait_dma2 semaphore(%arg34 : memref<!tpu.dma_semaphore, #tpu.memory_space<semaphore_mem>>) src(%arg22 : memref<24x384xf32, #tpu.memory_space<vmem>>) dst(%dma_wait3A_50 : memref<24x384xf32, #tpu.memory_space<hbm>>)
    return
  }
}

</mosaic_0001>

<sc_bundles>
// kernel: kernel.3.cloned.1.call-start
scs
__scs_entry_jumppad:
0x0: {  	(pc) =	sbr.rel $0x88, $3  }
0x1: {  	(tag) =	ssettag $0x0;
	lr =	simm.s32 $0x1  }
0x2: {  	[smem:$0x3F9A] =	sst lr;
	_ =	strace $0xD0000000  }
0x3: {  	_ = 	snop  }
0x4: {  	_ = 	snop  }
0x5: {  	_ = 	snop  }
0x6: {  	_ = 	snop  }
0x7: {  	_ = 	snop  }
__scs_overlays_trampoline_lowered:
0x8: {  	[smem:$0x3FA9] =	sst s0  }
0x9: {  	[smem:$0x3FAA] =	sst s1  }
0xa: {  	[smem:$0x3FAB] =	sst s2  }
0xb: {  	[smem:$0x3FAC] =	sst s3  }
0xc: {  	[smem:$0x3FAD] =	sst s4  }
0xd: {  	[smem:$0x3FAE] =	sst s5  }
0xe: {  	[smem:$0x3FAF] =	sst s6  }
0xf: {  	[smem:$0x3FB0] =	sst s7  }
0x10: {  	[smem:$0x3FB1] =	sst s8  }
0x11: {  	[smem:$0x3FB2] =	sst s9;
	s0 =	simm.s32 @!p0 $0x0  }
0x12: {  	s1 =	sld [smem:$0x3F98];
	s0 =	simm.s32 @p0 $0x1  }
0x13: {  	[smem:$0x3FB3] =	sst s0;
	s0 =	simm.s32 @!p1 $0x0  }
0x14: {  	s2 =	sld [smem:$0x3F97];
	s0 =	simm.s32 @p1 $0x1  }
0x15: {  	[smem:$0x3FB4] =	sst s0;
	s0 =	simm.s32 @!p2 $0x0  }
0x16: {  	s3 =	sld [smem:$0x3FDB];
	s0 =	simm.s32 @p2 $0x1  }
0x17: {  	s4 =	simm.s32 $0x1BF5;
	[smem:$0x3FB6] =	sst s0  }
0x18: {  	s0 =	sld [smem:$0x3F99];
	_ =	swait.ge [sflag:s4], $0x0  }
0x19: {  	s7 =	sld [smem:$0x3F9A]  }
0x1a: {  	s8 =	sadd.s32 $0xFFFFE003, lr  }
0x1b: {  	s9 =	sadd.s32 $0xFFFFFEF7, lr;
	s5 =	simm.s32 $0xFFFFFFFF;
	p2 =	slt.u32 s8, $0xFFFFF086  }
0x1c: {  	p1 =	slt.u32 s9, $0xF7A;
	s5 =	simm.s32 @!p2 $0x0  }
0x1d: {  	s5 =	simm.s32 @p1 $0x1;
	p0 =	seq.s32 s7, s2  }
0x1e: {  	s7 =	smul.u32 @!p0 $0xF7A, s2;
	p2 =	seq.s32 @!p0 s5, $0x0  }
0x1f: {  	s9 =	smul.u32 $0xF7A, s1;
	s8 =	simm.s32 @!p0 $0x1BF5;
	p2 =	por !p2, p0  }
0x20: {  	[sflag:s8] =	ssyncset.s32 @!p0 $0xFFFFF086;
	s6 =	sadd.s32 @!p0 s3, s7;
	s7 =	simm.s32 @!p0 $0x108  }
0x21: {  	s3 =	sadd.s32 s3, s9;
	s6 =	sadd.s32 @!p0 $0x88, s6;
	s7 =	simm.s32 @p2 $0x1082  }
0x22: {  	[simem:s7], [sflag:s8] =	dma.local @!p0 [hbm:s6], $0xF7A  }
0x23: {  	s9 =	sor.u32 $0xD0000000, s2;
	s6 =	simm.s32 $0x108;
	_ =	swait.ge @!p0 [sflag:s8], $0x0  }
0x24: {  	s3 =	sadd.s32 $0x88, s3;
	s6 =	simm.s32 @!p1 $0x1082;
	[sflag:s4] =	ssyncset.s32 $0xFFFFF086  }
0x25: {  	[simem:s6], [sflag:s4] =	dma.local [hbm:s3], $0xF7A  }
0x26: {  	[smem:$0x3F9A] =	sst s1;
	(tag) =	ssettag s2;
	_ =	strace s9  }
0x27: {  	s1 =	sld [smem:$0x3FAA]  }
0x28: {  	s2 =	sld [smem:$0x3FAB]  }
0x29: {  	s4 =	sld [smem:$0x3FAD]  }
0x2a: {  	p0 =	seq.s32 s5, $0x0;
	s5 =	sld [smem:$0x3FAE]  }
0x2b: {  	s6 =	sld [smem:$0x3FAF]  }
0x2c: {  	s7 =	sld [smem:$0x3FB0]  }
0x2d: {  	s3 =	simm.s32 $0x108;
	s8 =	sld [smem:$0x3FB1]  }
0x2e: {  	s3 =	simm.s32 @!p0 $0x1082;
	s9 =	sld [smem:$0x3FB2]  }
0x2f: {  	lr =	sadd.s32 s0, s3;
	s0 =	sld [smem:$0x3FA9]  }
0x30: {  	s3 =	sld [smem:$0x3FAC]  }
0x31: {  	[smem:$0x3FB5] =	sst s10  }
0x32: {  	s10 =	sld [smem:$0x3FB3];
	_ =	sdelay $0x3  }
0x33: {  	p0 =	seq.s32 s10, $0x1;
	s10 =	sld [smem:$0x3FB5];
	_ =	sdelay $0x3  }
0x34: {  	[smem:$0x3FB5] =	sst s10  }
0x35: {  	s10 =	sld [smem:$0x3FB4];
	_ =	sdelay $0x3  }
0x36: {  	p1 =	seq.s32 s10, $0x1;
	s10 =	sld [smem:$0x3FB5];
	_ =	sdelay $0x3  }
0x37: {  	[smem:$0x3FB5] =	sst s10  }
0x38: {  	s10 =	sld [smem:$0x3FB6]  }
0x39: {  	_ = 	snop;
	(pc) =	sbr.ind lr, $3  }
0x3a: {  	_ = 	snop  }
0x3b: {  	_ = 	snop  }
0x3c: {  	p2 =	seq.s32 s10, $0x1;
	s10 =	sld [smem:$0x3FB5]  }
0x3d: {  	_ =	shalt  }
0x3e: {  	_ =	shalt  }
0x3f: {  	_ =	shalt  }
0x40: {  	_ =	shalt  }
0x41: {  	_ =	shalt  }
0x42: {  	_ =	shalt  }
0x43: {  	_ =	shalt  }
0x44: {  	_ =	shalt  }
0x45: {  	_ =	shalt  }
0x46: {  	_ =	shalt  }
0x47: {  	_ =	shalt  }
0x48: {  	_ =	shalt  }
0x49: {  	_ =	shalt  }
0x4a: {  	_ =	shalt  }
0x4b: {  	_ =	shalt  }
0x4c: {  	_ =	shalt  }
0x4d: {  	_ =	shalt  }
0x4e: {  	_ =	shalt  }
0x4f: {  	_ =	shalt  }
0x50: {  	_ =	shalt  }
0x51: {  	_ =	shalt  }
0x52: {  	_ =	shalt  }
0x53: {  	_ =	shalt  }
0x54: {  	_ =	shalt  }
0x55: {  	_ =	shalt  }
0x56: {  	_ =	shalt  }
0x57: {  	_ =	shalt  }
0x58: {  	_ =	shalt  }
0x59: {  	_ =	shalt  }
0x5a: {  	_ =	shalt  }
0x5b: {  	_ =	shalt  }
0x5c: {  	_ =	shalt  }
0x5d: {  	_ =	shalt  }
0x5e: {  	_ =	shalt  }
0x5f: {  	_ =	shalt  }
0x60: {  	_ =	shalt  }
0x61: {  	_ =	shalt  }
0x62: {  	_ =	shalt  }
0x63: {  	_ =	shalt  }
0x64: {  	_ =	shalt  }
0x65: {  	_ =	shalt  }
0x66: {  	_ =	shalt  }
0x67: {  	_ =	shalt  }
0x68: {  	_ =	shalt  }
0x69: {  	_ =	shalt  }
0x6a: {  	_ =	shalt  }
0x6b: {  	_ =	shalt  }
0x6c: {  	_ =	shalt  }
0x6d: {  	_ =	shalt  }
0x6e: {  	_ =	shalt  }
0x6f: {  	_ =	shalt  }
0x70: {  	_ =	shalt  }
0x71: {  	_ =	shalt  }
0x72: {  	_ =	shalt  }
0x73: {  	_ =	shalt  }
0x74: {  	_ =	shalt  }
0x75: {  	_ =	shalt  }
0x76: {  	_ =	shalt  }
0x77: {  	_ =	shalt  }
0x78: {  	_ =	shalt  }
0x79: {  	_ =	shalt  }
0x7a: {  	_ =	shalt  }
0x7b: {  	_ =	shalt  }
0x7c: {  	_ =	shalt  }
0x7d: {  	_ =	shalt  }
0x7e: {  	_ =	shalt  }
0x7f: {  	_ =	shalt  }
0x80: {  	_ =	shalt  }
0x81: {  	_ =	shalt  }
0x82: {  	_ =	shalt  }
0x83: {  	_ =	shalt  }
0x84: {  	_ =	shalt  }
0x85: {  	_ =	shalt  }
0x86: {  	_ =	shalt  }
0x87: {  	_ =	shalt  }
.Lfunc_end0:
.L_simem_size_0:
called_computation_lowered:
.L_overlay_start_0:
0x88: {  	s2 =	sld [smem:$0x3FD9]  }
0x89: {  	s3 =	sld [smem:$0x3FFE];
	_ =	sdelay $0x1  }
0x8a: {  	s1 =	srdreg.scid  }
0x8b: {  	s0 =	sand.u32 $0x1, s1  }
0x8c: {  	s17 =	sshll.u32 s0, $0xA;
	s2 =	sadd.s32 s3, s2  }
0x8d: {  	s2 =	sadd.s32 s2, s17  }
0x8e: {  	[smem:$0x3FC1] =	sst s2  }
0x8f: {  	_ = 	snop  }
0x90: {  	s2 =	sld [smem:$0x3FC9]  }
0x91: {  	s18 =	sld [smem:$0x3FD0];
	(tm) =	ssettm $0x1  }
0x92: {  	s4 =	sld [smem:$0x3FFB];
	_ =	sdelay $0x3  }
0x93: {  	_ =	strace s4  }
0x94: {  	s4 =	sld [smem:$0x3FFC];
	_ =	sdelay $0x3  }
0x95: {  	_ =	strace s4  }
0x96: {  	s4 =	sld [smem:$0x3FFD];
	_ =	sdelay $0x3  }
0x97: {  	_ =	strace s4  }
0x98: {  	_ =	strace $0x8FFFFFFF  }
0x99: {  	s19 =	sld [smem:$0x3FDB];
	_ =	sdelay $0x1  }
0x9a: {  	s5 =	simm.s32 $_scs_section_size  }
0x9b: {  	s6 =	simm.s32 $_size__tile_overlayer_lowered;
	s7 =	simm.s32 $_tile_overlayer_lowered  }
0x9c: {  	s22 =	simm.s32 $0x1BFF;
	s21 =	sshll.u32 s7, $0x1;
	s4 =	sadd.s32 s5, s19  }
0x9d: {  	s8 =	simm.s32 $0x0;
	s20 =	sshll.u32 s6, $0x1;
	s6 =	sadd.s32 s21, s4  }
0x9e: {  	[timem:s8], [sflag:s22] =	dma.local [hbm:s6], s20  }
0x9f: {  	_ =	swait.ge [sflag:s22], s20  }
0xa0: {  	s5 =	ssub.s32 $0x0, s20;
	[sflag:s22] =	ssyncset.done $0x0  }
0xa1: {  	[sflag:s22] =	ssyncadd.s32 s5;
	_ =	sdelay $0x1  }
0xa2: {  	s23 =	simm.s32 $0x1B8B  }
0xa3: {  	_ =	swait.ge [sflag:s23], $0x1  }
0xa4: {  	[sflag:s23] =	ssyncset.done $0x0  }
0xa5: {  	s25 =	simm.s32 $0x1B8E;
	s24 =	sld [smem:$0x3FFE];
	[sflag:s23] =	ssyncadd.s32 $0xFFFFFFFF  }
0xa6: {  	s26 =	simm.s32 $execute0_lowered;
	[smem:$0x3FD2] =	sst s25  }
0xa7: {  	s6 =	sshll.u32 s26, $0x1;
	_ =	strace $0x80000046;
	[dreg:$0x1] =	wrdreg $0xFFFFFFFF  }
0xa8: {  	s28 =	simm.s32 $_size_execute0_lowered;
	s4 =	sadd.s32 s4, s6;
	[dreg:$0x0] =	wrdreg $0x0  }
0xa9: {  	s6 =	sshll.u32 s28, $0x1;
	[dreg:$0x2] =	wrdreg s4  }
0xaa: {  	[dreg:$0x3] =	wrdreg s6  }
0xab: {  	[dreg:$0x4] =	wrdreg $0xC0  }
0xac: {  	_ =	task [dreg:s8], $0x5FFFF  }
0xad: {  	[dreg:$0x1] =	wrdreg $0xFFFFFFFF  }
0xae: {  	[dreg:$0x0] =	wrdreg $0x60  }
0xaf: {  	[dreg:$0x2] =	wrdreg s2  }
0xb0: {  	[dreg:$0x3] =	wrdreg s24  }
0xb1: {  	[dreg:$0x4] =	wrdreg s18  }
0xb2: {  	[dreg:$0x5] =	wrdreg $0x9  }
0xb3: {  	_ =	task.clear_ibuf [dreg:s8], $0x6FFFF;
	_ =	strace $0x90000046  }
0xb4: {  	s29 =	simm.s32 $0x9;
	_ =	strace $0x80000048  }
0xb5: {  	_ =	swait.ge [sflag:s29], $0x1  }
0xb6: {  	[sflag:s29] =	ssyncadd.s32 $0xFFFFFFFF  }
0xb7: {  	_ =	strace $0x90000048  }
0xb8: {  	_ =	sfence  }
0xb9: {  	s30 =	sld [smem:$0x0];
	_ =	sdelay $0x2  }
0xba: {  	s31 =	sshll.u32 s1, $0xD;
	s1 =	sshrl.u32 s1, $0x2  }
0xbb: {  	s3 =	sand.u32 $0x4000, s31;
	s1 =	sadd.s32 s1, s30  }
0xbc: {  	s0 =	sor.u32 s3, s0;
	s1 =	sshll.u32 s1, $0x11  }
0xbd: {  	s0 =	sor.u32 s1, s0  }
0xbe: {  	s0 =	sadd.s32 $0x8F2B, s0  }
0xbf: {  	[sflag:s0] =	ssyncadd.remote.s32 $0x1  }
0xc0: {  	_ =	sfence.sel $0xFFFF  }
0xc1: {  	[dreg:$0x0] =	wrdreg $0xFFFFFFFF;
	(pc) =	sbr.abs _section_cstart, $3  }
0xc2: {  	[dreg:$0x1] =	wrdreg $0xFFFFFFFF  }
0xc3: {  	_ =	task.clear_ibuf [dreg:s8], $0x2FFFF;
	_ =	strace $0x9FFFFFFF  }
0xc4: {  	(tm) =	ssettm $0x7FFFFFFF  }
0xc5: {  	_ =	shalt  }
tec
execute0_lowered:
.L_overlay_start_1:
0x0: {  	(tag) =	ssettag $0x1  }
0x1: {  	s31 =	rddreg [dreg:$0x0]  }
0x2: {  	s0 =	rddreg [dreg:$0x1];
	s4 =	simm.s32 $0x0;
	s2 =	stileid.u32  }
0x3: {  	s1 =	srdreg.scid;
	[smem:$0x7FF] =	sst s4;
	s15 =	sadd.s32 $0x400, s0  }
0x4: {  	s16 =	sadd.s32 $0x1600, s0;
	_ =	strace $0x80000047;
	[dreg:$0x5] =	wrdreg s15  }
0x5: {  	s9 =	smul.u32 $0x900, s2;
	s17 =	sadd.s32 $0x2800, s0;
	[dreg:$0x6] =	wrdreg s16  }
0x6: {  	s1 =	sand.u32 $0x1, s1;
	s18 =	sadd.s32 $0x3A00, s0;
	[dreg:$0x7] =	wrdreg s17  }
0x7: {  	s5 =	smul.u32 $0xC00, s1;
	s3 =	sshll.u32 s1, $0xC;
	[dreg:$0x9] =	wrdreg s18  }
0x8: {  	s1 =	ssub.s32 $0x2, s1;
	s2 =	sshrl.u32 s9, $0x3;
	[dreg:$0x4] =	wrdreg s9  }
0x9: {  	s0 =	sadd.s32 s3, s0;
	s25 =	sor.u32 $0x90, s9;
	[dreg:$0x8] =	wrdreg s5  }
0xa: {  	s13 =	sshrl.u32 s1, $0x1;
	s26 =	sor.u32 $0xA8, s9;
	[dreg:$0x10] =	wrdreg s25  }
0xb: {  	s28 =	sor.u32 $0xC0, s9;
	s29 =	sor.u32 $0xD8, s9;
	[dreg:$0x11] =	wrdreg s26  }
0xc: {  	s3 =	simm.s32 $0x0;
	s2 =	smul.u32 $0x1800, s2;
	[dreg:$0x12] =	wrdreg s28  }
0xd: {  	s1 =	ssub.s32 s1, s13;
	s14 =	sadd.s32 $0x4C00, s0;
	[dreg:$0x13] =	wrdreg s29  }
0xe: {  	s0 =	sadd.s32 $0x6C00, s0;
	s25 =	simm.s32 $0xC00;
	[dreg:$0xa] =	wrdreg s14  }
0xf: {  	[dreg:$0xb] =	wrdreg s0;
	s30 =	smax.u32 s1, $0x1;
	s2 =	sor.u32 s5, s2  }
0x10: {  	[dreg:$0x14] =	wrdreg s30;
	s19 =	sshrl.u32 s2, $0x3;
	s20 =	sadd.s32 $0x4800, s2  }
0x11: {  	v0 =	vlaneseq.u32;
	s2 =	sadd.s32 $0xD800, s2;
	s21 =	sadd.s32 s31, s19;
	s22 =	sshrl.u32 s20, $0x3  }
0x12: {  	v1 =	vor.u32 $0x10, v0;
	v2 =	vor.u32 $0x20, v0;
	s24 =	sshrl.u32 s2, $0x3;
	s0 =	sadd.s32 s31, s22;
	[dreg:$0xc] =	wrdreg s21  }
0x13: {  	v3 =	vor.u32 $0x30, v0;
	v4 =	vor.u32 $0x40, v0;
	v5 =	vor.u32 $0x50, v0;
	s19 =	simm.s32 $0xD;
	s23 =	sadd.s32 $0x1200, s21;
	[dreg:$0xd] =	wrdreg s0  }
0x14: {  	v6 =	vor.u32 $0x60, v0;
	v7 =	vor.u32 $0x70, v0;
	v8 =	vor.u32 $0x400, v0;
	s20 =	simm.s32 $0x1800;
	[dreg:$0xe] =	wrdreg s23;
	s0 =	sadd.s32 s31, s24  }
0x15: {  	v9 =	vor.u32 $0x410, v0;
	v10 =	vor.u32 $0x420, v0;
	v11 =	vor.u32 $0x430, v0;
	s2 =	simm.s32 $0x10600;
	s23 =	simm.s32 $0x8000;
	[dreg:$0xf] =	wrdreg s0  }
.LBB2_1:
0x16: {  	[dreg:$0x15] =	wrdreg s3  }
0x17: {  	s0 =	rddreg [dreg:$0xa]  }
0x18: {  	[tilespmem:s4], [sflag:$0xD] =	stream.linear.gather [hbm4b:s0+s4], $0x8000, $0x38;
	[tilespmem:$0x1E700] =	vst v63  }
0x19: {  	_ =	swait.ge [sflag:s19], $0x8000  }
0x1a: {  	[sflag:s19] =	ssyncset.done $0x0  }
0x1b: {  	s30 =	rddreg [dreg:$0xb];
	[sflag:s19] =	ssyncadd.s32 $0xFFFF8000  }
0x1c: {  	[tilespmem:s23], [sflag:$0xD] =	stream.linear.gather [hbm4b:s30+s4], $0x8000, $0x38;
	[tilespmem:$0x1E700] =	vst v63  }
0x1d: {  	_ =	swait.ge [sflag:s19], $0x8000  }
0x1e: {  	[sflag:s19] =	ssyncset.done $0x0  }
0x1f: {  	s6 =	simm.s32 $0x0;
	s0 =	simm.s32 $0x0;
	[sflag:s19] =	ssyncadd.s32 $0xFFFF8000  }
.LBB2_2:
0x20: {  	s1 =	smul.u32 $0x180, s6;
	_ =	sdelay $0x1  }
0x21: {  	s1 =	sadd.s32 s9, s1  }
0x22: {  	s1 =	sshrl.u32 s1, $0x3  }
0x23: {  	s7 =	simm.s32 $0x0;
	s5 =	simm.s32 $0x10000;
	s3 =	sadd.s32 s15, s1  }
0x24: {  	[tilespmem:s5], [sflag:$0xD] =	stream.linear.gather [hbm4b:s3+s7], $0x180, $0x38;
	[tilespmem:$0x1E700] =	vst v63  }
0x25: {  	_ =	swait.ge [sflag:s19], $0x180  }
0x26: {  	[sflag:s19] =	ssyncset.done $0x0  }
0x27: {  	s8 =	simm.s32 $0x10180;
	s21 =	sadd.s32 s16, s1;
	[sflag:s19] =	ssyncadd.s32 $0xFFFFFE80  }
0x28: {  	[tilespmem:s8], [sflag:$0xD] =	stream.linear.gather [hbm4b:s21+s7], $0x180, $0x38;
	[tilespmem:$0x1E700] =	vst v63  }
0x29: {  	_ =	swait.ge [sflag:s19], $0x180  }
0x2a: {  	[sflag:s19] =	ssyncset.done $0x0  }
0x2b: {  	s10 =	simm.s32 $0x10300;
	s22 =	sadd.s32 s17, s1;
	[sflag:s19] =	ssyncadd.s32 $0xFFFFFE80  }
0x2c: {  	[tilespmem:s10], [sflag:$0xD] =	stream.linear.gather [hbm4b:s22+s7], $0x180, $0x38;
	[tilespmem:$0x1E700] =	vst v63  }
0x2d: {  	_ =	swait.ge [sflag:s19], $0x180  }
0x2e: {  	[sflag:s19] =	ssyncset.done $0x0  }
0x2f: {  	s24 =	simm.s32 $0x10480;
	s1 =	sadd.s32 s18, s1;
	[sflag:s19] =	ssyncadd.s32 $0xFFFFFE80  }
0x30: {  	[tilespmem:s24], [sflag:$0xD] =	stream.linear.gather [hbm4b:s1+s7], $0x180, $0x38;
	[tilespmem:$0x1E700] =	vst v63  }
0x31: {  	_ =	swait.ge [sflag:s19], $0x180  }
0x32: {  	[sflag:s19] =	ssyncset.done $0x0  }
0x33: {  	[sflag:s19] =	ssyncadd.s32 $0xFFFFFE80  }
0x34: {  	v12 =	vld [tilespmem:s10+$0x0]  }
0x35: {  	v13 =	vld [tilespmem:s5+$0x0]  }
0x36: {  	v14 =	vld [tilespmem:s8+$0x0]  }
0x37: {  	v15 =	vld [tilespmem:s24+$0x0];
	_ =	sdelay $0x2  }
0x38: {  	s26 =	simm.s32 $0x10310  }
0x39: {  	s28 =	simm.s32 $0x10490;
	v16 =	vld [tilespmem:s26+$0x0];
	v13 =	vmul.f32 $1.280000000e+02, v13;
	v14 =	vmul.f32 $1.280000000e+02, v14  }
0x3a: {  	s30 =	simm.s32 $0x10190;
	v17 =	vld [tilespmem:s28+$0x0];
	v12 =	vmul.f32 $1.280000000e+02, v12;
	v15 =	vmul.f32 $1.280000000e+02, v15  }
0x3b: {  	s29 =	simm.s32 $0x10010;
	v19 =	vld [tilespmem:s30+$0x0];
	v13 =	vadd.f32 $8.388608000e+06, v13;
	v14 =	vadd.f32 $8.388608000e+06, v14  }
0x3c: {  	v18 =	vld [tilespmem:s29+$0x0];
	v12 =	vadd.f32 $8.388608000e+06, v12;
	v15 =	vadd.f32 $8.388608000e+06, v15  }
0x3d: {  	v13 =	vadd.f32 $-8.388608000e+06, v13;
	v14 =	vadd.f32 $-8.388608000e+06, v14  }
0x3e: {  	s5 =	simm.s32 $0x10320;
	v12 =	vadd.f32 $-8.388608000e+06, v12;
	v15 =	vadd.f32 $-8.388608000e+06, v15  }
0x3f: {  	s10 =	simm.s32 $0x10020;
	v20 =	vld [tilespmem:s5+$0x0];
	v16 =	vmul.f32 $1.280000000e+02, v16;
	v13 =	vadd.f32 v14, v13  }
0x40: {  	s8 =	simm.s32 $0x104A0;
	v22 =	vld [tilespmem:s10+$0x0];
	v19 =	vmul.f32 $1.280000000e+02, v19;
	v14 =	vmul.f32 $1.280000000e+02, v17;
	v21 =	vadd.f32 v15, v12  }
0x41: {  	v17 =	vmul.f32 $1.280000000e+02, v18;
	v18 =	vld [tilespmem:s8+$0x0];
	v13 =	vmul.f32 $5.000000000e-01, v13  }
0x42: {  	v12 =	vadd.f32 $8.388608000e+06, v16;
	v15 =	vadd.f32 $8.388608000e+06, v14;
	v14 =	vmul.f32 $5.000000000e-01, v21  }
0x43: {  	s11 =	simm.s32 $0x101A0;
	v16 =	vadd.f32 $8.388608000e+06, v17;
	v17 =	vadd.f32 $8.388608000e+06, v13  }
0x44: {  	v21 =	vadd.f32 $8.388608000e+06, v19;
	v19 =	vld [tilespmem:s11+$0x0];
	v13 =	vmul.f32 $1.280000000e+02, v20;
	v23 =	vadd.f32 $8.388608000e+06, v14  }
0x45: {  	v20 =	vadd.f32 $-8.388608000e+06, v16;
	v16 =	vmul.f32 $1.280000000e+02, v22;
	v17 =	vadd.f32 $-8.388608000e+06, v17  }
0x46: {  	s12 =	simm.s32 $0x30;
	s3 =	simm.s32 $0x10;
	s1 =	simm.s32 $0x20;
	v21 =	vadd.f32 $-8.388608000e+06, v21;
	v14 =	vmul.f32 $1.280000000e+02, v18;
	v18 =	vadd.f32 $-8.388608000e+06, v23  }
.LBB2_3:
0x47: {  	p0 =	sne.s32 s12, $0x170;
	s5 =	sadd.s32 $0x10, s5;
	v12 =	vadd.f32 $-8.388608000e+06, v12;
	v15 =	vadd.f32 $-8.388608000e+06, v15;
	v17 =	vtrunc.f32 v17  }
0x48: {  	s8 =	sadd.s32 $0x10, s8;
	v22 =	vld [tilespmem:s5+$0x0];
	v20 =	vadd.f32 v21, v20;
	v17 =	vcvt.f32.s32 v17;
	v18 =	vtrunc.f32 v18  }
0x49: {  	s10 =	sadd.s32 $0x10, s10;
	s13 =	sadd.s32 s7, s0;
	v21 =	vld [tilespmem:s8+$0x0];
	v23 =	vmul.f32 $1.280000000e+02, v19;
	v19 =	vadd.f32 v15, v12;
	v18 =	vcvt.f32.s32 v18  }
0x4a: {  	s14 =	sand.u32 $0x70, s7;
	s7 =	smov.u32 s3;
	s13 =	sand.u32 $0x1F80, s13;
	v12 =	vadd.f32 $8.388608000e+06, v13;
	v24 =	vld [tilespmem:s10+$0x0];
	v13 =	vmul.f32 $5.000000000e-01, v20;
	v17 =	vshll.u32 v17, $0x8  }
.Ltmp0:
0x4b: {  	s3 =	smov.u32 s1;
	v15 =	vadd.f32 $8.388608000e+06, v14;
	s13 =	sor.u32 s14, s13;
	v14 =	vmul.f32 $5.000000000e-01, v19;
	v17 =	vor.u32 v18, v17;
	(pc) =	sbr.rel @p0 .LBB2_3-.Ltmp0, $4  }
0x4c: {  	s11 =	sadd.s32 $0x10, s11;
	s1 =	smov.u32 s12;
	v16 =	vadd.f32 $8.388608000e+06, v16;
	v18 =	vadd.f32 $8.388608000e+06, v13;
	[tilespmem:s13+$0x10600] =	vst v17  }
0x4d: {  	v19 =	vld [tilespmem:s11+$0x0];
	v13 =	vmul.f32 $1.280000000e+02, v22;
	v22 =	vadd.f32 $8.388608000e+06, v23;
	v23 =	vadd.f32 $8.388608000e+06, v14  }
0x4e: {  	v20 =	vadd.f32 $-8.388608000e+06, v16;
	v14 =	vmul.f32 $1.280000000e+02, v21;
	v17 =	vadd.f32 $-8.388608000e+06, v18  }
0x4f: {  	s12 =	sadd.s32 $0x10, s12;
	v16 =	vmul.f32 $1.280000000e+02, v24;
	v21 =	vadd.f32 $-8.388608000e+06, v22;
	v18 =	vadd.f32 $-8.388608000e+06, v23  }
0x50: {  	_ =	sdelay $0x1  }
0x51: {  	v12 =	vadd.f32 $-8.388608000e+06, v12;
	v15 =	vadd.f32 $-8.388608000e+06, v15;
	v19 =	vmul.f32 $1.280000000e+02, v19  }
0x52: {  	v13 =	vadd.f32 $8.388608000e+06, v13;
	v14 =	vadd.f32 $8.388608000e+06, v14  }
0x53: {  	v56 =	vadd.f32 $8.388608000e+06, v16;
	v57 =	vadd.f32 $8.388608000e+06, v19  }
0x54: {  	v20 =	vadd.f32 v21, v20;
	v12 =	vadd.f32 v15, v12  }
0x55: {  	v15 =	vadd.f32 $-8.388608000e+06, v56;
	v16 =	vadd.f32 $-8.388608000e+06, v57  }
0x56: {  	v13 =	vadd.f32 $-8.388608000e+06, v13;
	v14 =	vadd.f32 $-8.388608000e+06, v14  }
0x57: {  	v58 =	vmul.f32 $5.000000000e-01, v20;
	v15 =	vadd.f32 v16, v15  }
0x58: {  	v12 =	vmul.f32 $5.000000000e-01, v12;
	v13 =	vadd.f32 v14, v13  }
0x59: {  	v59 =	vadd.f32 $8.388608000e+06, v58;
	v15 =	vmul.f32 $5.000000000e-01, v15  }
0x5a: {  	v60 =	vtrunc.f32 v17;
	v12 =	vadd.f32 $8.388608000e+06, v12;
	v13 =	vmul.f32 $5.000000000e-01, v13  }
0x5b: {  	v61 =	vtrunc.f32 v18;
	v14 =	vadd.f32 $-8.388608000e+06, v59;
	v15 =	vadd.f32 $8.388608000e+06, v15  }
0x5c: {  	v17 =	vcvt.f32.s32 v61;
	v12 =	vadd.f32 $-8.388608000e+06, v12;
	v13 =	vadd.f32 $8.388608000e+06, v13  }
0x5d: {  	v16 =	vcvt.f32.s32 v60;
	v14 =	vtrunc.f32 v14;
	v15 =	vadd.f32 $-8.388608000e+06, v15  }
0x5e: {  	s5 =	sadd.s32 s7, s0;
	s6 =	sadd.s32 $0x1, s6;
	v14 =	vcvt.f32.s32 v14;
	v12 =	vtrunc.f32 v12;
	v13 =	vadd.f32 $-8.388608000e+06, v13  }
0x5f: {  	s8 =	sadd.s32 s3, s0;
	s24 =	sand.u32 $0x70, s7;
	p0 =	sne.s32 s6, $0x6;
	v12 =	vcvt.f32.s32 v12;
	v15 =	vtrunc.f32 v15  }
.Ltmp1:
0x60: {  	s26 =	sand.u32 $0x70, s3;
	s5 =	sand.u32 $0x1F80, s5;
	v16 =	vshll.u32 v16, $0x8;
	v13 =	vtrunc.f32 v13;
	v15 =	vcvt.f32.s32 v15;
	(pc) =	sbr.rel @p0 .LBB2_2-.Ltmp1, $4  }
0x61: {  	s28 =	sadd.s32 s1, s0;
	s8 =	sand.u32 $0x1F80, s8;
	s5 =	sor.u32 s24, s5;
	v16 =	vor.u32 v17, v16;
	v14 =	vshll.u32 v14, $0x8;
	v13 =	vcvt.f32.s32 v13  }
0x62: {  	s30 =	sand.u32 $0x70, s1;
	s29 =	sand.u32 $0x1F80, s28;
	s3 =	sor.u32 s26, s8;
	[tilespmem:s5+$0x10600] =	vst v16;
	v12 =	vor.u32 v12, v14;
	v62 =	vshll.u32 v15, $0x8  }
0x63: {  	s1 =	sor.u32 s30, s29;
	[tilespmem:s3+$0x10600] =	vst v12;
	v63 =	vor.u32 v13, v62  }
0x64: {  	s0 =	sadd.s32 $0x180, s0;
	[tilespmem:s1+$0x10600] =	vst v63  }
0x65: {  	s0 =	rddreg [dreg:$0xc]  }
0x66: {  	s1 =	simm.s32 $0x10F00;
	s18 =	rddreg [dreg:$0xd]  }
0x67: {  	[tilespmem:s1], [sflag:$0x1] =	stream.strided.gather [hbm4b:s0+s25], $0x2400, s20, s25, $0x38;
	[tilespmem:$0x1E700] =	vst v63  }
0x68: {  	s19 =	simm.s32 $0x13300;
	s21 =	rddreg [dreg:$0xe];
	s22 =	simm.s32 $0x15700  }
0x69: {  	[tilespmem:s19], [sflag:$0x2] =	stream.strided.gather [hbm4b:s18+s25], $0x2400, s20, s25, $0x38;
	[tilespmem:$0x1E700] =	vst v63  }
0x6a: {  	s24 =	rddreg [dreg:$0xf];
	s26 =	simm.s32 $0x17B00;
	s28 =	simm.s32 $0x30  }
0x6b: {  	[tilespmem:s22], [sflag:$0x3] =	stream.strided.gather [hbm4b:s21+s25], $0x2400, s20, s25, $0x38;
	[tilespmem:$0x1E700] =	vst v63  }
0x6c: {  	s29 =	simm.s32 $0x48;
	s30 =	simm.s32 $0x60;
	s13 =	simm.s32 $0x78  }
0x6d: {  	[tilespmem:s26], [sflag:$0x4] =	stream.strided.gather [hbm4b:s24+s25], $0x2400, s20, s25, $0x38;
	[tilespmem:$0x1E700] =	vst v63  }
0x6e: {  	s6 =	simm.s32 $0x0;
	s7 =	simm.s32 $0x0;
	s26 =	simm.s32 $0x18  }
.LBB2_6:
0x6f: {  	s0 =	smul.u32 $0x90, s7;
	_ =	sdelay $0x1  }
0x70: {  	s18 =	sadd.s32 s9, s0  }
0x71: {  	s1 =	simm.s32 $0x1;
	[dreg:$0x16] =	wrdreg s0;
	s0 =	sshrl.u32 s18, $0x3  }
0x72: {  	p0 =	seq.s32 s7, $0x0;
	_ =	swait.ge [sflag:s1], $0x2400;
	s10 =	smul.u32 $0x1800, s0  }
0x73: {  	s19 =	sadd.s32 $0x0, s6;
	[sflag:s1] =	ssyncset.done $0x0;
	s3 =	rddreg [dreg:$0x8]  }
0x74: {  	v12 =	vmov s19;
	[sflag:s1] =	ssyncadd.s32 $0xFFFFDC00;
	s1 =	simm.s32 @!p0 $0xB;
	s3 =	sadd.s32 s3, s10  }
0x75: {  	_ =	swait.ge @!p0 [sflag:s1], $0x2400;
	s21 =	sadd.s32 $0x12000, s3  }
0x76: {  	s22 =	simm.s32 $0x19F00;
	[sflag:s1] =	ssyncset.done @!p0 $0x0;
	s0 =	sshrl.u32 s21, $0x3  }
0x77: {  	[sflag:s1] =	ssyncadd.s32 @!p0 $0xFFFFDC00;
	[dreg:$0x18] =	wrdreg s0;
	s0 =	sadd.s32 s31, s0  }
0x78: {  	[tilespmem:s22], [sflag:$0x5] =	stream.strided.gather [hbm4b:s0+s25], $0x2400, s20, s25, $0x38;
	[tilespmem:$0x1E700] =	vst v63  }
0x79: {  	v12 =	vld.idx.msk [tilespmem:v12+s2+$0x0], $0xffff;
	_ =	sdelay $0x4  }
0x7a: {  	v13 =	vshrl.u32 v12, $0x1  }
0x7b: {  	v14 =	vand.u32 $0xFFFFF800, v12;
	v13 =	vand.u32 $0x380, v13  }
0x7c: {  	v17 =	vor.u32 v14, v13  }
0x7d: {  	v15 =	vshll.u32 v12, $0x7;
	v14 =	vor.u32 v8, v17  }
0x7e: {  	v13 =	vand.u32 $0x380, v15;
	v15 =	vor.u32 v4, v17  }
0x7f: {  	v12 =	vshll.u32 v12, $0x8;
	v18 =	vor.u32 v7, v17  }
0x80: {  	v12 =	vand.u32 $0xF800, v12;
	v27 =	vor.u32 v1, v17  }
0x81: {  	v20 =	vor.u32 v13, v12;
	v30 =	vor.u32 v3, v17  }
0x82: {  	v13 =	vor.u32 v4, v20;
	v12 =	vld.idx.msk [tilespmem:v14+s4+$0x0], $0xffff  }
0x83: {  	v16 =	vor.u32 v0, v20;
	v25 =	vld.idx.msk [tilespmem:v15+s4+$0x0], $0xffff  }
0x84: {  	v19 =	vor.u32 v7, v20;
	v33 =	vld.idx.msk [tilespmem:v18+s4+$0x0], $0xffff  }
0x85: {  	v21 =	vor.u32 v1, v20;
	v31 =	vld.idx.msk [tilespmem:v27+s4+$0x0], $0xffff  }
0x86: {  	v23 =	vor.u32 v2, v20;
	v30 =	vld.idx.msk [tilespmem:v30+s4+$0x0], $0xffff  }
0x87: {  	v14 =	vor.u32 v3, v20;
	v29 =	vld.idx.msk [tilespmem:v13+s23+$0x0], $0xffff  }
0x88: {  	v15 =	vor.u32 v0, v17;
	v32 =	vld.idx.msk [tilespmem:v16+s23+$0x0], $0xffff  }
0x89: {  	s24 =	simm.s32 $0x0;
	v22 =	vor.u32 v11, v17;
	v34 =	vld.idx.msk [tilespmem:v19+s23+$0x0], $0xffff  }
0x8a: {  	s0 =	smul.u32 $0x3000, s24;
	v13 =	vor.u32 v5, v20;
	v26 =	vld.idx.msk [tilespmem:v21+s23+$0x0], $0xffff  }
0x8b: {  	s25 =	simm.s32 $0x0;
	v18 =	vor.u32 v10, v20;
	v28 =	vld.idx.msk [tilespmem:v23+s23+$0x0], $0xffff  }
0x8c: {  	s1 =	sand.u32 $0x380, s25;
	s0 =	sshra.s32 s0, $0x2;
	v16 =	vor.u32 v2, v17;
	v19 =	vld.idx.msk [tilespmem:v14+s23+$0x0], $0xffff  }
0x8d: {  	s12 =	simm.s32 $0x0;
	s20 =	sor.u32 s1, s0;
	v36 =	vor.u32 v11, v20;
	v35 =	vld.idx.msk [tilespmem:v15+s4+$0x0], $0xffff  }
0x8e: {  	s0 =	simm.s32 $0x1;
	s31 =	sadd.s32 $0x10F00, s20;
	s19 =	sadd.s32 $0x11700, s20;
	v15 =	vld.idx.msk [tilespmem:v22+s4+$0x0], $0xffff  }
0x8f: {  	s11 =	sadd.s32 $0x11300, s20;
	s16 =	sor.u32 $0x10, s31;
	s15 =	sor.u32 $0x20, s31;
	v27 =	vor.u32 v6, v17;
	v21 =	vor.u32 v9, v20;
	v22 =	vor.u32 v6, v20;
	v14 =	vld.idx.msk [tilespmem:v13+s23+$0x0], $0xffff  }
0x90: {  	s14 =	sor.u32 $0x30, s31;
	s21 =	sor.u32 $0x40, s31;
	s17 =	sor.u32 $0x50, s31;
	v13 =	vld.idx.msk [tilespmem:v18+s23+$0x0], $0xffff;
	v18 =	vor.u32 v8, v20;
	v20 =	vadd.bf16 v29, v25;
	v29 =	vor.u32 v9, v17  }
0x91: {  	s22 =	sor.u32 $0x60, s31;
	s24 =	sor.u32 $0x10, s11;
	s5 =	sor.u32 $0x20, s11;
	v23 =	vor.u32 v5, v17;
	v24 =	vld.idx.msk [tilespmem:v16+s4+$0x0], $0xffff  }
0x92: {  	s1 =	sor.u32 $0x30, s11;
	s25 =	sor.u32 $0x40, s11;
	s3 =	sor.u32 $0x50, s11;
	v16 =	vor.u32 v10, v17;
	v17 =	vadd.bf16 v34, v33;
	v25 =	vld.idx.msk [tilespmem:v36+s23+$0x0], $0xffff;
	v32 =	vadd.bf16 v32, v35  }
.LBB2_7:
0x93: {  	s9 =	sadd.s32 s0, s6  }
0x94: {  	p1 =	sne.s32 s0, $0x17;
	v27 =	vld.idx.msk [tilespmem:v27+s4+$0x0], $0xffff;
	v33 =	vunpack.i.l.bf16.f32 v32;
	s8 =	smov.u32 s0;
	s0 =	sadd.s32 $0x1, s0  }
0x95: {  	v32 =	vunpack.i.u.bf16.f32 v32;
	v34 =	vmov s9;
	v29 =	vld.idx.msk [tilespmem:v29+s4+$0x0], $0xffff  }
0x96: {  	v24 =	vadd.bf16 v28, v24;
	v21 =	vld.idx.msk [tilespmem:v21+s23+$0x0], $0xffff  }
0x97: {  	v26 =	vadd.bf16 v26, v31;
	v18 =	vld.idx.msk [tilespmem:v18+s23+$0x0], $0xffff  }
0x98: {  	v19 =	vadd.bf16 v19, v30;
	v28 =	vunpack.i.l.bf16.f32 v24;
	v22 =	vld.idx.msk [tilespmem:v22+s23+$0x0], $0xffff  }
0x99: {  	v24 =	vunpack.i.u.bf16.f32 v24;
	v15 =	vadd.bf16 v25, v15;
	v16 =	vld.idx.msk [tilespmem:v16+s4+$0x0], $0xffff  }
0x9a: {  	v25 =	vunpack.i.l.bf16.f32 v19;
	v23 =	vld.idx.msk [tilespmem:v23+s4+$0x0], $0xffff  }
0x9b: {  	v19 =	vunpack.i.u.bf16.f32 v19;
	[tilespmem:s20+$0x10F00] =	vst.add.f32.msk $0xffff, v33  }
0x9c: {  	v21 =	vadd.bf16 v21, v29;
	v29 =	vunpack.i.l.bf16.f32 v26;
	[tilespmem:s16+$0x0] =	vst.add.f32.msk $0xffff, v32  }
0x9d: {  	v12 =	vadd.bf16 v18, v12;
	v18 =	vunpack.i.u.bf16.f32 v26;
	v26 =	vunpack.i.l.bf16.f32 v20;
	[tilespmem:s15+$0x0] =	vst.add.f32.msk $0xffff, v29  }
0x9e: {  	v22 =	vadd.bf16 v22, v27;
	[tilespmem:s14+$0x0] =	vst.add.f32.msk $0xffff, v18;
	v18 =	vunpack.i.u.bf16.f32 v20  }
0x9f: {  	[tilespmem:s21+$0x0] =	vst.add.f32.msk $0xffff, v28  }
0xa0: {  	v14 =	vadd.bf16 v14, v23;
	v20 =	vunpack.i.l.bf16.f32 v22;
	[tilespmem:s17+$0x0] =	vst.add.f32.msk $0xffff, v24  }
0xa1: {  	s9 =	sor.u32 $0x70, s31;
	v22 =	vunpack.i.u.bf16.f32 v22;
	[tilespmem:s22+$0x0] =	vst.add.f32.msk $0xffff, v25  }
0xa2: {  	[tilespmem:s9+$0x0] =	vst.add.f32.msk $0xffff, v19;
	v19 =	vunpack.i.u.bf16.f32 v14;
	v14 =	vunpack.i.l.bf16.f32 v14;
	s9 =	sor.u32 $0x60, s11  }
0xa3: {  	v23 =	vunpack.i.l.bf16.f32 v17;
	[tilespmem:s20+$0x11300] =	vst.add.f32.msk $0xffff, v26  }
0xa4: {  	[tilespmem:s24+$0x0] =	vst.add.f32.msk $0xffff, v18  }
0xa5: {  	v18 =	vld.idx.msk [tilespmem:v34+s2+$0x0], $0xffff  }
0xa6: {  	[tilespmem:s5+$0x0] =	vst.add.f32.msk $0xffff, v14  }
0xa7: {  	[tilespmem:s1+$0x0] =	vst.add.f32.msk $0xffff, v19  }
0xa8: {  	v14 =	vunpack.i.u.bf16.f32 v17;
	[tilespmem:s25+$0x0] =	vst.add.f32.msk $0xffff, v20  }
0xa9: {  	v13 =	vadd.bf16 v13, v16;
	v16 =	vunpack.i.l.bf16.f32 v12;
	v17 =	vunpack.i.l.bf16.f32 v15;
	[tilespmem:s3+$0x0] =	vst.add.f32.msk $0xffff, v22  }
0xaa: {  	v12 =	vunpack.i.u.bf16.f32 v12;
	s1 =	sor.u32 $0x70, s11;
	v19 =	vunpack.i.u.bf16.f32 v21;
	v20 =	vunpack.i.l.bf16.f32 v21;
	[tilespmem:s9+$0x0] =	vst.add.f32.msk $0xffff, v23  }
0xab: {  	v21 =	vand.u32 $0xFFFFF800, v18;
	v22 =	vshrl.u32 v18, $0x1;
	v23 =	vshll.u32 v18, $0x7;
	[tilespmem:s1+$0x0] =	vst.add.f32.msk $0xffff, v14  }
0xac: {  	v18 =	vshll.u32 v18, $0x8;
	v14 =	vand.u32 $0x380, v22;
	v22 =	vand.u32 $0x380, v23;
	s1 =	sor.u32 $0x10, s19;
	[tilespmem:s20+$0x11700] =	vst.add.f32.msk $0xffff, v16  }
0xad: {  	s3 =	sshrl.u32 s8, $0x3;
	v24 =	vor.u32 v21, v14;
	v14 =	vand.u32 $0xF800, v18;
	[tilespmem:s1+$0x0] =	vst.add.f32.msk $0xffff, v12;
	s1 =	sor.u32 $0x20, s19;
	v12 =	vunpack.i.l.bf16.f32 v13  }
0xae: {  	s12 =	sadd.s32 $0x80, s12;
	s3 =	smul.u32 $0x3000, s3;
	v23 =	vor.u32 v4, v24;
	v25 =	vor.u32 v8, v24;
	v16 =	vor.u32 v10, v24;
	[tilespmem:s1+$0x0] =	vst.add.f32.msk $0xffff, v20;
	s1 =	sor.u32 $0x30, s19  }
0xaf: {  	v26 =	vor.u32 v22, v14;
	v13 =	vunpack.i.u.bf16.f32 v13;
	v20 =	vor.u32 v0, v24;
	[tilespmem:s1+$0x0] =	vst.add.f32.msk $0xffff, v19;
	s1 =	sor.u32 $0x40, s19  }
0xb0: {  	s5 =	sand.u32 $0x380, s12;
	s3 =	sshra.s32 s3, $0x2;
	v30 =	vor.u32 v3, v24;
	v14 =	vor.u32 v4, v26;
	v18 =	vor.u32 v8, v26;
	[tilespmem:s1+$0x0] =	vst.add.f32.msk $0xffff, v12;
	s1 =	sor.u32 $0x50, s19  }
0xb1: {  	v31 =	vor.u32 v1, v24;
	v28 =	vor.u32 v7, v24;
	s20 =	sor.u32 s5, s3;
	v19 =	vor.u32 v0, v26;
	[tilespmem:s1+$0x0] =	vst.add.f32.msk $0xffff, v13;
	s1 =	sor.u32 $0x60, s19  }
0xb2: {  	v32 =	vor.u32 v1, v26;
	v21 =	vor.u32 v9, v26;
	s3 =	sadd.s32 $0x11700, s20;
	v13 =	vor.u32 v3, v26;
	[tilespmem:s1+$0x0] =	vst.add.f32.msk $0xffff, v17  }
0xb3: {  	v29 =	vor.u32 v7, v26;
	s31 =	sadd.s32 $0x10F00, s20;
	v17 =	vor.u32 v2, v24;
	v12 =	vld.idx.msk [tilespmem:v25+s4+$0x0], $0xffff;
	v25 =	vor.u32 v11, v26  }
0xb4: {  	v22 =	vor.u32 v6, v26;
	s16 =	sor.u32 $0x10, s31;
	s15 =	sor.u32 $0x20, s31;
	v33 =	vld.idx.msk [tilespmem:v23+s4+$0x0], $0xffff  }
0xb5: {  	v27 =	vor.u32 v6, v24;
	s14 =	sor.u32 $0x30, s31;
	v34 =	vld.idx.msk [tilespmem:v14+s23+$0x0], $0xffff;
	v14 =	vor.u32 v5, v26  }
0xb6: {  	v36 =	vor.u32 v10, v26;
	v35 =	vld.idx.msk [tilespmem:v19+s23+$0x0], $0xffff  }
0xb7: {  	v23 =	vor.u32 v5, v24;
	v28 =	vld.idx.msk [tilespmem:v28+s4+$0x0], $0xffff  }
0xb8: {  	v37 =	vld.idx.msk [tilespmem:v29+s23+$0x0], $0xffff  }
0xb9: {  	v19 =	vld.idx.msk [tilespmem:v13+s23+$0x0], $0xffff  }
0xba: {  	v38 =	vor.u32 v11, v24;
	s21 =	sor.u32 $0x40, s31;
	v14 =	vld.idx.msk [tilespmem:v14+s23+$0x0], $0xffff  }
0xbb: {  	s17 =	sor.u32 $0x50, s31;
	v29 =	vor.u32 v9, v24;
	v39 =	vld.idx.msk [tilespmem:v20+s4+$0x0], $0xffff;
	v20 =	vadd.bf16 v34, v33  }
0xbc: {  	s22 =	sor.u32 $0x60, s31;
	v33 =	vor.u32 v2, v26;
	v24 =	vld.idx.msk [tilespmem:v17+s4+$0x0], $0xffff  }
0xbd: {  	v15 =	vunpack.i.u.bf16.f32 v15;
	s1 =	sor.u32 $0x70, s19;
	s19 =	smov.u32 s3;
	v13 =	vld.idx.msk [tilespmem:v36+s23+$0x0], $0xffff  }
0xbe: {  	s11 =	sadd.s32 $0x11300, s20;
	v17 =	vadd.bf16 v37, v28;
	[tilespmem:s1+$0x0] =	vst.add.f32.msk $0xffff, v15  }
0xbf: {  	s24 =	sor.u32 $0x10, s11;
	v26 =	vld.idx.msk [tilespmem:v32+s23+$0x0], $0xffff  }
.Ltmp2:
0xc0: {  	s5 =	sor.u32 $0x20, s11;
	v15 =	vld.idx.msk [tilespmem:v38+s4+$0x0], $0xffff;
	(pc) =	sbr.rel @p1 .LBB2_7-.Ltmp2, $4  }
0xc1: {  	s1 =	sor.u32 $0x30, s11;
	v28 =	vld.idx.msk [tilespmem:v33+s23+$0x0], $0xffff  }
0xc2: {  	s25 =	sor.u32 $0x40, s11;
	v31 =	vld.idx.msk [tilespmem:v31+s4+$0x0], $0xffff  }
0xc3: {  	s3 =	sor.u32 $0x50, s11;
	v32 =	vadd.bf16 v35, v39;
	v30 =	vld.idx.msk [tilespmem:v30+s4+$0x0], $0xffff  }
0xc4: {  	v25 =	vld.idx.msk [tilespmem:v25+s23+$0x0], $0xffff  }
0xc5: {  	_ =	sdelay $0x3  }
0xc6: {  	v27 =	vld.idx.msk [tilespmem:v27+s4+$0x0], $0xffff  }
0xc7: {  	v29 =	vld.idx.msk [tilespmem:v29+s4+$0x0], $0xffff  }
0xc8: {  	v21 =	vld.idx.msk [tilespmem:v21+s23+$0x0], $0xffff  }
0xc9: {  	v18 =	vld.idx.msk [tilespmem:v18+s23+$0x0], $0xffff  }
0xca: {  	v22 =	vld.idx.msk [tilespmem:v22+s23+$0x0], $0xffff  }
0xcb: {  	v16 =	vld.idx.msk [tilespmem:v16+s4+$0x0], $0xffff  }
0xcc: {  	v33 =	vunpack.i.l.bf16.f32 v32;
	v23 =	vld.idx.msk [tilespmem:v23+s4+$0x0], $0xffff;
	v26 =	vadd.bf16 v26, v31  }
0xcd: {  	[tilespmem:s20+$0x10F00] =	vst.add.f32.msk $0xffff, v33;
	v31 =	vunpack.i.u.bf16.f32 v32  }
0xce: {  	v24 =	vadd.bf16 v28, v24;
	[tilespmem:s16+$0x0] =	vst.add.f32.msk $0xffff, v31;
	v28 =	vunpack.i.l.bf16.f32 v26  }
0xcf: {  	v26 =	vunpack.i.u.bf16.f32 v26;
	[tilespmem:s15+$0x0] =	vst.add.f32.msk $0xffff, v28  }
0xd0: {  	v19 =	vadd.bf16 v19, v30;
	v28 =	vunpack.i.l.bf16.f32 v24;
	[tilespmem:s14+$0x0] =	vst.add.f32.msk $0xffff, v26  }
0xd1: {  	v24 =	vunpack.i.u.bf16.f32 v24;
	[tilespmem:s21+$0x0] =	vst.add.f32.msk $0xffff, v28  }
0xd2: {  	v26 =	vunpack.i.l.bf16.f32 v19;
	[tilespmem:s17+$0x0] =	vst.add.f32.msk $0xffff, v24  }
0xd3: {  	s0 =	sor.u32 $0x70, s31;
	v19 =	vunpack.i.u.bf16.f32 v19;
	[tilespmem:s22+$0x0] =	vst.add.f32.msk $0xffff, v26  }
0xd4: {  	v14 =	vadd.bf16 v14, v23;
	v24 =	vunpack.i.l.bf16.f32 v20;
	[tilespmem:s0+$0x0] =	vst.add.f32.msk $0xffff, v19  }
0xd5: {  	v19 =	vunpack.i.u.bf16.f32 v20;
	[tilespmem:s20+$0x11300] =	vst.add.f32.msk $0xffff, v24  }
0xd6: {  	v20 =	vadd.bf16 v22, v27;
	v22 =	vunpack.i.l.bf16.f32 v14;
	[tilespmem:s24+$0x0] =	vst.add.f32.msk $0xffff, v19  }
0xd7: {  	v14 =	vunpack.i.u.bf16.f32 v14;
	[tilespmem:s5+$0x0] =	vst.add.f32.msk $0xffff, v22  }
0xd8: {  	v19 =	vunpack.i.l.bf16.f32 v20;
	[tilespmem:s1+$0x0] =	vst.add.f32.msk $0xffff, v14  }
0xd9: {  	v14 =	vunpack.i.u.bf16.f32 v20;
	[tilespmem:s25+$0x0] =	vst.add.f32.msk $0xffff, v19  }
0xda: {  	v12 =	vadd.bf16 v18, v12;
	v18 =	vunpack.i.l.bf16.f32 v17;
	s22 =	sor.u32 $0x60, s11;
	[tilespmem:s3+$0x0] =	vst.add.f32.msk $0xffff, v14  }
0xdb: {  	s24 =	sor.u32 $0x70, s11;
	v14 =	vunpack.i.u.bf16.f32 v17;
	[tilespmem:s22+$0x0] =	vst.add.f32.msk $0xffff, v18  }
0xdc: {  	v17 =	vadd.bf16 v21, v29;
	v18 =	vunpack.i.l.bf16.f32 v12;
	[tilespmem:s24+$0x0] =	vst.add.f32.msk $0xffff, v14  }
0xdd: {  	s25 =	sor.u32 $0x10, s19;
	v12 =	vunpack.i.u.bf16.f32 v12;
	[tilespmem:s20+$0x11700] =	vst.add.f32.msk $0xffff, v18  }
0xde: {  	v13 =	vadd.bf16 v13, v16;
	s1 =	sor.u32 $0x20, s19;
	v14 =	vunpack.i.l.bf16.f32 v17;
	[tilespmem:s25+$0x0] =	vst.add.f32.msk $0xffff, v12  }
0xdf: {  	s3 =	sor.u32 $0x30, s19;
	v12 =	vunpack.i.u.bf16.f32 v17;
	[tilespmem:s1+$0x0] =	vst.add.f32.msk $0xffff, v14  }
0xe0: {  	s5 =	sor.u32 $0x40, s19;
	v14 =	vadd.bf16 v25, v15;
	v15 =	vunpack.i.l.bf16.f32 v13;
	[tilespmem:s3+$0x0] =	vst.add.f32.msk $0xffff, v12  }
0xe1: {  	s8 =	sor.u32 $0x50, s19;
	v12 =	vunpack.i.u.bf16.f32 v13;
	[tilespmem:s5+$0x0] =	vst.add.f32.msk $0xffff, v15  }
0xe2: {  	[tilespmem:s8+$0x0] =	vst.add.f32.msk $0xffff, v12  }
0xe3: {  	s9 =	sor.u32 $0x60, s19;
	s5 =	rddreg [dreg:$0x8]  }
0xe4: {  	s12 =	sor.u32 $0x70, s19;
	s15 =	simm.s32 $0x10F00;
	v13 =	vunpack.i.l.bf16.f32 v14;
	s11 =	sor.u32 s5, s10  }
0xe5: {  	s14 =	rddreg [dreg:$0x2];
	s17 =	simm.s32 $0x2;
	v12 =	vunpack.i.u.bf16.f32 v14;
	[tilespmem:s9+$0x0] =	vst.add.f32.msk $0xffff, v13;
	s1 =	sshrl.u32 s11, $0x3  }
0xe6: {  	s8 =	simm.s32 $0xC00;
	s9 =	simm.s32 $0x1800;
	[tilespmem:s12+$0x0] =	vst.add.f32.msk $0xffff, v12;
	s0 =	sadd.s32 s14, s1  }
0xe7: {  	[hbm4b:s0+s8] =	stream.strided.scatter [tilespmem:s15], [sflag:$0x7], $0x2400, s9, s8, $0x38;
	[tilespmem:$0x1E700] =	vst v63  }
0xe8: {  	_ =	swait.ge [sflag:s17], $0x2400  }
0xe9: {  	s16 =	sadd.s32 $0x78, s18;
	[sflag:s17] =	ssyncset.done $0x0  }
0xea: {  	s3 =	simm.s32 @!p0 $0xC;
	s0 =	sshrl.u32 s16, $0x3;
	[sflag:s17] =	ssyncadd.s32 $0xFFFFDC00  }
0xeb: {  	s19 =	sadd.s32 $0x0, s26;
	s0 =	smul.u32 $0x1800, s0;
	_ =	swait.ge @!p0 [sflag:s3], $0x2400  }
0xec: {  	v12 =	vmov s19;
	[sflag:s3] =	ssyncset.done @!p0 $0x0  }
0xed: {  	s0 =	sadd.s32 s5, s0;
	[sflag:s3] =	ssyncadd.s32 @!p0 $0xFFFFDC00  }
0xee: {  	s20 =	sshrl.u32 s0, $0x3;
	s21 =	rddreg [dreg:$0x0]  }
0xef: {  	s22 =	simm.s32 $0x1C300;
	[dreg:$0x17] =	wrdreg s20;
	s0 =	sadd.s32 s21, s20  }
0xf0: {  	[tilespmem:s22], [sflag:$0x6] =	stream.strided.gather [hbm4b:s0+s8], $0x2400, s9, s8, $0x38;
	[tilespmem:$0x1E700] =	vst v63  }
0xf1: {  	v12 =	vld.idx.msk [tilespmem:v12+s2+$0x0], $0xffff;
	_ =	sdelay $0x4  }
0xf2: {  	v13 =	vshrl.u32 v12, $0x1  }
0xf3: {  	v14 =	vand.u32 $0xFFFFF800, v12;
	v13 =	vand.u32 $0x380, v13  }
0xf4: {  	v17 =	vor.u32 v14, v13  }
0xf5: {  	v15 =	vshll.u32 v12, $0x7;
	v14 =	vor.u32 v8, v17  }
0xf6: {  	v13 =	vand.u32 $0x380, v15;
	v15 =	vor.u32 v4, v17  }
0xf7: {  	v12 =	vshll.u32 v12, $0x8;
	v18 =	vor.u32 v7, v17  }
0xf8: {  	v12 =	vand.u32 $0xF800, v12;
	v27 =	vor.u32 v1, v17  }
0xf9: {  	v20 =	vor.u32 v13, v12;
	v30 =	vor.u32 v3, v17  }
0xfa: {  	v13 =	vor.u32 v4, v20;
	v12 =	vld.idx.msk [tilespmem:v14+s4+$0x0], $0xffff  }
0xfb: {  	v16 =	vor.u32 v0, v20;
	v25 =	vld.idx.msk [tilespmem:v15+s4+$0x0], $0xffff  }
0xfc: {  	v19 =	vor.u32 v7, v20;
	v63 =	vld.idx.msk [tilespmem:v18+s4+$0x0], $0xffff  }
0xfd: {  	v21 =	vor.u32 v1, v20;
	v31 =	vld.idx.msk [tilespmem:v27+s4+$0x0], $0xffff  }
0xfe: {  	v23 =	vor.u32 v2, v20;
	v30 =	vld.idx.msk [tilespmem:v30+s4+$0x0], $0xffff  }
0xff: {  	v14 =	vor.u32 v3, v20;
	v29 =	vld.idx.msk [tilespmem:v13+s23+$0x0], $0xffff  }
0x100: {  	v15 =	vor.u32 v0, v17;
	v62 =	vld.idx.msk [tilespmem:v16+s23+$0x0], $0xffff  }
0x101: {  	s24 =	simm.s32 $0x0;
	v22 =	vor.u32 v11, v17;
	v34 =	vld.idx.msk [tilespmem:v19+s23+$0x0], $0xffff  }
0x102: {  	s0 =	smul.u32 $0x3000, s24;
	v13 =	vor.u32 v5, v20;
	v26 =	vld.idx.msk [tilespmem:v21+s23+$0x0], $0xffff  }
0x103: {  	s12 =	simm.s32 $0x0;
	v18 =	vor.u32 v10, v20;
	v28 =	vld.idx.msk [tilespmem:v23+s23+$0x0], $0xffff  }
0x104: {  	s25 =	sand.u32 $0x380, s12;
	s0 =	sshra.s32 s0, $0x2;
	v16 =	vor.u32 v2, v17;
	v19 =	vld.idx.msk [tilespmem:v14+s23+$0x0], $0xffff  }
0x105: {  	s31 =	simm.s32 $0x1;
	s0 =	sor.u32 s25, s0;
	v36 =	vor.u32 v11, v20;
	v35 =	vld.idx.msk [tilespmem:v15+s4+$0x0], $0xffff  }
0x106: {  	s20 =	sadd.s32 $0x18, s18;
	s19 =	sadd.s32 $0x13B00, s0;
	s11 =	sadd.s32 $0x13300, s0;
	v15 =	vld.idx.msk [tilespmem:v22+s4+$0x0], $0xffff  }
0x107: {  	s14 =	sadd.s32 $0x13700, s0;
	s21 =	sor.u32 $0x10, s11;
	s16 =	sor.u32 $0x20, s11;
	v27 =	vor.u32 v6, v17;
	v21 =	vor.u32 v9, v20;
	v22 =	vor.u32 v6, v20;
	v14 =	vld.idx.msk [tilespmem:v13+s23+$0x0], $0xffff  }
0x108: {  	s15 =	sor.u32 $0x30, s11;
	s17 =	sor.u32 $0x40, s11;
	s22 =	sor.u32 $0x50, s11;
	v13 =	vld.idx.msk [tilespmem:v18+s23+$0x0], $0xffff;
	v18 =	vor.u32 v8, v20;
	v20 =	vadd.bf16 v29, v25;
	v29 =	vor.u32 v9, v17  }
0x109: {  	s10 =	sor.u32 $0x60, s11;
	s5 =	sor.u32 $0x10, s14;
	s1 =	sor.u32 $0x20, s14;
	v23 =	vor.u32 v5, v17;
	v24 =	vld.idx.msk [tilespmem:v16+s4+$0x0], $0xffff  }
0x10a: {  	s24 =	sor.u32 $0x30, s14;
	s25 =	sor.u32 $0x40, s14;
	s3 =	sor.u32 $0x50, s14;
	v16 =	vor.u32 v10, v17;
	v17 =	vadd.bf16 v34, v63;
	v25 =	vld.idx.msk [tilespmem:v36+s23+$0x0], $0xffff;
	v32 =	vadd.bf16 v62, v35  }
.LBB2_9:
0x10b: {  	s9 =	sadd.s32 s31, s26  }
0x10c: {  	p0 =	sne.s32 s31, $0x17;
	v27 =	vld.idx.msk [tilespmem:v27+s4+$0x0], $0xffff;
	v33 =	vunpack.i.l.bf16.f32 v32;
	s8 =	smov.u32 s31;
	s31 =	sadd.s32 $0x1, s31  }
0x10d: {  	v32 =	vunpack.i.u.bf16.f32 v32;
	v34 =	vmov s9;
	v29 =	vld.idx.msk [tilespmem:v29+s4+$0x0], $0xffff  }
0x10e: {  	v24 =	vadd.bf16 v28, v24;
	v21 =	vld.idx.msk [tilespmem:v21+s23+$0x0], $0xffff  }
0x10f: {  	v26 =	vadd.bf16 v26, v31;
	v18 =	vld.idx.msk [tilespmem:v18+s23+$0x0], $0xffff  }
0x110: {  	v19 =	vadd.bf16 v19, v30;
	v28 =	vunpack.i.l.bf16.f32 v24;
	v22 =	vld.idx.msk [tilespmem:v22+s23+$0x0], $0xffff  }
0x111: {  	v24 =	vunpack.i.u.bf16.f32 v24;
	v15 =	vadd.bf16 v25, v15;
	v16 =	vld.idx.msk [tilespmem:v16+s4+$0x0], $0xffff  }
0x112: {  	v25 =	vunpack.i.l.bf16.f32 v19;
	v23 =	vld.idx.msk [tilespmem:v23+s4+$0x0], $0xffff  }
0x113: {  	v19 =	vunpack.i.u.bf16.f32 v19;
	[tilespmem:s0+$0x13300] =	vst.add.f32.msk $0xffff, v33  }
0x114: {  	v21 =	vadd.bf16 v21, v29;
	v29 =	vunpack.i.l.bf16.f32 v26;
	[tilespmem:s21+$0x0] =	vst.add.f32.msk $0xffff, v32  }
0x115: {  	v12 =	vadd.bf16 v18, v12;
	v18 =	vunpack.i.u.bf16.f32 v26;
	v26 =	vunpack.i.l.bf16.f32 v20;
	[tilespmem:s16+$0x0] =	vst.add.f32.msk $0xffff, v29  }
0x116: {  	v22 =	vadd.bf16 v22, v27;
	[tilespmem:s15+$0x0] =	vst.add.f32.msk $0xffff, v18;
	v18 =	vunpack.i.u.bf16.f32 v20  }
0x117: {  	[tilespmem:s17+$0x0] =	vst.add.f32.msk $0xffff, v28  }
0x118: {  	v14 =	vadd.bf16 v14, v23;
	v20 =	vunpack.i.l.bf16.f32 v22;
	[tilespmem:s22+$0x0] =	vst.add.f32.msk $0xffff, v24  }
0x119: {  	s9 =	sor.u32 $0x70, s11;
	v22 =	vunpack.i.u.bf16.f32 v22;
	[tilespmem:s10+$0x0] =	vst.add.f32.msk $0xffff, v25  }
0x11a: {  	[tilespmem:s9+$0x0] =	vst.add.f32.msk $0xffff, v19;
	v19 =	vunpack.i.u.bf16.f32 v14;
	v14 =	vunpack.i.l.bf16.f32 v14;
	s9 =	sor.u32 $0x60, s14  }
0x11b: {  	v23 =	vunpack.i.l.bf16.f32 v17;
	[tilespmem:s0+$0x13700] =	vst.add.f32.msk $0xffff, v26  }
0x11c: {  	[tilespmem:s5+$0x0] =	vst.add.f32.msk $0xffff, v18  }
0x11d: {  	v18 =	vld.idx.msk [tilespmem:v34+s2+$0x0], $0xffff  }
0x11e: {  	[tilespmem:s1+$0x0] =	vst.add.f32.msk $0xffff, v14  }
0x11f: {  	[tilespmem:s24+$0x0] =	vst.add.f32.msk $0xffff, v19  }
0x120: {  	v14 =	vunpack.i.u.bf16.f32 v17;
	[tilespmem:s25+$0x0] =	vst.add.f32.msk $0xffff, v20  }
0x121: {  	v13 =	vadd.bf16 v13, v16;
	v16 =	vunpack.i.l.bf16.f32 v12;
	v17 =	vunpack.i.l.bf16.f32 v15;
	[tilespmem:s3+$0x0] =	vst.add.f32.msk $0xffff, v22  }
0x122: {  	v12 =	vunpack.i.u.bf16.f32 v12;
	s1 =	sor.u32 $0x70, s14;
	v19 =	vunpack.i.u.bf16.f32 v21;
	v20 =	vunpack.i.l.bf16.f32 v21;
	[tilespmem:s9+$0x0] =	vst.add.f32.msk $0xffff, v23  }
0x123: {  	v21 =	vand.u32 $0xFFFFF800, v18;
	v22 =	vshrl.u32 v18, $0x1;
	v23 =	vshll.u32 v18, $0x7;
	[tilespmem:s1+$0x0] =	vst.add.f32.msk $0xffff, v14  }
0x124: {  	v18 =	vshll.u32 v18, $0x8;
	v14 =	vand.u32 $0x380, v22;
	v22 =	vand.u32 $0x380, v23;
	[tilespmem:s0+$0x13B00] =	vst.add.f32.msk $0xffff, v16;
	s0 =	sor.u32 $0x10, s19  }
0x125: {  	s1 =	sshrl.u32 s8, $0x3;
	v24 =	vor.u32 v21, v14;
	v14 =	vand.u32 $0xF800, v18;
	[tilespmem:s0+$0x0] =	vst.add.f32.msk $0xffff, v12;
	s0 =	sor.u32 $0x20, s19;
	v12 =	vunpack.i.l.bf16.f32 v13  }
0x126: {  	s12 =	sadd.s32 $0x80, s12;
	s1 =	smul.u32 $0x3000, s1;
	v23 =	vor.u32 v4, v24;
	v25 =	vor.u32 v8, v24;
	v16 =	vor.u32 v10, v24;
	[tilespmem:s0+$0x0] =	vst.add.f32.msk $0xffff, v20;
	s0 =	sor.u32 $0x30, s19  }
0x127: {  	v26 =	vor.u32 v22, v14;
	v13 =	vunpack.i.u.bf16.f32 v13;
	v20 =	vor.u32 v0, v24;
	[tilespmem:s0+$0x0] =	vst.add.f32.msk $0xffff, v19;
	s0 =	sor.u32 $0x40, s19  }
0x128: {  	s5 =	sor.u32 $0x50, s19;
	s3 =	sand.u32 $0x380, s12;
	v30 =	vor.u32 v3, v24;
	v14 =	vor.u32 v4, v26;
	v18 =	vor.u32 v8, v26;
	s1 =	sshra.s32 s1, $0x2;
	[tilespmem:s0+$0x0] =	vst.add.f32.msk $0xffff, v12  }
0x129: {  	v31 =	vor.u32 v1, v24;
	v28 =	vor.u32 v7, v24;
	v19 =	vor.u32 v0, v26;
	s0 =	sor.u32 s3, s1;
	s1 =	sor.u32 $0x60, s19;
	[tilespmem:s5+$0x0] =	vst.add.f32.msk $0xffff, v13  }
0x12a: {  	v32 =	vor.u32 v1, v26;
	v21 =	vor.u32 v9, v26;
	v13 =	vor.u32 v3, v26;
	s3 =	sadd.s32 $0x13B00, s0;
	[tilespmem:s1+$0x0] =	vst.add.f32.msk $0xffff, v17  }
0x12b: {  	v29 =	vor.u32 v7, v26;
	s11 =	sadd.s32 $0x13300, s0;
	v17 =	vor.u32 v2, v24;
	v12 =	vld.idx.msk [tilespmem:v25+s4+$0x0], $0xffff;
	v25 =	vor.u32 v11, v26  }
0x12c: {  	v22 =	vor.u32 v6, v26;
	s21 =	sor.u32 $0x10, s11;
	s16 =	sor.u32 $0x20, s11;
	v33 =	vld.idx.msk [tilespmem:v23+s4+$0x0], $0xffff  }
0x12d: {  	v27 =	vor.u32 v6, v24;
	s15 =	sor.u32 $0x30, s11;
	v34 =	vld.idx.msk [tilespmem:v14+s23+$0x0], $0xffff;
	v14 =	vor.u32 v5, v26  }
0x12e: {  	v36 =	vor.u32 v10, v26;
	v35 =	vld.idx.msk [tilespmem:v19+s23+$0x0], $0xffff  }
0x12f: {  	v23 =	vor.u32 v5, v24;
	v28 =	vld.idx.msk [tilespmem:v28+s4+$0x0], $0xffff  }
0x130: {  	v37 =	vld.idx.msk [tilespmem:v29+s23+$0x0], $0xffff  }
0x131: {  	v19 =	vld.idx.msk [tilespmem:v13+s23+$0x0], $0xffff  }
0x132: {  	v38 =	vor.u32 v11, v24;
	s17 =	sor.u32 $0x40, s11;
	v14 =	vld.idx.msk [tilespmem:v14+s23+$0x0], $0xffff  }
0x133: {  	s22 =	sor.u32 $0x50, s11;
	v29 =	vor.u32 v9, v24;
	v39 =	vld.idx.msk [tilespmem:v20+s4+$0x0], $0xffff;
	v20 =	vadd.bf16 v34, v33  }
0x134: {  	s10 =	sor.u32 $0x60, s11;
	v33 =	vor.u32 v2, v26;
	v24 =	vld.idx.msk [tilespmem:v17+s4+$0x0], $0xffff  }
0x135: {  	v15 =	vunpack.i.u.bf16.f32 v15;
	s1 =	sor.u32 $0x70, s19;
	s19 =	smov.u32 s3;
	v13 =	vld.idx.msk [tilespmem:v36+s23+$0x0], $0xffff  }
0x136: {  	s14 =	sadd.s32 $0x13700, s0;
	v17 =	vadd.bf16 v37, v28;
	[tilespmem:s1+$0x0] =	vst.add.f32.msk $0xffff, v15  }
0x137: {  	s5 =	sor.u32 $0x10, s14;
	v26 =	vld.idx.msk [tilespmem:v32+s23+$0x0], $0xffff  }
.Ltmp3:
0x138: {  	s1 =	sor.u32 $0x20, s14;
	v15 =	vld.idx.msk [tilespmem:v38+s4+$0x0], $0xffff;
	(pc) =	sbr.rel @p0 .LBB2_9-.Ltmp3, $4  }
0x139: {  	s24 =	sor.u32 $0x30, s14;
	v28 =	vld.idx.msk [tilespmem:v33+s23+$0x0], $0xffff  }
0x13a: {  	s25 =	sor.u32 $0x40, s14;
	v31 =	vld.idx.msk [tilespmem:v31+s4+$0x0], $0xffff  }
0x13b: {  	s3 =	sor.u32 $0x50, s14;
	v32 =	vadd.bf16 v35, v39;
	v30 =	vld.idx.msk [tilespmem:v30+s4+$0x0], $0xffff  }
0x13c: {  	v25 =	vld.idx.msk [tilespmem:v25+s23+$0x0], $0xffff  }
0x13d: {  	_ =	sdelay $0x3  }
0x13e: {  	v27 =	vld.idx.msk [tilespmem:v27+s4+$0x0], $0xffff  }
0x13f: {  	v29 =	vld.idx.msk [tilespmem:v29+s4+$0x0], $0xffff  }
0x140: {  	v21 =	vld.idx.msk [tilespmem:v21+s23+$0x0], $0xffff  }
0x141: {  	v18 =	vld.idx.msk [tilespmem:v18+s23+$0x0], $0xffff  }
0x142: {  	v22 =	vld.idx.msk [tilespmem:v22+s23+$0x0], $0xffff  }
0x143: {  	v16 =	vld.idx.msk [tilespmem:v16+s4+$0x0], $0xffff  }
0x144: {  	v33 =	vunpack.i.l.bf16.f32 v32;
	v23 =	vld.idx.msk [tilespmem:v23+s4+$0x0], $0xffff;
	v26 =	vadd.bf16 v26, v31  }
0x145: {  	[tilespmem:s0+$0x13300] =	vst.add.f32.msk $0xffff, v33;
	v31 =	vunpack.i.u.bf16.f32 v32  }
0x146: {  	v24 =	vadd.bf16 v28, v24;
	[tilespmem:s21+$0x0] =	vst.add.f32.msk $0xffff, v31;
	v28 =	vunpack.i.l.bf16.f32 v26  }
0x147: {  	v26 =	vunpack.i.u.bf16.f32 v26;
	[tilespmem:s16+$0x0] =	vst.add.f32.msk $0xffff, v28  }
0x148: {  	v19 =	vadd.bf16 v19, v30;
	v28 =	vunpack.i.l.bf16.f32 v24;
	[tilespmem:s15+$0x0] =	vst.add.f32.msk $0xffff, v26  }
0x149: {  	v24 =	vunpack.i.u.bf16.f32 v24;
	[tilespmem:s17+$0x0] =	vst.add.f32.msk $0xffff, v28  }
0x14a: {  	v26 =	vunpack.i.l.bf16.f32 v19;
	[tilespmem:s22+$0x0] =	vst.add.f32.msk $0xffff, v24  }
0x14b: {  	s8 =	sor.u32 $0x70, s11;
	v19 =	vunpack.i.u.bf16.f32 v19;
	[tilespmem:s10+$0x0] =	vst.add.f32.msk $0xffff, v26  }
0x14c: {  	v14 =	vadd.bf16 v14, v23;
	v24 =	vunpack.i.l.bf16.f32 v20;
	[tilespmem:s8+$0x0] =	vst.add.f32.msk $0xffff, v19  }
0x14d: {  	v19 =	vunpack.i.u.bf16.f32 v20;
	[tilespmem:s0+$0x13700] =	vst.add.f32.msk $0xffff, v24  }
0x14e: {  	v20 =	vadd.bf16 v22, v27;
	v22 =	vunpack.i.l.bf16.f32 v14;
	[tilespmem:s5+$0x0] =	vst.add.f32.msk $0xffff, v19  }
0x14f: {  	v14 =	vunpack.i.u.bf16.f32 v14;
	[tilespmem:s1+$0x0] =	vst.add.f32.msk $0xffff, v22  }
0x150: {  	v19 =	vunpack.i.l.bf16.f32 v20;
	[tilespmem:s24+$0x0] =	vst.add.f32.msk $0xffff, v14  }
0x151: {  	v14 =	vunpack.i.u.bf16.f32 v20;
	[tilespmem:s25+$0x0] =	vst.add.f32.msk $0xffff, v19  }
0x152: {  	v12 =	vadd.bf16 v18, v12;
	v18 =	vunpack.i.l.bf16.f32 v17;
	s25 =	sor.u32 $0x60, s14;
	[tilespmem:s3+$0x0] =	vst.add.f32.msk $0xffff, v14  }
0x153: {  	v14 =	vunpack.i.u.bf16.f32 v17;
	s3 =	sor.u32 $0x70, s14;
	[tilespmem:s25+$0x0] =	vst.add.f32.msk $0xffff, v18  }
0x154: {  	v17 =	vadd.bf16 v21, v29;
	v18 =	vunpack.i.l.bf16.f32 v12;
	[tilespmem:s3+$0x0] =	vst.add.f32.msk $0xffff, v14  }
0x155: {  	s5 =	sor.u32 $0x10, s19;
	v12 =	vunpack.i.u.bf16.f32 v12;
	[tilespmem:s0+$0x13B00] =	vst.add.f32.msk $0xffff, v18  }
0x156: {  	v13 =	vadd.bf16 v13, v16;
	s8 =	sor.u32 $0x20, s19;
	v14 =	vunpack.i.l.bf16.f32 v17;
	[tilespmem:s5+$0x0] =	vst.add.f32.msk $0xffff, v12  }
0x157: {  	s9 =	sor.u32 $0x30, s19;
	v12 =	vunpack.i.u.bf16.f32 v17;
	[tilespmem:s8+$0x0] =	vst.add.f32.msk $0xffff, v14  }
0x158: {  	s11 =	sor.u32 $0x40, s19;
	v14 =	vadd.bf16 v25, v15;
	v15 =	vunpack.i.l.bf16.f32 v13;
	[tilespmem:s9+$0x0] =	vst.add.f32.msk $0xffff, v12  }
0x159: {  	s12 =	sor.u32 $0x50, s19;
	s10 =	sshrl.u32 s20, $0x3;
	v12 =	vunpack.i.u.bf16.f32 v13;
	[tilespmem:s11+$0x0] =	vst.add.f32.msk $0xffff, v15  }
0x15a: {  	s1 =	smul.u32 $0x1800, s10;
	[tilespmem:s12+$0x0] =	vst.add.f32.msk $0xffff, v12  }
0x15b: {  	s21 =	simm.s32 $0x3;
	s14 =	sor.u32 $0x60, s19;
	v13 =	vunpack.i.l.bf16.f32 v14;
	s5 =	rddreg [dreg:$0x8]  }
0x15c: {  	s16 =	rddreg [dreg:$0x2];
	s15 =	sor.u32 $0x70, s19;
	v12 =	vunpack.i.u.bf16.f32 v14;
	[tilespmem:s14+$0x0] =	vst.add.f32.msk $0xffff, v13;
	s1 =	sadd.s32 s5, s1  }
0x15d: {  	s17 =	simm.s32 $0xC00;
	s20 =	simm.s32 $0x13300;
	[tilespmem:s15+$0x0] =	vst.add.f32.msk $0xffff, v12;
	s1 =	sshrl.u32 s1, $0x3  }
0x15e: {  	s19 =	simm.s32 $0x1800;
	s0 =	sadd.s32 s16, s1;
	s1 =	rddreg [dreg:$0x16]  }
0x15f: {  	[hbm4b:s0+s17] =	stream.strided.scatter [tilespmem:s20], [sflag:$0x8], $0x2400, s19, s17, $0x38;
	[tilespmem:$0x1E700] =	vst v63  }
0x160: {  	p0 =	seq.s32 s7, $0xF;
	s0 =	rddreg [dreg:$0x10];
	_ =	swait.ge [sflag:s21], $0x2400  }
0x161: {  	s0 =	sadd.s32 @!p0 s1, s0;
	[sflag:s21] =	ssyncset.done $0x0  }
0x162: {  	s1 =	simm.s32 @!p0 $0x7;
	s0 =	sshrl.u32 @!p0 s0, $0x3;
	[sflag:s21] =	ssyncadd.s32 $0xFFFFDC00  }
0x163: {  	s22 =	sadd.s32 $0x0, s28;
	s0 =	smul.u32 @!p0 $0x1800, s0;
	_ =	swait.ge @!p0 [sflag:s1], $0x2400  }
0x164: {  	v12 =	vmov s22;
	[sflag:s1] =	ssyncset.done @!p0 $0x0  }
0x165: {  	s0 =	sor.u32 @!p0 s5, s0;
	[sflag:s1] =	ssyncadd.s32 @!p0 $0xFFFFDC00  }
0x166: {  	s3 =	simm.s32 @!p0 $0x1800;
	s0 =	sshrl.u32 @!p0 s0, $0x3;
	s1 =	rddreg [dreg:$0x0]  }
0x167: {  	s5 =	simm.s32 @!p0 $0x10F00;
	s0 =	sadd.s32 @!p0 s1, s0;
	s1 =	simm.s32 @!p0 $0xC00  }
0x168: {  	[tilespmem:s5], [sflag:$0x1] =	stream.strided.gather @!p0 [hbm4b:s0+s1], $0x2400, s3, s1, $0x38;
	[tilespmem:$0x1E700] =	vst v63  }
0x169: {  	v12 =	vld.idx.msk [tilespmem:v12+s2+$0x0], $0xffff;
	_ =	sdelay $0x4  }
0x16a: {  	v13 =	vshrl.u32 v12, $0x1  }
0x16b: {  	v14 =	vand.u32 $0xFFFFF800, v12;
	v13 =	vand.u32 $0x380, v13  }
0x16c: {  	v17 =	vor.u32 v14, v13  }
0x16d: {  	v15 =	vshll.u32 v12, $0x7;
	v14 =	vor.u32 v8, v17  }
0x16e: {  	v13 =	vand.u32 $0x380, v15;
	v15 =	vor.u32 v4, v17  }
0x16f: {  	v12 =	vshll.u32 v12, $0x8;
	v18 =	vor.u32 v7, v17  }
0x170: {  	v12 =	vand.u32 $0xF800, v12;
	v27 =	vor.u32 v1, v17  }
0x171: {  	v20 =	vor.u32 v13, v12;
	v30 =	vor.u32 v3, v17  }
0x172: {  	v13 =	vor.u32 v4, v20;
	v12 =	vld.idx.msk [tilespmem:v14+s4+$0x0], $0xffff  }
0x173: {  	v16 =	vor.u32 v0, v20;
	v25 =	vld.idx.msk [tilespmem:v15+s4+$0x0], $0xffff  }
0x174: {  	v19 =	vor.u32 v7, v20;
	v63 =	vld.idx.msk [tilespmem:v18+s4+$0x0], $0xffff  }
0x175: {  	v21 =	vor.u32 v1, v20;
	v31 =	vld.idx.msk [tilespmem:v27+s4+$0x0], $0xffff  }
0x176: {  	v23 =	vor.u32 v2, v20;
	v30 =	vld.idx.msk [tilespmem:v30+s4+$0x0], $0xffff  }
0x177: {  	v14 =	vor.u32 v3, v20;
	v29 =	vld.idx.msk [tilespmem:v13+s23+$0x0], $0xffff  }
0x178: {  	v15 =	vor.u32 v0, v17;
	v62 =	vld.idx.msk [tilespmem:v16+s23+$0x0], $0xffff  }
0x179: {  	s24 =	simm.s32 $0x0;
	v22 =	vor.u32 v11, v17;
	v34 =	vld.idx.msk [tilespmem:v19+s23+$0x0], $0xffff  }
0x17a: {  	s0 =	smul.u32 $0x3000, s24;
	v13 =	vor.u32 v5, v20;
	v26 =	vld.idx.msk [tilespmem:v21+s23+$0x0], $0xffff  }
0x17b: {  	s12 =	simm.s32 $0x0;
	v18 =	vor.u32 v10, v20;
	v28 =	vld.idx.msk [tilespmem:v23+s23+$0x0], $0xffff  }
0x17c: {  	s25 =	sand.u32 $0x380, s12;
	s0 =	sshra.s32 s0, $0x2;
	v16 =	vor.u32 v2, v17;
	v19 =	vld.idx.msk [tilespmem:v14+s23+$0x0], $0xffff  }
0x17d: {  	s31 =	simm.s32 $0x1;
	s0 =	sor.u32 s25, s0;
	v36 =	vor.u32 v11, v20;
	v35 =	vld.idx.msk [tilespmem:v15+s4+$0x0], $0xffff  }
0x17e: {  	s20 =	sadd.s32 $0x30, s18;
	s19 =	sadd.s32 $0x15F00, s0;
	s11 =	sadd.s32 $0x15700, s0;
	v15 =	vld.idx.msk [tilespmem:v22+s4+$0x0], $0xffff  }
0x17f: {  	s14 =	sadd.s32 $0x15B00, s0;
	s21 =	sor.u32 $0x10, s11;
	s16 =	sor.u32 $0x20, s11;
	v27 =	vor.u32 v6, v17;
	v21 =	vor.u32 v9, v20;
	v22 =	vor.u32 v6, v20;
	v14 =	vld.idx.msk [tilespmem:v13+s23+$0x0], $0xffff  }
0x180: {  	s15 =	sor.u32 $0x30, s11;
	s17 =	sor.u32 $0x40, s11;
	s22 =	sor.u32 $0x50, s11;
	v13 =	vld.idx.msk [tilespmem:v18+s23+$0x0], $0xffff;
	v18 =	vor.u32 v8, v20;
	v20 =	vadd.bf16 v29, v25;
	v29 =	vor.u32 v9, v17  }
0x181: {  	s10 =	sor.u32 $0x60, s11;
	s5 =	sor.u32 $0x10, s14;
	s1 =	sor.u32 $0x20, s14;
	v23 =	vor.u32 v5, v17;
	v24 =	vld.idx.msk [tilespmem:v16+s4+$0x0], $0xffff  }
0x182: {  	s24 =	sor.u32 $0x30, s14;
	s25 =	sor.u32 $0x40, s14;
	s3 =	sor.u32 $0x50, s14;
	v16 =	vor.u32 v10, v17;
	v17 =	vadd.bf16 v34, v63;
	v25 =	vld.idx.msk [tilespmem:v36+s23+$0x0], $0xffff;
	v32 =	vadd.bf16 v62, v35  }
.LBB2_11:
0x183: {  	s9 =	sadd.s32 s31, s28  }
0x184: {  	p1 =	sne.s32 s31, $0x17;
	v27 =	vld.idx.msk [tilespmem:v27+s4+$0x0], $0xffff;
	v33 =	vunpack.i.l.bf16.f32 v32;
	s8 =	smov.u32 s31;
	s31 =	sadd.s32 $0x1, s31  }
0x185: {  	v32 =	vunpack.i.u.bf16.f32 v32;
	v34 =	vmov s9;
	v29 =	vld.idx.msk [tilespmem:v29+s4+$0x0], $0xffff  }
0x186: {  	v24 =	vadd.bf16 v28, v24;
	v21 =	vld.idx.msk [tilespmem:v21+s23+$0x0], $0xffff  }
0x187: {  	v26 =	vadd.bf16 v26, v31;
	v18 =	vld.idx.msk [tilespmem:v18+s23+$0x0], $0xffff  }
0x188: {  	v19 =	vadd.bf16 v19, v30;
	v28 =	vunpack.i.l.bf16.f32 v24;
	v22 =	vld.idx.msk [tilespmem:v22+s23+$0x0], $0xffff  }
0x189: {  	v24 =	vunpack.i.u.bf16.f32 v24;
	v15 =	vadd.bf16 v25, v15;
	v16 =	vld.idx.msk [tilespmem:v16+s4+$0x0], $0xffff  }
0x18a: {  	v25 =	vunpack.i.l.bf16.f32 v19;
	v23 =	vld.idx.msk [tilespmem:v23+s4+$0x0], $0xffff  }
0x18b: {  	v19 =	vunpack.i.u.bf16.f32 v19;
	[tilespmem:s0+$0x15700] =	vst.add.f32.msk $0xffff, v33  }
0x18c: {  	v21 =	vadd.bf16 v21, v29;
	v29 =	vunpack.i.l.bf16.f32 v26;
	[tilespmem:s21+$0x0] =	vst.add.f32.msk $0xffff, v32  }
0x18d: {  	v12 =	vadd.bf16 v18, v12;
	v18 =	vunpack.i.u.bf16.f32 v26;
	v26 =	vunpack.i.l.bf16.f32 v20;
	[tilespmem:s16+$0x0] =	vst.add.f32.msk $0xffff, v29  }
0x18e: {  	v22 =	vadd.bf16 v22, v27;
	[tilespmem:s15+$0x0] =	vst.add.f32.msk $0xffff, v18;
	v18 =	vunpack.i.u.bf16.f32 v20  }
0x18f: {  	[tilespmem:s17+$0x0] =	vst.add.f32.msk $0xffff, v28  }
0x190: {  	v14 =	vadd.bf16 v14, v23;
	v20 =	vunpack.i.l.bf16.f32 v22;
	[tilespmem:s22+$0x0] =	vst.add.f32.msk $0xffff, v24  }
0x191: {  	s9 =	sor.u32 $0x70, s11;
	v22 =	vunpack.i.u.bf16.f32 v22;
	[tilespmem:s10+$0x0] =	vst.add.f32.msk $0xffff, v25  }
0x192: {  	[tilespmem:s9+$0x0] =	vst.add.f32.msk $0xffff, v19;
	v19 =	vunpack.i.u.bf16.f32 v14;
	v14 =	vunpack.i.l.bf16.f32 v14;
	s9 =	sor.u32 $0x60, s14  }
0x193: {  	v23 =	vunpack.i.l.bf16.f32 v17;
	[tilespmem:s0+$0x15B00] =	vst.add.f32.msk $0xffff, v26  }
0x194: {  	[tilespmem:s5+$0x0] =	vst.add.f32.msk $0xffff, v18  }
0x195: {  	v18 =	vld.idx.msk [tilespmem:v34+s2+$0x0], $0xffff  }
0x196: {  	[tilespmem:s1+$0x0] =	vst.add.f32.msk $0xffff, v14  }
0x197: {  	[tilespmem:s24+$0x0] =	vst.add.f32.msk $0xffff, v19  }
0x198: {  	v14 =	vunpack.i.u.bf16.f32 v17;
	[tilespmem:s25+$0x0] =	vst.add.f32.msk $0xffff, v20  }
0x199: {  	v13 =	vadd.bf16 v13, v16;
	v16 =	vunpack.i.l.bf16.f32 v12;
	v17 =	vunpack.i.l.bf16.f32 v15;
	[tilespmem:s3+$0x0] =	vst.add.f32.msk $0xffff, v22  }
0x19a: {  	v12 =	vunpack.i.u.bf16.f32 v12;
	s1 =	sor.u32 $0x70, s14;
	v19 =	vunpack.i.u.bf16.f32 v21;
	v20 =	vunpack.i.l.bf16.f32 v21;
	[tilespmem:s9+$0x0] =	vst.add.f32.msk $0xffff, v23  }
0x19b: {  	v21 =	vand.u32 $0xFFFFF800, v18;
	v22 =	vshrl.u32 v18, $0x1;
	v23 =	vshll.u32 v18, $0x7;
	[tilespmem:s1+$0x0] =	vst.add.f32.msk $0xffff, v14  }
0x19c: {  	v18 =	vshll.u32 v18, $0x8;
	v14 =	vand.u32 $0x380, v22;
	v22 =	vand.u32 $0x380, v23;
	[tilespmem:s0+$0x15F00] =	vst.add.f32.msk $0xffff, v16;
	s0 =	sor.u32 $0x10, s19  }
0x19d: {  	s1 =	sshrl.u32 s8, $0x3;
	v24 =	vor.u32 v21, v14;
	v14 =	vand.u32 $0xF800, v18;
	[tilespmem:s0+$0x0] =	vst.add.f32.msk $0xffff, v12;
	s0 =	sor.u32 $0x20, s19;
	v12 =	vunpack.i.l.bf16.f32 v13  }
0x19e: {  	s12 =	sadd.s32 $0x80, s12;
	s1 =	smul.u32 $0x3000, s1;
	v23 =	vor.u32 v4, v24;
	v25 =	vor.u32 v8, v24;
	v16 =	vor.u32 v10, v24;
	[tilespmem:s0+$0x0] =	vst.add.f32.msk $0xffff, v20;
	s0 =	sor.u32 $0x30, s19  }
0x19f: {  	v26 =	vor.u32 v22, v14;
	v13 =	vunpack.i.u.bf16.f32 v13;
	v20 =	vor.u32 v0, v24;
	[tilespmem:s0+$0x0] =	vst.add.f32.msk $0xffff, v19;
	s0 =	sor.u32 $0x40, s19  }
0x1a0: {  	s5 =	sor.u32 $0x50, s19;
	s3 =	sand.u32 $0x380, s12;
	v30 =	vor.u32 v3, v24;
	v14 =	vor.u32 v4, v26;
	v18 =	vor.u32 v8, v26;
	s1 =	sshra.s32 s1, $0x2;
	[tilespmem:s0+$0x0] =	vst.add.f32.msk $0xffff, v12  }
0x1a1: {  	v31 =	vor.u32 v1, v24;
	v28 =	vor.u32 v7, v24;
	v19 =	vor.u32 v0, v26;
	s0 =	sor.u32 s3, s1;
	s1 =	sor.u32 $0x60, s19;
	[tilespmem:s5+$0x0] =	vst.add.f32.msk $0xffff, v13  }
0x1a2: {  	v32 =	vor.u32 v1, v26;
	v21 =	vor.u32 v9, v26;
	v13 =	vor.u32 v3, v26;
	s3 =	sadd.s32 $0x15F00, s0;
	[tilespmem:s1+$0x0] =	vst.add.f32.msk $0xffff, v17  }
0x1a3: {  	v29 =	vor.u32 v7, v26;
	s11 =	sadd.s32 $0x15700, s0;
	v17 =	vor.u32 v2, v24;
	v12 =	vld.idx.msk [tilespmem:v25+s4+$0x0], $0xffff;
	v25 =	vor.u32 v11, v26  }
0x1a4: {  	v22 =	vor.u32 v6, v26;
	s21 =	sor.u32 $0x10, s11;
	s16 =	sor.u32 $0x20, s11;
	v33 =	vld.idx.msk [tilespmem:v23+s4+$0x0], $0xffff  }
0x1a5: {  	v27 =	vor.u32 v6, v24;
	s15 =	sor.u32 $0x30, s11;
	v34 =	vld.idx.msk [tilespmem:v14+s23+$0x0], $0xffff;
	v14 =	vor.u32 v5, v26  }
0x1a6: {  	v36 =	vor.u32 v10, v26;
	v35 =	vld.idx.msk [tilespmem:v19+s23+$0x0], $0xffff  }
0x1a7: {  	v23 =	vor.u32 v5, v24;
	v28 =	vld.idx.msk [tilespmem:v28+s4+$0x0], $0xffff  }
0x1a8: {  	v37 =	vld.idx.msk [tilespmem:v29+s23+$0x0], $0xffff  }
0x1a9: {  	v19 =	vld.idx.msk [tilespmem:v13+s23+$0x0], $0xffff  }
0x1aa: {  	v38 =	vor.u32 v11, v24;
	s17 =	sor.u32 $0x40, s11;
	v14 =	vld.idx.msk [tilespmem:v14+s23+$0x0], $0xffff  }
0x1ab: {  	s22 =	sor.u32 $0x50, s11;
	v29 =	vor.u32 v9, v24;
	v39 =	vld.idx.msk [tilespmem:v20+s4+$0x0], $0xffff;
	v20 =	vadd.bf16 v34, v33  }
0x1ac: {  	s10 =	sor.u32 $0x60, s11;
	v33 =	vor.u32 v2, v26;
	v24 =	vld.idx.msk [tilespmem:v17+s4+$0x0], $0xffff  }
0x1ad: {  	v15 =	vunpack.i.u.bf16.f32 v15;
	s1 =	sor.u32 $0x70, s19;
	s19 =	smov.u32 s3;
	v13 =	vld.idx.msk [tilespmem:v36+s23+$0x0], $0xffff  }
0x1ae: {  	s14 =	sadd.s32 $0x15B00, s0;
	v17 =	vadd.bf16 v37, v28;
	[tilespmem:s1+$0x0] =	vst.add.f32.msk $0xffff, v15  }
0x1af: {  	s5 =	sor.u32 $0x10, s14;
	v26 =	vld.idx.msk [tilespmem:v32+s23+$0x0], $0xffff  }
.Ltmp4:
0x1b0: {  	s1 =	sor.u32 $0x20, s14;
	v15 =	vld.idx.msk [tilespmem:v38+s4+$0x0], $0xffff;
	(pc) =	sbr.rel @p1 .LBB2_11-.Ltmp4, $4  }
0x1b1: {  	s24 =	sor.u32 $0x30, s14;
	v28 =	vld.idx.msk [tilespmem:v33+s23+$0x0], $0xffff  }
0x1b2: {  	s25 =	sor.u32 $0x40, s14;
	v31 =	vld.idx.msk [tilespmem:v31+s4+$0x0], $0xffff  }
0x1b3: {  	s3 =	sor.u32 $0x50, s14;
	v32 =	vadd.bf16 v35, v39;
	v30 =	vld.idx.msk [tilespmem:v30+s4+$0x0], $0xffff  }
0x1b4: {  	v25 =	vld.idx.msk [tilespmem:v25+s23+$0x0], $0xffff  }
0x1b5: {  	_ =	sdelay $0x3  }
0x1b6: {  	v27 =	vld.idx.msk [tilespmem:v27+s4+$0x0], $0xffff  }
0x1b7: {  	v29 =	vld.idx.msk [tilespmem:v29+s4+$0x0], $0xffff  }
0x1b8: {  	v21 =	vld.idx.msk [tilespmem:v21+s23+$0x0], $0xffff  }
0x1b9: {  	v18 =	vld.idx.msk [tilespmem:v18+s23+$0x0], $0xffff  }
0x1ba: {  	v22 =	vld.idx.msk [tilespmem:v22+s23+$0x0], $0xffff  }
0x1bb: {  	v16 =	vld.idx.msk [tilespmem:v16+s4+$0x0], $0xffff  }
0x1bc: {  	v33 =	vunpack.i.l.bf16.f32 v32;
	v23 =	vld.idx.msk [tilespmem:v23+s4+$0x0], $0xffff;
	v26 =	vadd.bf16 v26, v31  }
0x1bd: {  	[tilespmem:s0+$0x15700] =	vst.add.f32.msk $0xffff, v33;
	v31 =	vunpack.i.u.bf16.f32 v32  }
0x1be: {  	v24 =	vadd.bf16 v28, v24;
	[tilespmem:s21+$0x0] =	vst.add.f32.msk $0xffff, v31;
	v28 =	vunpack.i.l.bf16.f32 v26  }
0x1bf: {  	v26 =	vunpack.i.u.bf16.f32 v26;
	[tilespmem:s16+$0x0] =	vst.add.f32.msk $0xffff, v28  }
0x1c0: {  	v19 =	vadd.bf16 v19, v30;
	v28 =	vunpack.i.l.bf16.f32 v24;
	[tilespmem:s15+$0x0] =	vst.add.f32.msk $0xffff, v26  }
0x1c1: {  	v24 =	vunpack.i.u.bf16.f32 v24;
	[tilespmem:s17+$0x0] =	vst.add.f32.msk $0xffff, v28  }
0x1c2: {  	v26 =	vunpack.i.l.bf16.f32 v19;
	[tilespmem:s22+$0x0] =	vst.add.f32.msk $0xffff, v24  }
0x1c3: {  	s8 =	sor.u32 $0x70, s11;
	v19 =	vunpack.i.u.bf16.f32 v19;
	[tilespmem:s10+$0x0] =	vst.add.f32.msk $0xffff, v26  }
0x1c4: {  	v14 =	vadd.bf16 v14, v23;
	v24 =	vunpack.i.l.bf16.f32 v20;
	[tilespmem:s8+$0x0] =	vst.add.f32.msk $0xffff, v19  }
0x1c5: {  	v19 =	vunpack.i.u.bf16.f32 v20;
	[tilespmem:s0+$0x15B00] =	vst.add.f32.msk $0xffff, v24  }
0x1c6: {  	v20 =	vadd.bf16 v22, v27;
	v22 =	vunpack.i.l.bf16.f32 v14;
	[tilespmem:s5+$0x0] =	vst.add.f32.msk $0xffff, v19  }
0x1c7: {  	v14 =	vunpack.i.u.bf16.f32 v14;
	[tilespmem:s1+$0x0] =	vst.add.f32.msk $0xffff, v22  }
0x1c8: {  	v19 =	vunpack.i.l.bf16.f32 v20;
	[tilespmem:s24+$0x0] =	vst.add.f32.msk $0xffff, v14  }
0x1c9: {  	v14 =	vunpack.i.u.bf16.f32 v20;
	[tilespmem:s25+$0x0] =	vst.add.f32.msk $0xffff, v19  }
0x1ca: {  	v12 =	vadd.bf16 v18, v12;
	v18 =	vunpack.i.l.bf16.f32 v17;
	s25 =	sor.u32 $0x60, s14;
	[tilespmem:s3+$0x0] =	vst.add.f32.msk $0xffff, v14  }
0x1cb: {  	v14 =	vunpack.i.u.bf16.f32 v17;
	s3 =	sor.u32 $0x70, s14;
	[tilespmem:s25+$0x0] =	vst.add.f32.msk $0xffff, v18  }
0x1cc: {  	v17 =	vadd.bf16 v21, v29;
	v18 =	vunpack.i.l.bf16.f32 v12;
	[tilespmem:s3+$0x0] =	vst.add.f32.msk $0xffff, v14  }
0x1cd: {  	s5 =	sor.u32 $0x10, s19;
	v12 =	vunpack.i.u.bf16.f32 v12;
	[tilespmem:s0+$0x15F00] =	vst.add.f32.msk $0xffff, v18  }
0x1ce: {  	v13 =	vadd.bf16 v13, v16;
	s8 =	sor.u32 $0x20, s19;
	v14 =	vunpack.i.l.bf16.f32 v17;
	[tilespmem:s5+$0x0] =	vst.add.f32.msk $0xffff, v12  }
0x1cf: {  	s9 =	sor.u32 $0x30, s19;
	v12 =	vunpack.i.u.bf16.f32 v17;
	[tilespmem:s8+$0x0] =	vst.add.f32.msk $0xffff, v14  }
0x1d0: {  	s11 =	sor.u32 $0x40, s19;
	v14 =	vadd.bf16 v25, v15;
	v15 =	vunpack.i.l.bf16.f32 v13;
	[tilespmem:s9+$0x0] =	vst.add.f32.msk $0xffff, v12  }
0x1d1: {  	s12 =	sor.u32 $0x50, s19;
	s10 =	sshrl.u32 s20, $0x3;
	v12 =	vunpack.i.u.bf16.f32 v13;
	[tilespmem:s11+$0x0] =	vst.add.f32.msk $0xffff, v15  }
0x1d2: {  	s1 =	smul.u32 $0x1800, s10;
	[tilespmem:s12+$0x0] =	vst.add.f32.msk $0xffff, v12  }
0x1d3: {  	s21 =	simm.s32 $0x4;
	s14 =	sor.u32 $0x60, s19;
	v13 =	vunpack.i.l.bf16.f32 v14;
	s5 =	rddreg [dreg:$0x8]  }
0x1d4: {  	s16 =	rddreg [dreg:$0x2];
	s15 =	sor.u32 $0x70, s19;
	v12 =	vunpack.i.u.bf16.f32 v14;
	[tilespmem:s14+$0x0] =	vst.add.f32.msk $0xffff, v13;
	s1 =	sor.u32 s5, s1  }
0x1d5: {  	s17 =	simm.s32 $0xC00;
	s20 =	simm.s32 $0x15700;
	[tilespmem:s15+$0x0] =	vst.add.f32.msk $0xffff, v12;
	s1 =	sshrl.u32 s1, $0x3  }
0x1d6: {  	s19 =	simm.s32 $0x1800;
	s0 =	sadd.s32 s16, s1;
	s1 =	rddreg [dreg:$0x16]  }
0x1d7: {  	[hbm4b:s0+s17] =	stream.strided.scatter [tilespmem:s20], [sflag:$0x9], $0x2400, s19, s17, $0x38;
	[tilespmem:$0x1E700] =	vst v63  }
0x1d8: {  	s0 =	rddreg [dreg:$0x11];
	_ =	swait.ge [sflag:s21], $0x2400  }
0x1d9: {  	s0 =	sadd.s32 @!p0 s1, s0;
	[sflag:s21] =	ssyncset.done $0x0  }
0x1da: {  	s1 =	simm.s32 @!p0 $0x8;
	s0 =	sshrl.u32 @!p0 s0, $0x3;
	[sflag:s21] =	ssyncadd.s32 $0xFFFFDC00  }
0x1db: {  	s22 =	sadd.s32 $0x0, s29;
	s0 =	smul.u32 @!p0 $0x1800, s0;
	_ =	swait.ge @!p0 [sflag:s1], $0x2400  }
0x1dc: {  	v12 =	vmov s22;
	[sflag:s1] =	ssyncset.done @!p0 $0x0  }
0x1dd: {  	s0 =	sadd.s32 @!p0 s5, s0;
	[sflag:s1] =	ssyncadd.s32 @!p0 $0xFFFFDC00  }
0x1de: {  	s3 =	simm.s32 @!p0 $0x1800;
	s0 =	sshrl.u32 @!p0 s0, $0x3;
	s31 =	rddreg [dreg:$0x0]  }
0x1df: {  	s5 =	simm.s32 @!p0 $0x13300;
	s1 =	simm.s32 @!p0 $0xC00;
	s0 =	sadd.s32 @!p0 s31, s0  }
0x1e0: {  	[tilespmem:s5], [sflag:$0x2] =	stream.strided.gather @!p0 [hbm4b:s0+s1], $0x2400, s3, s1, $0x38;
	[tilespmem:$0x1E700] =	vst v63  }
0x1e1: {  	v12 =	vld.idx.msk [tilespmem:v12+s2+$0x0], $0xffff;
	_ =	sdelay $0x4  }
0x1e2: {  	v13 =	vshrl.u32 v12, $0x1  }
0x1e3: {  	v14 =	vand.u32 $0xFFFFF800, v12;
	v13 =	vand.u32 $0x380, v13  }
0x1e4: {  	v17 =	vor.u32 v14, v13  }
0x1e5: {  	v15 =	vshll.u32 v12, $0x7;
	v14 =	vor.u32 v8, v17  }
0x1e6: {  	v13 =	vand.u32 $0x380, v15;
	v15 =	vor.u32 v4, v17  }
0x1e7: {  	v12 =	vshll.u32 v12, $0x8;
	v18 =	vor.u32 v7, v17  }
0x1e8: {  	v12 =	vand.u32 $0xF800, v12;
	v27 =	vor.u32 v1, v17  }
0x1e9: {  	v20 =	vor.u32 v13, v12;
	v30 =	vor.u32 v3, v17  }
0x1ea: {  	v13 =	vor.u32 v4, v20;
	v12 =	vld.idx.msk [tilespmem:v14+s4+$0x0], $0xffff  }
0x1eb: {  	v16 =	vor.u32 v0, v20;
	v25 =	vld.idx.msk [tilespmem:v15+s4+$0x0], $0xffff  }
0x1ec: {  	v19 =	vor.u32 v7, v20;
	v63 =	vld.idx.msk [tilespmem:v18+s4+$0x0], $0xffff  }
0x1ed: {  	v21 =	vor.u32 v1, v20;
	v31 =	vld.idx.msk [tilespmem:v27+s4+$0x0], $0xffff  }
0x1ee: {  	v23 =	vor.u32 v2, v20;
	v30 =	vld.idx.msk [tilespmem:v30+s4+$0x0], $0xffff  }
0x1ef: {  	v14 =	vor.u32 v3, v20;
	v29 =	vld.idx.msk [tilespmem:v13+s23+$0x0], $0xffff  }
0x1f0: {  	v15 =	vor.u32 v0, v17;
	v62 =	vld.idx.msk [tilespmem:v16+s23+$0x0], $0xffff  }
0x1f1: {  	s24 =	simm.s32 $0x0;
	v22 =	vor.u32 v11, v17;
	v34 =	vld.idx.msk [tilespmem:v19+s23+$0x0], $0xffff  }
0x1f2: {  	s0 =	smul.u32 $0x3000, s24;
	v13 =	vor.u32 v5, v20;
	v26 =	vld.idx.msk [tilespmem:v21+s23+$0x0], $0xffff  }
0x1f3: {  	s12 =	simm.s32 $0x0;
	v18 =	vor.u32 v10, v20;
	v28 =	vld.idx.msk [tilespmem:v23+s23+$0x0], $0xffff  }
0x1f4: {  	s25 =	sand.u32 $0x380, s12;
	s0 =	sshra.s32 s0, $0x2;
	v16 =	vor.u32 v2, v17;
	v19 =	vld.idx.msk [tilespmem:v14+s23+$0x0], $0xffff  }
0x1f5: {  	s19 =	sadd.s32 $0x48, s18;
	s0 =	sor.u32 s25, s0;
	v36 =	vor.u32 v11, v20;
	v35 =	vld.idx.msk [tilespmem:v15+s4+$0x0], $0xffff  }
0x1f6: {  	s20 =	simm.s32 $0x1;
	s18 =	sadd.s32 $0x18300, s0;
	s11 =	sadd.s32 $0x17B00, s0;
	v15 =	vld.idx.msk [tilespmem:v22+s4+$0x0], $0xffff  }
0x1f7: {  	s14 =	sadd.s32 $0x17F00, s0;
	s21 =	sor.u32 $0x10, s11;
	s16 =	sor.u32 $0x20, s11;
	v27 =	vor.u32 v6, v17;
	v21 =	vor.u32 v9, v20;
	v22 =	vor.u32 v6, v20;
	v14 =	vld.idx.msk [tilespmem:v13+s23+$0x0], $0xffff  }
0x1f8: {  	s15 =	sor.u32 $0x30, s11;
	s17 =	sor.u32 $0x40, s11;
	s22 =	sor.u32 $0x50, s11;
	v13 =	vld.idx.msk [tilespmem:v18+s23+$0x0], $0xffff;
	v18 =	vor.u32 v8, v20;
	v20 =	vadd.bf16 v29, v25;
	v29 =	vor.u32 v9, v17  }
0x1f9: {  	s10 =	sor.u32 $0x60, s11;
	s5 =	sor.u32 $0x10, s14;
	s1 =	sor.u32 $0x20, s14;
	v23 =	vor.u32 v5, v17;
	v24 =	vld.idx.msk [tilespmem:v16+s4+$0x0], $0xffff  }
0x1fa: {  	s24 =	sor.u32 $0x30, s14;
	s25 =	sor.u32 $0x40, s14;
	s3 =	sor.u32 $0x50, s14;
	v16 =	vor.u32 v10, v17;
	v17 =	vadd.bf16 v34, v63;
	v25 =	vld.idx.msk [tilespmem:v36+s23+$0x0], $0xffff;
	v32 =	vadd.bf16 v62, v35  }
.LBB2_13:
0x1fb: {  	s9 =	sadd.s32 s20, s29  }
0x1fc: {  	p1 =	sne.s32 s20, $0x17;
	v27 =	vld.idx.msk [tilespmem:v27+s4+$0x0], $0xffff;
	v33 =	vunpack.i.l.bf16.f32 v32;
	s8 =	smov.u32 s20;
	s20 =	sadd.s32 $0x1, s20  }
0x1fd: {  	v32 =	vunpack.i.u.bf16.f32 v32;
	v34 =	vmov s9;
	v29 =	vld.idx.msk [tilespmem:v29+s4+$0x0], $0xffff  }
0x1fe: {  	v24 =	vadd.bf16 v28, v24;
	v21 =	vld.idx.msk [tilespmem:v21+s23+$0x0], $0xffff  }
0x1ff: {  	v26 =	vadd.bf16 v26, v31;
	v18 =	vld.idx.msk [tilespmem:v18+s23+$0x0], $0xffff  }
0x200: {  	v19 =	vadd.bf16 v19, v30;
	v28 =	vunpack.i.l.bf16.f32 v24;
	v22 =	vld.idx.msk [tilespmem:v22+s23+$0x0], $0xffff  }
0x201: {  	v24 =	vunpack.i.u.bf16.f32 v24;
	v15 =	vadd.bf16 v25, v15;
	v16 =	vld.idx.msk [tilespmem:v16+s4+$0x0], $0xffff  }
0x202: {  	v25 =	vunpack.i.l.bf16.f32 v19;
	v23 =	vld.idx.msk [tilespmem:v23+s4+$0x0], $0xffff  }
0x203: {  	v19 =	vunpack.i.u.bf16.f32 v19;
	[tilespmem:s0+$0x17B00] =	vst.add.f32.msk $0xffff, v33  }
0x204: {  	v21 =	vadd.bf16 v21, v29;
	v29 =	vunpack.i.l.bf16.f32 v26;
	[tilespmem:s21+$0x0] =	vst.add.f32.msk $0xffff, v32  }
0x205: {  	v12 =	vadd.bf16 v18, v12;
	v18 =	vunpack.i.u.bf16.f32 v26;
	v26 =	vunpack.i.l.bf16.f32 v20;
	[tilespmem:s16+$0x0] =	vst.add.f32.msk $0xffff, v29  }
0x206: {  	v22 =	vadd.bf16 v22, v27;
	[tilespmem:s15+$0x0] =	vst.add.f32.msk $0xffff, v18;
	v18 =	vunpack.i.u.bf16.f32 v20  }
0x207: {  	[tilespmem:s17+$0x0] =	vst.add.f32.msk $0xffff, v28  }
0x208: {  	v14 =	vadd.bf16 v14, v23;
	v20 =	vunpack.i.l.bf16.f32 v22;
	[tilespmem:s22+$0x0] =	vst.add.f32.msk $0xffff, v24  }
0x209: {  	s9 =	sor.u32 $0x70, s11;
	v22 =	vunpack.i.u.bf16.f32 v22;
	[tilespmem:s10+$0x0] =	vst.add.f32.msk $0xffff, v25  }
0x20a: {  	[tilespmem:s9+$0x0] =	vst.add.f32.msk $0xffff, v19;
	v19 =	vunpack.i.u.bf16.f32 v14;
	v14 =	vunpack.i.l.bf16.f32 v14;
	s9 =	sor.u32 $0x60, s14  }
0x20b: {  	v23 =	vunpack.i.l.bf16.f32 v17;
	[tilespmem:s0+$0x17F00] =	vst.add.f32.msk $0xffff, v26  }
0x20c: {  	[tilespmem:s5+$0x0] =	vst.add.f32.msk $0xffff, v18  }
0x20d: {  	v18 =	vld.idx.msk [tilespmem:v34+s2+$0x0], $0xffff  }
0x20e: {  	[tilespmem:s1+$0x0] =	vst.add.f32.msk $0xffff, v14  }
0x20f: {  	[tilespmem:s24+$0x0] =	vst.add.f32.msk $0xffff, v19  }
0x210: {  	v14 =	vunpack.i.u.bf16.f32 v17;
	[tilespmem:s25+$0x0] =	vst.add.f32.msk $0xffff, v20  }
0x211: {  	v13 =	vadd.bf16 v13, v16;
	v16 =	vunpack.i.l.bf16.f32 v12;
	v17 =	vunpack.i.l.bf16.f32 v15;
	[tilespmem:s3+$0x0] =	vst.add.f32.msk $0xffff, v22  }
0x212: {  	v12 =	vunpack.i.u.bf16.f32 v12;
	s1 =	sor.u32 $0x70, s14;
	v19 =	vunpack.i.u.bf16.f32 v21;
	v20 =	vunpack.i.l.bf16.f32 v21;
	[tilespmem:s9+$0x0] =	vst.add.f32.msk $0xffff, v23  }
0x213: {  	v21 =	vand.u32 $0xFFFFF800, v18;
	v22 =	vshrl.u32 v18, $0x1;
	v23 =	vshll.u32 v18, $0x7;
	[tilespmem:s1+$0x0] =	vst.add.f32.msk $0xffff, v14  }
0x214: {  	v18 =	vshll.u32 v18, $0x8;
	v14 =	vand.u32 $0x380, v22;
	v22 =	vand.u32 $0x380, v23;
	[tilespmem:s0+$0x18300] =	vst.add.f32.msk $0xffff, v16;
	s0 =	sor.u32 $0x10, s18  }
0x215: {  	s1 =	sshrl.u32 s8, $0x3;
	v24 =	vor.u32 v21, v14;
	v14 =	vand.u32 $0xF800, v18;
	[tilespmem:s0+$0x0] =	vst.add.f32.msk $0xffff, v12;
	s0 =	sor.u32 $0x20, s18;
	v12 =	vunpack.i.l.bf16.f32 v13  }
0x216: {  	s12 =	sadd.s32 $0x80, s12;
	s1 =	smul.u32 $0x3000, s1;
	v23 =	vor.u32 v4, v24;
	v25 =	vor.u32 v8, v24;
	v16 =	vor.u32 v10, v24;
	[tilespmem:s0+$0x0] =	vst.add.f32.msk $0xffff, v20;
	s0 =	sor.u32 $0x30, s18  }
0x217: {  	v26 =	vor.u32 v22, v14;
	v13 =	vunpack.i.u.bf16.f32 v13;
	v20 =	vor.u32 v0, v24;
	[tilespmem:s0+$0x0] =	vst.add.f32.msk $0xffff, v19;
	s0 =	sor.u32 $0x40, s18  }
0x218: {  	s5 =	sor.u32 $0x50, s18;
	s3 =	sand.u32 $0x380, s12;
	v30 =	vor.u32 v3, v24;
	v14 =	vor.u32 v4, v26;
	v18 =	vor.u32 v8, v26;
	s1 =	sshra.s32 s1, $0x2;
	[tilespmem:s0+$0x0] =	vst.add.f32.msk $0xffff, v12  }
0x219: {  	v31 =	vor.u32 v1, v24;
	v28 =	vor.u32 v7, v24;
	v19 =	vor.u32 v0, v26;
	s0 =	sor.u32 s3, s1;
	s1 =	sor.u32 $0x60, s18;
	[tilespmem:s5+$0x0] =	vst.add.f32.msk $0xffff, v13  }
0x21a: {  	v32 =	vor.u32 v1, v26;
	v21 =	vor.u32 v9, v26;
	v13 =	vor.u32 v3, v26;
	s3 =	sadd.s32 $0x18300, s0;
	[tilespmem:s1+$0x0] =	vst.add.f32.msk $0xffff, v17  }
0x21b: {  	v29 =	vor.u32 v7, v26;
	s11 =	sadd.s32 $0x17B00, s0;
	v17 =	vor.u32 v2, v24;
	v12 =	vld.idx.msk [tilespmem:v25+s4+$0x0], $0xffff;
	v25 =	vor.u32 v11, v26  }
0x21c: {  	v22 =	vor.u32 v6, v26;
	s21 =	sor.u32 $0x10, s11;
	s16 =	sor.u32 $0x20, s11;
	v33 =	vld.idx.msk [tilespmem:v23+s4+$0x0], $0xffff  }
0x21d: {  	v27 =	vor.u32 v6, v24;
	s15 =	sor.u32 $0x30, s11;
	v34 =	vld.idx.msk [tilespmem:v14+s23+$0x0], $0xffff;
	v14 =	vor.u32 v5, v26  }
0x21e: {  	v36 =	vor.u32 v10, v26;
	v35 =	vld.idx.msk [tilespmem:v19+s23+$0x0], $0xffff  }
0x21f: {  	v23 =	vor.u32 v5, v24;
	v28 =	vld.idx.msk [tilespmem:v28+s4+$0x0], $0xffff  }
0x220: {  	v37 =	vld.idx.msk [tilespmem:v29+s23+$0x0], $0xffff  }
0x221: {  	v19 =	vld.idx.msk [tilespmem:v13+s23+$0x0], $0xffff  }
0x222: {  	v38 =	vor.u32 v11, v24;
	s17 =	sor.u32 $0x40, s11;
	v14 =	vld.idx.msk [tilespmem:v14+s23+$0x0], $0xffff  }
0x223: {  	s22 =	sor.u32 $0x50, s11;
	v29 =	vor.u32 v9, v24;
	v39 =	vld.idx.msk [tilespmem:v20+s4+$0x0], $0xffff;
	v20 =	vadd.bf16 v34, v33  }
0x224: {  	s10 =	sor.u32 $0x60, s11;
	v33 =	vor.u32 v2, v26;
	v24 =	vld.idx.msk [tilespmem:v17+s4+$0x0], $0xffff  }
0x225: {  	v15 =	vunpack.i.u.bf16.f32 v15;
	s1 =	sor.u32 $0x70, s18;
	s18 =	smov.u32 s3;
	v13 =	vld.idx.msk [tilespmem:v36+s23+$0x0], $0xffff  }
0x226: {  	s14 =	sadd.s32 $0x17F00, s0;
	v17 =	vadd.bf16 v37, v28;
	[tilespmem:s1+$0x0] =	vst.add.f32.msk $0xffff, v15  }
0x227: {  	s5 =	sor.u32 $0x10, s14;
	v26 =	vld.idx.msk [tilespmem:v32+s23+$0x0], $0xffff  }
.Ltmp5:
0x228: {  	s1 =	sor.u32 $0x20, s14;
	v15 =	vld.idx.msk [tilespmem:v38+s4+$0x0], $0xffff;
	(pc) =	sbr.rel @p1 .LBB2_13-.Ltmp5, $4  }
0x229: {  	s24 =	sor.u32 $0x30, s14;
	v28 =	vld.idx.msk [tilespmem:v33+s23+$0x0], $0xffff  }
0x22a: {  	s25 =	sor.u32 $0x40, s14;
	v31 =	vld.idx.msk [tilespmem:v31+s4+$0x0], $0xffff  }
0x22b: {  	s3 =	sor.u32 $0x50, s14;
	v32 =	vadd.bf16 v35, v39;
	v30 =	vld.idx.msk [tilespmem:v30+s4+$0x0], $0xffff  }
0x22c: {  	v25 =	vld.idx.msk [tilespmem:v25+s23+$0x0], $0xffff  }
0x22d: {  	_ =	sdelay $0x3  }
0x22e: {  	v27 =	vld.idx.msk [tilespmem:v27+s4+$0x0], $0xffff  }
0x22f: {  	v29 =	vld.idx.msk [tilespmem:v29+s4+$0x0], $0xffff  }
0x230: {  	v21 =	vld.idx.msk [tilespmem:v21+s23+$0x0], $0xffff  }
0x231: {  	v18 =	vld.idx.msk [tilespmem:v18+s23+$0x0], $0xffff  }
0x232: {  	v22 =	vld.idx.msk [tilespmem:v22+s23+$0x0], $0xffff  }
0x233: {  	v16 =	vld.idx.msk [tilespmem:v16+s4+$0x0], $0xffff  }
0x234: {  	v33 =	vunpack.i.l.bf16.f32 v32;
	v23 =	vld.idx.msk [tilespmem:v23+s4+$0x0], $0xffff;
	v26 =	vadd.bf16 v26, v31  }
0x235: {  	[tilespmem:s0+$0x17B00] =	vst.add.f32.msk $0xffff, v33;
	v31 =	vunpack.i.u.bf16.f32 v32  }
0x236: {  	v24 =	vadd.bf16 v28, v24;
	[tilespmem:s21+$0x0] =	vst.add.f32.msk $0xffff, v31;
	v28 =	vunpack.i.l.bf16.f32 v26  }
0x237: {  	v26 =	vunpack.i.u.bf16.f32 v26;
	[tilespmem:s16+$0x0] =	vst.add.f32.msk $0xffff, v28  }
0x238: {  	v19 =	vadd.bf16 v19, v30;
	v28 =	vunpack.i.l.bf16.f32 v24;
	[tilespmem:s15+$0x0] =	vst.add.f32.msk $0xffff, v26  }
0x239: {  	v24 =	vunpack.i.u.bf16.f32 v24;
	[tilespmem:s17+$0x0] =	vst.add.f32.msk $0xffff, v28  }
0x23a: {  	v26 =	vunpack.i.l.bf16.f32 v19;
	[tilespmem:s22+$0x0] =	vst.add.f32.msk $0xffff, v24  }
0x23b: {  	s8 =	sor.u32 $0x70, s11;
	v19 =	vunpack.i.u.bf16.f32 v19;
	[tilespmem:s10+$0x0] =	vst.add.f32.msk $0xffff, v26  }
0x23c: {  	v14 =	vadd.bf16 v14, v23;
	v24 =	vunpack.i.l.bf16.f32 v20;
	[tilespmem:s8+$0x0] =	vst.add.f32.msk $0xffff, v19  }
0x23d: {  	v19 =	vunpack.i.u.bf16.f32 v20;
	[tilespmem:s0+$0x17F00] =	vst.add.f32.msk $0xffff, v24  }
0x23e: {  	v20 =	vadd.bf16 v22, v27;
	v22 =	vunpack.i.l.bf16.f32 v14;
	[tilespmem:s5+$0x0] =	vst.add.f32.msk $0xffff, v19  }
0x23f: {  	v14 =	vunpack.i.u.bf16.f32 v14;
	[tilespmem:s1+$0x0] =	vst.add.f32.msk $0xffff, v22  }
0x240: {  	v19 =	vunpack.i.l.bf16.f32 v20;
	[tilespmem:s24+$0x0] =	vst.add.f32.msk $0xffff, v14  }
0x241: {  	v14 =	vunpack.i.u.bf16.f32 v20;
	[tilespmem:s25+$0x0] =	vst.add.f32.msk $0xffff, v19  }
0x242: {  	v12 =	vadd.bf16 v18, v12;
	v18 =	vunpack.i.l.bf16.f32 v17;
	s25 =	sor.u32 $0x60, s14;
	[tilespmem:s3+$0x0] =	vst.add.f32.msk $0xffff, v14  }
0x243: {  	s5 =	sor.u32 $0x70, s14;
	v14 =	vunpack.i.u.bf16.f32 v17;
	[tilespmem:s25+$0x0] =	vst.add.f32.msk $0xffff, v18  }
0x244: {  	v17 =	vadd.bf16 v21, v29;
	v18 =	vunpack.i.l.bf16.f32 v12;
	[tilespmem:s5+$0x0] =	vst.add.f32.msk $0xffff, v14  }
0x245: {  	s8 =	sor.u32 $0x10, s18;
	v12 =	vunpack.i.u.bf16.f32 v12;
	[tilespmem:s0+$0x18300] =	vst.add.f32.msk $0xffff, v18  }
0x246: {  	s9 =	sor.u32 $0x20, s18;
	v13 =	vadd.bf16 v13, v16;
	v14 =	vunpack.i.l.bf16.f32 v17;
	[tilespmem:s8+$0x0] =	vst.add.f32.msk $0xffff, v12  }
0x247: {  	s10 =	sor.u32 $0x30, s18;
	v12 =	vunpack.i.u.bf16.f32 v17;
	[tilespmem:s9+$0x0] =	vst.add.f32.msk $0xffff, v14  }
0x248: {  	s12 =	sor.u32 $0x40, s18;
	v14 =	vadd.bf16 v25, v15;
	v15 =	vunpack.i.l.bf16.f32 v13;
	[tilespmem:s10+$0x0] =	vst.add.f32.msk $0xffff, v12  }
0x249: {  	s11 =	sshrl.u32 s19, $0x3;
	s14 =	sor.u32 $0x50, s18;
	v12 =	vunpack.i.u.bf16.f32 v13;
	[tilespmem:s12+$0x0] =	vst.add.f32.msk $0xffff, v15  }
0x24a: {  	s1 =	smul.u32 $0x1800, s11;
	[tilespmem:s14+$0x0] =	vst.add.f32.msk $0xffff, v12  }
0x24b: {  	s15 =	sor.u32 $0x60, s18;
	v13 =	vunpack.i.l.bf16.f32 v14;
	s5 =	rddreg [dreg:$0x8]  }
0x24c: {  	s19 =	simm.s32 $0x17B00;
	s16 =	sor.u32 $0x70, s18;
	v12 =	vunpack.i.u.bf16.f32 v14;
	[tilespmem:s15+$0x0] =	vst.add.f32.msk $0xffff, v13;
	s1 =	sadd.s32 s5, s1  }
0x24d: {  	s17 =	rddreg [dreg:$0x2];
	s18 =	simm.s32 $0x1800;
	[tilespmem:s16+$0x0] =	vst.add.f32.msk $0xffff, v12;
	s1 =	sshrl.u32 s1, $0x3  }
0x24e: {  	s25 =	simm.s32 $0xC00;
	s0 =	sadd.s32 s17, s1;
	s1 =	rddreg [dreg:$0x16]  }
0x24f: {  	[hbm4b:s0+s25] =	stream.strided.scatter [tilespmem:s19], [sflag:$0xA], $0x2400, s18, s25, $0x38;
	[tilespmem:$0x1E700] =	vst v63  }
0x250: {  	s0 =	rddreg [dreg:$0x12]  }
0x251: {  	s20 =	simm.s32 $0x5;
	s0 =	sadd.s32 @!p0 s1, s0  }
0x252: {  	_ =	swait.ge [sflag:s20], $0x2400;
	s0 =	sshrl.u32 @!p0 s0, $0x3  }
0x253: {  	s21 =	sadd.s32 $0x0, s30;
	[sflag:s20] =	ssyncset.done $0x0;
	s0 =	smul.u32 @!p0 $0x1800, s0  }
0x254: {  	v12 =	vmov s21;
	s1 =	simm.s32 @!p0 $0x9;
	[sflag:s20] =	ssyncadd.s32 $0xFFFFDC00  }
0x255: {  	s3 =	simm.s32 @!p0 $0x1800;
	_ =	swait.ge @!p0 [sflag:s1], $0x2400;
	s0 =	sor.u32 @!p0 s5, s0  }
0x256: {  	[sflag:s1] =	ssyncset.done @!p0 $0x0;
	s5 =	simm.s32 @!p0 $0x15700;
	s0 =	sshrl.u32 @!p0 s0, $0x3  }
0x257: {  	[sflag:s1] =	ssyncadd.s32 @!p0 $0xFFFFDC00;
	s1 =	simm.s32 @!p0 $0xC00;
	s0 =	sadd.s32 @!p0 s31, s0  }
0x258: {  	[tilespmem:s5], [sflag:$0x3] =	stream.strided.gather @!p0 [hbm4b:s0+s1], $0x2400, s3, s1, $0x38;
	[tilespmem:$0x1E700] =	vst v63  }
0x259: {  	v12 =	vld.idx.msk [tilespmem:v12+s2+$0x0], $0xffff;
	_ =	sdelay $0x4  }
0x25a: {  	v13 =	vshrl.u32 v12, $0x1  }
0x25b: {  	v14 =	vand.u32 $0xFFFFF800, v12;
	v13 =	vand.u32 $0x380, v13  }
0x25c: {  	v17 =	vor.u32 v14, v13  }
0x25d: {  	v15 =	vshll.u32 v12, $0x7;
	v14 =	vor.u32 v8, v17  }
0x25e: {  	v13 =	vand.u32 $0x380, v15;
	v15 =	vor.u32 v4, v17  }
0x25f: {  	v12 =	vshll.u32 v12, $0x8;
	v18 =	vor.u32 v7, v17  }
0x260: {  	v12 =	vand.u32 $0xF800, v12;
	v27 =	vor.u32 v1, v17  }
0x261: {  	v20 =	vor.u32 v13, v12;
	v30 =	vor.u32 v3, v17  }
0x262: {  	v13 =	vor.u32 v4, v20;
	v12 =	vld.idx.msk [tilespmem:v14+s4+$0x0], $0xffff  }
0x263: {  	v16 =	vor.u32 v0, v20;
	v25 =	vld.idx.msk [tilespmem:v15+s4+$0x0], $0xffff  }
0x264: {  	v19 =	vor.u32 v7, v20;
	v63 =	vld.idx.msk [tilespmem:v18+s4+$0x0], $0xffff  }
0x265: {  	v21 =	vor.u32 v1, v20;
	v31 =	vld.idx.msk [tilespmem:v27+s4+$0x0], $0xffff  }
0x266: {  	v23 =	vor.u32 v2, v20;
	v30 =	vld.idx.msk [tilespmem:v30+s4+$0x0], $0xffff  }
0x267: {  	v14 =	vor.u32 v3, v20;
	v29 =	vld.idx.msk [tilespmem:v13+s23+$0x0], $0xffff  }
0x268: {  	v15 =	vor.u32 v0, v17;
	v62 =	vld.idx.msk [tilespmem:v16+s23+$0x0], $0xffff  }
0x269: {  	s22 =	simm.s32 $0x0;
	v22 =	vor.u32 v11, v17;
	v34 =	vld.idx.msk [tilespmem:v19+s23+$0x0], $0xffff  }
0x26a: {  	s0 =	smul.u32 $0x3000, s22;
	v13 =	vor.u32 v5, v20;
	v26 =	vld.idx.msk [tilespmem:v21+s23+$0x0], $0xffff  }
0x26b: {  	s12 =	simm.s32 $0x0;
	v18 =	vor.u32 v10, v20;
	v28 =	vld.idx.msk [tilespmem:v23+s23+$0x0], $0xffff  }
0x26c: {  	s24 =	sand.u32 $0x380, s12;
	s0 =	sshra.s32 s0, $0x2;
	v16 =	vor.u32 v2, v17;
	v19 =	vld.idx.msk [tilespmem:v14+s23+$0x0], $0xffff  }
0x26d: {  	s0 =	sor.u32 s24, s0;
	v36 =	vor.u32 v11, v20;
	v35 =	vld.idx.msk [tilespmem:v15+s4+$0x0], $0xffff  }
0x26e: {  	s19 =	simm.s32 $0x1;
	s18 =	sadd.s32 $0x1A700, s0;
	s11 =	sadd.s32 $0x19F00, s0;
	v15 =	vld.idx.msk [tilespmem:v22+s4+$0x0], $0xffff  }
0x26f: {  	s14 =	sadd.s32 $0x1A300, s0;
	s20 =	sor.u32 $0x10, s11;
	s16 =	sor.u32 $0x20, s11;
	v27 =	vor.u32 v6, v17;
	v21 =	vor.u32 v9, v20;
	v22 =	vor.u32 v6, v20;
	v14 =	vld.idx.msk [tilespmem:v13+s23+$0x0], $0xffff  }
0x270: {  	s15 =	sor.u32 $0x30, s11;
	s17 =	sor.u32 $0x40, s11;
	s22 =	sor.u32 $0x50, s11;
	v13 =	vld.idx.msk [tilespmem:v18+s23+$0x0], $0xffff;
	v18 =	vor.u32 v8, v20;
	v20 =	vadd.bf16 v29, v25;
	v29 =	vor.u32 v9, v17  }
0x271: {  	s10 =	sor.u32 $0x60, s11;
	s5 =	sor.u32 $0x10, s14;
	s1 =	sor.u32 $0x20, s14;
	v23 =	vor.u32 v5, v17;
	v24 =	vld.idx.msk [tilespmem:v16+s4+$0x0], $0xffff  }
0x272: {  	s21 =	sor.u32 $0x30, s14;
	s24 =	sor.u32 $0x40, s14;
	s3 =	sor.u32 $0x50, s14;
	v16 =	vor.u32 v10, v17;
	v17 =	vadd.bf16 v34, v63;
	v25 =	vld.idx.msk [tilespmem:v36+s23+$0x0], $0xffff;
	v32 =	vadd.bf16 v62, v35  }
.LBB2_15:
0x273: {  	s9 =	sadd.s32 s19, s30  }
0x274: {  	p1 =	sne.s32 s19, $0x17;
	v27 =	vld.idx.msk [tilespmem:v27+s4+$0x0], $0xffff;
	v33 =	vunpack.i.l.bf16.f32 v32;
	s8 =	smov.u32 s19;
	s19 =	sadd.s32 $0x1, s19  }
0x275: {  	v32 =	vunpack.i.u.bf16.f32 v32;
	v34 =	vmov s9;
	v29 =	vld.idx.msk [tilespmem:v29+s4+$0x0], $0xffff  }
0x276: {  	v24 =	vadd.bf16 v28, v24;
	v21 =	vld.idx.msk [tilespmem:v21+s23+$0x0], $0xffff  }
0x277: {  	v26 =	vadd.bf16 v26, v31;
	v18 =	vld.idx.msk [tilespmem:v18+s23+$0x0], $0xffff  }
0x278: {  	v19 =	vadd.bf16 v19, v30;
	v28 =	vunpack.i.l.bf16.f32 v24;
	v22 =	vld.idx.msk [tilespmem:v22+s23+$0x0], $0xffff  }
0x279: {  	v24 =	vunpack.i.u.bf16.f32 v24;
	v15 =	vadd.bf16 v25, v15;
	v16 =	vld.idx.msk [tilespmem:v16+s4+$0x0], $0xffff  }
0x27a: {  	v25 =	vunpack.i.l.bf16.f32 v19;
	v23 =	vld.idx.msk [tilespmem:v23+s4+$0x0], $0xffff  }
0x27b: {  	v19 =	vunpack.i.u.bf16.f32 v19;
	[tilespmem:s0+$0x19F00] =	vst.add.f32.msk $0xffff, v33  }
0x27c: {  	v21 =	vadd.bf16 v21, v29;
	v29 =	vunpack.i.l.bf16.f32 v26;
	[tilespmem:s20+$0x0] =	vst.add.f32.msk $0xffff, v32  }
0x27d: {  	v12 =	vadd.bf16 v18, v12;
	v18 =	vunpack.i.u.bf16.f32 v26;
	v26 =	vunpack.i.l.bf16.f32 v20;
	[tilespmem:s16+$0x0] =	vst.add.f32.msk $0xffff, v29  }
0x27e: {  	v22 =	vadd.bf16 v22, v27;
	[tilespmem:s15+$0x0] =	vst.add.f32.msk $0xffff, v18;
	v18 =	vunpack.i.u.bf16.f32 v20  }
0x27f: {  	[tilespmem:s17+$0x0] =	vst.add.f32.msk $0xffff, v28  }
0x280: {  	v14 =	vadd.bf16 v14, v23;
	v20 =	vunpack.i.l.bf16.f32 v22;
	[tilespmem:s22+$0x0] =	vst.add.f32.msk $0xffff, v24  }
0x281: {  	s9 =	sor.u32 $0x70, s11;
	v22 =	vunpack.i.u.bf16.f32 v22;
	[tilespmem:s10+$0x0] =	vst.add.f32.msk $0xffff, v25  }
0x282: {  	[tilespmem:s9+$0x0] =	vst.add.f32.msk $0xffff, v19;
	v19 =	vunpack.i.u.bf16.f32 v14;
	v14 =	vunpack.i.l.bf16.f32 v14;
	s9 =	sor.u32 $0x60, s14  }
0x283: {  	v23 =	vunpack.i.l.bf16.f32 v17;
	[tilespmem:s0+$0x1A300] =	vst.add.f32.msk $0xffff, v26  }
0x284: {  	[tilespmem:s5+$0x0] =	vst.add.f32.msk $0xffff, v18  }
0x285: {  	v18 =	vld.idx.msk [tilespmem:v34+s2+$0x0], $0xffff  }
0x286: {  	[tilespmem:s1+$0x0] =	vst.add.f32.msk $0xffff, v14  }
0x287: {  	[tilespmem:s21+$0x0] =	vst.add.f32.msk $0xffff, v19  }
0x288: {  	v14 =	vunpack.i.u.bf16.f32 v17;
	[tilespmem:s24+$0x0] =	vst.add.f32.msk $0xffff, v20  }
0x289: {  	v13 =	vadd.bf16 v13, v16;
	v16 =	vunpack.i.l.bf16.f32 v12;
	v17 =	vunpack.i.l.bf16.f32 v15;
	[tilespmem:s3+$0x0] =	vst.add.f32.msk $0xffff, v22  }
0x28a: {  	v12 =	vunpack.i.u.bf16.f32 v12;
	s1 =	sor.u32 $0x70, s14;
	v19 =	vunpack.i.u.bf16.f32 v21;
	v20 =	vunpack.i.l.bf16.f32 v21;
	[tilespmem:s9+$0x0] =	vst.add.f32.msk $0xffff, v23  }
0x28b: {  	v21 =	vand.u32 $0xFFFFF800, v18;
	v22 =	vshrl.u32 v18, $0x1;
	v23 =	vshll.u32 v18, $0x7;
	[tilespmem:s1+$0x0] =	vst.add.f32.msk $0xffff, v14  }
0x28c: {  	v18 =	vshll.u32 v18, $0x8;
	v14 =	vand.u32 $0x380, v22;
	v22 =	vand.u32 $0x380, v23;
	[tilespmem:s0+$0x1A700] =	vst.add.f32.msk $0xffff, v16;
	s0 =	sor.u32 $0x10, s18  }
0x28d: {  	s1 =	sshrl.u32 s8, $0x3;
	v24 =	vor.u32 v21, v14;
	v14 =	vand.u32 $0xF800, v18;
	[tilespmem:s0+$0x0] =	vst.add.f32.msk $0xffff, v12;
	s0 =	sor.u32 $0x20, s18;
	v12 =	vunpack.i.l.bf16.f32 v13  }
0x28e: {  	s12 =	sadd.s32 $0x80, s12;
	s1 =	smul.u32 $0x3000, s1;
	v23 =	vor.u32 v4, v24;
	v25 =	vor.u32 v8, v24;
	v16 =	vor.u32 v10, v24;
	[tilespmem:s0+$0x0] =	vst.add.f32.msk $0xffff, v20;
	s0 =	sor.u32 $0x30, s18  }
0x28f: {  	v26 =	vor.u32 v22, v14;
	v13 =	vunpack.i.u.bf16.f32 v13;
	v20 =	vor.u32 v0, v24;
	[tilespmem:s0+$0x0] =	vst.add.f32.msk $0xffff, v19;
	s0 =	sor.u32 $0x40, s18  }
0x290: {  	s5 =	sor.u32 $0x50, s18;
	s3 =	sand.u32 $0x380, s12;
	v30 =	vor.u32 v3, v24;
	v14 =	vor.u32 v4, v26;
	v18 =	vor.u32 v8, v26;
	s1 =	sshra.s32 s1, $0x2;
	[tilespmem:s0+$0x0] =	vst.add.f32.msk $0xffff, v12  }
0x291: {  	v31 =	vor.u32 v1, v24;
	v28 =	vor.u32 v7, v24;
	v19 =	vor.u32 v0, v26;
	s0 =	sor.u32 s3, s1;
	s1 =	sor.u32 $0x60, s18;
	[tilespmem:s5+$0x0] =	vst.add.f32.msk $0xffff, v13  }
0x292: {  	v32 =	vor.u32 v1, v26;
	v21 =	vor.u32 v9, v26;
	v13 =	vor.u32 v3, v26;
	s3 =	sadd.s32 $0x1A700, s0;
	[tilespmem:s1+$0x0] =	vst.add.f32.msk $0xffff, v17  }
0x293: {  	v29 =	vor.u32 v7, v26;
	s11 =	sadd.s32 $0x19F00, s0;
	v17 =	vor.u32 v2, v24;
	v12 =	vld.idx.msk [tilespmem:v25+s4+$0x0], $0xffff;
	v25 =	vor.u32 v11, v26  }
0x294: {  	v22 =	vor.u32 v6, v26;
	s20 =	sor.u32 $0x10, s11;
	s16 =	sor.u32 $0x20, s11;
	v33 =	vld.idx.msk [tilespmem:v23+s4+$0x0], $0xffff  }
0x295: {  	v27 =	vor.u32 v6, v24;
	s15 =	sor.u32 $0x30, s11;
	v34 =	vld.idx.msk [tilespmem:v14+s23+$0x0], $0xffff;
	v14 =	vor.u32 v5, v26  }
0x296: {  	v36 =	vor.u32 v10, v26;
	v35 =	vld.idx.msk [tilespmem:v19+s23+$0x0], $0xffff  }
0x297: {  	v23 =	vor.u32 v5, v24;
	v28 =	vld.idx.msk [tilespmem:v28+s4+$0x0], $0xffff  }
0x298: {  	v37 =	vld.idx.msk [tilespmem:v29+s23+$0x0], $0xffff  }
0x299: {  	v19 =	vld.idx.msk [tilespmem:v13+s23+$0x0], $0xffff  }
0x29a: {  	v38 =	vor.u32 v11, v24;
	s17 =	sor.u32 $0x40, s11;
	v14 =	vld.idx.msk [tilespmem:v14+s23+$0x0], $0xffff  }
0x29b: {  	s22 =	sor.u32 $0x50, s11;
	v29 =	vor.u32 v9, v24;
	v39 =	vld.idx.msk [tilespmem:v20+s4+$0x0], $0xffff;
	v20 =	vadd.bf16 v34, v33  }
0x29c: {  	s10 =	sor.u32 $0x60, s11;
	v33 =	vor.u32 v2, v26;
	v24 =	vld.idx.msk [tilespmem:v17+s4+$0x0], $0xffff  }
0x29d: {  	v15 =	vunpack.i.u.bf16.f32 v15;
	s1 =	sor.u32 $0x70, s18;
	s18 =	smov.u32 s3;
	v13 =	vld.idx.msk [tilespmem:v36+s23+$0x0], $0xffff  }
0x29e: {  	s14 =	sadd.s32 $0x1A300, s0;
	v17 =	vadd.bf16 v37, v28;
	[tilespmem:s1+$0x0] =	vst.add.f32.msk $0xffff, v15  }
0x29f: {  	s5 =	sor.u32 $0x10, s14;
	v26 =	vld.idx.msk [tilespmem:v32+s23+$0x0], $0xffff  }
.Ltmp6:
0x2a0: {  	s1 =	sor.u32 $0x20, s14;
	v15 =	vld.idx.msk [tilespmem:v38+s4+$0x0], $0xffff;
	(pc) =	sbr.rel @p1 .LBB2_15-.Ltmp6, $4  }
0x2a1: {  	s21 =	sor.u32 $0x30, s14;
	v28 =	vld.idx.msk [tilespmem:v33+s23+$0x0], $0xffff  }
0x2a2: {  	s24 =	sor.u32 $0x40, s14;
	v31 =	vld.idx.msk [tilespmem:v31+s4+$0x0], $0xffff  }
0x2a3: {  	s3 =	sor.u32 $0x50, s14;
	v32 =	vadd.bf16 v35, v39;
	v30 =	vld.idx.msk [tilespmem:v30+s4+$0x0], $0xffff  }
0x2a4: {  	v25 =	vld.idx.msk [tilespmem:v25+s23+$0x0], $0xffff  }
0x2a5: {  	_ =	sdelay $0x3  }
0x2a6: {  	v27 =	vld.idx.msk [tilespmem:v27+s4+$0x0], $0xffff  }
0x2a7: {  	v29 =	vld.idx.msk [tilespmem:v29+s4+$0x0], $0xffff  }
0x2a8: {  	v21 =	vld.idx.msk [tilespmem:v21+s23+$0x0], $0xffff  }
0x2a9: {  	v18 =	vld.idx.msk [tilespmem:v18+s23+$0x0], $0xffff  }
0x2aa: {  	v22 =	vld.idx.msk [tilespmem:v22+s23+$0x0], $0xffff  }
0x2ab: {  	v16 =	vld.idx.msk [tilespmem:v16+s4+$0x0], $0xffff  }
0x2ac: {  	v33 =	vunpack.i.l.bf16.f32 v32;
	v23 =	vld.idx.msk [tilespmem:v23+s4+$0x0], $0xffff;
	v26 =	vadd.bf16 v26, v31  }
0x2ad: {  	[tilespmem:s0+$0x19F00] =	vst.add.f32.msk $0xffff, v33;
	v31 =	vunpack.i.u.bf16.f32 v32  }
0x2ae: {  	v24 =	vadd.bf16 v28, v24;
	[tilespmem:s20+$0x0] =	vst.add.f32.msk $0xffff, v31;
	v28 =	vunpack.i.l.bf16.f32 v26  }
0x2af: {  	v26 =	vunpack.i.u.bf16.f32 v26;
	[tilespmem:s16+$0x0] =	vst.add.f32.msk $0xffff, v28  }
0x2b0: {  	v19 =	vadd.bf16 v19, v30;
	v28 =	vunpack.i.l.bf16.f32 v24;
	[tilespmem:s15+$0x0] =	vst.add.f32.msk $0xffff, v26  }
0x2b1: {  	v24 =	vunpack.i.u.bf16.f32 v24;
	[tilespmem:s17+$0x0] =	vst.add.f32.msk $0xffff, v28  }
0x2b2: {  	v26 =	vunpack.i.l.bf16.f32 v19;
	[tilespmem:s22+$0x0] =	vst.add.f32.msk $0xffff, v24  }
0x2b3: {  	s8 =	sor.u32 $0x70, s11;
	v19 =	vunpack.i.u.bf16.f32 v19;
	[tilespmem:s10+$0x0] =	vst.add.f32.msk $0xffff, v26  }
0x2b4: {  	v14 =	vadd.bf16 v14, v23;
	v24 =	vunpack.i.l.bf16.f32 v20;
	[tilespmem:s8+$0x0] =	vst.add.f32.msk $0xffff, v19  }
0x2b5: {  	v19 =	vunpack.i.u.bf16.f32 v20;
	[tilespmem:s0+$0x1A300] =	vst.add.f32.msk $0xffff, v24  }
0x2b6: {  	v20 =	vadd.bf16 v22, v27;
	v22 =	vunpack.i.l.bf16.f32 v14;
	[tilespmem:s5+$0x0] =	vst.add.f32.msk $0xffff, v19  }
0x2b7: {  	v14 =	vunpack.i.u.bf16.f32 v14;
	[tilespmem:s1+$0x0] =	vst.add.f32.msk $0xffff, v22  }
0x2b8: {  	v19 =	vunpack.i.l.bf16.f32 v20;
	[tilespmem:s21+$0x0] =	vst.add.f32.msk $0xffff, v14  }
0x2b9: {  	v14 =	vunpack.i.u.bf16.f32 v20;
	[tilespmem:s24+$0x0] =	vst.add.f32.msk $0xffff, v19  }
0x2ba: {  	v12 =	vadd.bf16 v18, v12;
	v18 =	vunpack.i.l.bf16.f32 v17;
	s5 =	sor.u32 $0x60, s14;
	[tilespmem:s3+$0x0] =	vst.add.f32.msk $0xffff, v14  }
0x2bb: {  	s8 =	sor.u32 $0x70, s14;
	v14 =	vunpack.i.u.bf16.f32 v17;
	[tilespmem:s5+$0x0] =	vst.add.f32.msk $0xffff, v18  }
0x2bc: {  	v17 =	vadd.bf16 v21, v29;
	v18 =	vunpack.i.l.bf16.f32 v12;
	[tilespmem:s8+$0x0] =	vst.add.f32.msk $0xffff, v14  }
0x2bd: {  	s9 =	sor.u32 $0x10, s18;
	v12 =	vunpack.i.u.bf16.f32 v12;
	[tilespmem:s0+$0x1A700] =	vst.add.f32.msk $0xffff, v18  }
0x2be: {  	v13 =	vadd.bf16 v13, v16;
	s10 =	sor.u32 $0x20, s18;
	v14 =	vunpack.i.l.bf16.f32 v17;
	[tilespmem:s9+$0x0] =	vst.add.f32.msk $0xffff, v12  }
0x2bf: {  	s11 =	sor.u32 $0x30, s18;
	v12 =	vunpack.i.u.bf16.f32 v17;
	[tilespmem:s10+$0x0] =	vst.add.f32.msk $0xffff, v14  }
0x2c0: {  	s12 =	sor.u32 $0x40, s18;
	v14 =	vadd.bf16 v25, v15;
	v15 =	vunpack.i.l.bf16.f32 v13;
	[tilespmem:s11+$0x0] =	vst.add.f32.msk $0xffff, v12  }
0x2c1: {  	s14 =	sor.u32 $0x50, s18;
	v12 =	vunpack.i.u.bf16.f32 v13;
	[tilespmem:s12+$0x0] =	vst.add.f32.msk $0xffff, v15  }
0x2c2: {  	s15 =	sor.u32 $0x60, s18;
	v13 =	vunpack.i.l.bf16.f32 v14;
	[tilespmem:s14+$0x0] =	vst.add.f32.msk $0xffff, v12  }
0x2c3: {  	s16 =	sor.u32 $0x70, s18;
	v12 =	vunpack.i.u.bf16.f32 v14;
	[tilespmem:s15+$0x0] =	vst.add.f32.msk $0xffff, v13  }
0x2c4: {  	s17 =	rddreg [dreg:$0x2];
	[tilespmem:s16+$0x0] =	vst.add.f32.msk $0xffff, v12  }
0x2c5: {  	s19 =	simm.s32 $0x19F00;
	s20 =	simm.s32 $0x6;
	s1 =	rddreg [dreg:$0x18]  }
0x2c6: {  	s18 =	simm.s32 $0x1800;
	s0 =	sadd.s32 s17, s1;
	s1 =	rddreg [dreg:$0x16]  }
0x2c7: {  	[hbm4b:s0+s25] =	stream.strided.scatter [tilespmem:s19], [sflag:$0xB], $0x2400, s18, s25, $0x38;
	[tilespmem:$0x1E700] =	vst v63  }
0x2c8: {  	s0 =	rddreg [dreg:$0x13];
	_ =	swait.ge [sflag:s20], $0x2400  }
0x2c9: {  	s0 =	sadd.s32 @!p0 s1, s0;
	[sflag:s20] =	ssyncset.done $0x0  }
0x2ca: {  	s1 =	simm.s32 @!p0 $0xA;
	s0 =	sshrl.u32 @!p0 s0, $0x3;
	[sflag:s20] =	ssyncadd.s32 $0xFFFFDC00  }
0x2cb: {  	s21 =	sadd.s32 $0x0, s13;
	s0 =	smul.u32 @!p0 $0x1800, s0;
	_ =	swait.ge @!p0 [sflag:s1], $0x2400  }
0x2cc: {  	v12 =	vmov s21;
	s5 =	rddreg [dreg:$0x8]  }
0x2cd: {  	[sflag:s1] =	ssyncset.done @!p0 $0x0;
	s0 =	sadd.s32 @!p0 s5, s0  }
0x2ce: {  	s3 =	simm.s32 @!p0 $0x1800;
	[sflag:s1] =	ssyncadd.s32 @!p0 $0xFFFFDC00;
	s0 =	sshrl.u32 @!p0 s0, $0x3  }
0x2cf: {  	s1 =	simm.s32 @!p0 $0xC00;
	s5 =	simm.s32 @!p0 $0x17B00;
	s0 =	sadd.s32 @!p0 s31, s0  }
0x2d0: {  	[tilespmem:s5], [sflag:$0x4] =	stream.strided.gather @!p0 [hbm4b:s0+s1], $0x2400, s3, s1, $0x38;
	[tilespmem:$0x1E700] =	vst v63  }
0x2d1: {  	v12 =	vld.idx.msk [tilespmem:v12+s2+$0x0], $0xffff;
	_ =	sdelay $0x4  }
0x2d2: {  	v13 =	vshrl.u32 v12, $0x1  }
0x2d3: {  	v14 =	vand.u32 $0xFFFFF800, v12;
	v13 =	vand.u32 $0x380, v13  }
0x2d4: {  	v17 =	vor.u32 v14, v13  }
0x2d5: {  	v15 =	vshll.u32 v12, $0x7;
	v14 =	vor.u32 v8, v17  }
0x2d6: {  	v13 =	vand.u32 $0x380, v15;
	v15 =	vor.u32 v4, v17  }
0x2d7: {  	v12 =	vshll.u32 v12, $0x8;
	v18 =	vor.u32 v7, v17  }
0x2d8: {  	v12 =	vand.u32 $0xF800, v12;
	v27 =	vor.u32 v1, v17  }
0x2d9: {  	v20 =	vor.u32 v13, v12;
	v30 =	vor.u32 v3, v17  }
0x2da: {  	v13 =	vor.u32 v4, v20;
	v12 =	vld.idx.msk [tilespmem:v14+s4+$0x0], $0xffff  }
0x2db: {  	v16 =	vor.u32 v0, v20;
	v25 =	vld.idx.msk [tilespmem:v15+s4+$0x0], $0xffff  }
0x2dc: {  	v19 =	vor.u32 v7, v20;
	v63 =	vld.idx.msk [tilespmem:v18+s4+$0x0], $0xffff  }
0x2dd: {  	v21 =	vor.u32 v1, v20;
	v31 =	vld.idx.msk [tilespmem:v27+s4+$0x0], $0xffff  }
0x2de: {  	v23 =	vor.u32 v2, v20;
	v30 =	vld.idx.msk [tilespmem:v30+s4+$0x0], $0xffff  }
0x2df: {  	v14 =	vor.u32 v3, v20;
	v29 =	vld.idx.msk [tilespmem:v13+s23+$0x0], $0xffff  }
0x2e0: {  	v15 =	vor.u32 v0, v17;
	v62 =	vld.idx.msk [tilespmem:v16+s23+$0x0], $0xffff  }
0x2e1: {  	s22 =	simm.s32 $0x0;
	v22 =	vor.u32 v11, v17;
	v34 =	vld.idx.msk [tilespmem:v19+s23+$0x0], $0xffff  }
0x2e2: {  	s0 =	smul.u32 $0x3000, s22;
	v13 =	vor.u32 v5, v20;
	v26 =	vld.idx.msk [tilespmem:v21+s23+$0x0], $0xffff  }
0x2e3: {  	s12 =	simm.s32 $0x0;
	v18 =	vor.u32 v10, v20;
	v28 =	vld.idx.msk [tilespmem:v23+s23+$0x0], $0xffff  }
0x2e4: {  	s24 =	sand.u32 $0x380, s12;
	s0 =	sshra.s32 s0, $0x2;
	v16 =	vor.u32 v2, v17;
	v19 =	vld.idx.msk [tilespmem:v14+s23+$0x0], $0xffff  }
0x2e5: {  	s0 =	sor.u32 s24, s0;
	v36 =	vor.u32 v11, v20;
	v35 =	vld.idx.msk [tilespmem:v15+s4+$0x0], $0xffff  }
0x2e6: {  	s17 =	simm.s32 $0x1;
	s8 =	sadd.s32 $0x1CB00, s0;
	s11 =	sadd.s32 $0x1C300, s0;
	v15 =	vld.idx.msk [tilespmem:v22+s4+$0x0], $0xffff  }
0x2e7: {  	s14 =	sadd.s32 $0x1C700, s0;
	s18 =	sor.u32 $0x10, s11;
	s15 =	sor.u32 $0x20, s11;
	v27 =	vor.u32 v6, v17;
	v21 =	vor.u32 v9, v20;
	v22 =	vor.u32 v6, v20;
	v14 =	vld.idx.msk [tilespmem:v13+s23+$0x0], $0xffff  }
0x2e8: {  	s16 =	sor.u32 $0x30, s11;
	s21 =	sor.u32 $0x40, s11;
	s22 =	sor.u32 $0x50, s11;
	v13 =	vld.idx.msk [tilespmem:v18+s23+$0x0], $0xffff;
	v18 =	vor.u32 v8, v20;
	v20 =	vadd.bf16 v29, v25;
	v29 =	vor.u32 v9, v17  }
0x2e9: {  	s10 =	sor.u32 $0x60, s11;
	s5 =	sor.u32 $0x10, s14;
	s1 =	sor.u32 $0x20, s14;
	v23 =	vor.u32 v5, v17;
	v24 =	vld.idx.msk [tilespmem:v16+s4+$0x0], $0xffff  }
0x2ea: {  	s19 =	sor.u32 $0x30, s14;
	s20 =	sor.u32 $0x40, s14;
	s3 =	sor.u32 $0x50, s14;
	v16 =	vor.u32 v10, v17;
	v17 =	vadd.bf16 v34, v63;
	v25 =	vld.idx.msk [tilespmem:v36+s23+$0x0], $0xffff;
	v32 =	vadd.bf16 v62, v35  }
.LBB2_17:
0x2eb: {  	s9 =	sadd.s32 s17, s13  }
0x2ec: {  	p0 =	sne.s32 s17, $0x17;
	v27 =	vld.idx.msk [tilespmem:v27+s4+$0x0], $0xffff;
	v33 =	vunpack.i.l.bf16.f32 v32;
	s24 =	smov.u32 s17;
	s17 =	sadd.s32 $0x1, s17  }
0x2ed: {  	v32 =	vunpack.i.u.bf16.f32 v32;
	v34 =	vmov s9;
	v29 =	vld.idx.msk [tilespmem:v29+s4+$0x0], $0xffff  }
0x2ee: {  	v24 =	vadd.bf16 v28, v24;
	v21 =	vld.idx.msk [tilespmem:v21+s23+$0x0], $0xffff  }
0x2ef: {  	v26 =	vadd.bf16 v26, v31;
	v18 =	vld.idx.msk [tilespmem:v18+s23+$0x0], $0xffff  }
0x2f0: {  	v19 =	vadd.bf16 v19, v30;
	v28 =	vunpack.i.l.bf16.f32 v24;
	v22 =	vld.idx.msk [tilespmem:v22+s23+$0x0], $0xffff  }
0x2f1: {  	v24 =	vunpack.i.u.bf16.f32 v24;
	v15 =	vadd.bf16 v25, v15;
	v16 =	vld.idx.msk [tilespmem:v16+s4+$0x0], $0xffff  }
0x2f2: {  	v25 =	vunpack.i.l.bf16.f32 v19;
	v23 =	vld.idx.msk [tilespmem:v23+s4+$0x0], $0xffff  }
0x2f3: {  	v19 =	vunpack.i.u.bf16.f32 v19;
	[tilespmem:s0+$0x1C300] =	vst.add.f32.msk $0xffff, v33  }
0x2f4: {  	v21 =	vadd.bf16 v21, v29;
	v29 =	vunpack.i.l.bf16.f32 v26;
	[tilespmem:s18+$0x0] =	vst.add.f32.msk $0xffff, v32  }
0x2f5: {  	v12 =	vadd.bf16 v18, v12;
	v18 =	vunpack.i.u.bf16.f32 v26;
	v26 =	vunpack.i.l.bf16.f32 v20;
	[tilespmem:s15+$0x0] =	vst.add.f32.msk $0xffff, v29  }
0x2f6: {  	v22 =	vadd.bf16 v22, v27;
	[tilespmem:s16+$0x0] =	vst.add.f32.msk $0xffff, v18;
	v18 =	vunpack.i.u.bf16.f32 v20  }
0x2f7: {  	[tilespmem:s21+$0x0] =	vst.add.f32.msk $0xffff, v28  }
0x2f8: {  	v14 =	vadd.bf16 v14, v23;
	v20 =	vunpack.i.l.bf16.f32 v22;
	[tilespmem:s22+$0x0] =	vst.add.f32.msk $0xffff, v24  }
0x2f9: {  	s9 =	sor.u32 $0x70, s11;
	v22 =	vunpack.i.u.bf16.f32 v22;
	[tilespmem:s10+$0x0] =	vst.add.f32.msk $0xffff, v25  }
0x2fa: {  	[tilespmem:s9+$0x0] =	vst.add.f32.msk $0xffff, v19;
	v19 =	vunpack.i.u.bf16.f32 v14;
	v14 =	vunpack.i.l.bf16.f32 v14;
	s9 =	sor.u32 $0x60, s14  }
0x2fb: {  	v23 =	vunpack.i.l.bf16.f32 v17;
	[tilespmem:s0+$0x1C700] =	vst.add.f32.msk $0xffff, v26  }
0x2fc: {  	[tilespmem:s5+$0x0] =	vst.add.f32.msk $0xffff, v18  }
0x2fd: {  	v18 =	vld.idx.msk [tilespmem:v34+s2+$0x0], $0xffff  }
0x2fe: {  	[tilespmem:s1+$0x0] =	vst.add.f32.msk $0xffff, v14  }
0x2ff: {  	[tilespmem:s19+$0x0] =	vst.add.f32.msk $0xffff, v19  }
0x300: {  	v14 =	vunpack.i.u.bf16.f32 v17;
	[tilespmem:s20+$0x0] =	vst.add.f32.msk $0xffff, v20  }
0x301: {  	v13 =	vadd.bf16 v13, v16;
	v16 =	vunpack.i.l.bf16.f32 v12;
	v17 =	vunpack.i.l.bf16.f32 v15;
	[tilespmem:s3+$0x0] =	vst.add.f32.msk $0xffff, v22  }
0x302: {  	v12 =	vunpack.i.u.bf16.f32 v12;
	s1 =	sor.u32 $0x70, s14;
	v19 =	vunpack.i.u.bf16.f32 v21;
	v20 =	vunpack.i.l.bf16.f32 v21;
	[tilespmem:s9+$0x0] =	vst.add.f32.msk $0xffff, v23  }
0x303: {  	v21 =	vand.u32 $0xFFFFF800, v18;
	v22 =	vshrl.u32 v18, $0x1;
	v23 =	vshll.u32 v18, $0x7;
	[tilespmem:s1+$0x0] =	vst.add.f32.msk $0xffff, v14  }
0x304: {  	v18 =	vshll.u32 v18, $0x8;
	v14 =	vand.u32 $0x380, v22;
	v22 =	vand.u32 $0x380, v23;
	[tilespmem:s0+$0x1CB00] =	vst.add.f32.msk $0xffff, v16;
	s0 =	sor.u32 $0x10, s8  }
0x305: {  	s1 =	sshrl.u32 s24, $0x3;
	v24 =	vor.u32 v21, v14;
	v14 =	vand.u32 $0xF800, v18;
	[tilespmem:s0+$0x0] =	vst.add.f32.msk $0xffff, v12;
	s0 =	sor.u32 $0x20, s8;
	v12 =	vunpack.i.l.bf16.f32 v13  }
0x306: {  	s12 =	sadd.s32 $0x80, s12;
	s1 =	smul.u32 $0x3000, s1;
	v23 =	vor.u32 v4, v24;
	v25 =	vor.u32 v8, v24;
	v16 =	vor.u32 v10, v24;
	[tilespmem:s0+$0x0] =	vst.add.f32.msk $0xffff, v20;
	s0 =	sor.u32 $0x30, s8  }
0x307: {  	v26 =	vor.u32 v22, v14;
	v13 =	vunpack.i.u.bf16.f32 v13;
	v20 =	vor.u32 v0, v24;
	[tilespmem:s0+$0x0] =	vst.add.f32.msk $0xffff, v19;
	s0 =	sor.u32 $0x40, s8  }
0x308: {  	s5 =	sor.u32 $0x50, s8;
	s3 =	sand.u32 $0x380, s12;
	v30 =	vor.u32 v3, v24;
	v14 =	vor.u32 v4, v26;
	v18 =	vor.u32 v8, v26;
	s1 =	sshra.s32 s1, $0x2;
	[tilespmem:s0+$0x0] =	vst.add.f32.msk $0xffff, v12  }
0x309: {  	v31 =	vor.u32 v1, v24;
	v28 =	vor.u32 v7, v24;
	v19 =	vor.u32 v0, v26;
	s0 =	sor.u32 s3, s1;
	s1 =	sor.u32 $0x60, s8;
	[tilespmem:s5+$0x0] =	vst.add.f32.msk $0xffff, v13  }
0x30a: {  	v32 =	vor.u32 v1, v26;
	v21 =	vor.u32 v9, v26;
	v13 =	vor.u32 v3, v26;
	s3 =	sadd.s32 $0x1CB00, s0;
	[tilespmem:s1+$0x0] =	vst.add.f32.msk $0xffff, v17  }
0x30b: {  	v29 =	vor.u32 v7, v26;
	s11 =	sadd.s32 $0x1C300, s0;
	v17 =	vor.u32 v2, v24;
	v12 =	vld.idx.msk [tilespmem:v25+s4+$0x0], $0xffff;
	v25 =	vor.u32 v11, v26  }
0x30c: {  	v22 =	vor.u32 v6, v26;
	s18 =	sor.u32 $0x10, s11;
	s15 =	sor.u32 $0x20, s11;
	v33 =	vld.idx.msk [tilespmem:v23+s4+$0x0], $0xffff  }
0x30d: {  	v27 =	vor.u32 v6, v24;
	s16 =	sor.u32 $0x30, s11;
	v34 =	vld.idx.msk [tilespmem:v14+s23+$0x0], $0xffff;
	v14 =	vor.u32 v5, v26  }
0x30e: {  	v36 =	vor.u32 v10, v26;
	v35 =	vld.idx.msk [tilespmem:v19+s23+$0x0], $0xffff  }
0x30f: {  	v23 =	vor.u32 v5, v24;
	v28 =	vld.idx.msk [tilespmem:v28+s4+$0x0], $0xffff  }
0x310: {  	v37 =	vld.idx.msk [tilespmem:v29+s23+$0x0], $0xffff  }
0x311: {  	v19 =	vld.idx.msk [tilespmem:v13+s23+$0x0], $0xffff  }
0x312: {  	v38 =	vor.u32 v11, v24;
	s21 =	sor.u32 $0x40, s11;
	v14 =	vld.idx.msk [tilespmem:v14+s23+$0x0], $0xffff  }
0x313: {  	s22 =	sor.u32 $0x50, s11;
	v29 =	vor.u32 v9, v24;
	v39 =	vld.idx.msk [tilespmem:v20+s4+$0x0], $0xffff;
	v20 =	vadd.bf16 v34, v33  }
0x314: {  	s10 =	sor.u32 $0x60, s11;
	v33 =	vor.u32 v2, v26;
	v24 =	vld.idx.msk [tilespmem:v17+s4+$0x0], $0xffff  }
0x315: {  	v15 =	vunpack.i.u.bf16.f32 v15;
	s1 =	sor.u32 $0x70, s8;
	s8 =	smov.u32 s3;
	v13 =	vld.idx.msk [tilespmem:v36+s23+$0x0], $0xffff  }
0x316: {  	s14 =	sadd.s32 $0x1C700, s0;
	v17 =	vadd.bf16 v37, v28;
	[tilespmem:s1+$0x0] =	vst.add.f32.msk $0xffff, v15  }
0x317: {  	s5 =	sor.u32 $0x10, s14;
	v26 =	vld.idx.msk [tilespmem:v32+s23+$0x0], $0xffff  }
.Ltmp7:
0x318: {  	s1 =	sor.u32 $0x20, s14;
	v15 =	vld.idx.msk [tilespmem:v38+s4+$0x0], $0xffff;
	(pc) =	sbr.rel @p0 .LBB2_17-.Ltmp7, $4  }
0x319: {  	s19 =	sor.u32 $0x30, s14;
	v28 =	vld.idx.msk [tilespmem:v33+s23+$0x0], $0xffff  }
0x31a: {  	s20 =	sor.u32 $0x40, s14;
	v31 =	vld.idx.msk [tilespmem:v31+s4+$0x0], $0xffff  }
0x31b: {  	s3 =	sor.u32 $0x50, s14;
	v32 =	vadd.bf16 v35, v39;
	v30 =	vld.idx.msk [tilespmem:v30+s4+$0x0], $0xffff  }
0x31c: {  	v25 =	vld.idx.msk [tilespmem:v25+s23+$0x0], $0xffff  }
0x31d: {  	_ =	sdelay $0x3  }
0x31e: {  	v27 =	vld.idx.msk [tilespmem:v27+s4+$0x0], $0xffff  }
0x31f: {  	v29 =	vld.idx.msk [tilespmem:v29+s4+$0x0], $0xffff  }
0x320: {  	v21 =	vld.idx.msk [tilespmem:v21+s23+$0x0], $0xffff  }
0x321: {  	v18 =	vld.idx.msk [tilespmem:v18+s23+$0x0], $0xffff  }
0x322: {  	v22 =	vld.idx.msk [tilespmem:v22+s23+$0x0], $0xffff  }
0x323: {  	v16 =	vld.idx.msk [tilespmem:v16+s4+$0x0], $0xffff  }
0x324: {  	v33 =	vunpack.i.l.bf16.f32 v32;
	v23 =	vld.idx.msk [tilespmem:v23+s4+$0x0], $0xffff;
	v26 =	vadd.bf16 v26, v31  }
0x325: {  	v43 =	vunpack.i.u.bf16.f32 v32;
	[tilespmem:s0+$0x1C300] =	vst.add.f32.msk $0xffff, v33  }
0x326: {  	v24 =	vadd.bf16 v28, v24;
	[tilespmem:s18+$0x0] =	vst.add.f32.msk $0xffff, v43;
	v44 =	vunpack.i.l.bf16.f32 v26  }
0x327: {  	v26 =	vunpack.i.u.bf16.f32 v26;
	[tilespmem:s15+$0x0] =	vst.add.f32.msk $0xffff, v44  }
0x328: {  	v19 =	vadd.bf16 v19, v30;
	v45 =	vunpack.i.l.bf16.f32 v24;
	[tilespmem:s16+$0x0] =	vst.add.f32.msk $0xffff, v26  }
0x329: {  	v24 =	vunpack.i.u.bf16.f32 v24;
	[tilespmem:s21+$0x0] =	vst.add.f32.msk $0xffff, v45  }
0x32a: {  	v46 =	vunpack.i.l.bf16.f32 v19;
	[tilespmem:s22+$0x0] =	vst.add.f32.msk $0xffff, v24  }
0x32b: {  	s9 =	sor.u32 $0x70, s11;
	v19 =	vunpack.i.u.bf16.f32 v19;
	[tilespmem:s10+$0x0] =	vst.add.f32.msk $0xffff, v46  }
0x32c: {  	v47 =	vunpack.i.l.bf16.f32 v20;
	v14 =	vadd.bf16 v14, v23;
	[tilespmem:s9+$0x0] =	vst.add.f32.msk $0xffff, v19  }
0x32d: {  	v48 =	vunpack.i.u.bf16.f32 v20;
	[tilespmem:s0+$0x1C700] =	vst.add.f32.msk $0xffff, v47  }
0x32e: {  	v49 =	vadd.bf16 v22, v27;
	v50 =	vunpack.i.l.bf16.f32 v14;
	[tilespmem:s5+$0x0] =	vst.add.f32.msk $0xffff, v48  }
0x32f: {  	v14 =	vunpack.i.u.bf16.f32 v14;
	[tilespmem:s1+$0x0] =	vst.add.f32.msk $0xffff, v50  }
0x330: {  	v51 =	vunpack.i.l.bf16.f32 v49;
	[tilespmem:s19+$0x0] =	vst.add.f32.msk $0xffff, v14  }
0x331: {  	v52 =	vunpack.i.u.bf16.f32 v49;
	[tilespmem:s20+$0x0] =	vst.add.f32.msk $0xffff, v51  }
0x332: {  	s12 =	sor.u32 $0x60, s14;
	v53 =	vunpack.i.l.bf16.f32 v17;
	v12 =	vadd.bf16 v18, v12;
	[tilespmem:s3+$0x0] =	vst.add.f32.msk $0xffff, v52  }
0x333: {  	v54 =	vunpack.i.u.bf16.f32 v17;
	s14 =	sor.u32 $0x70, s14;
	[tilespmem:s12+$0x0] =	vst.add.f32.msk $0xffff, v53  }
0x334: {  	v55 =	vadd.bf16 v21, v29;
	v56 =	vunpack.i.l.bf16.f32 v12;
	[tilespmem:s14+$0x0] =	vst.add.f32.msk $0xffff, v54  }
0x335: {  	s15 =	sor.u32 $0x10, s8;
	v12 =	vunpack.i.u.bf16.f32 v12;
	[tilespmem:s0+$0x1CB00] =	vst.add.f32.msk $0xffff, v56  }
0x336: {  	v13 =	vadd.bf16 v13, v16;
	s16 =	sor.u32 $0x20, s8;
	v57 =	vunpack.i.l.bf16.f32 v55;
	[tilespmem:s15+$0x0] =	vst.add.f32.msk $0xffff, v12  }
0x337: {  	s17 =	sor.u32 $0x30, s8;
	v58 =	vunpack.i.u.bf16.f32 v55;
	[tilespmem:s16+$0x0] =	vst.add.f32.msk $0xffff, v57  }
0x338: {  	s18 =	sor.u32 $0x40, s8;
	v59 =	vadd.bf16 v25, v15;
	v60 =	vunpack.i.l.bf16.f32 v13;
	[tilespmem:s17+$0x0] =	vst.add.f32.msk $0xffff, v58  }
0x339: {  	s24 =	simm.s32 $0x1C300;
	s7 =	sadd.s32 $0x1, s7;
	v61 =	vunpack.i.u.bf16.f32 v13;
	s19 =	sor.u32 $0x50, s8;
	[tilespmem:s18+$0x0] =	vst.add.f32.msk $0xffff, v60  }
0x33a: {  	s6 =	sadd.s32 $0x90, s6;
	p0 =	sne.s32 s7, $0x10;
	v62 =	vunpack.i.l.bf16.f32 v59;
	s20 =	sor.u32 $0x60, s8;
	[tilespmem:s19+$0x0] =	vst.add.f32.msk $0xffff, v61  }
.Ltmp8:
0x33b: {  	s26 =	sadd.s32 $0x90, s26;
	v63 =	vunpack.i.u.bf16.f32 v59;
	s21 =	sor.u32 $0x70, s8;
	[tilespmem:s20+$0x0] =	vst.add.f32.msk $0xffff, v62;
	(pc) =	sbr.rel @p0 .LBB2_6-.Ltmp8, $4  }
0x33c: {  	s28 =	sadd.s32 $0x90, s28;
	s29 =	sadd.s32 $0x90, s29;
	s22 =	rddreg [dreg:$0x2];
	[tilespmem:s21+$0x0] =	vst.add.f32.msk $0xffff, v63  }
0x33d: {  	s30 =	sadd.s32 $0x90, s30;
	s13 =	sadd.s32 $0x90, s13;
	s1 =	rddreg [dreg:$0x17]  }
0x33e: {  	s20 =	simm.s32 $0x1800;
	s9 =	rddreg [dreg:$0x4];
	s0 =	sadd.s32 s22, s1  }
0x33f: {  	[hbm4b:s0+s25] =	stream.strided.scatter [tilespmem:s24], [sflag:$0xC], $0x2400, s20, s25, $0x38;
	[tilespmem:$0x1E700] =	vst v63  }
0x340: {  	s0 =	simm.s32 $0x7  }
0x341: {  	_ =	swait.ge [sflag:s0], $0x2400  }
0x342: {  	[sflag:s0] =	ssyncset.done $0x0  }
0x343: {  	s24 =	simm.s32 $0x8;
	[sflag:s0] =	ssyncadd.s32 $0xFFFFDC00  }
0x344: {  	_ =	swait.ge [sflag:s24], $0x2400  }
0x345: {  	[sflag:s24] =	ssyncset.done $0x0  }
0x346: {  	s26 =	simm.s32 $0x9;
	[sflag:s24] =	ssyncadd.s32 $0xFFFFDC00  }
0x347: {  	_ =	swait.ge [sflag:s26], $0x2400  }
0x348: {  	[sflag:s26] =	ssyncset.done $0x0  }
0x349: {  	s28 =	simm.s32 $0xA;
	[sflag:s26] =	ssyncadd.s32 $0xFFFFDC00  }
0x34a: {  	_ =	swait.ge [sflag:s28], $0x2400  }
0x34b: {  	[sflag:s28] =	ssyncset.done $0x0  }
0x34c: {  	s29 =	simm.s32 $0xB;
	[sflag:s28] =	ssyncadd.s32 $0xFFFFDC00  }
0x34d: {  	_ =	swait.ge [sflag:s29], $0x2400  }
0x34e: {  	[sflag:s29] =	ssyncset.done $0x0  }
0x34f: {  	s1 =	simm.s32 $0xC;
	[sflag:s29] =	ssyncadd.s32 $0xFFFFDC00  }
0x350: {  	_ =	swait.ge [sflag:s1], $0x2400  }
0x351: {  	s3 =	rddreg [dreg:$0x15]  }
0x352: {  	s30 =	rddreg [dreg:$0x14];
	s3 =	sadd.s32 $0x1, s3  }
0x353: {  	p0 =	sne.s32 s3, s30  }
.Ltmp9:
0x354: {  	_ = 	snop;
	(pc) =	sbr.rel @p0 .LBB2_1-.Ltmp9, $4  }
0x355: {  	s15 =	rddreg [dreg:$0x5]  }
0x356: {  	s16 =	rddreg [dreg:$0x6]  }
0x357: {  	[sflag:s1] =	ssyncset.done $0x0;
	s17 =	rddreg [dreg:$0x7]  }
0x358: {  	s19 =	simm.s32 $0xD;
	s18 =	rddreg [dreg:$0x9];
	[sflag:s1] =	ssyncadd.s32 $0xFFFFDC00  }
0x359: {  	_ =	sfence.sel $0x180000  }
0x35a: {  	[bflag:$0x0] =	sbarrier.arrive $0xFFFF  }
0x35b: {  	_ =	strace $0x90000047  }
0x35c: {  	s0 =	stileid.u32;
	[bflag:$0x2] =	sbarrier.arrive $0xFFFF  }
0x35d: {  	p0 =	sne.s32 s0, $0x0;
	s0 =	rddreg [dreg:$0x3]  }
0x35e: {  	s0 =	sadd.s32 @!p0 $0x100000, s0  }
0x35f: {  	[sflag:s0] =	ssyncadd.tile.s32 @!p0 $0x1;
	_ =	shalt  }
.Lfunc_end2:
_tile_overlayer_lowered:
.L_overlay_start_2:
0x360: {  	(tag) =	ssettag $0x2  }
0x361: {  	s0 =	rddreg [dreg:$0x0];
	s2 =	stileid.u32  }
0x362: {  	s1 =	rddreg [dreg:$0x1];
	p0 =	sne.s32 s2, $0x0  }
0x363: {  	s3 =	rddreg [dreg:$0x2];
	[bflag:$0x3] =	sbarrier.arrive $0xFFFF;
	s2 =	simm.s32 @!p0 $0x1C0D  }
0x364: {  	[timem:s3], [sflag:s2] =	dma.local @!p0 [hbm:s0], s1  }
0x365: {  	s0 =	simm.s32 @!p0 $0xD  }
0x366: {  	_ =	swait.ge @!p0 [sflag:s0], s1  }
0x367: {  	s1 =	ssub.s32 @!p0 $0x0, s1;
	[sflag:s0] =	ssyncset.done @!p0 $0x0  }
0x368: {  	[sflag:s0] =	ssyncadd.s32 @!p0 s1  }
0x369: {  	[bflag:$0x3] =	sbarrier.arrive $0xFFFF  }
0x36a: {  	_ =	shalt  }

</sc_bundles>
